<compile_context>
chip_gen: v7x
topology: tpu7x:2x2x1
jax: 0.10.2.dev20260603
libtpu: 0.0.44.dev20260713+nightly
codegen_flags: <defaults>
</compile_context>

<pallas_src>
import functools
import math

import jax
import jax.numpy as jnp
from jax import lax
from jax.experimental import pallas as pl
from jax.experimental.pallas import tpu as pltpu
from jax.experimental.pallas import tpu_sc as plsc

NC = 2
NS = 16
NW = NC * NS
K = 128
BN_EPS = 1e-5
BT = 1000
FAST_C = 0


def _sc_segment_scatter(D, N, CF, CS, FAST_C):
    NR = N + 8
    Q = (N // NS) // 8 * 8
    REM = N - NS * Q
    CQ = 104 if Q % 104 == 0 else 8
    GRP = 32
    assert CF % GRP == 0 and CS % GRP == 0
    mesh = plsc.VectorSubcoreMesh(
        core_axis_name="c", subcore_axis_name="s",
        num_cores=NC, num_subcores=NS)

    @functools.partial(
        pl.kernel,
        out_type=jax.ShapeDtypeStruct((NC, N, D), jnp.float32),
        mesh=mesh,
        scratch_types=[
            pltpu.VMEM_SHARED((NR, D), jnp.float32),
            pltpu.VMEM((GRP, K), jnp.int32),
            pltpu.VMEM((GRP, K), jnp.int32),
            pltpu.VMEM((K, D), jnp.float32),
            pltpu.VMEM((K, D), jnp.float32),
            pltpu.SemaphoreType.DMA,
            pltpu.SemaphoreType.DMA,
        ],
    )
    def body(g_hbm, srcF, dstF, srcS, dstS, out_hbm,
             acc, sidx, didx, buf0, buf1, sem0, sem1):
        c = lax.axis_index("c")
        s = lax.axis_index("s")
        base = s * Q
        for k in range(Q // CQ):
            pltpu.sync_copy(g_hbm.at[pl.ds(base + k * CQ, CQ)],
                            buf0.at[pl.ds(0, CQ)])
            pltpu.sync_copy(buf0.at[pl.ds(0, CQ)],
                            acc.at[pl.ds(base + k * CQ, CQ)])
        if REM:
            @pl.when(s == NS - 1)
            def _():
                pltpu.sync_copy(g_hbm.at[pl.ds(NS * Q, REM)],
                                buf0.at[pl.ds(0, REM)])
                pltpu.sync_copy(buf0.at[pl.ds(0, REM)],
                                acc.at[pl.ds(NS * Q, REM)])
        plsc.subcore_barrier()

        def run_edges(src_hbm, dst_hbm, ng):
            for grp in range(ng):
                pltpu.sync_copy(src_hbm.at[s, pl.ds(grp * GRP, GRP)], sidx)
                pltpu.sync_copy(dst_hbm.at[s, pl.ds(grp * GRP, GRP)], didx)
                pltpu.async_copy(g_hbm.at[sidx.at[0]], buf0, sem0)

                @pl.loop(0, GRP, step=2)
                def _(j):
                    pltpu.async_copy(g_hbm.at[sidx.at[j + 1]], buf1, sem1)
                    pltpu.make_async_copy(g_hbm.at[sidx.at[j]], buf0,
                                          sem0).wait()
                    pltpu.sync_copy(buf0, acc.at[didx.at[j]], add=True)

                    @pl.when(j + 2 < GRP)
                    def _():
                        pltpu.async_copy(g_hbm.at[sidx.at[j + 2]], buf0, sem0)

                    pltpu.make_async_copy(g_hbm.at[sidx.at[j + 1]], buf1,
                                          sem1).wait()
                    pltpu.sync_copy(buf1, acc.at[didx.at[j + 1]], add=True)

        @pl.when(c == FAST_C)
        def _():
            run_edges(srcF, dstF, CF // GRP)

        @pl.when(c != FAST_C)
        def _():
            run_edges(srcS, dstS, CS // GRP)

        plsc.subcore_barrier()
        for k in range(Q // CQ):
            pltpu.sync_copy(acc.at[pl.ds(base + k * CQ, CQ)],
                            buf0.at[pl.ds(0, CQ)])
            pltpu.sync_copy(buf0.at[pl.ds(0, CQ)],
                            out_hbm.at[c, pl.ds(base + k * CQ, CQ)])
        if REM:
            @pl.when(s == NS - 1)
            def _():
                pltpu.sync_copy(acc.at[pl.ds(NS * Q, REM)],
                                buf0.at[pl.ds(0, REM)])
                pltpu.sync_copy(buf0.at[pl.ds(0, REM)],
                                out_hbm.at[c, pl.ds(NS * Q, REM)])

    return body


def _sc_degree(N, NCH):
    NR = N + 8
    Q = (N // NS) // 8 * 8
    REM = N - NS * Q
    CQ = 104 if Q % 104 == 0 else 8
    mesh = plsc.VectorSubcoreMesh(
        core_axis_name="c", subcore_axis_name="s",
        num_cores=NC, num_subcores=NS)

    @functools.partial(
        pl.kernel,
        out_type=jax.ShapeDtypeStruct((NC * N,), jnp.float32),
        mesh=mesh,
        scratch_types=[
            pltpu.VMEM_SHARED((NR,), jnp.float32),
            pltpu.VMEM((NCH, K), jnp.int32),
            pltpu.VMEM((K,), jnp.float32),
        ],
    )
    def body(dst_hbm, out_hbm, acc, didx, ones_v):
        c = lax.axis_index("c")
        s = lax.axis_index("s")
        w = s * NC + c
        pltpu.sync_copy(dst_hbm.at[w], didx)

        for i in range(K // 16):
            ones_v[pl.ds(i * 16, 16)] = jnp.full((16,), 1.0, jnp.float32)

        base = s * Q
        for k in range(Q // CQ):
            pltpu.sync_copy(ones_v.at[pl.ds(0, CQ)],
                            acc.at[pl.ds(base + k * CQ, CQ)])
        if REM:
            @pl.when(s == NS - 1)
            def _():
                pltpu.sync_copy(ones_v.at[pl.ds(0, REM)],
                                acc.at[pl.ds(NS * Q, REM)])
        plsc.subcore_barrier()

        @pl.loop(0, NCH)
        def _(j):
            pltpu.sync_copy(ones_v, acc.at[didx.at[j]], add=True)

        plsc.subcore_barrier()
        for k in range(Q // CQ):
            pltpu.sync_copy(acc.at[pl.ds(base + k * CQ, CQ)],
                            ones_v.at[pl.ds(0, CQ)])
            pltpu.sync_copy(ones_v.at[pl.ds(0, CQ)],
                            out_hbm.at[pl.ds(c * N + base + k * CQ, CQ)])
        if REM:
            @pl.when(s == NS - 1)
            def _():
                pltpu.sync_copy(acc.at[pl.ds(NS * Q, REM)],
                                ones_v.at[pl.ds(0, REM)])
                pltpu.sync_copy(ones_v.at[pl.ds(0, REM)],
                                out_hbm.at[pl.ds(c * N + NS * Q, REM)])

    return body


def _tc1_body(x_ref, w_ref, degp_ref, g_ref, dinvb_ref):
    deg = degp_ref[0] + degp_ref[1]
    dinv = lax.rsqrt(deg - 1.0)
    h = jnp.dot(x_ref[...], w_ref[...], preferred_element_type=jnp.float32)
    g_ref[...] = h * dinv
    dinvb_ref[...] = jnp.broadcast_to(dinv, h.shape)


def _tc2_body(p_ref, g1_ref, dinvb_ref, w2_ref, b1_ref, gamma_ref, beta_ref,
              out_ref):
    bns = 1.0 / math.sqrt(1.0 + BN_EPS)
    dinv = dinvb_ref[...]
    agg = dinv * (p_ref[0] + p_ref[1] - g1_ref[...]) + b1_ref[...]
    h = gamma_ref[...] * (agg * bns) + beta_ref[...]
    h = jnp.maximum(h, 0.0)
    out_ref[...] = dinv * jnp.dot(h, w2_ref[...],
                                  preferred_element_type=jnp.float32)


def _tc3_body(p_ref, g2_ref, dinvb_ref, b2_ref, out_ref):
    out_ref[...] = (dinvb_ref[...] * (p_ref[0] + p_ref[1] - g2_ref[...])
                    + b2_ref[...])


def kernel(x, edge_index, W1, b1, gamma, beta, W2, b2):
    N, D = x.shape
    E = edge_index.shape[1]

    per_w = -(-E // NW)
    NCH = -(-per_w // K)
    NCH += NCH % 2
    tot = NW * NCH * K
    dst = jnp.pad(edge_index[1], (0, tot - E),
                  constant_values=N).reshape(NW, NCH, K)

    CF, CS = 128, 32
    EF = NS * CF * K
    ES = NS * CS * K
    pad = EF + ES - E
    srcf = edge_index[0][:EF].reshape(NS, CF, K)
    dstf = edge_index[1][:EF].reshape(NS, CF, K)
    srcs = jnp.pad(edge_index[0][EF:], (0, pad),
                   constant_values=0).reshape(NS, CS, K)
    dsts = jnp.pad(edge_index[1][EF:], (0, pad),
                   constant_values=N).reshape(NS, CS, K)

    scat128 = _sc_segment_scatter(D, N, CF, CS, FAST_C)

    degp = _sc_degree(N, NCH)(dst).reshape(NC, N, 1)

    grid = (N // BT,)
    row_spec = pl.BlockSpec((BT, D), lambda i: (i, 0))
    w_spec = pl.BlockSpec((D, D), lambda i: (0, 0))
    vec_spec = pl.BlockSpec((1, D), lambda i: (0, 0))
    part_spec = pl.BlockSpec((NC, BT, D), lambda i: (0, i, 0))
    degp_spec = pl.BlockSpec((NC, BT, 1), lambda i: (0, i, 0))
    fdt = jnp.float32

    g1, dinvb = pl.pallas_call(
        _tc1_body,
        grid=grid,
        in_specs=[row_spec, w_spec, degp_spec],
        out_specs=[row_spec, row_spec],
        out_shape=[jax.ShapeDtypeStruct((N, D), fdt)] * 2,
    )(x, W1, degp)

    p1 = scat128(g1, srcf, dstf, srcs, dsts)

    b1r = b1.reshape(1, D)
    gammar = gamma.reshape(1, D)
    betar = beta.reshape(1, D)
    g2 = pl.pallas_call(
        _tc2_body,
        grid=grid,
        in_specs=[part_spec, row_spec, row_spec, w_spec,
                  vec_spec, vec_spec, vec_spec],
        out_specs=row_spec,
        out_shape=jax.ShapeDtypeStruct((N, D), fdt),
    )(p1, g1, dinvb, W2, b1r, gammar, betar)

    p2 = scat128(g2, srcf, dstf, srcs, dsts)

    b2r = b2.reshape(1, D)
    out = pl.pallas_call(
        _tc3_body,
        grid=grid,
        in_specs=[part_spec, row_spec, row_spec, vec_spec],
        out_specs=row_spec,
        out_shape=jax.ShapeDtypeStruct((N, D), fdt),
    )(p2, g2, dinvb, b2r)
    return out

# --- scband reference (transcript-rebuilt; emitter-appended) ---
"""Pipeline reference for scband-gcnencoder-22728966930847 (READ-ONLY COPY).

The authoritative reference and input builder live on the scoring server;
editing this copy changes nothing except your own understanding.
"""

import jax, jax.numpy as jnp
import numpy as np

N = 10000
E = 320000
D_IN = 128
D_HID = 128
D_OUT = 128
BN_EPS = 1e-5


def setup_inputs(seed: int = 0) -> dict:
    key = jax.random.key(seed)
    ks = jax.random.split(key, 6)
    x = jax.random.normal(ks[0], (N, D_IN), dtype=jnp.float32)
    edge_index = jax.random.randint(ks[1], (2, E), 0, N, dtype=jnp.int32)
    W1 = jax.random.normal(ks[2], (D_IN, D_HID), dtype=jnp.float32) * (1.0 / np.sqrt(D_IN))
    b1 = jnp.zeros((D_HID,), dtype=jnp.float32)
    gamma = jnp.ones((D_HID,), dtype=jnp.float32)
    beta = jnp.zeros((D_HID,), dtype=jnp.float32)
    W2 = jax.random.normal(ks[3], (D_HID, D_OUT), dtype=jnp.float32) * (1.0 / np.sqrt(D_HID))
    b2 = jnp.zeros((D_OUT,), dtype=jnp.float32)
    return {"x": x, "edge_index": edge_index, "W1": W1, "b1": b1,
            "gamma": gamma, "beta": beta, "W2": W2, "b2": b2}


def gcn_conv(x, edge_index, W, b):
    # PyG GCNConv: linear -> add self loops -> sym-normalized scatter-add aggregation -> bias
    h = x @ W
    loop = jnp.arange(N, dtype=edge_index.dtype)
    src = jnp.concatenate([edge_index[0], loop])
    dst = jnp.concatenate([edge_index[1], loop])
    deg = jnp.zeros((N,), dtype=h.dtype).at[dst].add(1.0)
    dinv = jnp.where(deg > 0, jax.lax.rsqrt(deg), 0.0)
    norm = dinv[src] * dinv[dst]
    msg = h[src] * norm[:, None]
    out = jnp.zeros_like(h).at[dst].add(msg)
    return out + b


def reference(x, edge_index, W1, b1, gamma, beta, W2, b2):
    # layer 1: GCNConv -> BatchNorm1d (eval: running_mean=0, running_var=1) -> ReLU -> dropout(eval: identity)
    h = gcn_conv(x, edge_index, W1, b1)
    h = gamma * (h / jnp.sqrt(1.0 + BN_EPS)) + beta
    h = jax.nn.relu(h)
    # final layer: GCNConv only
    out = gcn_conv(h, edge_index, W2, b2)
    return out

if __name__ == "__main__":
    import jax
    _d = setup_inputs()
    print(jax.jit(kernel)(*tuple(_d.values())))

</pallas_src>

<mosaic_0001>
#map = affine_map<(d0, d1) -> (0, 0, 0)>
#map1 = affine_map<(d0, d1) -> (0)>
module attributes {stable_mosaic.version = 14 : i64} {
  func.func @body(%arg0: i32, %arg1: i32, %arg2: memref<32x80x128xi32, #tpu.memory_space<hbm>>, %arg3: memref<20000xf32, #tpu.memory_space<hbm>>, %arg4: memref<10008xf32, #tpu.memory_space<vmem_shared>>, %arg5: memref<80x128xi32, #tpu.memory_space<vmem>>, %arg6: memref<128xf32, #tpu.memory_space<vmem>>) attributes {dimension_semantics = [#tpu.dimension_semantics<core_parallel>, #tpu.dimension_semantics<subcore_parallel>], iteration_bounds = array<i64: 2, 16>, scalar_prefetch = 0 : i64, scratch_operands = 3 : i64, tpu.core_type = #tpu.core_type<sc_vector_subcore>, window_params = [{transform_indices = #map}, {transform_indices = #map1}]} {
    %mul3A = arith.constant 2 : i32
    %mul3A_0 = arith.muli %arg1, %mul3A : i32
    %add3A = arith.addi %mul3A_0, %arg0 : i32
    "tpu.region"() ({
      %run_scoped3A = tpu.sem_alloc : memref<!tpu.dma_semaphore, #tpu.memory_space<semaphore_mem>>
      %dma_start3A = arith.constant 0 : i32
      %dma_start3A_115 = arith.constant 0 : i32
      %dma_start3A_116 = tpu.memref_slice %arg2[%add3A, %dma_start3A, %dma_start3A_115] : memref<32x80x128xi32, #tpu.memory_space<hbm>> -> memref<1x80x128xi32, #tpu.memory_space<hbm>>
      %dma_start3A_117 = tpu.memref_squeeze %dma_start3A_116 : memref<1x80x128xi32, #tpu.memory_space<hbm>> -> memref<80x128xi32, #tpu.memory_space<hbm>>
      %dma_start3A_118 = arith.constant 0 : i32
      %dma_start3A_119 = arith.constant 0 : i32
      %dma_start3A_120 = tpu.memref_slice %arg2[%add3A, %dma_start3A_118, %dma_start3A_119] : memref<32x80x128xi32, #tpu.memory_space<hbm>> -> memref<1x80x128xi32, #tpu.memory_space<hbm>>
      %dma_start3A_121 = tpu.memref_squeeze %dma_start3A_120 : memref<1x80x128xi32, #tpu.memory_space<hbm>> -> memref<80x128xi32, #tpu.memory_space<hbm>>
      tpu.enqueue_dma source(%dma_start3A_121 : memref<80x128xi32, #tpu.memory_space<hbm>>) target(%arg5 : memref<80x128xi32, #tpu.memory_space<vmem>>) target_semaphore(%run_scoped3A : memref<!tpu.dma_semaphore, #tpu.memory_space<semaphore_mem>>)
      %dma_wait3A = arith.constant 0 : i32
      %dma_wait3A_122 = arith.constant 0 : i32
      %dma_wait3A_123 = tpu.memref_slice %arg2[%add3A, %dma_wait3A, %dma_wait3A_122] : memref<32x80x128xi32, #tpu.memory_space<hbm>> -> memref<1x80x128xi32, #tpu.memory_space<hbm>>
      %dma_wait3A_124 = tpu.memref_squeeze %dma_wait3A_123 : memref<1x80x128xi32, #tpu.memory_space<hbm>> -> memref<80x128xi32, #tpu.memory_space<hbm>>
      %dma_wait3A_125 = arith.constant 0 : i32
      %dma_wait3A_126 = arith.constant 0 : i32
      %dma_wait3A_127 = tpu.memref_slice %arg2[%add3A, %dma_wait3A_125, %dma_wait3A_126] : memref<32x80x128xi32, #tpu.memory_space<hbm>> -> memref<1x80x128xi32, #tpu.memory_space<hbm>>
      %dma_wait3A_128 = tpu.memref_squeeze %dma_wait3A_127 : memref<1x80x128xi32, #tpu.memory_space<hbm>> -> memref<80x128xi32, #tpu.memory_space<hbm>>
      tpu.wait_dma2 semaphore(%run_scoped3A : memref<!tpu.dma_semaphore, #tpu.memory_space<semaphore_mem>>) src(%dma_wait3A_128 : memref<80x128xi32, #tpu.memory_space<hbm>>) dst(%arg5 : memref<80x128xi32, #tpu.memory_space<vmem>>)
      tpu.yield
    }) : () -> ()
    %broadcast_in_dim3A = arith.constant 1.000000e+00 : f32
    %broadcast_in_dim3A_1 = vector.broadcast %broadcast_in_dim3A : f32 to vector<16xf32>
    %swap3A = arith.constant 0 : index
    %swap3A_2 = tpu.vector_load %arg6[%swap3A] {strides = array<i32>} : memref<128xf32, #tpu.memory_space<vmem>>, vector<16xf32>,
    %swap3A_3 = vector.shape_cast %swap3A_2 : vector<16xf32> to vector<16xf32>
    %swap3A_4 = vector.shape_cast %broadcast_in_dim3A_1 : vector<16xf32> to vector<16xf32>
    tpu.vector_store %arg6[%swap3A], %swap3A_4 {strides = array<i32>} : memref<128xf32, #tpu.memory_space<vmem>>, vector<16xf32>,
    %broadcast_in_dim3A_5 = arith.constant 1.000000e+00 : f32
    %broadcast_in_dim3A_6 = vector.broadcast %broadcast_in_dim3A_5 : f32 to vector<16xf32>
    %swap3A_7 = arith.constant 16 : index
    %swap3A_8 = tpu.vector_load %arg6[%swap3A_7] {strides = array<i32>} : memref<128xf32, #tpu.memory_space<vmem>>, vector<16xf32>,
    %swap3A_9 = vector.shape_cast %swap3A_8 : vector<16xf32> to vector<16xf32>
    %swap3A_10 = vector.shape_cast %broadcast_in_dim3A_6 : vector<16xf32> to vector<16xf32>
    tpu.vector_store %arg6[%swap3A_7], %swap3A_10 {strides = array<i32>} : memref<128xf32, #tpu.memory_space<vmem>>, vector<16xf32>,
    %broadcast_in_dim3A_11 = arith.constant 1.000000e+00 : f32
    %broadcast_in_dim3A_12 = vector.broadcast %broadcast_in_dim3A_11 : f32 to vector<16xf32>
    %swap3A_13 = arith.constant 32 : index
    %swap3A_14 = tpu.vector_load %arg6[%swap3A_13] {strides = array<i32>} : memref<128xf32, #tpu.memory_space<vmem>>, vector<16xf32>,
    %swap3A_15 = vector.shape_cast %swap3A_14 : vector<16xf32> to vector<16xf32>
    %swap3A_16 = vector.shape_cast %broadcast_in_dim3A_12 : vector<16xf32> to vector<16xf32>
    tpu.vector_store %arg6[%swap3A_13], %swap3A_16 {strides = array<i32>} : memref<128xf32, #tpu.memory_space<vmem>>, vector<16xf32>,
    %broadcast_in_dim3A_17 = arith.constant 1.000000e+00 : f32
    %broadcast_in_dim3A_18 = vector.broadcast %broadcast_in_dim3A_17 : f32 to vector<16xf32>
    %swap3A_19 = arith.constant 48 : index
    %swap3A_20 = tpu.vector_load %arg6[%swap3A_19] {strides = array<i32>} : memref<128xf32, #tpu.memory_space<vmem>>, vector<16xf32>,
    %swap3A_21 = vector.shape_cast %swap3A_20 : vector<16xf32> to vector<16xf32>
    %swap3A_22 = vector.shape_cast %broadcast_in_dim3A_18 : vector<16xf32> to vector<16xf32>
    tpu.vector_store %arg6[%swap3A_19], %swap3A_22 {strides = array<i32>} : memref<128xf32, #tpu.memory_space<vmem>>, vector<16xf32>,
    %broadcast_in_dim3A_23 = arith.constant 1.000000e+00 : f32
    %broadcast_in_dim3A_24 = vector.broadcast %broadcast_in_dim3A_23 : f32 to vector<16xf32>
    %swap3A_25 = arith.constant 64 : index
    %swap3A_26 = tpu.vector_load %arg6[%swap3A_25] {strides = array<i32>} : memref<128xf32, #tpu.memory_space<vmem>>, vector<16xf32>,
    %swap3A_27 = vector.shape_cast %swap3A_26 : vector<16xf32> to vector<16xf32>
    %swap3A_28 = vector.shape_cast %broadcast_in_dim3A_24 : vector<16xf32> to vector<16xf32>
    tpu.vector_store %arg6[%swap3A_25], %swap3A_28 {strides = array<i32>} : memref<128xf32, #tpu.memory_space<vmem>>, vector<16xf32>,
    %broadcast_in_dim3A_29 = arith.constant 1.000000e+00 : f32
    %broadcast_in_dim3A_30 = vector.broadcast %broadcast_in_dim3A_29 : f32 to vector<16xf32>
    %swap3A_31 = arith.constant 80 : index
    %swap3A_32 = tpu.vector_load %arg6[%swap3A_31] {strides = array<i32>} : memref<128xf32, #tpu.memory_space<vmem>>, vector<16xf32>,
    %swap3A_33 = vector.shape_cast %swap3A_32 : vector<16xf32> to vector<16xf32>
    %swap3A_34 = vector.shape_cast %broadcast_in_dim3A_30 : vector<16xf32> to vector<16xf32>
    tpu.vector_store %arg6[%swap3A_31], %swap3A_34 {strides = array<i32>} : memref<128xf32, #tpu.memory_space<vmem>>, vector<16xf32>,
    %broadcast_in_dim3A_35 = arith.constant 1.000000e+00 : f32
    %broadcast_in_dim3A_36 = vector.broadcast %broadcast_in_dim3A_35 : f32 to vector<16xf32>
    %swap3A_37 = arith.constant 96 : index
    %swap3A_38 = tpu.vector_load %arg6[%swap3A_37] {strides = array<i32>} : memref<128xf32, #tpu.memory_space<vmem>>, vector<16xf32>,
    %swap3A_39 = vector.shape_cast %swap3A_38 : vector<16xf32> to vector<16xf32>
    %swap3A_40 = vector.shape_cast %broadcast_in_dim3A_36 : vector<16xf32> to vector<16xf32>
    tpu.vector_store %arg6[%swap3A_37], %swap3A_40 {strides = array<i32>} : memref<128xf32, #tpu.memory_space<vmem>>, vector<16xf32>,
    %broadcast_in_dim3A_41 = arith.constant 1.000000e+00 : f32
    %broadcast_in_dim3A_42 = vector.broadcast %broadcast_in_dim3A_41 : f32 to vector<16xf32>
    %swap3A_43 = arith.constant 112 : index
    %swap3A_44 = tpu.vector_load %arg6[%swap3A_43] {strides = array<i32>} : memref<128xf32, #tpu.memory_space<vmem>>, vector<16xf32>,
    %swap3A_45 = vector.shape_cast %swap3A_44 : vector<16xf32> to vector<16xf32>
    %swap3A_46 = vector.shape_cast %broadcast_in_dim3A_42 : vector<16xf32> to vector<16xf32>
    tpu.vector_store %arg6[%swap3A_43], %swap3A_46 {strides = array<i32>} : memref<128xf32, #tpu.memory_space<vmem>>, vector<16xf32>,
    %mul3A_47 = arith.constant 624 : i32
    %mul3A_48 = arith.muli %arg1, %mul3A_47 : i32
    %add3A_49 = arith.constant 0 : i32
    %add3A_50 = arith.addi %mul3A_48, %add3A_49 : i32
    "tpu.region"() ({
      %run_scoped3A = tpu.sem_alloc : memref<!tpu.dma_semaphore, #tpu.memory_space<semaphore_mem>>
      %dma_start3A = arith.constant 0 : i32
      %dma_start3A_115 = tpu.memref_slice %arg6[%dma_start3A] : memref<128xf32, #tpu.memory_space<vmem>> -> memref<104xf32, #tpu.memory_space<vmem>>
      %dma_start3A_116 = tpu.memref_slice %arg4[%add3A_50] : memref<10008xf32, #tpu.memory_space<vmem_shared>> -> memref<104xf32, #tpu.memory_space<vmem_shared>>
      %dma_start3A_117 = tpu.memref_slice %arg4[%add3A_50] : memref<10008xf32, #tpu.memory_space<vmem_shared>> -> memref<104xf32, #tpu.memory_space<vmem_shared>>
      %dma_start3A_118 = arith.constant 0 : i32
      %dma_start3A_119 = tpu.memref_slice %arg6[%dma_start3A_118] : memref<128xf32, #tpu.memory_space<vmem>> -> memref<104xf32, #tpu.memory_space<vmem>>
      tpu.enqueue_dma source(%dma_start3A_119 : memref<104xf32, #tpu.memory_space<vmem>>) target(%dma_start3A_117 : memref<104xf32, #tpu.memory_space<vmem_shared>>) target_semaphore(%run_scoped3A : memref<!tpu.dma_semaphore, #tpu.memory_space<semaphore_mem>>)
      %dma_wait3A = arith.constant 0 : i32
      %dma_wait3A_120 = tpu.memref_slice %arg6[%dma_wait3A] : memref<128xf32, #tpu.memory_space<vmem>> -> memref<104xf32, #tpu.memory_space<vmem>>
      %dma_wait3A_121 = tpu.memref_slice %arg4[%add3A_50] : memref<10008xf32, #tpu.memory_space<vmem_shared>> -> memref<104xf32, #tpu.memory_space<vmem_shared>>
      %dma_wait3A_122 = tpu.memref_slice %arg4[%add3A_50] : memref<10008xf32, #tpu.memory_space<vmem_shared>> -> memref<104xf32, #tpu.memory_space<vmem_shared>>
      %dma_wait3A_123 = arith.constant 0 : i32
      %dma_wait3A_124 = tpu.memref_slice %arg6[%dma_wait3A_123] : memref<128xf32, #tpu.memory_space<vmem>> -> memref<104xf32, #tpu.memory_space<vmem>>
      tpu.wait_dma2 semaphore(%run_scoped3A : memref<!tpu.dma_semaphore, #tpu.memory_space<semaphore_mem>>) src(%dma_wait3A_124 : memref<104xf32, #tpu.memory_space<vmem>>) dst(%dma_wait3A_122 : memref<104xf32, #tpu.memory_space<vmem_shared>>)
      tpu.yield
    }) : () -> ()
    %add3A_51 = arith.constant 104 : i32
    %add3A_52 = arith.addi %mul3A_48, %add3A_51 : i32
    "tpu.region"() ({
      %run_scoped3A = tpu.sem_alloc : memref<!tpu.dma_semaphore, #tpu.memory_space<semaphore_mem>>
      %dma_start3A = arith.constant 0 : i32
      %dma_start3A_115 = tpu.memref_slice %arg6[%dma_start3A] : memref<128xf32, #tpu.memory_space<vmem>> -> memref<104xf32, #tpu.memory_space<vmem>>
      %dma_start3A_116 = tpu.memref_slice %arg4[%add3A_52] : memref<10008xf32, #tpu.memory_space<vmem_shared>> -> memref<104xf32, #tpu.memory_space<vmem_shared>>
      %dma_start3A_117 = tpu.memref_slice %arg4[%add3A_52] : memref<10008xf32, #tpu.memory_space<vmem_shared>> -> memref<104xf32, #tpu.memory_space<vmem_shared>>
      %dma_start3A_118 = arith.constant 0 : i32
      %dma_start3A_119 = tpu.memref_slice %arg6[%dma_start3A_118] : memref<128xf32, #tpu.memory_space<vmem>> -> memref<104xf32, #tpu.memory_space<vmem>>
      tpu.enqueue_dma source(%dma_start3A_119 : memref<104xf32, #tpu.memory_space<vmem>>) target(%dma_start3A_117 : memref<104xf32, #tpu.memory_space<vmem_shared>>) target_semaphore(%run_scoped3A : memref<!tpu.dma_semaphore, #tpu.memory_space<semaphore_mem>>)
      %dma_wait3A = arith.constant 0 : i32
      %dma_wait3A_120 = tpu.memref_slice %arg6[%dma_wait3A] : memref<128xf32, #tpu.memory_space<vmem>> -> memref<104xf32, #tpu.memory_space<vmem>>
      %dma_wait3A_121 = tpu.memref_slice %arg4[%add3A_52] : memref<10008xf32, #tpu.memory_space<vmem_shared>> -> memref<104xf32, #tpu.memory_space<vmem_shared>>
      %dma_wait3A_122 = tpu.memref_slice %arg4[%add3A_52] : memref<10008xf32, #tpu.memory_space<vmem_shared>> -> memref<104xf32, #tpu.memory_space<vmem_shared>>
      %dma_wait3A_123 = arith.constant 0 : i32
      %dma_wait3A_124 = tpu.memref_slice %arg6[%dma_wait3A_123] : memref<128xf32, #tpu.memory_space<vmem>> -> memref<104xf32, #tpu.memory_space<vmem>>
      tpu.wait_dma2 semaphore(%run_scoped3A : memref<!tpu.dma_semaphore, #tpu.memory_space<semaphore_mem>>) src(%dma_wait3A_124 : memref<104xf32, #tpu.memory_space<vmem>>) dst(%dma_wait3A_122 : memref<104xf32, #tpu.memory_space<vmem_shared>>)
      tpu.yield
    }) : () -> ()
    %add3A_53 = arith.constant 208 : i32
    %add3A_54 = arith.addi %mul3A_48, %add3A_53 : i32
    "tpu.region"() ({
      %run_scoped3A = tpu.sem_alloc : memref<!tpu.dma_semaphore, #tpu.memory_space<semaphore_mem>>
      %dma_start3A = arith.constant 0 : i32
      %dma_start3A_115 = tpu.memref_slice %arg6[%dma_start3A] : memref<128xf32, #tpu.memory_space<vmem>> -> memref<104xf32, #tpu.memory_space<vmem>>
      %dma_start3A_116 = tpu.memref_slice %arg4[%add3A_54] : memref<10008xf32, #tpu.memory_space<vmem_shared>> -> memref<104xf32, #tpu.memory_space<vmem_shared>>
      %dma_start3A_117 = tpu.memref_slice %arg4[%add3A_54] : memref<10008xf32, #tpu.memory_space<vmem_shared>> -> memref<104xf32, #tpu.memory_space<vmem_shared>>
      %dma_start3A_118 = arith.constant 0 : i32
      %dma_start3A_119 = tpu.memref_slice %arg6[%dma_start3A_118] : memref<128xf32, #tpu.memory_space<vmem>> -> memref<104xf32, #tpu.memory_space<vmem>>
      tpu.enqueue_dma source(%dma_start3A_119 : memref<104xf32, #tpu.memory_space<vmem>>) target(%dma_start3A_117 : memref<104xf32, #tpu.memory_space<vmem_shared>>) target_semaphore(%run_scoped3A : memref<!tpu.dma_semaphore, #tpu.memory_space<semaphore_mem>>)
      %dma_wait3A = arith.constant 0 : i32
      %dma_wait3A_120 = tpu.memref_slice %arg6[%dma_wait3A] : memref<128xf32, #tpu.memory_space<vmem>> -> memref<104xf32, #tpu.memory_space<vmem>>
      %dma_wait3A_121 = tpu.memref_slice %arg4[%add3A_54] : memref<10008xf32, #tpu.memory_space<vmem_shared>> -> memref<104xf32, #tpu.memory_space<vmem_shared>>
      %dma_wait3A_122 = tpu.memref_slice %arg4[%add3A_54] : memref<10008xf32, #tpu.memory_space<vmem_shared>> -> memref<104xf32, #tpu.memory_space<vmem_shared>>
      %dma_wait3A_123 = arith.constant 0 : i32
      %dma_wait3A_124 = tpu.memref_slice %arg6[%dma_wait3A_123] : memref<128xf32, #tpu.memory_space<vmem>> -> memref<104xf32, #tpu.memory_space<vmem>>
      tpu.wait_dma2 semaphore(%run_scoped3A : memref<!tpu.dma_semaphore, #tpu.memory_space<semaphore_mem>>) src(%dma_wait3A_124 : memref<104xf32, #tpu.memory_space<vmem>>) dst(%dma_wait3A_122 : memref<104xf32, #tpu.memory_space<vmem_shared>>)
      tpu.yield
    }) : () -> ()
    %add3A_55 = arith.constant 312 : i32
    %add3A_56 = arith.addi %mul3A_48, %add3A_55 : i32
    "tpu.region"() ({
      %run_scoped3A = tpu.sem_alloc : memref<!tpu.dma_semaphore, #tpu.memory_space<semaphore_mem>>
      %dma_start3A = arith.constant 0 : i32
      %dma_start3A_115 = tpu.memref_slice %arg6[%dma_start3A] : memref<128xf32, #tpu.memory_space<vmem>> -> memref<104xf32, #tpu.memory_space<vmem>>
      %dma_start3A_116 = tpu.memref_slice %arg4[%add3A_56] : memref<10008xf32, #tpu.memory_space<vmem_shared>> -> memref<104xf32, #tpu.memory_space<vmem_shared>>
      %dma_start3A_117 = tpu.memref_slice %arg4[%add3A_56] : memref<10008xf32, #tpu.memory_space<vmem_shared>> -> memref<104xf32, #tpu.memory_space<vmem_shared>>
      %dma_start3A_118 = arith.constant 0 : i32
      %dma_start3A_119 = tpu.memref_slice %arg6[%dma_start3A_118] : memref<128xf32, #tpu.memory_space<vmem>> -> memref<104xf32, #tpu.memory_space<vmem>>
      tpu.enqueue_dma source(%dma_start3A_119 : memref<104xf32, #tpu.memory_space<vmem>>) target(%dma_start3A_117 : memref<104xf32, #tpu.memory_space<vmem_shared>>) target_semaphore(%run_scoped3A : memref<!tpu.dma_semaphore, #tpu.memory_space<semaphore_mem>>)
      %dma_wait3A = arith.constant 0 : i32
      %dma_wait3A_120 = tpu.memref_slice %arg6[%dma_wait3A] : memref<128xf32, #tpu.memory_space<vmem>> -> memref<104xf32, #tpu.memory_space<vmem>>
      %dma_wait3A_121 = tpu.memref_slice %arg4[%add3A_56] : memref<10008xf32, #tpu.memory_space<vmem_shared>> -> memref<104xf32, #tpu.memory_space<vmem_shared>>
      %dma_wait3A_122 = tpu.memref_slice %arg4[%add3A_56] : memref<10008xf32, #tpu.memory_space<vmem_shared>> -> memref<104xf32, #tpu.memory_space<vmem_shared>>
      %dma_wait3A_123 = arith.constant 0 : i32
      %dma_wait3A_124 = tpu.memref_slice %arg6[%dma_wait3A_123] : memref<128xf32, #tpu.memory_space<vmem>> -> memref<104xf32, #tpu.memory_space<vmem>>
      tpu.wait_dma2 semaphore(%run_scoped3A : memref<!tpu.dma_semaphore, #tpu.memory_space<semaphore_mem>>) src(%dma_wait3A_124 : memref<104xf32, #tpu.memory_space<vmem>>) dst(%dma_wait3A_122 : memref<104xf32, #tpu.memory_space<vmem_shared>>)
      tpu.yield
    }) : () -> ()
    %add3A_57 = arith.constant 416 : i32
    %add3A_58 = arith.addi %mul3A_48, %add3A_57 : i32
    "tpu.region"() ({
      %run_scoped3A = tpu.sem_alloc : memref<!tpu.dma_semaphore, #tpu.memory_space<semaphore_mem>>
      %dma_start3A = arith.constant 0 : i32
      %dma_start3A_115 = tpu.memref_slice %arg6[%dma_start3A] : memref<128xf32, #tpu.memory_space<vmem>> -> memref<104xf32, #tpu.memory_space<vmem>>
      %dma_start3A_116 = tpu.memref_slice %arg4[%add3A_58] : memref<10008xf32, #tpu.memory_space<vmem_shared>> -> memref<104xf32, #tpu.memory_space<vmem_shared>>
      %dma_start3A_117 = tpu.memref_slice %arg4[%add3A_58] : memref<10008xf32, #tpu.memory_space<vmem_shared>> -> memref<104xf32, #tpu.memory_space<vmem_shared>>
      %dma_start3A_118 = arith.constant 0 : i32
      %dma_start3A_119 = tpu.memref_slice %arg6[%dma_start3A_118] : memref<128xf32, #tpu.memory_space<vmem>> -> memref<104xf32, #tpu.memory_space<vmem>>
      tpu.enqueue_dma source(%dma_start3A_119 : memref<104xf32, #tpu.memory_space<vmem>>) target(%dma_start3A_117 : memref<104xf32, #tpu.memory_space<vmem_shared>>) target_semaphore(%run_scoped3A : memref<!tpu.dma_semaphore, #tpu.memory_space<semaphore_mem>>)
      %dma_wait3A = arith.constant 0 : i32
      %dma_wait3A_120 = tpu.memref_slice %arg6[%dma_wait3A] : memref<128xf32, #tpu.memory_space<vmem>> -> memref<104xf32, #tpu.memory_space<vmem>>
      %dma_wait3A_121 = tpu.memref_slice %arg4[%add3A_58] : memref<10008xf32, #tpu.memory_space<vmem_shared>> -> memref<104xf32, #tpu.memory_space<vmem_shared>>
      %dma_wait3A_122 = tpu.memref_slice %arg4[%add3A_58] : memref<10008xf32, #tpu.memory_space<vmem_shared>> -> memref<104xf32, #tpu.memory_space<vmem_shared>>
      %dma_wait3A_123 = arith.constant 0 : i32
      %dma_wait3A_124 = tpu.memref_slice %arg6[%dma_wait3A_123] : memref<128xf32, #tpu.memory_space<vmem>> -> memref<104xf32, #tpu.memory_space<vmem>>
      tpu.wait_dma2 semaphore(%run_scoped3A : memref<!tpu.dma_semaphore, #tpu.memory_space<semaphore_mem>>) src(%dma_wait3A_124 : memref<104xf32, #tpu.memory_space<vmem>>) dst(%dma_wait3A_122 : memref<104xf32, #tpu.memory_space<vmem_shared>>)
      tpu.yield
    }) : () -> ()
    %add3A_59 = arith.constant 520 : i32
    %add3A_60 = arith.addi %mul3A_48, %add3A_59 : i32
    "tpu.region"() ({
      %run_scoped3A = tpu.sem_alloc : memref<!tpu.dma_semaphore, #tpu.memory_space<semaphore_mem>>
      %dma_start3A = arith.constant 0 : i32
      %dma_start3A_115 = tpu.memref_slice %arg6[%dma_start3A] : memref<128xf32, #tpu.memory_space<vmem>> -> memref<104xf32, #tpu.memory_space<vmem>>
      %dma_start3A_116 = tpu.memref_slice %arg4[%add3A_60] : memref<10008xf32, #tpu.memory_space<vmem_shared>> -> memref<104xf32, #tpu.memory_space<vmem_shared>>
      %dma_start3A_117 = tpu.memref_slice %arg4[%add3A_60] : memref<10008xf32, #tpu.memory_space<vmem_shared>> -> memref<104xf32, #tpu.memory_space<vmem_shared>>
      %dma_start3A_118 = arith.constant 0 : i32
      %dma_start3A_119 = tpu.memref_slice %arg6[%dma_start3A_118] : memref<128xf32, #tpu.memory_space<vmem>> -> memref<104xf32, #tpu.memory_space<vmem>>
      tpu.enqueue_dma source(%dma_start3A_119 : memref<104xf32, #tpu.memory_space<vmem>>) target(%dma_start3A_117 : memref<104xf32, #tpu.memory_space<vmem_shared>>) target_semaphore(%run_scoped3A : memref<!tpu.dma_semaphore, #tpu.memory_space<semaphore_mem>>)
      %dma_wait3A = arith.constant 0 : i32
      %dma_wait3A_120 = tpu.memref_slice %arg6[%dma_wait3A] : memref<128xf32, #tpu.memory_space<vmem>> -> memref<104xf32, #tpu.memory_space<vmem>>
      %dma_wait3A_121 = tpu.memref_slice %arg4[%add3A_60] : memref<10008xf32, #tpu.memory_space<vmem_shared>> -> memref<104xf32, #tpu.memory_space<vmem_shared>>
      %dma_wait3A_122 = tpu.memref_slice %arg4[%add3A_60] : memref<10008xf32, #tpu.memory_space<vmem_shared>> -> memref<104xf32, #tpu.memory_space<vmem_shared>>
      %dma_wait3A_123 = arith.constant 0 : i32
      %dma_wait3A_124 = tpu.memref_slice %arg6[%dma_wait3A_123] : memref<128xf32, #tpu.memory_space<vmem>> -> memref<104xf32, #tpu.memory_space<vmem>>
      tpu.wait_dma2 semaphore(%run_scoped3A : memref<!tpu.dma_semaphore, #tpu.memory_space<semaphore_mem>>) src(%dma_wait3A_124 : memref<104xf32, #tpu.memory_space<vmem>>) dst(%dma_wait3A_122 : memref<104xf32, #tpu.memory_space<vmem_shared>>)
      tpu.yield
    }) : () -> ()
    %eq3A = arith.constant 15 : i32
    %eq3A_61 = arith.cmpi eq, %arg1, %eq3A : i32
    %convert_element_type3A = arith.extui %eq3A_61 : i1 to i32
    %cond3A = arith.constant 0 : i32
    %cond3A_62 = arith.cmpi ne, %convert_element_type3A, %cond3A : i32
    scf.if %cond3A_62 {
      "tpu.region"() ({
        %run_scoped3A = tpu.sem_alloc : memref<!tpu.dma_semaphore, #tpu.memory_space<semaphore_mem>>
        %dma_start3A = arith.constant 0 : i32
        %dma_start3A_115 = tpu.memref_slice %arg6[%dma_start3A] : memref<128xf32, #tpu.memory_space<vmem>> -> memref<16xf32, #tpu.memory_space<vmem>>
        %dma_start3A_116 = arith.constant 9984 : i32
        %dma_start3A_117 = tpu.memref_slice %arg4[%dma_start3A_116] : memref<10008xf32, #tpu.memory_space<vmem_shared>> -> memref<16xf32, #tpu.memory_space<vmem_shared>>
        %dma_start3A_118 = arith.constant 9984 : i32
        %dma_start3A_119 = tpu.memref_slice %arg4[%dma_start3A_118] : memref<10008xf32, #tpu.memory_space<vmem_shared>> -> memref<16xf32, #tpu.memory_space<vmem_shared>>
        %dma_start3A_120 = arith.constant 0 : i32
        %dma_start3A_121 = tpu.memref_slice %arg6[%dma_start3A_120] : memref<128xf32, #tpu.memory_space<vmem>> -> memref<16xf32, #tpu.memory_space<vmem>>
        tpu.enqueue_dma source(%dma_start3A_121 : memref<16xf32, #tpu.memory_space<vmem>>) target(%dma_start3A_119 : memref<16xf32, #tpu.memory_space<vmem_shared>>) target_semaphore(%run_scoped3A : memref<!tpu.dma_semaphore, #tpu.memory_space<semaphore_mem>>)
        %dma_wait3A = arith.constant 0 : i32
        %dma_wait3A_122 = tpu.memref_slice %arg6[%dma_wait3A] : memref<128xf32, #tpu.memory_space<vmem>> -> memref<16xf32, #tpu.memory_space<vmem>>
        %dma_wait3A_123 = arith.constant 9984 : i32
        %dma_wait3A_124 = tpu.memref_slice %arg4[%dma_wait3A_123] : memref<10008xf32, #tpu.memory_space<vmem_shared>> -> memref<16xf32, #tpu.memory_space<vmem_shared>>
        %dma_wait3A_125 = arith.constant 9984 : i32
        %dma_wait3A_126 = tpu.memref_slice %arg4[%dma_wait3A_125] : memref<10008xf32, #tpu.memory_space<vmem_shared>> -> memref<16xf32, #tpu.memory_space<vmem_shared>>
        %dma_wait3A_127 = arith.constant 0 : i32
        %dma_wait3A_128 = tpu.memref_slice %arg6[%dma_wait3A_127] : memref<128xf32, #tpu.memory_space<vmem>> -> memref<16xf32, #tpu.memory_space<vmem>>
        tpu.wait_dma2 semaphore(%run_scoped3A : memref<!tpu.dma_semaphore, #tpu.memory_space<semaphore_mem>>) src(%dma_wait3A_128 : memref<16xf32, #tpu.memory_space<vmem>>) dst(%dma_wait3A_126 : memref<16xf32, #tpu.memory_space<vmem_shared>>)
        tpu.yield
      }) : () -> ()
    } else {
    }
    %barrier3A = arith.constant 0 : index
    tpu.barrier barrier_id(%barrier3A)
    %scan3A = arith.constant 0 : i32
    %scan3A_63 = arith.constant 80 : i32
    %scan3A_64 = arith.addi %scan3A, %scan3A_63 : i32
    %scan3A_65 = arith.constant 1 : i32
    scf.for %scan3A_115 = %scan3A to %scan3A_64 step %scan3A_65  : i32 {
      %mul3A_116 = arith.constant 1 : i32
      %mul3A_117 = arith.muli %scan3A_115, %mul3A_116 : i32
      %add3A_118 = arith.constant 0 : i32
      %add3A_119 = arith.addi %add3A_118, %mul3A_117 : i32
      "tpu.region"() ({
        %run_scoped3A = tpu.sem_alloc : memref<!tpu.dma_semaphore, #tpu.memory_space<semaphore_mem>>
        %dma_start3A = arith.constant 0 : i32
        %dma_start3A_120 = tpu.memref_slice %arg5[%add3A_119, %dma_start3A] : memref<80x128xi32, #tpu.memory_space<vmem>> -> memref<1x128xi32, #tpu.memory_space<vmem>>
        %dma_start3A_121 = tpu.memref_squeeze %dma_start3A_120 : memref<1x128xi32, #tpu.memory_space<vmem>> -> memref<128xi32, #tpu.memory_space<vmem>>
        %dma_start3A_122 = arith.constant 0 : i32
        %dma_start3A_123 = tpu.memref_slice %arg4[%dma_start3A_122] : memref<10008xf32, #tpu.memory_space<vmem_shared>> -> memref<10008xf32, #tpu.memory_space<vmem_shared>>
        tpu.enqueue_indirect_dma source(%arg6 : memref<128xf32, #tpu.memory_space<vmem>>) target(%dma_start3A_123 : memref<10008xf32, #tpu.memory_space<vmem_shared>>) offsets(%dma_start3A_121 : memref<128xi32, #tpu.memory_space<vmem>>) semaphore(%run_scoped3A : memref<!tpu.dma_semaphore, #tpu.memory_space<semaphore_mem>>) {add = true}
        %dma_wait3A = arith.constant 0 : i32
        %dma_wait3A_124 = tpu.memref_slice %arg5[%add3A_119, %dma_wait3A] : memref<80x128xi32, #tpu.memory_space<vmem>> -> memref<1x128xi32, #tpu.memory_space<vmem>>
        %dma_wait3A_125 = tpu.memref_squeeze %dma_wait3A_124 : memref<1x128xi32, #tpu.memory_space<vmem>> -> memref<128xi32, #tpu.memory_space<vmem>>
        %dma_wait3A_126 = arith.constant 0 : i32
        %dma_wait3A_127 = tpu.memref_slice %arg4[%dma_wait3A_126] : memref<10008xf32, #tpu.memory_space<vmem_shared>> -> memref<10008xf32, #tpu.memory_space<vmem_shared>>
        tpu.wait_indirect_dma semaphore(%run_scoped3A : memref<!tpu.dma_semaphore, #tpu.memory_space<semaphore_mem>>) src(%arg6 : memref<128xf32, #tpu.memory_space<vmem>>) dst(%dma_wait3A_127 : memref<10008xf32, #tpu.memory_space<vmem_shared>>)
        tpu.yield
      }) : () -> ()
    }
    %scan3A_66 = arith.constant 80 : i32
    %barrier3A_67 = arith.constant 0 : index
    tpu.barrier barrier_id(%barrier3A_67)
    %add3A_68 = arith.constant 0 : i32
    %add3A_69 = arith.addi %mul3A_48, %add3A_68 : i32
    "tpu.region"() ({
      %run_scoped3A = tpu.sem_alloc : memref<!tpu.dma_semaphore, #tpu.memory_space<semaphore_mem>>
      %dma_start3A = arith.constant 0 : i32
      %dma_start3A_115 = tpu.memref_slice %arg6[%dma_start3A] : memref<128xf32, #tpu.memory_space<vmem>> -> memref<104xf32, #tpu.memory_space<vmem>>
      %dma_start3A_116 = tpu.memref_slice %arg4[%add3A_69] : memref<10008xf32, #tpu.memory_space<vmem_shared>> -> memref<104xf32, #tpu.memory_space<vmem_shared>>
      %dma_start3A_117 = arith.constant 0 : i32
      %dma_start3A_118 = tpu.memref_slice %arg6[%dma_start3A_117] : memref<128xf32, #tpu.memory_space<vmem>> -> memref<104xf32, #tpu.memory_space<vmem>>
      %dma_start3A_119 = tpu.memref_slice %arg4[%add3A_69] : memref<10008xf32, #tpu.memory_space<vmem_shared>> -> memref<104xf32, #tpu.memory_space<vmem_shared>>
      tpu.enqueue_dma source(%dma_start3A_119 : memref<104xf32, #tpu.memory_space<vmem_shared>>) target(%dma_start3A_118 : memref<104xf32, #tpu.memory_space<vmem>>) target_semaphore(%run_scoped3A : memref<!tpu.dma_semaphore, #tpu.memory_space<semaphore_mem>>)
      %dma_wait3A = arith.constant 0 : i32
      %dma_wait3A_120 = tpu.memref_slice %arg6[%dma_wait3A] : memref<128xf32, #tpu.memory_space<vmem>> -> memref<104xf32, #tpu.memory_space<vmem>>
      %dma_wait3A_121 = tpu.memref_slice %arg4[%add3A_69] : memref<10008xf32, #tpu.memory_space<vmem_shared>> -> memref<104xf32, #tpu.memory_space<vmem_shared>>
      %dma_wait3A_122 = arith.constant 0 : i32
      %dma_wait3A_123 = tpu.memref_slice %arg6[%dma_wait3A_122] : memref<128xf32, #tpu.memory_space<vmem>> -> memref<104xf32, #tpu.memory_space<vmem>>
      %dma_wait3A_124 = tpu.memref_slice %arg4[%add3A_69] : memref<10008xf32, #tpu.memory_space<vmem_shared>> -> memref<104xf32, #tpu.memory_space<vmem_shared>>
      tpu.wait_dma2 semaphore(%run_scoped3A : memref<!tpu.dma_semaphore, #tpu.memory_space<semaphore_mem>>) src(%dma_wait3A_124 : memref<104xf32, #tpu.memory_space<vmem_shared>>) dst(%dma_wait3A_123 : memref<104xf32, #tpu.memory_space<vmem>>)
      tpu.yield
    }) : () -> ()
    %mul3A_70 = arith.constant 10000 : i32
    %mul3A_71 = arith.muli %arg0, %mul3A_70 : i32
    %add3A_72 = arith.addi %mul3A_71, %mul3A_48 : i32
    %add3A_73 = arith.constant 0 : i32
    %add3A_74 = arith.addi %add3A_72, %add3A_73 : i32
    "tpu.region"() ({
      %run_scoped3A = tpu.sem_alloc : memref<!tpu.dma_semaphore, #tpu.memory_space<semaphore_mem>>
      %dma_start3A = arith.constant 0 : i32
      %dma_start3A_115 = tpu.memref_slice %arg6[%dma_start3A] : memref<128xf32, #tpu.memory_space<vmem>> -> memref<104xf32, #tpu.memory_space<vmem>>
      %dma_start3A_116 = tpu.memref_slice %arg3[%add3A_74] : memref<20000xf32, #tpu.memory_space<hbm>> -> memref<104xf32, #tpu.memory_space<hbm>>
      %dma_start3A_117 = tpu.memref_slice %arg3[%add3A_74] : memref<20000xf32, #tpu.memory_space<hbm>> -> memref<104xf32, #tpu.memory_space<hbm>>
      %dma_start3A_118 = arith.constant 0 : i32
      %dma_start3A_119 = tpu.memref_slice %arg6[%dma_start3A_118] : memref<128xf32, #tpu.memory_space<vmem>> -> memref<104xf32, #tpu.memory_space<vmem>>
      tpu.enqueue_dma source(%dma_start3A_119 : memref<104xf32, #tpu.memory_space<vmem>>) target(%dma_start3A_117 : memref<104xf32, #tpu.memory_space<hbm>>) target_semaphore(%run_scoped3A : memref<!tpu.dma_semaphore, #tpu.memory_space<semaphore_mem>>)
      %dma_wait3A = arith.constant 0 : i32
      %dma_wait3A_120 = tpu.memref_slice %arg6[%dma_wait3A] : memref<128xf32, #tpu.memory_space<vmem>> -> memref<104xf32, #tpu.memory_space<vmem>>
      %dma_wait3A_121 = tpu.memref_slice %arg3[%add3A_74] : memref<20000xf32, #tpu.memory_space<hbm>> -> memref<104xf32, #tpu.memory_space<hbm>>
      %dma_wait3A_122 = tpu.memref_slice %arg3[%add3A_74] : memref<20000xf32, #tpu.memory_space<hbm>> -> memref<104xf32, #tpu.memory_space<hbm>>
      %dma_wait3A_123 = arith.constant 0 : i32
      %dma_wait3A_124 = tpu.memref_slice %arg6[%dma_wait3A_123] : memref<128xf32, #tpu.memory_space<vmem>> -> memref<104xf32, #tpu.memory_space<vmem>>
      tpu.wait_dma2 semaphore(%run_scoped3A : memref<!tpu.dma_semaphore, #tpu.memory_space<semaphore_mem>>) src(%dma_wait3A_124 : memref<104xf32, #tpu.memory_space<vmem>>) dst(%dma_wait3A_122 : memref<104xf32, #tpu.memory_space<hbm>>)
      tpu.yield
    }) : () -> ()
    %add3A_75 = arith.constant 104 : i32
    %add3A_76 = arith.addi %mul3A_48, %add3A_75 : i32
    "tpu.region"() ({
      %run_scoped3A = tpu.sem_alloc : memref<!tpu.dma_semaphore, #tpu.memory_space<semaphore_mem>>
      %dma_start3A = arith.constant 0 : i32
      %dma_start3A_115 = tpu.memref_slice %arg6[%dma_start3A] : memref<128xf32, #tpu.memory_space<vmem>> -> memref<104xf32, #tpu.memory_space<vmem>>
      %dma_start3A_116 = tpu.memref_slice %arg4[%add3A_76] : memref<10008xf32, #tpu.memory_space<vmem_shared>> -> memref<104xf32, #tpu.memory_space<vmem_shared>>
      %dma_start3A_117 = arith.constant 0 : i32
      %dma_start3A_118 = tpu.memref_slice %arg6[%dma_start3A_117] : memref<128xf32, #tpu.memory_space<vmem>> -> memref<104xf32, #tpu.memory_space<vmem>>
      %dma_start3A_119 = tpu.memref_slice %arg4[%add3A_76] : memref<10008xf32, #tpu.memory_space<vmem_shared>> -> memref<104xf32, #tpu.memory_space<vmem_shared>>
      tpu.enqueue_dma source(%dma_start3A_119 : memref<104xf32, #tpu.memory_space<vmem_shared>>) target(%dma_start3A_118 : memref<104xf32, #tpu.memory_space<vmem>>) target_semaphore(%run_scoped3A : memref<!tpu.dma_semaphore, #tpu.memory_space<semaphore_mem>>)
      %dma_wait3A = arith.constant 0 : i32
      %dma_wait3A_120 = tpu.memref_slice %arg6[%dma_wait3A] : memref<128xf32, #tpu.memory_space<vmem>> -> memref<104xf32, #tpu.memory_space<vmem>>
      %dma_wait3A_121 = tpu.memref_slice %arg4[%add3A_76] : memref<10008xf32, #tpu.memory_space<vmem_shared>> -> memref<104xf32, #tpu.memory_space<vmem_shared>>
      %dma_wait3A_122 = arith.constant 0 : i32
      %dma_wait3A_123 = tpu.memref_slice %arg6[%dma_wait3A_122] : memref<128xf32, #tpu.memory_space<vmem>> -> memref<104xf32, #tpu.memory_space<vmem>>
      %dma_wait3A_124 = tpu.memref_slice %arg4[%add3A_76] : memref<10008xf32, #tpu.memory_space<vmem_shared>> -> memref<104xf32, #tpu.memory_space<vmem_shared>>
      tpu.wait_dma2 semaphore(%run_scoped3A : memref<!tpu.dma_semaphore, #tpu.memory_space<semaphore_mem>>) src(%dma_wait3A_124 : memref<104xf32, #tpu.memory_space<vmem_shared>>) dst(%dma_wait3A_123 : memref<104xf32, #tpu.memory_space<vmem>>)
      tpu.yield
    }) : () -> ()
    %mul3A_77 = arith.constant 10000 : i32
    %mul3A_78 = arith.muli %arg0, %mul3A_77 : i32
    %add3A_79 = arith.addi %mul3A_78, %mul3A_48 : i32
    %add3A_80 = arith.constant 104 : i32
    %add3A_81 = arith.addi %add3A_79, %add3A_80 : i32
    "tpu.region"() ({
      %run_scoped3A = tpu.sem_alloc : memref<!tpu.dma_semaphore, #tpu.memory_space<semaphore_mem>>
      %dma_start3A = arith.constant 0 : i32
      %dma_start3A_115 = tpu.memref_slice %arg6[%dma_start3A] : memref<128xf32, #tpu.memory_space<vmem>> -> memref<104xf32, #tpu.memory_space<vmem>>
      %dma_start3A_116 = tpu.memref_slice %arg3[%add3A_81] : memref<20000xf32, #tpu.memory_space<hbm>> -> memref<104xf32, #tpu.memory_space<hbm>>
      %dma_start3A_117 = tpu.memref_slice %arg3[%add3A_81] : memref<20000xf32, #tpu.memory_space<hbm>> -> memref<104xf32, #tpu.memory_space<hbm>>
      %dma_start3A_118 = arith.constant 0 : i32
      %dma_start3A_119 = tpu.memref_slice %arg6[%dma_start3A_118] : memref<128xf32, #tpu.memory_space<vmem>> -> memref<104xf32, #tpu.memory_space<vmem>>
      tpu.enqueue_dma source(%dma_start3A_119 : memref<104xf32, #tpu.memory_space<vmem>>) target(%dma_start3A_117 : memref<104xf32, #tpu.memory_space<hbm>>) target_semaphore(%run_scoped3A : memref<!tpu.dma_semaphore, #tpu.memory_space<semaphore_mem>>)
      %dma_wait3A = arith.constant 0 : i32
      %dma_wait3A_120 = tpu.memref_slice %arg6[%dma_wait3A] : memref<128xf32, #tpu.memory_space<vmem>> -> memref<104xf32, #tpu.memory_space<vmem>>
      %dma_wait3A_121 = tpu.memref_slice %arg3[%add3A_81] : memref<20000xf32, #tpu.memory_space<hbm>> -> memref<104xf32, #tpu.memory_space<hbm>>
      %dma_wait3A_122 = tpu.memref_slice %arg3[%add3A_81] : memref<20000xf32, #tpu.memory_space<hbm>> -> memref<104xf32, #tpu.memory_space<hbm>>
      %dma_wait3A_123 = arith.constant 0 : i32
      %dma_wait3A_124 = tpu.memref_slice %arg6[%dma_wait3A_123] : memref<128xf32, #tpu.memory_space<vmem>> -> memref<104xf32, #tpu.memory_space<vmem>>
      tpu.wait_dma2 semaphore(%run_scoped3A : memref<!tpu.dma_semaphore, #tpu.memory_space<semaphore_mem>>) src(%dma_wait3A_124 : memref<104xf32, #tpu.memory_space<vmem>>) dst(%dma_wait3A_122 : memref<104xf32, #tpu.memory_space<hbm>>)
      tpu.yield
    }) : () -> ()
    %add3A_82 = arith.constant 208 : i32
    %add3A_83 = arith.addi %mul3A_48, %add3A_82 : i32
    "tpu.region"() ({
      %run_scoped3A = tpu.sem_alloc : memref<!tpu.dma_semaphore, #tpu.memory_space<semaphore_mem>>
      %dma_start3A = arith.constant 0 : i32
      %dma_start3A_115 = tpu.memref_slice %arg6[%dma_start3A] : memref<128xf32, #tpu.memory_space<vmem>> -> memref<104xf32, #tpu.memory_space<vmem>>
      %dma_start3A_116 = tpu.memref_slice %arg4[%add3A_83] : memref<10008xf32, #tpu.memory_space<vmem_shared>> -> memref<104xf32, #tpu.memory_space<vmem_shared>>
      %dma_start3A_117 = arith.constant 0 : i32
      %dma_start3A_118 = tpu.memref_slice %arg6[%dma_start3A_117] : memref<128xf32, #tpu.memory_space<vmem>> -> memref<104xf32, #tpu.memory_space<vmem>>
      %dma_start3A_119 = tpu.memref_slice %arg4[%add3A_83] : memref<10008xf32, #tpu.memory_space<vmem_shared>> -> memref<104xf32, #tpu.memory_space<vmem_shared>>
      tpu.enqueue_dma source(%dma_start3A_119 : memref<104xf32, #tpu.memory_space<vmem_shared>>) target(%dma_start3A_118 : memref<104xf32, #tpu.memory_space<vmem>>) target_semaphore(%run_scoped3A : memref<!tpu.dma_semaphore, #tpu.memory_space<semaphore_mem>>)
      %dma_wait3A = arith.constant 0 : i32
      %dma_wait3A_120 = tpu.memref_slice %arg6[%dma_wait3A] : memref<128xf32, #tpu.memory_space<vmem>> -> memref<104xf32, #tpu.memory_space<vmem>>
      %dma_wait3A_121 = tpu.memref_slice %arg4[%add3A_83] : memref<10008xf32, #tpu.memory_space<vmem_shared>> -> memref<104xf32, #tpu.memory_space<vmem_shared>>
      %dma_wait3A_122 = arith.constant 0 : i32
      %dma_wait3A_123 = tpu.memref_slice %arg6[%dma_wait3A_122] : memref<128xf32, #tpu.memory_space<vmem>> -> memref<104xf32, #tpu.memory_space<vmem>>
      %dma_wait3A_124 = tpu.memref_slice %arg4[%add3A_83] : memref<10008xf32, #tpu.memory_space<vmem_shared>> -> memref<104xf32, #tpu.memory_space<vmem_shared>>
      tpu.wait_dma2 semaphore(%run_scoped3A : memref<!tpu.dma_semaphore, #tpu.memory_space<semaphore_mem>>) src(%dma_wait3A_124 : memref<104xf32, #tpu.memory_space<vmem_shared>>) dst(%dma_wait3A_123 : memref<104xf32, #tpu.memory_space<vmem>>)
      tpu.yield
    }) : () -> ()
    %mul3A_84 = arith.constant 10000 : i32
    %mul3A_85 = arith.muli %arg0, %mul3A_84 : i32
    %add3A_86 = arith.addi %mul3A_85, %mul3A_48 : i32
    %add3A_87 = arith.constant 208 : i32
    %add3A_88 = arith.addi %add3A_86, %add3A_87 : i32
    "tpu.region"() ({
      %run_scoped3A = tpu.sem_alloc : memref<!tpu.dma_semaphore, #tpu.memory_space<semaphore_mem>>
      %dma_start3A = arith.constant 0 : i32
      %dma_start3A_115 = tpu.memref_slice %arg6[%dma_start3A] : memref<128xf32, #tpu.memory_space<vmem>> -> memref<104xf32, #tpu.memory_space<vmem>>
      %dma_start3A_116 = tpu.memref_slice %arg3[%add3A_88] : memref<20000xf32, #tpu.memory_space<hbm>> -> memref<104xf32, #tpu.memory_space<hbm>>
      %dma_start3A_117 = tpu.memref_slice %arg3[%add3A_88] : memref<20000xf32, #tpu.memory_space<hbm>> -> memref<104xf32, #tpu.memory_space<hbm>>
      %dma_start3A_118 = arith.constant 0 : i32
      %dma_start3A_119 = tpu.memref_slice %arg6[%dma_start3A_118] : memref<128xf32, #tpu.memory_space<vmem>> -> memref<104xf32, #tpu.memory_space<vmem>>
      tpu.enqueue_dma source(%dma_start3A_119 : memref<104xf32, #tpu.memory_space<vmem>>) target(%dma_start3A_117 : memref<104xf32, #tpu.memory_space<hbm>>) target_semaphore(%run_scoped3A : memref<!tpu.dma_semaphore, #tpu.memory_space<semaphore_mem>>)
      %dma_wait3A = arith.constant 0 : i32
      %dma_wait3A_120 = tpu.memref_slice %arg6[%dma_wait3A] : memref<128xf32, #tpu.memory_space<vmem>> -> memref<104xf32, #tpu.memory_space<vmem>>
      %dma_wait3A_121 = tpu.memref_slice %arg3[%add3A_88] : memref<20000xf32, #tpu.memory_space<hbm>> -> memref<104xf32, #tpu.memory_space<hbm>>
      %dma_wait3A_122 = tpu.memref_slice %arg3[%add3A_88] : memref<20000xf32, #tpu.memory_space<hbm>> -> memref<104xf32, #tpu.memory_space<hbm>>
      %dma_wait3A_123 = arith.constant 0 : i32
      %dma_wait3A_124 = tpu.memref_slice %arg6[%dma_wait3A_123] : memref<128xf32, #tpu.memory_space<vmem>> -> memref<104xf32, #tpu.memory_space<vmem>>
      tpu.wait_dma2 semaphore(%run_scoped3A : memref<!tpu.dma_semaphore, #tpu.memory_space<semaphore_mem>>) src(%dma_wait3A_124 : memref<104xf32, #tpu.memory_space<vmem>>) dst(%dma_wait3A_122 : memref<104xf32, #tpu.memory_space<hbm>>)
      tpu.yield
    }) : () -> ()
    %add3A_89 = arith.constant 312 : i32
    %add3A_90 = arith.addi %mul3A_48, %add3A_89 : i32
    "tpu.region"() ({
      %run_scoped3A = tpu.sem_alloc : memref<!tpu.dma_semaphore, #tpu.memory_space<semaphore_mem>>
      %dma_start3A = arith.constant 0 : i32
      %dma_start3A_115 = tpu.memref_slice %arg6[%dma_start3A] : memref<128xf32, #tpu.memory_space<vmem>> -> memref<104xf32, #tpu.memory_space<vmem>>
      %dma_start3A_116 = tpu.memref_slice %arg4[%add3A_90] : memref<10008xf32, #tpu.memory_space<vmem_shared>> -> memref<104xf32, #tpu.memory_space<vmem_shared>>
      %dma_start3A_117 = arith.constant 0 : i32
      %dma_start3A_118 = tpu.memref_slice %arg6[%dma_start3A_117] : memref<128xf32, #tpu.memory_space<vmem>> -> memref<104xf32, #tpu.memory_space<vmem>>
      %dma_start3A_119 = tpu.memref_slice %arg4[%add3A_90] : memref<10008xf32, #tpu.memory_space<vmem_shared>> -> memref<104xf32, #tpu.memory_space<vmem_shared>>
      tpu.enqueue_dma source(%dma_start3A_119 : memref<104xf32, #tpu.memory_space<vmem_shared>>) target(%dma_start3A_118 : memref<104xf32, #tpu.memory_space<vmem>>) target_semaphore(%run_scoped3A : memref<!tpu.dma_semaphore, #tpu.memory_space<semaphore_mem>>)
      %dma_wait3A = arith.constant 0 : i32
      %dma_wait3A_120 = tpu.memref_slice %arg6[%dma_wait3A] : memref<128xf32, #tpu.memory_space<vmem>> -> memref<104xf32, #tpu.memory_space<vmem>>
      %dma_wait3A_121 = tpu.memref_slice %arg4[%add3A_90] : memref<10008xf32, #tpu.memory_space<vmem_shared>> -> memref<104xf32, #tpu.memory_space<vmem_shared>>
      %dma_wait3A_122 = arith.constant 0 : i32
      %dma_wait3A_123 = tpu.memref_slice %arg6[%dma_wait3A_122] : memref<128xf32, #tpu.memory_space<vmem>> -> memref<104xf32, #tpu.memory_space<vmem>>
      %dma_wait3A_124 = tpu.memref_slice %arg4[%add3A_90] : memref<10008xf32, #tpu.memory_space<vmem_shared>> -> memref<104xf32, #tpu.memory_space<vmem_shared>>
      tpu.wait_dma2 semaphore(%run_scoped3A : memref<!tpu.dma_semaphore, #tpu.memory_space<semaphore_mem>>) src(%dma_wait3A_124 : memref<104xf32, #tpu.memory_space<vmem_shared>>) dst(%dma_wait3A_123 : memref<104xf32, #tpu.memory_space<vmem>>)
      tpu.yield
    }) : () -> ()
    %mul3A_91 = arith.constant 10000 : i32
    %mul3A_92 = arith.muli %arg0, %mul3A_91 : i32
    %add3A_93 = arith.addi %mul3A_92, %mul3A_48 : i32
    %add3A_94 = arith.constant 312 : i32
    %add3A_95 = arith.addi %add3A_93, %add3A_94 : i32
    "tpu.region"() ({
      %run_scoped3A = tpu.sem_alloc : memref<!tpu.dma_semaphore, #tpu.memory_space<semaphore_mem>>
      %dma_start3A = arith.constant 0 : i32
      %dma_start3A_115 = tpu.memref_slice %arg6[%dma_start3A] : memref<128xf32, #tpu.memory_space<vmem>> -> memref<104xf32, #tpu.memory_space<vmem>>
      %dma_start3A_116 = tpu.memref_slice %arg3[%add3A_95] : memref<20000xf32, #tpu.memory_space<hbm>> -> memref<104xf32, #tpu.memory_space<hbm>>
      %dma_start3A_117 = tpu.memref_slice %arg3[%add3A_95] : memref<20000xf32, #tpu.memory_space<hbm>> -> memref<104xf32, #tpu.memory_space<hbm>>
      %dma_start3A_118 = arith.constant 0 : i32
      %dma_start3A_119 = tpu.memref_slice %arg6[%dma_start3A_118] : memref<128xf32, #tpu.memory_space<vmem>> -> memref<104xf32, #tpu.memory_space<vmem>>
      tpu.enqueue_dma source(%dma_start3A_119 : memref<104xf32, #tpu.memory_space<vmem>>) target(%dma_start3A_117 : memref<104xf32, #tpu.memory_space<hbm>>) target_semaphore(%run_scoped3A : memref<!tpu.dma_semaphore, #tpu.memory_space<semaphore_mem>>)
      %dma_wait3A = arith.constant 0 : i32
      %dma_wait3A_120 = tpu.memref_slice %arg6[%dma_wait3A] : memref<128xf32, #tpu.memory_space<vmem>> -> memref<104xf32, #tpu.memory_space<vmem>>
      %dma_wait3A_121 = tpu.memref_slice %arg3[%add3A_95] : memref<20000xf32, #tpu.memory_space<hbm>> -> memref<104xf32, #tpu.memory_space<hbm>>
      %dma_wait3A_122 = tpu.memref_slice %arg3[%add3A_95] : memref<20000xf32, #tpu.memory_space<hbm>> -> memref<104xf32, #tpu.memory_space<hbm>>
      %dma_wait3A_123 = arith.constant 0 : i32
      %dma_wait3A_124 = tpu.memref_slice %arg6[%dma_wait3A_123] : memref<128xf32, #tpu.memory_space<vmem>> -> memref<104xf32, #tpu.memory_space<vmem>>
      tpu.wait_dma2 semaphore(%run_scoped3A : memref<!tpu.dma_semaphore, #tpu.memory_space<semaphore_mem>>) src(%dma_wait3A_124 : memref<104xf32, #tpu.memory_space<vmem>>) dst(%dma_wait3A_122 : memref<104xf32, #tpu.memory_space<hbm>>)
      tpu.yield
    }) : () -> ()
    %add3A_96 = arith.constant 416 : i32
    %add3A_97 = arith.addi %mul3A_48, %add3A_96 : i32
    "tpu.region"() ({
      %run_scoped3A = tpu.sem_alloc : memref<!tpu.dma_semaphore, #tpu.memory_space<semaphore_mem>>
      %dma_start3A = arith.constant 0 : i32
      %dma_start3A_115 = tpu.memref_slice %arg6[%dma_start3A] : memref<128xf32, #tpu.memory_space<vmem>> -> memref<104xf32, #tpu.memory_space<vmem>>
      %dma_start3A_116 = tpu.memref_slice %arg4[%add3A_97] : memref<10008xf32, #tpu.memory_space<vmem_shared>> -> memref<104xf32, #tpu.memory_space<vmem_shared>>
      %dma_start3A_117 = arith.constant 0 : i32
      %dma_start3A_118 = tpu.memref_slice %arg6[%dma_start3A_117] : memref<128xf32, #tpu.memory_space<vmem>> -> memref<104xf32, #tpu.memory_space<vmem>>
      %dma_start3A_119 = tpu.memref_slice %arg4[%add3A_97] : memref<10008xf32, #tpu.memory_space<vmem_shared>> -> memref<104xf32, #tpu.memory_space<vmem_shared>>
      tpu.enqueue_dma source(%dma_start3A_119 : memref<104xf32, #tpu.memory_space<vmem_shared>>) target(%dma_start3A_118 : memref<104xf32, #tpu.memory_space<vmem>>) target_semaphore(%run_scoped3A : memref<!tpu.dma_semaphore, #tpu.memory_space<semaphore_mem>>)
      %dma_wait3A = arith.constant 0 : i32
      %dma_wait3A_120 = tpu.memref_slice %arg6[%dma_wait3A] : memref<128xf32, #tpu.memory_space<vmem>> -> memref<104xf32, #tpu.memory_space<vmem>>
      %dma_wait3A_121 = tpu.memref_slice %arg4[%add3A_97] : memref<10008xf32, #tpu.memory_space<vmem_shared>> -> memref<104xf32, #tpu.memory_space<vmem_shared>>
      %dma_wait3A_122 = arith.constant 0 : i32
      %dma_wait3A_123 = tpu.memref_slice %arg6[%dma_wait3A_122] : memref<128xf32, #tpu.memory_space<vmem>> -> memref<104xf32, #tpu.memory_space<vmem>>
      %dma_wait3A_124 = tpu.memref_slice %arg4[%add3A_97] : memref<10008xf32, #tpu.memory_space<vmem_shared>> -> memref<104xf32, #tpu.memory_space<vmem_shared>>
      tpu.wait_dma2 semaphore(%run_scoped3A : memref<!tpu.dma_semaphore, #tpu.memory_space<semaphore_mem>>) src(%dma_wait3A_124 : memref<104xf32, #tpu.memory_space<vmem_shared>>) dst(%dma_wait3A_123 : memref<104xf32, #tpu.memory_space<vmem>>)
      tpu.yield
    }) : () -> ()
    %mul3A_98 = arith.constant 10000 : i32
    %mul3A_99 = arith.muli %arg0, %mul3A_98 : i32
    %add3A_100 = arith.addi %mul3A_99, %mul3A_48 : i32
    %add3A_101 = arith.constant 416 : i32
    %add3A_102 = arith.addi %add3A_100, %add3A_101 : i32
    "tpu.region"() ({
      %run_scoped3A = tpu.sem_alloc : memref<!tpu.dma_semaphore, #tpu.memory_space<semaphore_mem>>
      %dma_start3A = arith.constant 0 : i32
      %dma_start3A_115 = tpu.memref_slice %arg6[%dma_start3A] : memref<128xf32, #tpu.memory_space<vmem>> -> memref<104xf32, #tpu.memory_space<vmem>>
      %dma_start3A_116 = tpu.memref_slice %arg3[%add3A_102] : memref<20000xf32, #tpu.memory_space<hbm>> -> memref<104xf32, #tpu.memory_space<hbm>>
      %dma_start3A_117 = tpu.memref_slice %arg3[%add3A_102] : memref<20000xf32, #tpu.memory_space<hbm>> -> memref<104xf32, #tpu.memory_space<hbm>>
      %dma_start3A_118 = arith.constant 0 : i32
      %dma_start3A_119 = tpu.memref_slice %arg6[%dma_start3A_118] : memref<128xf32, #tpu.memory_space<vmem>> -> memref<104xf32, #tpu.memory_space<vmem>>
      tpu.enqueue_dma source(%dma_start3A_119 : memref<104xf32, #tpu.memory_space<vmem>>) target(%dma_start3A_117 : memref<104xf32, #tpu.memory_space<hbm>>) target_semaphore(%run_scoped3A : memref<!tpu.dma_semaphore, #tpu.memory_space<semaphore_mem>>)
      %dma_wait3A = arith.constant 0 : i32
      %dma_wait3A_120 = tpu.memref_slice %arg6[%dma_wait3A] : memref<128xf32, #tpu.memory_space<vmem>> -> memref<104xf32, #tpu.memory_space<vmem>>
      %dma_wait3A_121 = tpu.memref_slice %arg3[%add3A_102] : memref<20000xf32, #tpu.memory_space<hbm>> -> memref<104xf32, #tpu.memory_space<hbm>>
      %dma_wait3A_122 = tpu.memref_slice %arg3[%add3A_102] : memref<20000xf32, #tpu.memory_space<hbm>> -> memref<104xf32, #tpu.memory_space<hbm>>
      %dma_wait3A_123 = arith.constant 0 : i32
      %dma_wait3A_124 = tpu.memref_slice %arg6[%dma_wait3A_123] : memref<128xf32, #tpu.memory_space<vmem>> -> memref<104xf32, #tpu.memory_space<vmem>>
      tpu.wait_dma2 semaphore(%run_scoped3A : memref<!tpu.dma_semaphore, #tpu.memory_space<semaphore_mem>>) src(%dma_wait3A_124 : memref<104xf32, #tpu.memory_space<vmem>>) dst(%dma_wait3A_122 : memref<104xf32, #tpu.memory_space<hbm>>)
      tpu.yield
    }) : () -> ()
    %add3A_103 = arith.constant 520 : i32
    %add3A_104 = arith.addi %mul3A_48, %add3A_103 : i32
    "tpu.region"() ({
      %run_scoped3A = tpu.sem_alloc : memref<!tpu.dma_semaphore, #tpu.memory_space<semaphore_mem>>
      %dma_start3A = arith.constant 0 : i32
      %dma_start3A_115 = tpu.memref_slice %arg6[%dma_start3A] : memref<128xf32, #tpu.memory_space<vmem>> -> memref<104xf32, #tpu.memory_space<vmem>>
      %dma_start3A_116 = tpu.memref_slice %arg4[%add3A_104] : memref<10008xf32, #tpu.memory_space<vmem_shared>> -> memref<104xf32, #tpu.memory_space<vmem_shared>>
      %dma_start3A_117 = arith.constant 0 : i32
      %dma_start3A_118 = tpu.memref_slice %arg6[%dma_start3A_117] : memref<128xf32, #tpu.memory_space<vmem>> -> memref<104xf32, #tpu.memory_space<vmem>>
      %dma_start3A_119 = tpu.memref_slice %arg4[%add3A_104] : memref<10008xf32, #tpu.memory_space<vmem_shared>> -> memref<104xf32, #tpu.memory_space<vmem_shared>>
      tpu.enqueue_dma source(%dma_start3A_119 : memref<104xf32, #tpu.memory_space<vmem_shared>>) target(%dma_start3A_118 : memref<104xf32, #tpu.memory_space<vmem>>) target_semaphore(%run_scoped3A : memref<!tpu.dma_semaphore, #tpu.memory_space<semaphore_mem>>)
      %dma_wait3A = arith.constant 0 : i32
      %dma_wait3A_120 = tpu.memref_slice %arg6[%dma_wait3A] : memref<128xf32, #tpu.memory_space<vmem>> -> memref<104xf32, #tpu.memory_space<vmem>>
      %dma_wait3A_121 = tpu.memref_slice %arg4[%add3A_104] : memref<10008xf32, #tpu.memory_space<vmem_shared>> -> memref<104xf32, #tpu.memory_space<vmem_shared>>
      %dma_wait3A_122 = arith.constant 0 : i32
      %dma_wait3A_123 = tpu.memref_slice %arg6[%dma_wait3A_122] : memref<128xf32, #tpu.memory_space<vmem>> -> memref<104xf32, #tpu.memory_space<vmem>>
      %dma_wait3A_124 = tpu.memref_slice %arg4[%add3A_104] : memref<10008xf32, #tpu.memory_space<vmem_shared>> -> memref<104xf32, #tpu.memory_space<vmem_shared>>
      tpu.wait_dma2 semaphore(%run_scoped3A : memref<!tpu.dma_semaphore, #tpu.memory_space<semaphore_mem>>) src(%dma_wait3A_124 : memref<104xf32, #tpu.memory_space<vmem_shared>>) dst(%dma_wait3A_123 : memref<104xf32, #tpu.memory_space<vmem>>)
      tpu.yield
    }) : () -> ()
    %mul3A_105 = arith.constant 10000 : i32
    %mul3A_106 = arith.muli %arg0, %mul3A_105 : i32
    %add3A_107 = arith.addi %mul3A_106, %mul3A_48 : i32
    %add3A_108 = arith.constant 520 : i32
    %add3A_109 = arith.addi %add3A_107, %add3A_108 : i32
    "tpu.region"() ({
      %run_scoped3A = tpu.sem_alloc : memref<!tpu.dma_semaphore, #tpu.memory_space<semaphore_mem>>
      %dma_start3A = arith.constant 0 : i32
      %dma_start3A_115 = tpu.memref_slice %arg6[%dma_start3A] : memref<128xf32, #tpu.memory_space<vmem>> -> memref<104xf32, #tpu.memory_space<vmem>>
      %dma_start3A_116 = tpu.memref_slice %arg3[%add3A_109] : memref<20000xf32, #tpu.memory_space<hbm>> -> memref<104xf32, #tpu.memory_space<hbm>>
      %dma_start3A_117 = tpu.memref_slice %arg3[%add3A_109] : memref<20000xf32, #tpu.memory_space<hbm>> -> memref<104xf32, #tpu.memory_space<hbm>>
      %dma_start3A_118 = arith.constant 0 : i32
      %dma_start3A_119 = tpu.memref_slice %arg6[%dma_start3A_118] : memref<128xf32, #tpu.memory_space<vmem>> -> memref<104xf32, #tpu.memory_space<vmem>>
      tpu.enqueue_dma source(%dma_start3A_119 : memref<104xf32, #tpu.memory_space<vmem>>) target(%dma_start3A_117 : memref<104xf32, #tpu.memory_space<hbm>>) target_semaphore(%run_scoped3A : memref<!tpu.dma_semaphore, #tpu.memory_space<semaphore_mem>>)
      %dma_wait3A = arith.constant 0 : i32
      %dma_wait3A_120 = tpu.memref_slice %arg6[%dma_wait3A] : memref<128xf32, #tpu.memory_space<vmem>> -> memref<104xf32, #tpu.memory_space<vmem>>
      %dma_wait3A_121 = tpu.memref_slice %arg3[%add3A_109] : memref<20000xf32, #tpu.memory_space<hbm>> -> memref<104xf32, #tpu.memory_space<hbm>>
      %dma_wait3A_122 = tpu.memref_slice %arg3[%add3A_109] : memref<20000xf32, #tpu.memory_space<hbm>> -> memref<104xf32, #tpu.memory_space<hbm>>
      %dma_wait3A_123 = arith.constant 0 : i32
      %dma_wait3A_124 = tpu.memref_slice %arg6[%dma_wait3A_123] : memref<128xf32, #tpu.memory_space<vmem>> -> memref<104xf32, #tpu.memory_space<vmem>>
      tpu.wait_dma2 semaphore(%run_scoped3A : memref<!tpu.dma_semaphore, #tpu.memory_space<semaphore_mem>>) src(%dma_wait3A_124 : memref<104xf32, #tpu.memory_space<vmem>>) dst(%dma_wait3A_122 : memref<104xf32, #tpu.memory_space<hbm>>)
      tpu.yield
    }) : () -> ()
    %eq3A_110 = arith.constant 15 : i32
    %eq3A_111 = arith.cmpi eq, %arg1, %eq3A_110 : i32
    %convert_element_type3A_112 = arith.extui %eq3A_111 : i1 to i32
    %cond3A_113 = arith.constant 0 : i32
    %cond3A_114 = arith.cmpi ne, %convert_element_type3A_112, %cond3A_113 : i32
    scf.if %cond3A_114 {
      "tpu.region"() ({
        %run_scoped3A = tpu.sem_alloc : memref<!tpu.dma_semaphore, #tpu.memory_space<semaphore_mem>>
        %dma_start3A = arith.constant 0 : i32
        %dma_start3A_119 = tpu.memref_slice %arg6[%dma_start3A] : memref<128xf32, #tpu.memory_space<vmem>> -> memref<16xf32, #tpu.memory_space<vmem>>
        %dma_start3A_120 = arith.constant 9984 : i32
        %dma_start3A_121 = tpu.memref_slice %arg4[%dma_start3A_120] : memref<10008xf32, #tpu.memory_space<vmem_shared>> -> memref<16xf32, #tpu.memory_space<vmem_shared>>
        %dma_start3A_122 = arith.constant 0 : i32
        %dma_start3A_123 = tpu.memref_slice %arg6[%dma_start3A_122] : memref<128xf32, #tpu.memory_space<vmem>> -> memref<16xf32, #tpu.memory_space<vmem>>
        %dma_start3A_124 = arith.constant 9984 : i32
        %dma_start3A_125 = tpu.memref_slice %arg4[%dma_start3A_124] : memref<10008xf32, #tpu.memory_space<vmem_shared>> -> memref<16xf32, #tpu.memory_space<vmem_shared>>
        tpu.enqueue_dma source(%dma_start3A_125 : memref<16xf32, #tpu.memory_space<vmem_shared>>) target(%dma_start3A_123 : memref<16xf32, #tpu.memory_space<vmem>>) target_semaphore(%run_scoped3A : memref<!tpu.dma_semaphore, #tpu.memory_space<semaphore_mem>>)
        %dma_wait3A = arith.constant 0 : i32
        %dma_wait3A_126 = tpu.memref_slice %arg6[%dma_wait3A] : memref<128xf32, #tpu.memory_space<vmem>> -> memref<16xf32, #tpu.memory_space<vmem>>
        %dma_wait3A_127 = arith.constant 9984 : i32
        %dma_wait3A_128 = tpu.memref_slice %arg4[%dma_wait3A_127] : memref<10008xf32, #tpu.memory_space<vmem_shared>> -> memref<16xf32, #tpu.memory_space<vmem_shared>>
        %dma_wait3A_129 = arith.constant 0 : i32
        %dma_wait3A_130 = tpu.memref_slice %arg6[%dma_wait3A_129] : memref<128xf32, #tpu.memory_space<vmem>> -> memref<16xf32, #tpu.memory_space<vmem>>
        %dma_wait3A_131 = arith.constant 9984 : i32
        %dma_wait3A_132 = tpu.memref_slice %arg4[%dma_wait3A_131] : memref<10008xf32, #tpu.memory_space<vmem_shared>> -> memref<16xf32, #tpu.memory_space<vmem_shared>>
        tpu.wait_dma2 semaphore(%run_scoped3A : memref<!tpu.dma_semaphore, #tpu.memory_space<semaphore_mem>>) src(%dma_wait3A_132 : memref<16xf32, #tpu.memory_space<vmem_shared>>) dst(%dma_wait3A_130 : memref<16xf32, #tpu.memory_space<vmem>>)
        tpu.yield
      }) : () -> ()
      %mul3A_115 = arith.constant 10000 : i32
      %mul3A_116 = arith.muli %arg0, %mul3A_115 : i32
      %add3A_117 = arith.constant 9984 : i32
      %add3A_118 = arith.addi %mul3A_116, %add3A_117 : i32
      "tpu.region"() ({
        %run_scoped3A = tpu.sem_alloc : memref<!tpu.dma_semaphore, #tpu.memory_space<semaphore_mem>>
        %dma_start3A = arith.constant 0 : i32
        %dma_start3A_119 = tpu.memref_slice %arg6[%dma_start3A] : memref<128xf32, #tpu.memory_space<vmem>> -> memref<16xf32, #tpu.memory_space<vmem>>
        %dma_start3A_120 = tpu.memref_slice %arg3[%add3A_118] : memref<20000xf32, #tpu.memory_space<hbm>> -> memref<16xf32, #tpu.memory_space<hbm>>
        %dma_start3A_121 = tpu.memref_slice %arg3[%add3A_118] : memref<20000xf32, #tpu.memory_space<hbm>> -> memref<16xf32, #tpu.memory_space<hbm>>
        %dma_start3A_122 = arith.constant 0 : i32
        %dma_start3A_123 = tpu.memref_slice %arg6[%dma_start3A_122] : memref<128xf32, #tpu.memory_space<vmem>> -> memref<16xf32, #tpu.memory_space<vmem>>
        tpu.enqueue_dma source(%dma_start3A_123 : memref<16xf32, #tpu.memory_space<vmem>>) target(%dma_start3A_121 : memref<16xf32, #tpu.memory_space<hbm>>) target_semaphore(%run_scoped3A : memref<!tpu.dma_semaphore, #tpu.memory_space<semaphore_mem>>)
        %dma_wait3A = arith.constant 0 : i32
        %dma_wait3A_124 = tpu.memref_slice %arg6[%dma_wait3A] : memref<128xf32, #tpu.memory_space<vmem>> -> memref<16xf32, #tpu.memory_space<vmem>>
        %dma_wait3A_125 = tpu.memref_slice %arg3[%add3A_118] : memref<20000xf32, #tpu.memory_space<hbm>> -> memref<16xf32, #tpu.memory_space<hbm>>
        %dma_wait3A_126 = tpu.memref_slice %arg3[%add3A_118] : memref<20000xf32, #tpu.memory_space<hbm>> -> memref<16xf32, #tpu.memory_space<hbm>>
        %dma_wait3A_127 = arith.constant 0 : i32
        %dma_wait3A_128 = tpu.memref_slice %arg6[%dma_wait3A_127] : memref<128xf32, #tpu.memory_space<vmem>> -> memref<16xf32, #tpu.memory_space<vmem>>
        tpu.wait_dma2 semaphore(%run_scoped3A : memref<!tpu.dma_semaphore, #tpu.memory_space<semaphore_mem>>) src(%dma_wait3A_128 : memref<16xf32, #tpu.memory_space<vmem>>) dst(%dma_wait3A_126 : memref<16xf32, #tpu.memory_space<hbm>>)
        tpu.yield
      }) : () -> ()
    } else {
    }
    return
  }
}

#map = affine_map<(d0, d1) -> (0, 0)>
#map1 = affine_map<(d0, d1) -> (0, 0, 0)>
module attributes {stable_mosaic.version = 14 : i64} {
  func.func @body(%arg0: i32, %arg1: i32, %arg2: memref<10000x128xf32, #tpu.memory_space<hbm>>, %arg3: memref<16x128x128xi32, #tpu.memory_space<hbm>>, %arg4: memref<16x128x128xi32, #tpu.memory_space<hbm>>, %arg5: memref<16x32x128xi32, #tpu.memory_space<hbm>>, %arg6: memref<16x32x128xi32, #tpu.memory_space<hbm>>, %arg7: memref<2x10000x128xf32, #tpu.memory_space<hbm>>, %arg8: memref<10008x128xf32, #tpu.memory_space<vmem_shared>>, %arg9: memref<32x128xi32, #tpu.memory_space<vmem>>, %arg10: memref<32x128xi32, #tpu.memory_space<vmem>>, %arg11: memref<128x128xf32, #tpu.memory_space<vmem>>, %arg12: memref<128x128xf32, #tpu.memory_space<vmem>>, %arg13: memref<!tpu.dma_semaphore, #tpu.memory_space<semaphore_mem>>, %arg14: memref<!tpu.dma_semaphore, #tpu.memory_space<semaphore_mem>>) attributes {dimension_semantics = [#tpu.dimension_semantics<core_parallel>, #tpu.dimension_semantics<subcore_parallel>], iteration_bounds = array<i64: 2, 16>, scalar_prefetch = 0 : i64, scratch_operands = 7 : i64, tpu.core_type = #tpu.core_type<sc_vector_subcore>, window_params = [{transform_indices = #map}, {transform_indices = #map1}, {transform_indices = #map1}, {transform_indices = #map1}, {transform_indices = #map1}, {transform_indices = #map1}]} {
    %mul3A = arith.constant 624 : i32
    %mul3A_0 = arith.muli %arg1, %mul3A : i32
    %add3A = arith.constant 0 : i32
    %add3A_1 = arith.addi %mul3A_0, %add3A : i32
    "tpu.region"() ({
      %run_scoped3A = tpu.sem_alloc : memref<!tpu.dma_semaphore, #tpu.memory_space<semaphore_mem>>
      %dma_start3A = arith.constant 0 : i32
      %dma_start3A_65 = arith.constant 0 : i32
      %dma_start3A_66 = tpu.memref_slice %arg11[%dma_start3A, %dma_start3A_65] : memref<128x128xf32, #tpu.memory_space<vmem>> -> memref<104x128xf32, #tpu.memory_space<vmem>>
      %dma_start3A_67 = arith.constant 0 : i32
      %dma_start3A_68 = tpu.memref_slice %arg2[%add3A_1, %dma_start3A_67] : memref<10000x128xf32, #tpu.memory_space<hbm>> -> memref<104x128xf32, #tpu.memory_space<hbm>>
      %dma_start3A_69 = arith.constant 0 : i32
      %dma_start3A_70 = arith.constant 0 : i32
      %dma_start3A_71 = tpu.memref_slice %arg11[%dma_start3A_69, %dma_start3A_70] : memref<128x128xf32, #tpu.memory_space<vmem>> -> memref<104x128xf32, #tpu.memory_space<vmem>>
      %dma_start3A_72 = arith.constant 0 : i32
      %dma_start3A_73 = tpu.memref_slice %arg2[%add3A_1, %dma_start3A_72] : memref<10000x128xf32, #tpu.memory_space<hbm>> -> memref<104x128xf32, #tpu.memory_space<hbm>>
      tpu.enqueue_dma source(%dma_start3A_73 : memref<104x128xf32, #tpu.memory_space<hbm>>) target(%dma_start3A_71 : memref<104x128xf32, #tpu.memory_space<vmem>>) target_semaphore(%run_scoped3A : memref<!tpu.dma_semaphore, #tpu.memory_space<semaphore_mem>>)
      %dma_wait3A = arith.constant 0 : i32
      %dma_wait3A_74 = arith.constant 0 : i32
      %dma_wait3A_75 = tpu.memref_slice %arg11[%dma_wait3A, %dma_wait3A_74] : memref<128x128xf32, #tpu.memory_space<vmem>> -> memref<104x128xf32, #tpu.memory_space<vmem>>
      %dma_wait3A_76 = arith.constant 0 : i32
      %dma_wait3A_77 = tpu.memref_slice %arg2[%add3A_1, %dma_wait3A_76] : memref<10000x128xf32, #tpu.memory_space<hbm>> -> memref<104x128xf32, #tpu.memory_space<hbm>>
      %dma_wait3A_78 = arith.constant 0 : i32
      %dma_wait3A_79 = arith.constant 0 : i32
      %dma_wait3A_80 = tpu.memref_slice %arg11[%dma_wait3A_78, %dma_wait3A_79] : memref<128x128xf32, #tpu.memory_space<vmem>> -> memref<104x128xf32, #tpu.memory_space<vmem>>
      %dma_wait3A_81 = arith.constant 0 : i32
      %dma_wait3A_82 = tpu.memref_slice %arg2[%add3A_1, %dma_wait3A_81] : memref<10000x128xf32, #tpu.memory_space<hbm>> -> memref<104x128xf32, #tpu.memory_space<hbm>>
      tpu.wait_dma2 semaphore(%run_scoped3A : memref<!tpu.dma_semaphore, #tpu.memory_space<semaphore_mem>>) src(%dma_wait3A_82 : memref<104x128xf32, #tpu.memory_space<hbm>>) dst(%dma_wait3A_80 : memref<104x128xf32, #tpu.memory_space<vmem>>)
      tpu.yield
    }) : () -> ()
    %add3A_2 = arith.constant 0 : i32
    %add3A_3 = arith.addi %mul3A_0, %add3A_2 : i32
    "tpu.region"() ({
      %run_scoped3A = tpu.sem_alloc : memref<!tpu.dma_semaphore, #tpu.memory_space<semaphore_mem>>
      %dma_start3A = arith.constant 0 : i32
      %dma_start3A_65 = arith.constant 0 : i32
      %dma_start3A_66 = tpu.memref_slice %arg11[%dma_start3A, %dma_start3A_65] : memref<128x128xf32, #tpu.memory_space<vmem>> -> memref<104x128xf32, #tpu.memory_space<vmem>>
      %dma_start3A_67 = arith.constant 0 : i32
      %dma_start3A_68 = tpu.memref_slice %arg8[%add3A_3, %dma_start3A_67] : memref<10008x128xf32, #tpu.memory_space<vmem_shared>> -> memref<104x128xf32, #tpu.memory_space<vmem_shared>>
      %dma_start3A_69 = arith.constant 0 : i32
      %dma_start3A_70 = tpu.memref_slice %arg8[%add3A_3, %dma_start3A_69] : memref<10008x128xf32, #tpu.memory_space<vmem_shared>> -> memref<104x128xf32, #tpu.memory_space<vmem_shared>>
      %dma_start3A_71 = arith.constant 0 : i32
      %dma_start3A_72 = arith.constant 0 : i32
      %dma_start3A_73 = tpu.memref_slice %arg11[%dma_start3A_71, %dma_start3A_72] : memref<128x128xf32, #tpu.memory_space<vmem>> -> memref<104x128xf32, #tpu.memory_space<vmem>>
      tpu.enqueue_dma source(%dma_start3A_73 : memref<104x128xf32, #tpu.memory_space<vmem>>) target(%dma_start3A_70 : memref<104x128xf32, #tpu.memory_space<vmem_shared>>) target_semaphore(%run_scoped3A : memref<!tpu.dma_semaphore, #tpu.memory_space<semaphore_mem>>)
      %dma_wait3A = arith.constant 0 : i32
      %dma_wait3A_74 = arith.constant 0 : i32
      %dma_wait3A_75 = tpu.memref_slice %arg11[%dma_wait3A, %dma_wait3A_74] : memref<128x128xf32, #tpu.memory_space<vmem>> -> memref<104x128xf32, #tpu.memory_space<vmem>>
      %dma_wait3A_76 = arith.constant 0 : i32
      %dma_wait3A_77 = tpu.memref_slice %arg8[%add3A_3, %dma_wait3A_76] : memref<10008x128xf32, #tpu.memory_space<vmem_shared>> -> memref<104x128xf32, #tpu.memory_space<vmem_shared>>
      %dma_wait3A_78 = arith.constant 0 : i32
      %dma_wait3A_79 = tpu.memref_slice %arg8[%add3A_3, %dma_wait3A_78] : memref<10008x128xf32, #tpu.memory_space<vmem_shared>> -> memref<104x128xf32, #tpu.memory_space<vmem_shared>>
      %dma_wait3A_80 = arith.constant 0 : i32
      %dma_wait3A_81 = arith.constant 0 : i32
      %dma_wait3A_82 = tpu.memref_slice %arg11[%dma_wait3A_80, %dma_wait3A_81] : memref<128x128xf32, #tpu.memory_space<vmem>> -> memref<104x128xf32, #tpu.memory_space<vmem>>
      tpu.wait_dma2 semaphore(%run_scoped3A : memref<!tpu.dma_semaphore, #tpu.memory_space<semaphore_mem>>) src(%dma_wait3A_82 : memref<104x128xf32, #tpu.memory_space<vmem>>) dst(%dma_wait3A_79 : memref<104x128xf32, #tpu.memory_space<vmem_shared>>)
      tpu.yield
    }) : () -> ()
    %add3A_4 = arith.constant 104 : i32
    %add3A_5 = arith.addi %mul3A_0, %add3A_4 : i32
    "tpu.region"() ({
      %run_scoped3A = tpu.sem_alloc : memref<!tpu.dma_semaphore, #tpu.memory_space<semaphore_mem>>
      %dma_start3A = arith.constant 0 : i32
      %dma_start3A_65 = arith.constant 0 : i32
      %dma_start3A_66 = tpu.memref_slice %arg11[%dma_start3A, %dma_start3A_65] : memref<128x128xf32, #tpu.memory_space<vmem>> -> memref<104x128xf32, #tpu.memory_space<vmem>>
      %dma_start3A_67 = arith.constant 0 : i32
      %dma_start3A_68 = tpu.memref_slice %arg2[%add3A_5, %dma_start3A_67] : memref<10000x128xf32, #tpu.memory_space<hbm>> -> memref<104x128xf32, #tpu.memory_space<hbm>>
      %dma_start3A_69 = arith.constant 0 : i32
      %dma_start3A_70 = arith.constant 0 : i32
      %dma_start3A_71 = tpu.memref_slice %arg11[%dma_start3A_69, %dma_start3A_70] : memref<128x128xf32, #tpu.memory_space<vmem>> -> memref<104x128xf32, #tpu.memory_space<vmem>>
      %dma_start3A_72 = arith.constant 0 : i32
      %dma_start3A_73 = tpu.memref_slice %arg2[%add3A_5, %dma_start3A_72] : memref<10000x128xf32, #tpu.memory_space<hbm>> -> memref<104x128xf32, #tpu.memory_space<hbm>>
      tpu.enqueue_dma source(%dma_start3A_73 : memref<104x128xf32, #tpu.memory_space<hbm>>) target(%dma_start3A_71 : memref<104x128xf32, #tpu.memory_space<vmem>>) target_semaphore(%run_scoped3A : memref<!tpu.dma_semaphore, #tpu.memory_space<semaphore_mem>>)
      %dma_wait3A = arith.constant 0 : i32
      %dma_wait3A_74 = arith.constant 0 : i32
      %dma_wait3A_75 = tpu.memref_slice %arg11[%dma_wait3A, %dma_wait3A_74] : memref<128x128xf32, #tpu.memory_space<vmem>> -> memref<104x128xf32, #tpu.memory_space<vmem>>
      %dma_wait3A_76 = arith.constant 0 : i32
      %dma_wait3A_77 = tpu.memref_slice %arg2[%add3A_5, %dma_wait3A_76] : memref<10000x128xf32, #tpu.memory_space<hbm>> -> memref<104x128xf32, #tpu.memory_space<hbm>>
      %dma_wait3A_78 = arith.constant 0 : i32
      %dma_wait3A_79 = arith.constant 0 : i32
      %dma_wait3A_80 = tpu.memref_slice %arg11[%dma_wait3A_78, %dma_wait3A_79] : memref<128x128xf32, #tpu.memory_space<vmem>> -> memref<104x128xf32, #tpu.memory_space<vmem>>
      %dma_wait3A_81 = arith.constant 0 : i32
      %dma_wait3A_82 = tpu.memref_slice %arg2[%add3A_5, %dma_wait3A_81] : memref<10000x128xf32, #tpu.memory_space<hbm>> -> memref<104x128xf32, #tpu.memory_space<hbm>>
      tpu.wait_dma2 semaphore(%run_scoped3A : memref<!tpu.dma_semaphore, #tpu.memory_space<semaphore_mem>>) src(%dma_wait3A_82 : memref<104x128xf32, #tpu.memory_space<hbm>>) dst(%dma_wait3A_80 : memref<104x128xf32, #tpu.memory_space<vmem>>)
      tpu.yield
    }) : () -> ()
    %add3A_6 = arith.constant 104 : i32
    %add3A_7 = arith.addi %mul3A_0, %add3A_6 : i32
    "tpu.region"() ({
      %run_scoped3A = tpu.sem_alloc : memref<!tpu.dma_semaphore, #tpu.memory_space<semaphore_mem>>
      %dma_start3A = arith.constant 0 : i32
      %dma_start3A_65 = arith.constant 0 : i32
      %dma_start3A_66 = tpu.memref_slice %arg11[%dma_start3A, %dma_start3A_65] : memref<128x128xf32, #tpu.memory_space<vmem>> -> memref<104x128xf32, #tpu.memory_space<vmem>>
      %dma_start3A_67 = arith.constant 0 : i32
      %dma_start3A_68 = tpu.memref_slice %arg8[%add3A_7, %dma_start3A_67] : memref<10008x128xf32, #tpu.memory_space<vmem_shared>> -> memref<104x128xf32, #tpu.memory_space<vmem_shared>>
      %dma_start3A_69 = arith.constant 0 : i32
      %dma_start3A_70 = tpu.memref_slice %arg8[%add3A_7, %dma_start3A_69] : memref<10008x128xf32, #tpu.memory_space<vmem_shared>> -> memref<104x128xf32, #tpu.memory_space<vmem_shared>>
      %dma_start3A_71 = arith.constant 0 : i32
      %dma_start3A_72 = arith.constant 0 : i32
      %dma_start3A_73 = tpu.memref_slice %arg11[%dma_start3A_71, %dma_start3A_72] : memref<128x128xf32, #tpu.memory_space<vmem>> -> memref<104x128xf32, #tpu.memory_space<vmem>>
      tpu.enqueue_dma source(%dma_start3A_73 : memref<104x128xf32, #tpu.memory_space<vmem>>) target(%dma_start3A_70 : memref<104x128xf32, #tpu.memory_space<vmem_shared>>) target_semaphore(%run_scoped3A : memref<!tpu.dma_semaphore, #tpu.memory_space<semaphore_mem>>)
      %dma_wait3A = arith.constant 0 : i32
      %dma_wait3A_74 = arith.constant 0 : i32
      %dma_wait3A_75 = tpu.memref_slice %arg11[%dma_wait3A, %dma_wait3A_74] : memref<128x128xf32, #tpu.memory_space<vmem>> -> memref<104x128xf32, #tpu.memory_space<vmem>>
      %dma_wait3A_76 = arith.constant 0 : i32
      %dma_wait3A_77 = tpu.memref_slice %arg8[%add3A_7, %dma_wait3A_76] : memref<10008x128xf32, #tpu.memory_space<vmem_shared>> -> memref<104x128xf32, #tpu.memory_space<vmem_shared>>
      %dma_wait3A_78 = arith.constant 0 : i32
      %dma_wait3A_79 = tpu.memref_slice %arg8[%add3A_7, %dma_wait3A_78] : memref<10008x128xf32, #tpu.memory_space<vmem_shared>> -> memref<104x128xf32, #tpu.memory_space<vmem_shared>>
      %dma_wait3A_80 = arith.constant 0 : i32
      %dma_wait3A_81 = arith.constant 0 : i32
      %dma_wait3A_82 = tpu.memref_slice %arg11[%dma_wait3A_80, %dma_wait3A_81] : memref<128x128xf32, #tpu.memory_space<vmem>> -> memref<104x128xf32, #tpu.memory_space<vmem>>
      tpu.wait_dma2 semaphore(%run_scoped3A : memref<!tpu.dma_semaphore, #tpu.memory_space<semaphore_mem>>) src(%dma_wait3A_82 : memref<104x128xf32, #tpu.memory_space<vmem>>) dst(%dma_wait3A_79 : memref<104x128xf32, #tpu.memory_space<vmem_shared>>)
      tpu.yield
    }) : () -> ()
    %add3A_8 = arith.constant 208 : i32
    %add3A_9 = arith.addi %mul3A_0, %add3A_8 : i32
    "tpu.region"() ({
      %run_scoped3A = tpu.sem_alloc : memref<!tpu.dma_semaphore, #tpu.memory_space<semaphore_mem>>
      %dma_start3A = arith.constant 0 : i32
      %dma_start3A_65 = arith.constant 0 : i32
      %dma_start3A_66 = tpu.memref_slice %arg11[%dma_start3A, %dma_start3A_65] : memref<128x128xf32, #tpu.memory_space<vmem>> -> memref<104x128xf32, #tpu.memory_space<vmem>>
      %dma_start3A_67 = arith.constant 0 : i32
      %dma_start3A_68 = tpu.memref_slice %arg2[%add3A_9, %dma_start3A_67] : memref<10000x128xf32, #tpu.memory_space<hbm>> -> memref<104x128xf32, #tpu.memory_space<hbm>>
      %dma_start3A_69 = arith.constant 0 : i32
      %dma_start3A_70 = arith.constant 0 : i32
      %dma_start3A_71 = tpu.memref_slice %arg11[%dma_start3A_69, %dma_start3A_70] : memref<128x128xf32, #tpu.memory_space<vmem>> -> memref<104x128xf32, #tpu.memory_space<vmem>>
      %dma_start3A_72 = arith.constant 0 : i32
      %dma_start3A_73 = tpu.memref_slice %arg2[%add3A_9, %dma_start3A_72] : memref<10000x128xf32, #tpu.memory_space<hbm>> -> memref<104x128xf32, #tpu.memory_space<hbm>>
      tpu.enqueue_dma source(%dma_start3A_73 : memref<104x128xf32, #tpu.memory_space<hbm>>) target(%dma_start3A_71 : memref<104x128xf32, #tpu.memory_space<vmem>>) target_semaphore(%run_scoped3A : memref<!tpu.dma_semaphore, #tpu.memory_space<semaphore_mem>>)
      %dma_wait3A = arith.constant 0 : i32
      %dma_wait3A_74 = arith.constant 0 : i32
      %dma_wait3A_75 = tpu.memref_slice %arg11[%dma_wait3A, %dma_wait3A_74] : memref<128x128xf32, #tpu.memory_space<vmem>> -> memref<104x128xf32, #tpu.memory_space<vmem>>
      %dma_wait3A_76 = arith.constant 0 : i32
      %dma_wait3A_77 = tpu.memref_slice %arg2[%add3A_9, %dma_wait3A_76] : memref<10000x128xf32, #tpu.memory_space<hbm>> -> memref<104x128xf32, #tpu.memory_space<hbm>>
      %dma_wait3A_78 = arith.constant 0 : i32
      %dma_wait3A_79 = arith.constant 0 : i32
      %dma_wait3A_80 = tpu.memref_slice %arg11[%dma_wait3A_78, %dma_wait3A_79] : memref<128x128xf32, #tpu.memory_space<vmem>> -> memref<104x128xf32, #tpu.memory_space<vmem>>
      %dma_wait3A_81 = arith.constant 0 : i32
      %dma_wait3A_82 = tpu.memref_slice %arg2[%add3A_9, %dma_wait3A_81] : memref<10000x128xf32, #tpu.memory_space<hbm>> -> memref<104x128xf32, #tpu.memory_space<hbm>>
      tpu.wait_dma2 semaphore(%run_scoped3A : memref<!tpu.dma_semaphore, #tpu.memory_space<semaphore_mem>>) src(%dma_wait3A_82 : memref<104x128xf32, #tpu.memory_space<hbm>>) dst(%dma_wait3A_80 : memref<104x128xf32, #tpu.memory_space<vmem>>)
      tpu.yield
    }) : () -> ()
    %add3A_10 = arith.constant 208 : i32
    %add3A_11 = arith.addi %mul3A_0, %add3A_10 : i32
    "tpu.region"() ({
      %run_scoped3A = tpu.sem_alloc : memref<!tpu.dma_semaphore, #tpu.memory_space<semaphore_mem>>
      %dma_start3A = arith.constant 0 : i32
      %dma_start3A_65 = arith.constant 0 : i32
      %dma_start3A_66 = tpu.memref_slice %arg11[%dma_start3A, %dma_start3A_65] : memref<128x128xf32, #tpu.memory_space<vmem>> -> memref<104x128xf32, #tpu.memory_space<vmem>>
      %dma_start3A_67 = arith.constant 0 : i32
      %dma_start3A_68 = tpu.memref_slice %arg8[%add3A_11, %dma_start3A_67] : memref<10008x128xf32, #tpu.memory_space<vmem_shared>> -> memref<104x128xf32, #tpu.memory_space<vmem_shared>>
      %dma_start3A_69 = arith.constant 0 : i32
      %dma_start3A_70 = tpu.memref_slice %arg8[%add3A_11, %dma_start3A_69] : memref<10008x128xf32, #tpu.memory_space<vmem_shared>> -> memref<104x128xf32, #tpu.memory_space<vmem_shared>>
      %dma_start3A_71 = arith.constant 0 : i32
      %dma_start3A_72 = arith.constant 0 : i32
      %dma_start3A_73 = tpu.memref_slice %arg11[%dma_start3A_71, %dma_start3A_72] : memref<128x128xf32, #tpu.memory_space<vmem>> -> memref<104x128xf32, #tpu.memory_space<vmem>>
      tpu.enqueue_dma source(%dma_start3A_73 : memref<104x128xf32, #tpu.memory_space<vmem>>) target(%dma_start3A_70 : memref<104x128xf32, #tpu.memory_space<vmem_shared>>) target_semaphore(%run_scoped3A : memref<!tpu.dma_semaphore, #tpu.memory_space<semaphore_mem>>)
      %dma_wait3A = arith.constant 0 : i32
      %dma_wait3A_74 = arith.constant 0 : i32
      %dma_wait3A_75 = tpu.memref_slice %arg11[%dma_wait3A, %dma_wait3A_74] : memref<128x128xf32, #tpu.memory_space<vmem>> -> memref<104x128xf32, #tpu.memory_space<vmem>>
      %dma_wait3A_76 = arith.constant 0 : i32
      %dma_wait3A_77 = tpu.memref_slice %arg8[%add3A_11, %dma_wait3A_76] : memref<10008x128xf32, #tpu.memory_space<vmem_shared>> -> memref<104x128xf32, #tpu.memory_space<vmem_shared>>
      %dma_wait3A_78 = arith.constant 0 : i32
      %dma_wait3A_79 = tpu.memref_slice %arg8[%add3A_11, %dma_wait3A_78] : memref<10008x128xf32, #tpu.memory_space<vmem_shared>> -> memref<104x128xf32, #tpu.memory_space<vmem_shared>>
      %dma_wait3A_80 = arith.constant 0 : i32
      %dma_wait3A_81 = arith.constant 0 : i32
      %dma_wait3A_82 = tpu.memref_slice %arg11[%dma_wait3A_80, %dma_wait3A_81] : memref<128x128xf32, #tpu.memory_space<vmem>> -> memref<104x128xf32, #tpu.memory_space<vmem>>
      tpu.wait_dma2 semaphore(%run_scoped3A : memref<!tpu.dma_semaphore, #tpu.memory_space<semaphore_mem>>) src(%dma_wait3A_82 : memref<104x128xf32, #tpu.memory_space<vmem>>) dst(%dma_wait3A_79 : memref<104x128xf32, #tpu.memory_space<vmem_shared>>)
      tpu.yield
    }) : () -> ()
    %add3A_12 = arith.constant 312 : i32
    %add3A_13 = arith.addi %mul3A_0, %add3A_12 : i32
    "tpu.region"() ({
      %run_scoped3A = tpu.sem_alloc : memref<!tpu.dma_semaphore, #tpu.memory_space<semaphore_mem>>
      %dma_start3A = arith.constant 0 : i32
      %dma_start3A_65 = arith.constant 0 : i32
      %dma_start3A_66 = tpu.memref_slice %arg11[%dma_start3A, %dma_start3A_65] : memref<128x128xf32, #tpu.memory_space<vmem>> -> memref<104x128xf32, #tpu.memory_space<vmem>>
      %dma_start3A_67 = arith.constant 0 : i32
      %dma_start3A_68 = tpu.memref_slice %arg2[%add3A_13, %dma_start3A_67] : memref<10000x128xf32, #tpu.memory_space<hbm>> -> memref<104x128xf32, #tpu.memory_space<hbm>>
      %dma_start3A_69 = arith.constant 0 : i32
      %dma_start3A_70 = arith.constant 0 : i32
      %dma_start3A_71 = tpu.memref_slice %arg11[%dma_start3A_69, %dma_start3A_70] : memref<128x128xf32, #tpu.memory_space<vmem>> -> memref<104x128xf32, #tpu.memory_space<vmem>>
      %dma_start3A_72 = arith.constant 0 : i32
      %dma_start3A_73 = tpu.memref_slice %arg2[%add3A_13, %dma_start3A_72] : memref<10000x128xf32, #tpu.memory_space<hbm>> -> memref<104x128xf32, #tpu.memory_space<hbm>>
      tpu.enqueue_dma source(%dma_start3A_73 : memref<104x128xf32, #tpu.memory_space<hbm>>) target(%dma_start3A_71 : memref<104x128xf32, #tpu.memory_space<vmem>>) target_semaphore(%run_scoped3A : memref<!tpu.dma_semaphore, #tpu.memory_space<semaphore_mem>>)
      %dma_wait3A = arith.constant 0 : i32
      %dma_wait3A_74 = arith.constant 0 : i32
      %dma_wait3A_75 = tpu.memref_slice %arg11[%dma_wait3A, %dma_wait3A_74] : memref<128x128xf32, #tpu.memory_space<vmem>> -> memref<104x128xf32, #tpu.memory_space<vmem>>
      %dma_wait3A_76 = arith.constant 0 : i32
      %dma_wait3A_77 = tpu.memref_slice %arg2[%add3A_13, %dma_wait3A_76] : memref<10000x128xf32, #tpu.memory_space<hbm>> -> memref<104x128xf32, #tpu.memory_space<hbm>>
      %dma_wait3A_78 = arith.constant 0 : i32
      %dma_wait3A_79 = arith.constant 0 : i32
      %dma_wait3A_80 = tpu.memref_slice %arg11[%dma_wait3A_78, %dma_wait3A_79] : memref<128x128xf32, #tpu.memory_space<vmem>> -> memref<104x128xf32, #tpu.memory_space<vmem>>
      %dma_wait3A_81 = arith.constant 0 : i32
      %dma_wait3A_82 = tpu.memref_slice %arg2[%add3A_13, %dma_wait3A_81] : memref<10000x128xf32, #tpu.memory_space<hbm>> -> memref<104x128xf32, #tpu.memory_space<hbm>>
      tpu.wait_dma2 semaphore(%run_scoped3A : memref<!tpu.dma_semaphore, #tpu.memory_space<semaphore_mem>>) src(%dma_wait3A_82 : memref<104x128xf32, #tpu.memory_space<hbm>>) dst(%dma_wait3A_80 : memref<104x128xf32, #tpu.memory_space<vmem>>)
      tpu.yield
    }) : () -> ()
    %add3A_14 = arith.constant 312 : i32
    %add3A_15 = arith.addi %mul3A_0, %add3A_14 : i32
    "tpu.region"() ({
      %run_scoped3A = tpu.sem_alloc : memref<!tpu.dma_semaphore, #tpu.memory_space<semaphore_mem>>
      %dma_start3A = arith.constant 0 : i32
      %dma_start3A_65 = arith.constant 0 : i32
      %dma_start3A_66 = tpu.memref_slice %arg11[%dma_start3A, %dma_start3A_65] : memref<128x128xf32, #tpu.memory_space<vmem>> -> memref<104x128xf32, #tpu.memory_space<vmem>>
      %dma_start3A_67 = arith.constant 0 : i32
      %dma_start3A_68 = tpu.memref_slice %arg8[%add3A_15, %dma_start3A_67] : memref<10008x128xf32, #tpu.memory_space<vmem_shared>> -> memref<104x128xf32, #tpu.memory_space<vmem_shared>>
      %dma_start3A_69 = arith.constant 0 : i32
      %dma_start3A_70 = tpu.memref_slice %arg8[%add3A_15, %dma_start3A_69] : memref<10008x128xf32, #tpu.memory_space<vmem_shared>> -> memref<104x128xf32, #tpu.memory_space<vmem_shared>>
      %dma_start3A_71 = arith.constant 0 : i32
      %dma_start3A_72 = arith.constant 0 : i32
      %dma_start3A_73 = tpu.memref_slice %arg11[%dma_start3A_71, %dma_start3A_72] : memref<128x128xf32, #tpu.memory_space<vmem>> -> memref<104x128xf32, #tpu.memory_space<vmem>>
      tpu.enqueue_dma source(%dma_start3A_73 : memref<104x128xf32, #tpu.memory_space<vmem>>) target(%dma_start3A_70 : memref<104x128xf32, #tpu.memory_space<vmem_shared>>) target_semaphore(%run_scoped3A : memref<!tpu.dma_semaphore, #tpu.memory_space<semaphore_mem>>)
      %dma_wait3A = arith.constant 0 : i32
      %dma_wait3A_74 = arith.constant 0 : i32
      %dma_wait3A_75 = tpu.memref_slice %arg11[%dma_wait3A, %dma_wait3A_74] : memref<128x128xf32, #tpu.memory_space<vmem>> -> memref<104x128xf32, #tpu.memory_space<vmem>>
      %dma_wait3A_76 = arith.constant 0 : i32
      %dma_wait3A_77 = tpu.memref_slice %arg8[%add3A_15, %dma_wait3A_76] : memref<10008x128xf32, #tpu.memory_space<vmem_shared>> -> memref<104x128xf32, #tpu.memory_space<vmem_shared>>
      %dma_wait3A_78 = arith.constant 0 : i32
      %dma_wait3A_79 = tpu.memref_slice %arg8[%add3A_15, %dma_wait3A_78] : memref<10008x128xf32, #tpu.memory_space<vmem_shared>> -> memref<104x128xf32, #tpu.memory_space<vmem_shared>>
      %dma_wait3A_80 = arith.constant 0 : i32
      %dma_wait3A_81 = arith.constant 0 : i32
      %dma_wait3A_82 = tpu.memref_slice %arg11[%dma_wait3A_80, %dma_wait3A_81] : memref<128x128xf32, #tpu.memory_space<vmem>> -> memref<104x128xf32, #tpu.memory_space<vmem>>
      tpu.wait_dma2 semaphore(%run_scoped3A : memref<!tpu.dma_semaphore, #tpu.memory_space<semaphore_mem>>) src(%dma_wait3A_82 : memref<104x128xf32, #tpu.memory_space<vmem>>) dst(%dma_wait3A_79 : memref<104x128xf32, #tpu.memory_space<vmem_shared>>)
      tpu.yield
    }) : () -> ()
    %add3A_16 = arith.constant 416 : i32
    %add3A_17 = arith.addi %mul3A_0, %add3A_16 : i32
    "tpu.region"() ({
      %run_scoped3A = tpu.sem_alloc : memref<!tpu.dma_semaphore, #tpu.memory_space<semaphore_mem>>
      %dma_start3A = arith.constant 0 : i32
      %dma_start3A_65 = arith.constant 0 : i32
      %dma_start3A_66 = tpu.memref_slice %arg11[%dma_start3A, %dma_start3A_65] : memref<128x128xf32, #tpu.memory_space<vmem>> -> memref<104x128xf32, #tpu.memory_space<vmem>>
      %dma_start3A_67 = arith.constant 0 : i32
      %dma_start3A_68 = tpu.memref_slice %arg2[%add3A_17, %dma_start3A_67] : memref<10000x128xf32, #tpu.memory_space<hbm>> -> memref<104x128xf32, #tpu.memory_space<hbm>>
      %dma_start3A_69 = arith.constant 0 : i32
      %dma_start3A_70 = arith.constant 0 : i32
      %dma_start3A_71 = tpu.memref_slice %arg11[%dma_start3A_69, %dma_start3A_70] : memref<128x128xf32, #tpu.memory_space<vmem>> -> memref<104x128xf32, #tpu.memory_space<vmem>>
      %dma_start3A_72 = arith.constant 0 : i32
      %dma_start3A_73 = tpu.memref_slice %arg2[%add3A_17, %dma_start3A_72] : memref<10000x128xf32, #tpu.memory_space<hbm>> -> memref<104x128xf32, #tpu.memory_space<hbm>>
      tpu.enqueue_dma source(%dma_start3A_73 : memref<104x128xf32, #tpu.memory_space<hbm>>) target(%dma_start3A_71 : memref<104x128xf32, #tpu.memory_space<vmem>>) target_semaphore(%run_scoped3A : memref<!tpu.dma_semaphore, #tpu.memory_space<semaphore_mem>>)
      %dma_wait3A = arith.constant 0 : i32
      %dma_wait3A_74 = arith.constant 0 : i32
      %dma_wait3A_75 = tpu.memref_slice %arg11[%dma_wait3A, %dma_wait3A_74] : memref<128x128xf32, #tpu.memory_space<vmem>> -> memref<104x128xf32, #tpu.memory_space<vmem>>
      %dma_wait3A_76 = arith.constant 0 : i32
      %dma_wait3A_77 = tpu.memref_slice %arg2[%add3A_17, %dma_wait3A_76] : memref<10000x128xf32, #tpu.memory_space<hbm>> -> memref<104x128xf32, #tpu.memory_space<hbm>>
      %dma_wait3A_78 = arith.constant 0 : i32
      %dma_wait3A_79 = arith.constant 0 : i32
      %dma_wait3A_80 = tpu.memref_slice %arg11[%dma_wait3A_78, %dma_wait3A_79] : memref<128x128xf32, #tpu.memory_space<vmem>> -> memref<104x128xf32, #tpu.memory_space<vmem>>
      %dma_wait3A_81 = arith.constant 0 : i32
      %dma_wait3A_82 = tpu.memref_slice %arg2[%add3A_17, %dma_wait3A_81] : memref<10000x128xf32, #tpu.memory_space<hbm>> -> memref<104x128xf32, #tpu.memory_space<hbm>>
      tpu.wait_dma2 semaphore(%run_scoped3A : memref<!tpu.dma_semaphore, #tpu.memory_space<semaphore_mem>>) src(%dma_wait3A_82 : memref<104x128xf32, #tpu.memory_space<hbm>>) dst(%dma_wait3A_80 : memref<104x128xf32, #tpu.memory_space<vmem>>)
      tpu.yield
    }) : () -> ()
    %add3A_18 = arith.constant 416 : i32
    %add3A_19 = arith.addi %mul3A_0, %add3A_18 : i32
    "tpu.region"() ({
      %run_scoped3A = tpu.sem_alloc : memref<!tpu.dma_semaphore, #tpu.memory_space<semaphore_mem>>
      %dma_start3A = arith.constant 0 : i32
      %dma_start3A_65 = arith.constant 0 : i32
      %dma_start3A_66 = tpu.memref_slice %arg11[%dma_start3A, %dma_start3A_65] : memref<128x128xf32, #tpu.memory_space<vmem>> -> memref<104x128xf32, #tpu.memory_space<vmem>>
      %dma_start3A_67 = arith.constant 0 : i32
      %dma_start3A_68 = tpu.memref_slice %arg8[%add3A_19, %dma_start3A_67] : memref<10008x128xf32, #tpu.memory_space<vmem_shared>> -> memref<104x128xf32, #tpu.memory_space<vmem_shared>>
      %dma_start3A_69 = arith.constant 0 : i32
      %dma_start3A_70 = tpu.memref_slice %arg8[%add3A_19, %dma_start3A_69] : memref<10008x128xf32, #tpu.memory_space<vmem_shared>> -> memref<104x128xf32, #tpu.memory_space<vmem_shared>>
      %dma_start3A_71 = arith.constant 0 : i32
      %dma_start3A_72 = arith.constant 0 : i32
      %dma_start3A_73 = tpu.memref_slice %arg11[%dma_start3A_71, %dma_start3A_72] : memref<128x128xf32, #tpu.memory_space<vmem>> -> memref<104x128xf32, #tpu.memory_space<vmem>>
      tpu.enqueue_dma source(%dma_start3A_73 : memref<104x128xf32, #tpu.memory_space<vmem>>) target(%dma_start3A_70 : memref<104x128xf32, #tpu.memory_space<vmem_shared>>) target_semaphore(%run_scoped3A : memref<!tpu.dma_semaphore, #tpu.memory_space<semaphore_mem>>)
      %dma_wait3A = arith.constant 0 : i32
      %dma_wait3A_74 = arith.constant 0 : i32
      %dma_wait3A_75 = tpu.memref_slice %arg11[%dma_wait3A, %dma_wait3A_74] : memref<128x128xf32, #tpu.memory_space<vmem>> -> memref<104x128xf32, #tpu.memory_space<vmem>>
      %dma_wait3A_76 = arith.constant 0 : i32
      %dma_wait3A_77 = tpu.memref_slice %arg8[%add3A_19, %dma_wait3A_76] : memref<10008x128xf32, #tpu.memory_space<vmem_shared>> -> memref<104x128xf32, #tpu.memory_space<vmem_shared>>
      %dma_wait3A_78 = arith.constant 0 : i32
      %dma_wait3A_79 = tpu.memref_slice %arg8[%add3A_19, %dma_wait3A_78] : memref<10008x128xf32, #tpu.memory_space<vmem_shared>> -> memref<104x128xf32, #tpu.memory_space<vmem_shared>>
      %dma_wait3A_80 = arith.constant 0 : i32
      %dma_wait3A_81 = arith.constant 0 : i32
      %dma_wait3A_82 = tpu.memref_slice %arg11[%dma_wait3A_80, %dma_wait3A_81] : memref<128x128xf32, #tpu.memory_space<vmem>> -> memref<104x128xf32, #tpu.memory_space<vmem>>
      tpu.wait_dma2 semaphore(%run_scoped3A : memref<!tpu.dma_semaphore, #tpu.memory_space<semaphore_mem>>) src(%dma_wait3A_82 : memref<104x128xf32, #tpu.memory_space<vmem>>) dst(%dma_wait3A_79 : memref<104x128xf32, #tpu.memory_space<vmem_shared>>)
      tpu.yield
    }) : () -> ()
    %add3A_20 = arith.constant 520 : i32
    %add3A_21 = arith.addi %mul3A_0, %add3A_20 : i32
    "tpu.region"() ({
      %run_scoped3A = tpu.sem_alloc : memref<!tpu.dma_semaphore, #tpu.memory_space<semaphore_mem>>
      %dma_start3A = arith.constant 0 : i32
      %dma_start3A_65 = arith.constant 0 : i32
      %dma_start3A_66 = tpu.memref_slice %arg11[%dma_start3A, %dma_start3A_65] : memref<128x128xf32, #tpu.memory_space<vmem>> -> memref<104x128xf32, #tpu.memory_space<vmem>>
      %dma_start3A_67 = arith.constant 0 : i32
      %dma_start3A_68 = tpu.memref_slice %arg2[%add3A_21, %dma_start3A_67] : memref<10000x128xf32, #tpu.memory_space<hbm>> -> memref<104x128xf32, #tpu.memory_space<hbm>>
      %dma_start3A_69 = arith.constant 0 : i32
      %dma_start3A_70 = arith.constant 0 : i32
      %dma_start3A_71 = tpu.memref_slice %arg11[%dma_start3A_69, %dma_start3A_70] : memref<128x128xf32, #tpu.memory_space<vmem>> -> memref<104x128xf32, #tpu.memory_space<vmem>>
      %dma_start3A_72 = arith.constant 0 : i32
      %dma_start3A_73 = tpu.memref_slice %arg2[%add3A_21, %dma_start3A_72] : memref<10000x128xf32, #tpu.memory_space<hbm>> -> memref<104x128xf32, #tpu.memory_space<hbm>>
      tpu.enqueue_dma source(%dma_start3A_73 : memref<104x128xf32, #tpu.memory_space<hbm>>) target(%dma_start3A_71 : memref<104x128xf32, #tpu.memory_space<vmem>>) target_semaphore(%run_scoped3A : memref<!tpu.dma_semaphore, #tpu.memory_space<semaphore_mem>>)
      %dma_wait3A = arith.constant 0 : i32
      %dma_wait3A_74 = arith.constant 0 : i32
      %dma_wait3A_75 = tpu.memref_slice %arg11[%dma_wait3A, %dma_wait3A_74] : memref<128x128xf32, #tpu.memory_space<vmem>> -> memref<104x128xf32, #tpu.memory_space<vmem>>
      %dma_wait3A_76 = arith.constant 0 : i32
      %dma_wait3A_77 = tpu.memref_slice %arg2[%add3A_21, %dma_wait3A_76] : memref<10000x128xf32, #tpu.memory_space<hbm>> -> memref<104x128xf32, #tpu.memory_space<hbm>>
      %dma_wait3A_78 = arith.constant 0 : i32
      %dma_wait3A_79 = arith.constant 0 : i32
      %dma_wait3A_80 = tpu.memref_slice %arg11[%dma_wait3A_78, %dma_wait3A_79] : memref<128x128xf32, #tpu.memory_space<vmem>> -> memref<104x128xf32, #tpu.memory_space<vmem>>
      %dma_wait3A_81 = arith.constant 0 : i32
      %dma_wait3A_82 = tpu.memref_slice %arg2[%add3A_21, %dma_wait3A_81] : memref<10000x128xf32, #tpu.memory_space<hbm>> -> memref<104x128xf32, #tpu.memory_space<hbm>>
      tpu.wait_dma2 semaphore(%run_scoped3A : memref<!tpu.dma_semaphore, #tpu.memory_space<semaphore_mem>>) src(%dma_wait3A_82 : memref<104x128xf32, #tpu.memory_space<hbm>>) dst(%dma_wait3A_80 : memref<104x128xf32, #tpu.memory_space<vmem>>)
      tpu.yield
    }) : () -> ()
    %add3A_22 = arith.constant 520 : i32
    %add3A_23 = arith.addi %mul3A_0, %add3A_22 : i32
    "tpu.region"() ({
      %run_scoped3A = tpu.sem_alloc : memref<!tpu.dma_semaphore, #tpu.memory_space<semaphore_mem>>
      %dma_start3A = arith.constant 0 : i32
      %dma_start3A_65 = arith.constant 0 : i32
      %dma_start3A_66 = tpu.memref_slice %arg11[%dma_start3A, %dma_start3A_65] : memref<128x128xf32, #tpu.memory_space<vmem>> -> memref<104x128xf32, #tpu.memory_space<vmem>>
      %dma_start3A_67 = arith.constant 0 : i32
      %dma_start3A_68 = tpu.memref_slice %arg8[%add3A_23, %dma_start3A_67] : memref<10008x128xf32, #tpu.memory_space<vmem_shared>> -> memref<104x128xf32, #tpu.memory_space<vmem_shared>>
      %dma_start3A_69 = arith.constant 0 : i32
      %dma_start3A_70 = tpu.memref_slice %arg8[%add3A_23, %dma_start3A_69] : memref<10008x128xf32, #tpu.memory_space<vmem_shared>> -> memref<104x128xf32, #tpu.memory_space<vmem_shared>>
      %dma_start3A_71 = arith.constant 0 : i32
      %dma_start3A_72 = arith.constant 0 : i32
      %dma_start3A_73 = tpu.memref_slice %arg11[%dma_start3A_71, %dma_start3A_72] : memref<128x128xf32, #tpu.memory_space<vmem>> -> memref<104x128xf32, #tpu.memory_space<vmem>>
      tpu.enqueue_dma source(%dma_start3A_73 : memref<104x128xf32, #tpu.memory_space<vmem>>) target(%dma_start3A_70 : memref<104x128xf32, #tpu.memory_space<vmem_shared>>) target_semaphore(%run_scoped3A : memref<!tpu.dma_semaphore, #tpu.memory_space<semaphore_mem>>)
      %dma_wait3A = arith.constant 0 : i32
      %dma_wait3A_74 = arith.constant 0 : i32
      %dma_wait3A_75 = tpu.memref_slice %arg11[%dma_wait3A, %dma_wait3A_74] : memref<128x128xf32, #tpu.memory_space<vmem>> -> memref<104x128xf32, #tpu.memory_space<vmem>>
      %dma_wait3A_76 = arith.constant 0 : i32
      %dma_wait3A_77 = tpu.memref_slice %arg8[%add3A_23, %dma_wait3A_76] : memref<10008x128xf32, #tpu.memory_space<vmem_shared>> -> memref<104x128xf32, #tpu.memory_space<vmem_shared>>
      %dma_wait3A_78 = arith.constant 0 : i32
      %dma_wait3A_79 = tpu.memref_slice %arg8[%add3A_23, %dma_wait3A_78] : memref<10008x128xf32, #tpu.memory_space<vmem_shared>> -> memref<104x128xf32, #tpu.memory_space<vmem_shared>>
      %dma_wait3A_80 = arith.constant 0 : i32
      %dma_wait3A_81 = arith.constant 0 : i32
      %dma_wait3A_82 = tpu.memref_slice %arg11[%dma_wait3A_80, %dma_wait3A_81] : memref<128x128xf32, #tpu.memory_space<vmem>> -> memref<104x128xf32, #tpu.memory_space<vmem>>
      tpu.wait_dma2 semaphore(%run_scoped3A : memref<!tpu.dma_semaphore, #tpu.memory_space<semaphore_mem>>) src(%dma_wait3A_82 : memref<104x128xf32, #tpu.memory_space<vmem>>) dst(%dma_wait3A_79 : memref<104x128xf32, #tpu.memory_space<vmem_shared>>)
      tpu.yield
    }) : () -> ()
    %eq3A = arith.constant 15 : i32
    %eq3A_24 = arith.cmpi eq, %arg1, %eq3A : i32
    %convert_element_type3A = arith.extui %eq3A_24 : i1 to i32
    %cond3A = arith.constant 0 : i32
    %cond3A_25 = arith.cmpi ne, %convert_element_type3A, %cond3A : i32
    scf.if %cond3A_25 {
      "tpu.region"() ({
        %run_scoped3A = tpu.sem_alloc : memref<!tpu.dma_semaphore, #tpu.memory_space<semaphore_mem>>
        %dma_start3A = arith.constant 0 : i32
        %dma_start3A_65 = arith.constant 0 : i32
        %dma_start3A_66 = tpu.memref_slice %arg11[%dma_start3A, %dma_start3A_65] : memref<128x128xf32, #tpu.memory_space<vmem>> -> memref<16x128xf32, #tpu.memory_space<vmem>>
        %dma_start3A_67 = arith.constant 9984 : i32
        %dma_start3A_68 = arith.constant 0 : i32
        %dma_start3A_69 = tpu.memref_slice %arg2[%dma_start3A_67, %dma_start3A_68] : memref<10000x128xf32, #tpu.memory_space<hbm>> -> memref<16x128xf32, #tpu.memory_space<hbm>>
        %dma_start3A_70 = arith.constant 0 : i32
        %dma_start3A_71 = arith.constant 0 : i32
        %dma_start3A_72 = tpu.memref_slice %arg11[%dma_start3A_70, %dma_start3A_71] : memref<128x128xf32, #tpu.memory_space<vmem>> -> memref<16x128xf32, #tpu.memory_space<vmem>>
        %dma_start3A_73 = arith.constant 9984 : i32
        %dma_start3A_74 = arith.constant 0 : i32
        %dma_start3A_75 = tpu.memref_slice %arg2[%dma_start3A_73, %dma_start3A_74] : memref<10000x128xf32, #tpu.memory_space<hbm>> -> memref<16x128xf32, #tpu.memory_space<hbm>>
        tpu.enqueue_dma source(%dma_start3A_75 : memref<16x128xf32, #tpu.memory_space<hbm>>) target(%dma_start3A_72 : memref<16x128xf32, #tpu.memory_space<vmem>>) target_semaphore(%run_scoped3A : memref<!tpu.dma_semaphore, #tpu.memory_space<semaphore_mem>>)
        %dma_wait3A = arith.constant 0 : i32
        %dma_wait3A_76 = arith.constant 0 : i32
        %dma_wait3A_77 = tpu.memref_slice %arg11[%dma_wait3A, %dma_wait3A_76] : memref<128x128xf32, #tpu.memory_space<vmem>> -> memref<16x128xf32, #tpu.memory_space<vmem>>
        %dma_wait3A_78 = arith.constant 9984 : i32
        %dma_wait3A_79 = arith.constant 0 : i32
        %dma_wait3A_80 = tpu.memref_slice %arg2[%dma_wait3A_78, %dma_wait3A_79] : memref<10000x128xf32, #tpu.memory_space<hbm>> -> memref<16x128xf32, #tpu.memory_space<hbm>>
        %dma_wait3A_81 = arith.constant 0 : i32
        %dma_wait3A_82 = arith.constant 0 : i32
        %dma_wait3A_83 = tpu.memref_slice %arg11[%dma_wait3A_81, %dma_wait3A_82] : memref<128x128xf32, #tpu.memory_space<vmem>> -> memref<16x128xf32, #tpu.memory_space<vmem>>
        %dma_wait3A_84 = arith.constant 9984 : i32
        %dma_wait3A_85 = arith.constant 0 : i32
        %dma_wait3A_86 = tpu.memref_slice %arg2[%dma_wait3A_84, %dma_wait3A_85] : memref<10000x128xf32, #tpu.memory_space<hbm>> -> memref<16x128xf32, #tpu.memory_space<hbm>>
        tpu.wait_dma2 semaphore(%run_scoped3A : memref<!tpu.dma_semaphore, #tpu.memory_space<semaphore_mem>>) src(%dma_wait3A_86 : memref<16x128xf32, #tpu.memory_space<hbm>>) dst(%dma_wait3A_83 : memref<16x128xf32, #tpu.memory_space<vmem>>)
        tpu.yield
      }) : () -> ()
      "tpu.region"() ({
        %run_scoped3A = tpu.sem_alloc : memref<!tpu.dma_semaphore, #tpu.memory_space<semaphore_mem>>
        %dma_start3A = arith.constant 0 : i32
        %dma_start3A_65 = arith.constant 0 : i32
        %dma_start3A_66 = tpu.memref_slice %arg11[%dma_start3A, %dma_start3A_65] : memref<128x128xf32, #tpu.memory_space<vmem>> -> memref<16x128xf32, #tpu.memory_space<vmem>>
        %dma_start3A_67 = arith.constant 9984 : i32
        %dma_start3A_68 = arith.constant 0 : i32
        %dma_start3A_69 = tpu.memref_slice %arg8[%dma_start3A_67, %dma_start3A_68] : memref<10008x128xf32, #tpu.memory_space<vmem_shared>> -> memref<16x128xf32, #tpu.memory_space<vmem_shared>>
        %dma_start3A_70 = arith.constant 9984 : i32
        %dma_start3A_71 = arith.constant 0 : i32
        %dma_start3A_72 = tpu.memref_slice %arg8[%dma_start3A_70, %dma_start3A_71] : memref<10008x128xf32, #tpu.memory_space<vmem_shared>> -> memref<16x128xf32, #tpu.memory_space<vmem_shared>>
        %dma_start3A_73 = arith.constant 0 : i32
        %dma_start3A_74 = arith.constant 0 : i32
        %dma_start3A_75 = tpu.memref_slice %arg11[%dma_start3A_73, %dma_start3A_74] : memref<128x128xf32, #tpu.memory_space<vmem>> -> memref<16x128xf32, #tpu.memory_space<vmem>>
        tpu.enqueue_dma source(%dma_start3A_75 : memref<16x128xf32, #tpu.memory_space<vmem>>) target(%dma_start3A_72 : memref<16x128xf32, #tpu.memory_space<vmem_shared>>) target_semaphore(%run_scoped3A : memref<!tpu.dma_semaphore, #tpu.memory_space<semaphore_mem>>)
        %dma_wait3A = arith.constant 0 : i32
        %dma_wait3A_76 = arith.constant 0 : i32
        %dma_wait3A_77 = tpu.memref_slice %arg11[%dma_wait3A, %dma_wait3A_76] : memref<128x128xf32, #tpu.memory_space<vmem>> -> memref<16x128xf32, #tpu.memory_space<vmem>>
        %dma_wait3A_78 = arith.constant 9984 : i32
        %dma_wait3A_79 = arith.constant 0 : i32
        %dma_wait3A_80 = tpu.memref_slice %arg8[%dma_wait3A_78, %dma_wait3A_79] : memref<10008x128xf32, #tpu.memory_space<vmem_shared>> -> memref<16x128xf32, #tpu.memory_space<vmem_shared>>
        %dma_wait3A_81 = arith.constant 9984 : i32
        %dma_wait3A_82 = arith.constant 0 : i32
        %dma_wait3A_83 = tpu.memref_slice %arg8[%dma_wait3A_81, %dma_wait3A_82] : memref<10008x128xf32, #tpu.memory_space<vmem_shared>> -> memref<16x128xf32, #tpu.memory_space<vmem_shared>>
        %dma_wait3A_84 = arith.constant 0 : i32
        %dma_wait3A_85 = arith.constant 0 : i32
        %dma_wait3A_86 = tpu.memref_slice %arg11[%dma_wait3A_84, %dma_wait3A_85] : memref<128x128xf32, #tpu.memory_space<vmem>> -> memref<16x128xf32, #tpu.memory_space<vmem>>
        tpu.wait_dma2 semaphore(%run_scoped3A : memref<!tpu.dma_semaphore, #tpu.memory_space<semaphore_mem>>) src(%dma_wait3A_86 : memref<16x128xf32, #tpu.memory_space<vmem>>) dst(%dma_wait3A_83 : memref<16x128xf32, #tpu.memory_space<vmem_shared>>)
        tpu.yield
      }) : () -> ()
    } else {
    }
    %barrier3A = arith.constant 0 : index
    tpu.barrier barrier_id(%barrier3A)
    %eq3A_26 = arith.constant 0 : i32
    %eq3A_27 = arith.cmpi eq, %arg0, %eq3A_26 : i32
    %convert_element_type3A_28 = arith.extui %eq3A_27 : i1 to i32
    %cond3A_29 = arith.constant 0 : i32
    %cond3A_30 = arith.cmpi ne, %convert_element_type3A_28, %cond3A_29 : i32
    scf.if %cond3A_30 {
      "tpu.region"() ({
        %run_scoped3A = tpu.sem_alloc : memref<!tpu.dma_semaphore, #tpu.memory_space<semaphore_mem>>
        %dma_start3A_111 = arith.constant 0 : i32
        %dma_start3A_112 = arith.constant 0 : i32
        %dma_start3A_113 = tpu.memref_slice %arg3[%arg1, %dma_start3A_111, %dma_start3A_112] : memref<16x128x128xi32, #tpu.memory_space<hbm>> -> memref<1x32x128xi32, #tpu.memory_space<hbm>>
        %dma_start3A_114 = tpu.memref_squeeze %dma_start3A_113 : memref<1x32x128xi32, #tpu.memory_space<hbm>> -> memref<32x128xi32, #tpu.memory_space<hbm>>
        %dma_start3A_115 = arith.constant 0 : i32
        %dma_start3A_116 = arith.constant 0 : i32
        %dma_start3A_117 = tpu.memref_slice %arg3[%arg1, %dma_start3A_115, %dma_start3A_116] : memref<16x128x128xi32, #tpu.memory_space<hbm>> -> memref<1x32x128xi32, #tpu.memory_space<hbm>>
        %dma_start3A_118 = tpu.memref_squeeze %dma_start3A_117 : memref<1x32x128xi32, #tpu.memory_space<hbm>> -> memref<32x128xi32, #tpu.memory_space<hbm>>
        tpu.enqueue_dma source(%dma_start3A_118 : memref<32x128xi32, #tpu.memory_space<hbm>>) target(%arg9 : memref<32x128xi32, #tpu.memory_space<vmem>>) target_semaphore(%run_scoped3A : memref<!tpu.dma_semaphore, #tpu.memory_space<semaphore_mem>>)
        %dma_wait3A = arith.constant 0 : i32
        %dma_wait3A_119 = arith.constant 0 : i32
        %dma_wait3A_120 = tpu.memref_slice %arg3[%arg1, %dma_wait3A, %dma_wait3A_119] : memref<16x128x128xi32, #tpu.memory_space<hbm>> -> memref<1x32x128xi32, #tpu.memory_space<hbm>>
        %dma_wait3A_121 = tpu.memref_squeeze %dma_wait3A_120 : memref<1x32x128xi32, #tpu.memory_space<hbm>> -> memref<32x128xi32, #tpu.memory_space<hbm>>
        %dma_wait3A_122 = arith.constant 0 : i32
        %dma_wait3A_123 = arith.constant 0 : i32
        %dma_wait3A_124 = tpu.memref_slice %arg3[%arg1, %dma_wait3A_122, %dma_wait3A_123] : memref<16x128x128xi32, #tpu.memory_space<hbm>> -> memref<1x32x128xi32, #tpu.memory_space<hbm>>
        %dma_wait3A_125 = tpu.memref_squeeze %dma_wait3A_124 : memref<1x32x128xi32, #tpu.memory_space<hbm>> -> memref<32x128xi32, #tpu.memory_space<hbm>>
        tpu.wait_dma2 semaphore(%run_scoped3A : memref<!tpu.dma_semaphore, #tpu.memory_space<semaphore_mem>>) src(%dma_wait3A_125 : memref<32x128xi32, #tpu.memory_space<hbm>>) dst(%arg9 : memref<32x128xi32, #tpu.memory_space<vmem>>)
        tpu.yield
      }) : () -> ()
      "tpu.region"() ({
        %run_scoped3A = tpu.sem_alloc : memref<!tpu.dma_semaphore, #tpu.memory_space<semaphore_mem>>
        %dma_start3A_111 = arith.constant 0 : i32
        %dma_start3A_112 = arith.constant 0 : i32
        %dma_start3A_113 = tpu.memref_slice %arg4[%arg1, %dma_start3A_111, %dma_start3A_112] : memref<16x128x128xi32, #tpu.memory_space<hbm>> -> memref<1x32x128xi32, #tpu.memory_space<hbm>>
        %dma_start3A_114 = tpu.memref_squeeze %dma_start3A_113 : memref<1x32x128xi32, #tpu.memory_space<hbm>> -> memref<32x128xi32, #tpu.memory_space<hbm>>
        %dma_start3A_115 = arith.constant 0 : i32
        %dma_start3A_116 = arith.constant 0 : i32
        %dma_start3A_117 = tpu.memref_slice %arg4[%arg1, %dma_start3A_115, %dma_start3A_116] : memref<16x128x128xi32, #tpu.memory_space<hbm>> -> memref<1x32x128xi32, #tpu.memory_space<hbm>>
        %dma_start3A_118 = tpu.memref_squeeze %dma_start3A_117 : memref<1x32x128xi32, #tpu.memory_space<hbm>> -> memref<32x128xi32, #tpu.memory_space<hbm>>
        tpu.enqueue_dma source(%dma_start3A_118 : memref<32x128xi32, #tpu.memory_space<hbm>>) target(%arg10 : memref<32x128xi32, #tpu.memory_space<vmem>>) target_semaphore(%run_scoped3A : memref<!tpu.dma_semaphore, #tpu.memory_space<semaphore_mem>>)
        %dma_wait3A = arith.constant 0 : i32
        %dma_wait3A_119 = arith.constant 0 : i32
        %dma_wait3A_120 = tpu.memref_slice %arg4[%arg1, %dma_wait3A, %dma_wait3A_119] : memref<16x128x128xi32, #tpu.memory_space<hbm>> -> memref<1x32x128xi32, #tpu.memory_space<hbm>>
        %dma_wait3A_121 = tpu.memref_squeeze %dma_wait3A_120 : memref<1x32x128xi32, #tpu.memory_space<hbm>> -> memref<32x128xi32, #tpu.memory_space<hbm>>
        %dma_wait3A_122 = arith.constant 0 : i32
        %dma_wait3A_123 = arith.constant 0 : i32
        %dma_wait3A_124 = tpu.memref_slice %arg4[%arg1, %dma_wait3A_122, %dma_wait3A_123] : memref<16x128x128xi32, #tpu.memory_space<hbm>> -> memref<1x32x128xi32, #tpu.memory_space<hbm>>
        %dma_wait3A_125 = tpu.memref_squeeze %dma_wait3A_124 : memref<1x32x128xi32, #tpu.memory_space<hbm>> -> memref<32x128xi32, #tpu.memory_space<hbm>>
        tpu.wait_dma2 semaphore(%run_scoped3A : memref<!tpu.dma_semaphore, #tpu.memory_space<semaphore_mem>>) src(%dma_wait3A_125 : memref<32x128xi32, #tpu.memory_space<hbm>>) dst(%arg10 : memref<32x128xi32, #tpu.memory_space<vmem>>)
        tpu.yield
      }) : () -> ()
      %dma_start3A = arith.constant 0 : i32
      %dma_start3A_65 = arith.constant 0 : i32
      %dma_start3A_66 = tpu.memref_slice %arg9[%dma_start3A, %dma_start3A_65] : memref<32x128xi32, #tpu.memory_space<vmem>> -> memref<1x128xi32, #tpu.memory_space<vmem>>
      %dma_start3A_67 = tpu.memref_squeeze %dma_start3A_66 : memref<1x128xi32, #tpu.memory_space<vmem>> -> memref<128xi32, #tpu.memory_space<vmem>>
      %dma_start3A_68 = arith.constant 0 : i32
      %dma_start3A_69 = arith.constant 0 : i32
      %dma_start3A_70 = tpu.memref_slice %arg2[%dma_start3A_68, %dma_start3A_69] : memref<10000x128xf32, #tpu.memory_space<hbm>> -> memref<10000x128xf32, #tpu.memory_space<hbm>>
      tpu.enqueue_indirect_dma source(%dma_start3A_70 : memref<10000x128xf32, #tpu.memory_space<hbm>>) target(%arg11 : memref<128x128xf32, #tpu.memory_space<vmem>>) offsets(%dma_start3A_67 : memref<128xi32, #tpu.memory_space<vmem>>) semaphore(%arg13 : memref<!tpu.dma_semaphore, #tpu.memory_space<semaphore_mem>>)
      %scan3A = arith.constant 0 : i32
      %scan3A_71 = arith.constant 16 : i32
      %scan3A_72 = arith.addi %scan3A, %scan3A_71 : i32
      %scan3A_73 = arith.constant 1 : i32
      scf.for %scan3A_111 = %scan3A to %scan3A_72 step %scan3A_73  : i32 {
        %mul3A_112 = arith.constant 2 : i32
        %mul3A_113 = arith.muli %scan3A_111, %mul3A_112 : i32
        %add3A_114 = arith.constant 0 : i32
        %add3A_115 = arith.addi %add3A_114, %mul3A_113 : i32
        %add3A_116 = arith.constant 1 : i32
        %add3A_117 = arith.addi %add3A_115, %add3A_116 : i32
        %dma_start3A_118 = arith.constant 0 : i32
        %dma_start3A_119 = tpu.memref_slice %arg9[%add3A_117, %dma_start3A_118] : memref<32x128xi32, #tpu.memory_space<vmem>> -> memref<1x128xi32, #tpu.memory_space<vmem>>
        %dma_start3A_120 = tpu.memref_squeeze %dma_start3A_119 : memref<1x128xi32, #tpu.memory_space<vmem>> -> memref<128xi32, #tpu.memory_space<vmem>>
        %dma_start3A_121 = arith.constant 0 : i32
        %dma_start3A_122 = arith.constant 0 : i32
        %dma_start3A_123 = tpu.memref_slice %arg2[%dma_start3A_121, %dma_start3A_122] : memref<10000x128xf32, #tpu.memory_space<hbm>> -> memref<10000x128xf32, #tpu.memory_space<hbm>>
        tpu.enqueue_indirect_dma source(%dma_start3A_123 : memref<10000x128xf32, #tpu.memory_space<hbm>>) target(%arg12 : memref<128x128xf32, #tpu.memory_space<vmem>>) offsets(%dma_start3A_120 : memref<128xi32, #tpu.memory_space<vmem>>) semaphore(%arg14 : memref<!tpu.dma_semaphore, #tpu.memory_space<semaphore_mem>>)
        %dma_wait3A = arith.constant 0 : i32
        %dma_wait3A_124 = tpu.memref_slice %arg9[%add3A_115, %dma_wait3A] : memref<32x128xi32, #tpu.memory_space<vmem>> -> memref<1x128xi32, #tpu.memory_space<vmem>>
        %dma_wait3A_125 = tpu.memref_squeeze %dma_wait3A_124 : memref<1x128xi32, #tpu.memory_space<vmem>> -> memref<128xi32, #tpu.memory_space<vmem>>
        %dma_wait3A_126 = arith.constant 0 : i32
        %dma_wait3A_127 = arith.constant 0 : i32
        %dma_wait3A_128 = tpu.memref_slice %arg2[%dma_wait3A_126, %dma_wait3A_127] : memref<10000x128xf32, #tpu.memory_space<hbm>> -> memref<10000x128xf32, #tpu.memory_space<hbm>>
        tpu.wait_indirect_dma semaphore(%arg13 : memref<!tpu.dma_semaphore, #tpu.memory_space<semaphore_mem>>) src(%dma_wait3A_128 : memref<10000x128xf32, #tpu.memory_space<hbm>>) dst(%arg11 : memref<128x128xf32, #tpu.memory_space<vmem>>)
        "tpu.region"() ({
          %run_scoped3A = tpu.sem_alloc : memref<!tpu.dma_semaphore, #tpu.memory_space<semaphore_mem>>
          %dma_start3A_145 = arith.constant 0 : i32
          %dma_start3A_146 = tpu.memref_slice %arg10[%add3A_115, %dma_start3A_145] : memref<32x128xi32, #tpu.memory_space<vmem>> -> memref<1x128xi32, #tpu.memory_space<vmem>>
          %dma_start3A_147 = tpu.memref_squeeze %dma_start3A_146 : memref<1x128xi32, #tpu.memory_space<vmem>> -> memref<128xi32, #tpu.memory_space<vmem>>
          %dma_start3A_148 = arith.constant 0 : i32
          %dma_start3A_149 = arith.constant 0 : i32
          %dma_start3A_150 = tpu.memref_slice %arg8[%dma_start3A_148, %dma_start3A_149] : memref<10008x128xf32, #tpu.memory_space<vmem_shared>> -> memref<10008x128xf32, #tpu.memory_space<vmem_shared>>
          tpu.enqueue_indirect_dma source(%arg11 : memref<128x128xf32, #tpu.memory_space<vmem>>) target(%dma_start3A_150 : memref<10008x128xf32, #tpu.memory_space<vmem_shared>>) offsets(%dma_start3A_147 : memref<128xi32, #tpu.memory_space<vmem>>) semaphore(%run_scoped3A : memref<!tpu.dma_semaphore, #tpu.memory_space<semaphore_mem>>) {add = true}
          %dma_wait3A_151 = arith.constant 0 : i32
          %dma_wait3A_152 = tpu.memref_slice %arg10[%add3A_115, %dma_wait3A_151] : memref<32x128xi32, #tpu.memory_space<vmem>> -> memref<1x128xi32, #tpu.memory_space<vmem>>
          %dma_wait3A_153 = tpu.memref_squeeze %dma_wait3A_152 : memref<1x128xi32, #tpu.memory_space<vmem>> -> memref<128xi32, #tpu.memory_space<vmem>>
          %dma_wait3A_154 = arith.constant 0 : i32
          %dma_wait3A_155 = arith.constant 0 : i32
          %dma_wait3A_156 = tpu.memref_slice %arg8[%dma_wait3A_154, %dma_wait3A_155] : memref<10008x128xf32, #tpu.memory_space<vmem_shared>> -> memref<10008x128xf32, #tpu.memory_space<vmem_shared>>
          tpu.wait_indirect_dma semaphore(%run_scoped3A : memref<!tpu.dma_semaphore, #tpu.memory_space<semaphore_mem>>) src(%arg11 : memref<128x128xf32, #tpu.memory_space<vmem>>) dst(%dma_wait3A_156 : memref<10008x128xf32, #tpu.memory_space<vmem_shared>>)
          tpu.yield
        }) : () -> ()
        %add3A_129 = arith.constant 2 : i32
        %add3A_130 = arith.addi %add3A_115, %add3A_129 : i32
        %lt3A = arith.constant 32 : i32
        %lt3A_131 = arith.cmpi slt, %add3A_130, %lt3A : i32
        %convert_element_type3A_132 = arith.extui %lt3A_131 : i1 to i32
        %cond3A_133 = arith.constant 0 : i32
        %cond3A_134 = arith.cmpi ne, %convert_element_type3A_132, %cond3A_133 : i32
        scf.if %cond3A_134 {
          %add3A_145 = arith.constant 2 : i32
          %add3A_146 = arith.addi %add3A_115, %add3A_145 : i32
          %dma_start3A_147 = arith.constant 0 : i32
          %dma_start3A_148 = tpu.memref_slice %arg9[%add3A_146, %dma_start3A_147] : memref<32x128xi32, #tpu.memory_space<vmem>> -> memref<1x128xi32, #tpu.memory_space<vmem>>
          %dma_start3A_149 = tpu.memref_squeeze %dma_start3A_148 : memref<1x128xi32, #tpu.memory_space<vmem>> -> memref<128xi32, #tpu.memory_space<vmem>>
          %dma_start3A_150 = arith.constant 0 : i32
          %dma_start3A_151 = arith.constant 0 : i32
          %dma_start3A_152 = tpu.memref_slice %arg2[%dma_start3A_150, %dma_start3A_151] : memref<10000x128xf32, #tpu.memory_space<hbm>> -> memref<10000x128xf32, #tpu.memory_space<hbm>>
          tpu.enqueue_indirect_dma source(%dma_start3A_152 : memref<10000x128xf32, #tpu.memory_space<hbm>>) target(%arg11 : memref<128x128xf32, #tpu.memory_space<vmem>>) offsets(%dma_start3A_149 : memref<128xi32, #tpu.memory_space<vmem>>) semaphore(%arg13 : memref<!tpu.dma_semaphore, #tpu.memory_space<semaphore_mem>>)
        } else {
        }
        %add3A_135 = arith.constant 1 : i32
        %add3A_136 = arith.addi %add3A_115, %add3A_135 : i32
        %dma_wait3A_137 = arith.constant 0 : i32
        %dma_wait3A_138 = tpu.memref_slice %arg9[%add3A_136, %dma_wait3A_137] : memref<32x128xi32, #tpu.memory_space<vmem>> -> memref<1x128xi32, #tpu.memory_space<vmem>>
        %dma_wait3A_139 = tpu.memref_squeeze %dma_wait3A_138 : memref<1x128xi32, #tpu.memory_space<vmem>> -> memref<128xi32, #tpu.memory_space<vmem>>
        %dma_wait3A_140 = arith.constant 0 : i32
        %dma_wait3A_141 = arith.constant 0 : i32
        %dma_wait3A_142 = tpu.memref_slice %arg2[%dma_wait3A_140, %dma_wait3A_141] : memref<10000x128xf32, #tpu.memory_space<hbm>> -> memref<10000x128xf32, #tpu.memory_space<hbm>>
        tpu.wait_indirect_dma semaphore(%arg14 : memref<!tpu.dma_semaphore, #tpu.memory_space<semaphore_mem>>) src(%dma_wait3A_142 : memref<10000x128xf32, #tpu.memory_space<hbm>>) dst(%arg12 : memref<128x128xf32, #tpu.memory_space<vmem>>)
        %add3A_143 = arith.constant 1 : i32
        %add3A_144 = arith.addi %add3A_115, %add3A_143 : i32
        "tpu.region"() ({
          %run_scoped3A = tpu.sem_alloc : memref<!tpu.dma_semaphore, #tpu.memory_space<semaphore_mem>>
          %dma_start3A_145 = arith.constant 0 : i32
          %dma_start3A_146 = tpu.memref_slice %arg10[%add3A_144, %dma_start3A_145] : memref<32x128xi32, #tpu.memory_space<vmem>> -> memref<1x128xi32, #tpu.memory_space<vmem>>
          %dma_start3A_147 = tpu.memref_squeeze %dma_start3A_146 : memref<1x128xi32, #tpu.memory_space<vmem>> -> memref<128xi32, #tpu.memory_space<vmem>>
          %dma_start3A_148 = arith.constant 0 : i32
          %dma_start3A_149 = arith.constant 0 : i32
          %dma_start3A_150 = tpu.memref_slice %arg8[%dma_start3A_148, %dma_start3A_149] : memref<10008x128xf32, #tpu.memory_space<vmem_shared>> -> memref<10008x128xf32, #tpu.memory_space<vmem_shared>>
          tpu.enqueue_indirect_dma source(%arg12 : memref<128x128xf32, #tpu.memory_space<vmem>>) target(%dma_start3A_150 : memref<10008x128xf32, #tpu.memory_space<vmem_shared>>) offsets(%dma_start3A_147 : memref<128xi32, #tpu.memory_space<vmem>>) semaphore(%run_scoped3A : memref<!tpu.dma_semaphore, #tpu.memory_space<semaphore_mem>>) {add = true}
          %dma_wait3A_151 = arith.constant 0 : i32
          %dma_wait3A_152 = tpu.memref_slice %arg10[%add3A_144, %dma_wait3A_151] : memref<32x128xi32, #tpu.memory_space<vmem>> -> memref<1x128xi32, #tpu.memory_space<vmem>>
          %dma_wait3A_153 = tpu.memref_squeeze %dma_wait3A_152 : memref<1x128xi32, #tpu.memory_space<vmem>> -> memref<128xi32, #tpu.memory_space<vmem>>
          %dma_wait3A_154 = arith.constant 0 : i32
          %dma_wait3A_155 = arith.constant 0 : i32
          %dma_wait3A_156 = tpu.memref_slice %arg8[%dma_wait3A_154, %dma_wait3A_155] : memref<10008x128xf32, #tpu.memory_space<vmem_shared>> -> memref<10008x128xf32, #tpu.memory_space<vmem_shared>>
          tpu.wait_indirect_dma semaphore(%run_scoped3A : memref<!tpu.dma_semaphore, #tpu.memory_space<semaphore_mem>>) src(%arg12 : memref<128x128xf32, #tpu.memory_space<vmem>>) dst(%dma_wait3A_156 : memref<10008x128xf32, #tpu.memory_space<vmem_shared>>)
          tpu.yield
        }) : () -> ()
      }
      %scan3A_74 = arith.constant 16 : i32
      "tpu.region"() ({
        %run_scoped3A = tpu.sem_alloc : memref<!tpu.dma_semaphore, #tpu.memory_space<semaphore_mem>>
        %dma_start3A_111 = arith.constant 32 : i32
        %dma_start3A_112 = arith.constant 0 : i32
        %dma_start3A_113 = tpu.memref_slice %arg3[%arg1, %dma_start3A_111, %dma_start3A_112] : memref<16x128x128xi32, #tpu.memory_space<hbm>> -> memref<1x32x128xi32, #tpu.memory_space<hbm>>
        %dma_start3A_114 = tpu.memref_squeeze %dma_start3A_113 : memref<1x32x128xi32, #tpu.memory_space<hbm>> -> memref<32x128xi32, #tpu.memory_space<hbm>>
        %dma_start3A_115 = arith.constant 32 : i32
        %dma_start3A_116 = arith.constant 0 : i32
        %dma_start3A_117 = tpu.memref_slice %arg3[%arg1, %dma_start3A_115, %dma_start3A_116] : memref<16x128x128xi32, #tpu.memory_space<hbm>> -> memref<1x32x128xi32, #tpu.memory_space<hbm>>
        %dma_start3A_118 = tpu.memref_squeeze %dma_start3A_117 : memref<1x32x128xi32, #tpu.memory_space<hbm>> -> memref<32x128xi32, #tpu.memory_space<hbm>>
        tpu.enqueue_dma source(%dma_start3A_118 : memref<32x128xi32, #tpu.memory_space<hbm>>) target(%arg9 : memref<32x128xi32, #tpu.memory_space<vmem>>) target_semaphore(%run_scoped3A : memref<!tpu.dma_semaphore, #tpu.memory_space<semaphore_mem>>)
        %dma_wait3A = arith.constant 32 : i32
        %dma_wait3A_119 = arith.constant 0 : i32
        %dma_wait3A_120 = tpu.memref_slice %arg3[%arg1, %dma_wait3A, %dma_wait3A_119] : memref<16x128x128xi32, #tpu.memory_space<hbm>> -> memref<1x32x128xi32, #tpu.memory_space<hbm>>
        %dma_wait3A_121 = tpu.memref_squeeze %dma_wait3A_120 : memref<1x32x128xi32, #tpu.memory_space<hbm>> -> memref<32x128xi32, #tpu.memory_space<hbm>>
        %dma_wait3A_122 = arith.constant 32 : i32
        %dma_wait3A_123 = arith.constant 0 : i32
        %dma_wait3A_124 = tpu.memref_slice %arg3[%arg1, %dma_wait3A_122, %dma_wait3A_123] : memref<16x128x128xi32, #tpu.memory_space<hbm>> -> memref<1x32x128xi32, #tpu.memory_space<hbm>>
        %dma_wait3A_125 = tpu.memref_squeeze %dma_wait3A_124 : memref<1x32x128xi32, #tpu.memory_space<hbm>> -> memref<32x128xi32, #tpu.memory_space<hbm>>
        tpu.wait_dma2 semaphore(%run_scoped3A : memref<!tpu.dma_semaphore, #tpu.memory_space<semaphore_mem>>) src(%dma_wait3A_125 : memref<32x128xi32, #tpu.memory_space<hbm>>) dst(%arg9 : memref<32x128xi32, #tpu.memory_space<vmem>>)
        tpu.yield
      }) : () -> ()
      "tpu.region"() ({
        %run_scoped3A = tpu.sem_alloc : memref<!tpu.dma_semaphore, #tpu.memory_space<semaphore_mem>>
        %dma_start3A_111 = arith.constant 32 : i32
        %dma_start3A_112 = arith.constant 0 : i32
        %dma_start3A_113 = tpu.memref_slice %arg4[%arg1, %dma_start3A_111, %dma_start3A_112] : memref<16x128x128xi32, #tpu.memory_space<hbm>> -> memref<1x32x128xi32, #tpu.memory_space<hbm>>
        %dma_start3A_114 = tpu.memref_squeeze %dma_start3A_113 : memref<1x32x128xi32, #tpu.memory_space<hbm>> -> memref<32x128xi32, #tpu.memory_space<hbm>>
        %dma_start3A_115 = arith.constant 32 : i32
        %dma_start3A_116 = arith.constant 0 : i32
        %dma_start3A_117 = tpu.memref_slice %arg4[%arg1, %dma_start3A_115, %dma_start3A_116] : memref<16x128x128xi32, #tpu.memory_space<hbm>> -> memref<1x32x128xi32, #tpu.memory_space<hbm>>
        %dma_start3A_118 = tpu.memref_squeeze %dma_start3A_117 : memref<1x32x128xi32, #tpu.memory_space<hbm>> -> memref<32x128xi32, #tpu.memory_space<hbm>>
        tpu.enqueue_dma source(%dma_start3A_118 : memref<32x128xi32, #tpu.memory_space<hbm>>) target(%arg10 : memref<32x128xi32, #tpu.memory_space<vmem>>) target_semaphore(%run_scoped3A : memref<!tpu.dma_semaphore, #tpu.memory_space<semaphore_mem>>)
        %dma_wait3A = arith.constant 32 : i32
        %dma_wait3A_119 = arith.constant 0 : i32
        %dma_wait3A_120 = tpu.memref_slice %arg4[%arg1, %dma_wait3A, %dma_wait3A_119] : memref<16x128x128xi32, #tpu.memory_space<hbm>> -> memref<1x32x128xi32, #tpu.memory_space<hbm>>
        %dma_wait3A_121 = tpu.memref_squeeze %dma_wait3A_120 : memref<1x32x128xi32, #tpu.memory_space<hbm>> -> memref<32x128xi32, #tpu.memory_space<hbm>>
        %dma_wait3A_122 = arith.constant 32 : i32
        %dma_wait3A_123 = arith.constant 0 : i32
        %dma_wait3A_124 = tpu.memref_slice %arg4[%arg1, %dma_wait3A_122, %dma_wait3A_123] : memref<16x128x128xi32, #tpu.memory_space<hbm>> -> memref<1x32x128xi32, #tpu.memory_space<hbm>>
        %dma_wait3A_125 = tpu.memref_squeeze %dma_wait3A_124 : memref<1x32x128xi32, #tpu.memory_space<hbm>> -> memref<32x128xi32, #tpu.memory_space<hbm>>
        tpu.wait_dma2 semaphore(%run_scoped3A : memref<!tpu.dma_semaphore, #tpu.memory_space<semaphore_mem>>) src(%dma_wait3A_125 : memref<32x128xi32, #tpu.memory_space<hbm>>) dst(%arg10 : memref<32x128xi32, #tpu.memory_space<vmem>>)
        tpu.yield
      }) : () -> ()
      %dma_start3A_75 = arith.constant 0 : i32
      %dma_start3A_76 = arith.constant 0 : i32
      %dma_start3A_77 = tpu.memref_slice %arg9[%dma_start3A_75, %dma_start3A_76] : memref<32x128xi32, #tpu.memory_space<vmem>> -> memref<1x128xi32, #tpu.memory_space<vmem>>
      %dma_start3A_78 = tpu.memref_squeeze %dma_start3A_77 : memref<1x128xi32, #tpu.memory_space<vmem>> -> memref<128xi32, #tpu.memory_space<vmem>>
      %dma_start3A_79 = arith.constant 0 : i32
      %dma_start3A_80 = arith.constant 0 : i32
      %dma_start3A_81 = tpu.memref_slice %arg2[%dma_start3A_79, %dma_start3A_80] : memref<10000x128xf32, #tpu.memory_space<hbm>> -> memref<10000x128xf32, #tpu.memory_space<hbm>>
      tpu.enqueue_indirect_dma source(%dma_start3A_81 : memref<10000x128xf32, #tpu.memory_space<hbm>>) target(%arg11 : memref<128x128xf32, #tpu.memory_space<vmem>>) offsets(%dma_start3A_78 : memref<128xi32, #tpu.memory_space<vmem>>) semaphore(%arg13 : memref<!tpu.dma_semaphore, #tpu.memory_space<semaphore_mem>>)
      %scan3A_82 = arith.constant 0 : i32
      %scan3A_83 = arith.constant 16 : i32
      %scan3A_84 = arith.addi %scan3A_82, %scan3A_83 : i32
      %scan3A_85 = arith.constant 1 : i32
      scf.for %scan3A_111 = %scan3A_82 to %scan3A_84 step %scan3A_85  : i32 {
        %mul3A_112 = arith.constant 2 : i32
        %mul3A_113 = arith.muli %scan3A_111, %mul3A_112 : i32
        %add3A_114 = arith.constant 0 : i32
        %add3A_115 = arith.addi %add3A_114, %mul3A_113 : i32
        %add3A_116 = arith.constant 1 : i32
        %add3A_117 = arith.addi %add3A_115, %add3A_116 : i32
        %dma_start3A_118 = arith.constant 0 : i32
        %dma_start3A_119 = tpu.memref_slice %arg9[%add3A_117, %dma_start3A_118] : memref<32x128xi32, #tpu.memory_space<vmem>> -> memref<1x128xi32, #tpu.memory_space<vmem>>
        %dma_start3A_120 = tpu.memref_squeeze %dma_start3A_119 : memref<1x128xi32, #tpu.memory_space<vmem>> -> memref<128xi32, #tpu.memory_space<vmem>>
        %dma_start3A_121 = arith.constant 0 : i32
        %dma_start3A_122 = arith.constant 0 : i32
        %dma_start3A_123 = tpu.memref_slice %arg2[%dma_start3A_121, %dma_start3A_122] : memref<10000x128xf32, #tpu.memory_space<hbm>> -> memref<10000x128xf32, #tpu.memory_space<hbm>>
        tpu.enqueue_indirect_dma source(%dma_start3A_123 : memref<10000x128xf32, #tpu.memory_space<hbm>>) target(%arg12 : memref<128x128xf32, #tpu.memory_space<vmem>>) offsets(%dma_start3A_120 : memref<128xi32, #tpu.memory_space<vmem>>) semaphore(%arg14 : memref<!tpu.dma_semaphore, #tpu.memory_space<semaphore_mem>>)
        %dma_wait3A = arith.constant 0 : i32
        %dma_wait3A_124 = tpu.memref_slice %arg9[%add3A_115, %dma_wait3A] : memref<32x128xi32, #tpu.memory_space<vmem>> -> memref<1x128xi32, #tpu.memory_space<vmem>>
        %dma_wait3A_125 = tpu.memref_squeeze %dma_wait3A_124 : memref<1x128xi32, #tpu.memory_space<vmem>> -> memref<128xi32, #tpu.memory_space<vmem>>
        %dma_wait3A_126 = arith.constant 0 : i32
        %dma_wait3A_127 = arith.constant 0 : i32
        %dma_wait3A_128 = tpu.memref_slice %arg2[%dma_wait3A_126, %dma_wait3A_127] : memref<10000x128xf32, #tpu.memory_space<hbm>> -> memref<10000x128xf32, #tpu.memory_space<hbm>>
        tpu.wait_indirect_dma semaphore(%arg13 : memref<!tpu.dma_semaphore, #tpu.memory_space<semaphore_mem>>) src(%dma_wait3A_128 : memref<10000x128xf32, #tpu.memory_space<hbm>>) dst(%arg11 : memref<128x128xf32, #tpu.memory_space<vmem>>)
        "tpu.region"() ({
          %run_scoped3A = tpu.sem_alloc : memref<!tpu.dma_semaphore, #tpu.memory_space<semaphore_mem>>
          %dma_start3A_145 = arith.constant 0 : i32
          %dma_start3A_146 = tpu.memref_slice %arg10[%add3A_115, %dma_start3A_145] : memref<32x128xi32, #tpu.memory_space<vmem>> -> memref<1x128xi32, #tpu.memory_space<vmem>>
          %dma_start3A_147 = tpu.memref_squeeze %dma_start3A_146 : memref<1x128xi32, #tpu.memory_space<vmem>> -> memref<128xi32, #tpu.memory_space<vmem>>
          %dma_start3A_148 = arith.constant 0 : i32
          %dma_start3A_149 = arith.constant 0 : i32
          %dma_start3A_150 = tpu.memref_slice %arg8[%dma_start3A_148, %dma_start3A_149] : memref<10008x128xf32, #tpu.memory_space<vmem_shared>> -> memref<10008x128xf32, #tpu.memory_space<vmem_shared>>
          tpu.enqueue_indirect_dma source(%arg11 : memref<128x128xf32, #tpu.memory_space<vmem>>) target(%dma_start3A_150 : memref<10008x128xf32, #tpu.memory_space<vmem_shared>>) offsets(%dma_start3A_147 : memref<128xi32, #tpu.memory_space<vmem>>) semaphore(%run_scoped3A : memref<!tpu.dma_semaphore, #tpu.memory_space<semaphore_mem>>) {add = true}
          %dma_wait3A_151 = arith.constant 0 : i32
          %dma_wait3A_152 = tpu.memref_slice %arg10[%add3A_115, %dma_wait3A_151] : memref<32x128xi32, #tpu.memory_space<vmem>> -> memref<1x128xi32, #tpu.memory_space<vmem>>
          %dma_wait3A_153 = tpu.memref_squeeze %dma_wait3A_152 : memref<1x128xi32, #tpu.memory_space<vmem>> -> memref<128xi32, #tpu.memory_space<vmem>>
          %dma_wait3A_154 = arith.constant 0 : i32
          %dma_wait3A_155 = arith.constant 0 : i32
          %dma_wait3A_156 = tpu.memref_slice %arg8[%dma_wait3A_154, %dma_wait3A_155] : memref<10008x128xf32, #tpu.memory_space<vmem_shared>> -> memref<10008x128xf32, #tpu.memory_space<vmem_shared>>
          tpu.wait_indirect_dma semaphore(%run_scoped3A : memref<!tpu.dma_semaphore, #tpu.memory_space<semaphore_mem>>) src(%arg11 : memref<128x128xf32, #tpu.memory_space<vmem>>) dst(%dma_wait3A_156 : memref<10008x128xf32, #tpu.memory_space<vmem_shared>>)
          tpu.yield
        }) : () -> ()
        %add3A_129 = arith.constant 2 : i32
        %add3A_130 = arith.addi %add3A_115, %add3A_129 : i32
        %lt3A = arith.constant 32 : i32
        %lt3A_131 = arith.cmpi slt, %add3A_130, %lt3A : i32
        %convert_element_type3A_132 = arith.extui %lt3A_131 : i1 to i32
        %cond3A_133 = arith.constant 0 : i32
        %cond3A_134 = arith.cmpi ne, %convert_element_type3A_132, %cond3A_133 : i32
        scf.if %cond3A_134 {
          %add3A_145 = arith.constant 2 : i32
          %add3A_146 = arith.addi %add3A_115, %add3A_145 : i32
          %dma_start3A_147 = arith.constant 0 : i32
          %dma_start3A_148 = tpu.memref_slice %arg9[%add3A_146, %dma_start3A_147] : memref<32x128xi32, #tpu.memory_space<vmem>> -> memref<1x128xi32, #tpu.memory_space<vmem>>
          %dma_start3A_149 = tpu.memref_squeeze %dma_start3A_148 : memref<1x128xi32, #tpu.memory_space<vmem>> -> memref<128xi32, #tpu.memory_space<vmem>>
          %dma_start3A_150 = arith.constant 0 : i32
          %dma_start3A_151 = arith.constant 0 : i32
          %dma_start3A_152 = tpu.memref_slice %arg2[%dma_start3A_150, %dma_start3A_151] : memref<10000x128xf32, #tpu.memory_space<hbm>> -> memref<10000x128xf32, #tpu.memory_space<hbm>>
          tpu.enqueue_indirect_dma source(%dma_start3A_152 : memref<10000x128xf32, #tpu.memory_space<hbm>>) target(%arg11 : memref<128x128xf32, #tpu.memory_space<vmem>>) offsets(%dma_start3A_149 : memref<128xi32, #tpu.memory_space<vmem>>) semaphore(%arg13 : memref<!tpu.dma_semaphore, #tpu.memory_space<semaphore_mem>>)
        } else {
        }
        %add3A_135 = arith.constant 1 : i32
        %add3A_136 = arith.addi %add3A_115, %add3A_135 : i32
        %dma_wait3A_137 = arith.constant 0 : i32
        %dma_wait3A_138 = tpu.memref_slice %arg9[%add3A_136, %dma_wait3A_137] : memref<32x128xi32, #tpu.memory_space<vmem>> -> memref<1x128xi32, #tpu.memory_space<vmem>>
        %dma_wait3A_139 = tpu.memref_squeeze %dma_wait3A_138 : memref<1x128xi32, #tpu.memory_space<vmem>> -> memref<128xi32, #tpu.memory_space<vmem>>
        %dma_wait3A_140 = arith.constant 0 : i32
        %dma_wait3A_141 = arith.constant 0 : i32
        %dma_wait3A_142 = tpu.memref_slice %arg2[%dma_wait3A_140, %dma_wait3A_141] : memref<10000x128xf32, #tpu.memory_space<hbm>> -> memref<10000x128xf32, #tpu.memory_space<hbm>>
        tpu.wait_indirect_dma semaphore(%arg14 : memref<!tpu.dma_semaphore, #tpu.memory_space<semaphore_mem>>) src(%dma_wait3A_142 : memref<10000x128xf32, #tpu.memory_space<hbm>>) dst(%arg12 : memref<128x128xf32, #tpu.memory_space<vmem>>)
        %add3A_143 = arith.constant 1 : i32
        %add3A_144 = arith.addi %add3A_115, %add3A_143 : i32
        "tpu.region"() ({
          %run_scoped3A = tpu.sem_alloc : memref<!tpu.dma_semaphore, #tpu.memory_space<semaphore_mem>>
          %dma_start3A_145 = arith.constant 0 : i32
          %dma_start3A_146 = tpu.memref_slice %arg10[%add3A_144, %dma_start3A_145] : memref<32x128xi32, #tpu.memory_space<vmem>> -> memref<1x128xi32, #tpu.memory_space<vmem>>
          %dma_start3A_147 = tpu.memref_squeeze %dma_start3A_146 : memref<1x128xi32, #tpu.memory_space<vmem>> -> memref<128xi32, #tpu.memory_space<vmem>>
          %dma_start3A_148 = arith.constant 0 : i32
          %dma_start3A_149 = arith.constant 0 : i32
          %dma_start3A_150 = tpu.memref_slice %arg8[%dma_start3A_148, %dma_start3A_149] : memref<10008x128xf32, #tpu.memory_space<vmem_shared>> -> memref<10008x128xf32, #tpu.memory_space<vmem_shared>>
          tpu.enqueue_indirect_dma source(%arg12 : memref<128x128xf32, #tpu.memory_space<vmem>>) target(%dma_start3A_150 : memref<10008x128xf32, #tpu.memory_space<vmem_shared>>) offsets(%dma_start3A_147 : memref<128xi32, #tpu.memory_space<vmem>>) semaphore(%run_scoped3A : memref<!tpu.dma_semaphore, #tpu.memory_space<semaphore_mem>>) {add = true}
          %dma_wait3A_151 = arith.constant 0 : i32
          %dma_wait3A_152 = tpu.memref_slice %arg10[%add3A_144, %dma_wait3A_151] : memref<32x128xi32, #tpu.memory_space<vmem>> -> memref<1x128xi32, #tpu.memory_space<vmem>>
          %dma_wait3A_153 = tpu.memref_squeeze %dma_wait3A_152 : memref<1x128xi32, #tpu.memory_space<vmem>> -> memref<128xi32, #tpu.memory_space<vmem>>
          %dma_wait3A_154 = arith.constant 0 : i32
          %dma_wait3A_155 = arith.constant 0 : i32
          %dma_wait3A_156 = tpu.memref_slice %arg8[%dma_wait3A_154, %dma_wait3A_155] : memref<10008x128xf32, #tpu.memory_space<vmem_shared>> -> memref<10008x128xf32, #tpu.memory_space<vmem_shared>>
          tpu.wait_indirect_dma semaphore(%run_scoped3A : memref<!tpu.dma_semaphore, #tpu.memory_space<semaphore_mem>>) src(%arg12 : memref<128x128xf32, #tpu.memory_space<vmem>>) dst(%dma_wait3A_156 : memref<10008x128xf32, #tpu.memory_space<vmem_shared>>)
          tpu.yield
        }) : () -> ()
      }
      %scan3A_86 = arith.constant 16 : i32
      "tpu.region"() ({
        %run_scoped3A = tpu.sem_alloc : memref<!tpu.dma_semaphore, #tpu.memory_space<semaphore_mem>>
        %dma_start3A_111 = arith.constant 64 : i32
        %dma_start3A_112 = arith.constant 0 : i32
        %dma_start3A_113 = tpu.memref_slice %arg3[%arg1, %dma_start3A_111, %dma_start3A_112] : memref<16x128x128xi32, #tpu.memory_space<hbm>> -> memref<1x32x128xi32, #tpu.memory_space<hbm>>
        %dma_start3A_114 = tpu.memref_squeeze %dma_start3A_113 : memref<1x32x128xi32, #tpu.memory_space<hbm>> -> memref<32x128xi32, #tpu.memory_space<hbm>>
        %dma_start3A_115 = arith.constant 64 : i32
        %dma_start3A_116 = arith.constant 0 : i32
        %dma_start3A_117 = tpu.memref_slice %arg3[%arg1, %dma_start3A_115, %dma_start3A_116] : memref<16x128x128xi32, #tpu.memory_space<hbm>> -> memref<1x32x128xi32, #tpu.memory_space<hbm>>
        %dma_start3A_118 = tpu.memref_squeeze %dma_start3A_117 : memref<1x32x128xi32, #tpu.memory_space<hbm>> -> memref<32x128xi32, #tpu.memory_space<hbm>>
        tpu.enqueue_dma source(%dma_start3A_118 : memref<32x128xi32, #tpu.memory_space<hbm>>) target(%arg9 : memref<32x128xi32, #tpu.memory_space<vmem>>) target_semaphore(%run_scoped3A : memref<!tpu.dma_semaphore, #tpu.memory_space<semaphore_mem>>)
        %dma_wait3A = arith.constant 64 : i32
        %dma_wait3A_119 = arith.constant 0 : i32
        %dma_wait3A_120 = tpu.memref_slice %arg3[%arg1, %dma_wait3A, %dma_wait3A_119] : memref<16x128x128xi32, #tpu.memory_space<hbm>> -> memref<1x32x128xi32, #tpu.memory_space<hbm>>
        %dma_wait3A_121 = tpu.memref_squeeze %dma_wait3A_120 : memref<1x32x128xi32, #tpu.memory_space<hbm>> -> memref<32x128xi32, #tpu.memory_space<hbm>>
        %dma_wait3A_122 = arith.constant 64 : i32
        %dma_wait3A_123 = arith.constant 0 : i32
        %dma_wait3A_124 = tpu.memref_slice %arg3[%arg1, %dma_wait3A_122, %dma_wait3A_123] : memref<16x128x128xi32, #tpu.memory_space<hbm>> -> memref<1x32x128xi32, #tpu.memory_space<hbm>>
        %dma_wait3A_125 = tpu.memref_squeeze %dma_wait3A_124 : memref<1x32x128xi32, #tpu.memory_space<hbm>> -> memref<32x128xi32, #tpu.memory_space<hbm>>
        tpu.wait_dma2 semaphore(%run_scoped3A : memref<!tpu.dma_semaphore, #tpu.memory_space<semaphore_mem>>) src(%dma_wait3A_125 : memref<32x128xi32, #tpu.memory_space<hbm>>) dst(%arg9 : memref<32x128xi32, #tpu.memory_space<vmem>>)
        tpu.yield
      }) : () -> ()
      "tpu.region"() ({
        %run_scoped3A = tpu.sem_alloc : memref<!tpu.dma_semaphore, #tpu.memory_space<semaphore_mem>>
        %dma_start3A_111 = arith.constant 64 : i32
        %dma_start3A_112 = arith.constant 0 : i32
        %dma_start3A_113 = tpu.memref_slice %arg4[%arg1, %dma_start3A_111, %dma_start3A_112] : memref<16x128x128xi32, #tpu.memory_space<hbm>> -> memref<1x32x128xi32, #tpu.memory_space<hbm>>
        %dma_start3A_114 = tpu.memref_squeeze %dma_start3A_113 : memref<1x32x128xi32, #tpu.memory_space<hbm>> -> memref<32x128xi32, #tpu.memory_space<hbm>>
        %dma_start3A_115 = arith.constant 64 : i32
        %dma_start3A_116 = arith.constant 0 : i32
        %dma_start3A_117 = tpu.memref_slice %arg4[%arg1, %dma_start3A_115, %dma_start3A_116] : memref<16x128x128xi32, #tpu.memory_space<hbm>> -> memref<1x32x128xi32, #tpu.memory_space<hbm>>
        %dma_start3A_118 = tpu.memref_squeeze %dma_start3A_117 : memref<1x32x128xi32, #tpu.memory_space<hbm>> -> memref<32x128xi32, #tpu.memory_space<hbm>>
        tpu.enqueue_dma source(%dma_start3A_118 : memref<32x128xi32, #tpu.memory_space<hbm>>) target(%arg10 : memref<32x128xi32, #tpu.memory_space<vmem>>) target_semaphore(%run_scoped3A : memref<!tpu.dma_semaphore, #tpu.memory_space<semaphore_mem>>)
        %dma_wait3A = arith.constant 64 : i32
        %dma_wait3A_119 = arith.constant 0 : i32
        %dma_wait3A_120 = tpu.memref_slice %arg4[%arg1, %dma_wait3A, %dma_wait3A_119] : memref<16x128x128xi32, #tpu.memory_space<hbm>> -> memref<1x32x128xi32, #tpu.memory_space<hbm>>
        %dma_wait3A_121 = tpu.memref_squeeze %dma_wait3A_120 : memref<1x32x128xi32, #tpu.memory_space<hbm>> -> memref<32x128xi32, #tpu.memory_space<hbm>>
        %dma_wait3A_122 = arith.constant 64 : i32
        %dma_wait3A_123 = arith.constant 0 : i32
        %dma_wait3A_124 = tpu.memref_slice %arg4[%arg1, %dma_wait3A_122, %dma_wait3A_123] : memref<16x128x128xi32, #tpu.memory_space<hbm>> -> memref<1x32x128xi32, #tpu.memory_space<hbm>>
        %dma_wait3A_125 = tpu.memref_squeeze %dma_wait3A_124 : memref<1x32x128xi32, #tpu.memory_space<hbm>> -> memref<32x128xi32, #tpu.memory_space<hbm>>
        tpu.wait_dma2 semaphore(%run_scoped3A : memref<!tpu.dma_semaphore, #tpu.memory_space<semaphore_mem>>) src(%dma_wait3A_125 : memref<32x128xi32, #tpu.memory_space<hbm>>) dst(%arg10 : memref<32x128xi32, #tpu.memory_space<vmem>>)
        tpu.yield
      }) : () -> ()
      %dma_start3A_87 = arith.constant 0 : i32
      %dma_start3A_88 = arith.constant 0 : i32
      %dma_start3A_89 = tpu.memref_slice %arg9[%dma_start3A_87, %dma_start3A_88] : memref<32x128xi32, #tpu.memory_space<vmem>> -> memref<1x128xi32, #tpu.memory_space<vmem>>
      %dma_start3A_90 = tpu.memref_squeeze %dma_start3A_89 : memref<1x128xi32, #tpu.memory_space<vmem>> -> memref<128xi32, #tpu.memory_space<vmem>>
      %dma_start3A_91 = arith.constant 0 : i32
      %dma_start3A_92 = arith.constant 0 : i32
      %dma_start3A_93 = tpu.memref_slice %arg2[%dma_start3A_91, %dma_start3A_92] : memref<10000x128xf32, #tpu.memory_space<hbm>> -> memref<10000x128xf32, #tpu.memory_space<hbm>>
      tpu.enqueue_indirect_dma source(%dma_start3A_93 : memref<10000x128xf32, #tpu.memory_space<hbm>>) target(%arg11 : memref<128x128xf32, #tpu.memory_space<vmem>>) offsets(%dma_start3A_90 : memref<128xi32, #tpu.memory_space<vmem>>) semaphore(%arg13 : memref<!tpu.dma_semaphore, #tpu.memory_space<semaphore_mem>>)
      %scan3A_94 = arith.constant 0 : i32
      %scan3A_95 = arith.constant 16 : i32
      %scan3A_96 = arith.addi %scan3A_94, %scan3A_95 : i32
      %scan3A_97 = arith.constant 1 : i32
      scf.for %scan3A_111 = %scan3A_94 to %scan3A_96 step %scan3A_97  : i32 {
        %mul3A_112 = arith.constant 2 : i32
        %mul3A_113 = arith.muli %scan3A_111, %mul3A_112 : i32
        %add3A_114 = arith.constant 0 : i32
        %add3A_115 = arith.addi %add3A_114, %mul3A_113 : i32
        %add3A_116 = arith.constant 1 : i32
        %add3A_117 = arith.addi %add3A_115, %add3A_116 : i32
        %dma_start3A_118 = arith.constant 0 : i32
        %dma_start3A_119 = tpu.memref_slice %arg9[%add3A_117, %dma_start3A_118] : memref<32x128xi32, #tpu.memory_space<vmem>> -> memref<1x128xi32, #tpu.memory_space<vmem>>
        %dma_start3A_120 = tpu.memref_squeeze %dma_start3A_119 : memref<1x128xi32, #tpu.memory_space<vmem>> -> memref<128xi32, #tpu.memory_space<vmem>>
        %dma_start3A_121 = arith.constant 0 : i32
        %dma_start3A_122 = arith.constant 0 : i32
        %dma_start3A_123 = tpu.memref_slice %arg2[%dma_start3A_121, %dma_start3A_122] : memref<10000x128xf32, #tpu.memory_space<hbm>> -> memref<10000x128xf32, #tpu.memory_space<hbm>>
        tpu.enqueue_indirect_dma source(%dma_start3A_123 : memref<10000x128xf32, #tpu.memory_space<hbm>>) target(%arg12 : memref<128x128xf32, #tpu.memory_space<vmem>>) offsets(%dma_start3A_120 : memref<128xi32, #tpu.memory_space<vmem>>) semaphore(%arg14 : memref<!tpu.dma_semaphore, #tpu.memory_space<semaphore_mem>>)
        %dma_wait3A = arith.constant 0 : i32
        %dma_wait3A_124 = tpu.memref_slice %arg9[%add3A_115, %dma_wait3A] : memref<32x128xi32, #tpu.memory_space<vmem>> -> memref<1x128xi32, #tpu.memory_space<vmem>>
        %dma_wait3A_125 = tpu.memref_squeeze %dma_wait3A_124 : memref<1x128xi32, #tpu.memory_space<vmem>> -> memref<128xi32, #tpu.memory_space<vmem>>
        %dma_wait3A_126 = arith.constant 0 : i32
        %dma_wait3A_127 = arith.constant 0 : i32
        %dma_wait3A_128 = tpu.memref_slice %arg2[%dma_wait3A_126, %dma_wait3A_127] : memref<10000x128xf32, #tpu.memory_space<hbm>> -> memref<10000x128xf32, #tpu.memory_space<hbm>>
        tpu.wait_indirect_dma semaphore(%arg13 : memref<!tpu.dma_semaphore, #tpu.memory_space<semaphore_mem>>) src(%dma_wait3A_128 : memref<10000x128xf32, #tpu.memory_space<hbm>>) dst(%arg11 : memref<128x128xf32, #tpu.memory_space<vmem>>)
        "tpu.region"() ({
          %run_scoped3A = tpu.sem_alloc : memref<!tpu.dma_semaphore, #tpu.memory_space<semaphore_mem>>
          %dma_start3A_145 = arith.constant 0 : i32
          %dma_start3A_146 = tpu.memref_slice %arg10[%add3A_115, %dma_start3A_145] : memref<32x128xi32, #tpu.memory_space<vmem>> -> memref<1x128xi32, #tpu.memory_space<vmem>>
          %dma_start3A_147 = tpu.memref_squeeze %dma_start3A_146 : memref<1x128xi32, #tpu.memory_space<vmem>> -> memref<128xi32, #tpu.memory_space<vmem>>
          %dma_start3A_148 = arith.constant 0 : i32
          %dma_start3A_149 = arith.constant 0 : i32
          %dma_start3A_150 = tpu.memref_slice %arg8[%dma_start3A_148, %dma_start3A_149] : memref<10008x128xf32, #tpu.memory_space<vmem_shared>> -> memref<10008x128xf32, #tpu.memory_space<vmem_shared>>
          tpu.enqueue_indirect_dma source(%arg11 : memref<128x128xf32, #tpu.memory_space<vmem>>) target(%dma_start3A_150 : memref<10008x128xf32, #tpu.memory_space<vmem_shared>>) offsets(%dma_start3A_147 : memref<128xi32, #tpu.memory_space<vmem>>) semaphore(%run_scoped3A : memref<!tpu.dma_semaphore, #tpu.memory_space<semaphore_mem>>) {add = true}
          %dma_wait3A_151 = arith.constant 0 : i32
          %dma_wait3A_152 = tpu.memref_slice %arg10[%add3A_115, %dma_wait3A_151] : memref<32x128xi32, #tpu.memory_space<vmem>> -> memref<1x128xi32, #tpu.memory_space<vmem>>
          %dma_wait3A_153 = tpu.memref_squeeze %dma_wait3A_152 : memref<1x128xi32, #tpu.memory_space<vmem>> -> memref<128xi32, #tpu.memory_space<vmem>>
          %dma_wait3A_154 = arith.constant 0 : i32
          %dma_wait3A_155 = arith.constant 0 : i32
          %dma_wait3A_156 = tpu.memref_slice %arg8[%dma_wait3A_154, %dma_wait3A_155] : memref<10008x128xf32, #tpu.memory_space<vmem_shared>> -> memref<10008x128xf32, #tpu.memory_space<vmem_shared>>
          tpu.wait_indirect_dma semaphore(%run_scoped3A : memref<!tpu.dma_semaphore, #tpu.memory_space<semaphore_mem>>) src(%arg11 : memref<128x128xf32, #tpu.memory_space<vmem>>) dst(%dma_wait3A_156 : memref<10008x128xf32, #tpu.memory_space<vmem_shared>>)
          tpu.yield
        }) : () -> ()
        %add3A_129 = arith.constant 2 : i32
        %add3A_130 = arith.addi %add3A_115, %add3A_129 : i32
        %lt3A = arith.constant 32 : i32
        %lt3A_131 = arith.cmpi slt, %add3A_130, %lt3A : i32
        %convert_element_type3A_132 = arith.extui %lt3A_131 : i1 to i32
        %cond3A_133 = arith.constant 0 : i32
        %cond3A_134 = arith.cmpi ne, %convert_element_type3A_132, %cond3A_133 : i32
        scf.if %cond3A_134 {
          %add3A_145 = arith.constant 2 : i32
          %add3A_146 = arith.addi %add3A_115, %add3A_145 : i32
          %dma_start3A_147 = arith.constant 0 : i32
          %dma_start3A_148 = tpu.memref_slice %arg9[%add3A_146, %dma_start3A_147] : memref<32x128xi32, #tpu.memory_space<vmem>> -> memref<1x128xi32, #tpu.memory_space<vmem>>
          %dma_start3A_149 = tpu.memref_squeeze %dma_start3A_148 : memref<1x128xi32, #tpu.memory_space<vmem>> -> memref<128xi32, #tpu.memory_space<vmem>>
          %dma_start3A_150 = arith.constant 0 : i32
          %dma_start3A_151 = arith.constant 0 : i32
          %dma_start3A_152 = tpu.memref_slice %arg2[%dma_start3A_150, %dma_start3A_151] : memref<10000x128xf32, #tpu.memory_space<hbm>> -> memref<10000x128xf32, #tpu.memory_space<hbm>>
          tpu.enqueue_indirect_dma source(%dma_start3A_152 : memref<10000x128xf32, #tpu.memory_space<hbm>>) target(%arg11 : memref<128x128xf32, #tpu.memory_space<vmem>>) offsets(%dma_start3A_149 : memref<128xi32, #tpu.memory_space<vmem>>) semaphore(%arg13 : memref<!tpu.dma_semaphore, #tpu.memory_space<semaphore_mem>>)
        } else {
        }
        %add3A_135 = arith.constant 1 : i32
        %add3A_136 = arith.addi %add3A_115, %add3A_135 : i32
        %dma_wait3A_137 = arith.constant 0 : i32
        %dma_wait3A_138 = tpu.memref_slice %arg9[%add3A_136, %dma_wait3A_137] : memref<32x128xi32, #tpu.memory_space<vmem>> -> memref<1x128xi32, #tpu.memory_space<vmem>>
        %dma_wait3A_139 = tpu.memref_squeeze %dma_wait3A_138 : memref<1x128xi32, #tpu.memory_space<vmem>> -> memref<128xi32, #tpu.memory_space<vmem>>
        %dma_wait3A_140 = arith.constant 0 : i32
        %dma_wait3A_141 = arith.constant 0 : i32
        %dma_wait3A_142 = tpu.memref_slice %arg2[%dma_wait3A_140, %dma_wait3A_141] : memref<10000x128xf32, #tpu.memory_space<hbm>> -> memref<10000x128xf32, #tpu.memory_space<hbm>>
        tpu.wait_indirect_dma semaphore(%arg14 : memref<!tpu.dma_semaphore, #tpu.memory_space<semaphore_mem>>) src(%dma_wait3A_142 : memref<10000x128xf32, #tpu.memory_space<hbm>>) dst(%arg12 : memref<128x128xf32, #tpu.memory_space<vmem>>)
        %add3A_143 = arith.constant 1 : i32
        %add3A_144 = arith.addi %add3A_115, %add3A_143 : i32
        "tpu.region"() ({
          %run_scoped3A = tpu.sem_alloc : memref<!tpu.dma_semaphore, #tpu.memory_space<semaphore_mem>>
          %dma_start3A_145 = arith.constant 0 : i32
          %dma_start3A_146 = tpu.memref_slice %arg10[%add3A_144, %dma_start3A_145] : memref<32x128xi32, #tpu.memory_space<vmem>> -> memref<1x128xi32, #tpu.memory_space<vmem>>
          %dma_start3A_147 = tpu.memref_squeeze %dma_start3A_146 : memref<1x128xi32, #tpu.memory_space<vmem>> -> memref<128xi32, #tpu.memory_space<vmem>>
          %dma_start3A_148 = arith.constant 0 : i32
          %dma_start3A_149 = arith.constant 0 : i32
          %dma_start3A_150 = tpu.memref_slice %arg8[%dma_start3A_148, %dma_start3A_149] : memref<10008x128xf32, #tpu.memory_space<vmem_shared>> -> memref<10008x128xf32, #tpu.memory_space<vmem_shared>>
          tpu.enqueue_indirect_dma source(%arg12 : memref<128x128xf32, #tpu.memory_space<vmem>>) target(%dma_start3A_150 : memref<10008x128xf32, #tpu.memory_space<vmem_shared>>) offsets(%dma_start3A_147 : memref<128xi32, #tpu.memory_space<vmem>>) semaphore(%run_scoped3A : memref<!tpu.dma_semaphore, #tpu.memory_space<semaphore_mem>>) {add = true}
          %dma_wait3A_151 = arith.constant 0 : i32
          %dma_wait3A_152 = tpu.memref_slice %arg10[%add3A_144, %dma_wait3A_151] : memref<32x128xi32, #tpu.memory_space<vmem>> -> memref<1x128xi32, #tpu.memory_space<vmem>>
          %dma_wait3A_153 = tpu.memref_squeeze %dma_wait3A_152 : memref<1x128xi32, #tpu.memory_space<vmem>> -> memref<128xi32, #tpu.memory_space<vmem>>
          %dma_wait3A_154 = arith.constant 0 : i32
          %dma_wait3A_155 = arith.constant 0 : i32
          %dma_wait3A_156 = tpu.memref_slice %arg8[%dma_wait3A_154, %dma_wait3A_155] : memref<10008x128xf32, #tpu.memory_space<vmem_shared>> -> memref<10008x128xf32, #tpu.memory_space<vmem_shared>>
          tpu.wait_indirect_dma semaphore(%run_scoped3A : memref<!tpu.dma_semaphore, #tpu.memory_space<semaphore_mem>>) src(%arg12 : memref<128x128xf32, #tpu.memory_space<vmem>>) dst(%dma_wait3A_156 : memref<10008x128xf32, #tpu.memory_space<vmem_shared>>)
          tpu.yield
        }) : () -> ()
      }
      %scan3A_98 = arith.constant 16 : i32
      "tpu.region"() ({
        %run_scoped3A = tpu.sem_alloc : memref<!tpu.dma_semaphore, #tpu.memory_space<semaphore_mem>>
        %dma_start3A_111 = arith.constant 96 : i32
        %dma_start3A_112 = arith.constant 0 : i32
        %dma_start3A_113 = tpu.memref_slice %arg3[%arg1, %dma_start3A_111, %dma_start3A_112] : memref<16x128x128xi32, #tpu.memory_space<hbm>> -> memref<1x32x128xi32, #tpu.memory_space<hbm>>
        %dma_start3A_114 = tpu.memref_squeeze %dma_start3A_113 : memref<1x32x128xi32, #tpu.memory_space<hbm>> -> memref<32x128xi32, #tpu.memory_space<hbm>>
        %dma_start3A_115 = arith.constant 96 : i32
        %dma_start3A_116 = arith.constant 0 : i32
        %dma_start3A_117 = tpu.memref_slice %arg3[%arg1, %dma_start3A_115, %dma_start3A_116] : memref<16x128x128xi32, #tpu.memory_space<hbm>> -> memref<1x32x128xi32, #tpu.memory_space<hbm>>
        %dma_start3A_118 = tpu.memref_squeeze %dma_start3A_117 : memref<1x32x128xi32, #tpu.memory_space<hbm>> -> memref<32x128xi32, #tpu.memory_space<hbm>>
        tpu.enqueue_dma source(%dma_start3A_118 : memref<32x128xi32, #tpu.memory_space<hbm>>) target(%arg9 : memref<32x128xi32, #tpu.memory_space<vmem>>) target_semaphore(%run_scoped3A : memref<!tpu.dma_semaphore, #tpu.memory_space<semaphore_mem>>)
        %dma_wait3A = arith.constant 96 : i32
        %dma_wait3A_119 = arith.constant 0 : i32
        %dma_wait3A_120 = tpu.memref_slice %arg3[%arg1, %dma_wait3A, %dma_wait3A_119] : memref<16x128x128xi32, #tpu.memory_space<hbm>> -> memref<1x32x128xi32, #tpu.memory_space<hbm>>
        %dma_wait3A_121 = tpu.memref_squeeze %dma_wait3A_120 : memref<1x32x128xi32, #tpu.memory_space<hbm>> -> memref<32x128xi32, #tpu.memory_space<hbm>>
        %dma_wait3A_122 = arith.constant 96 : i32
        %dma_wait3A_123 = arith.constant 0 : i32
        %dma_wait3A_124 = tpu.memref_slice %arg3[%arg1, %dma_wait3A_122, %dma_wait3A_123] : memref<16x128x128xi32, #tpu.memory_space<hbm>> -> memref<1x32x128xi32, #tpu.memory_space<hbm>>
        %dma_wait3A_125 = tpu.memref_squeeze %dma_wait3A_124 : memref<1x32x128xi32, #tpu.memory_space<hbm>> -> memref<32x128xi32, #tpu.memory_space<hbm>>
        tpu.wait_dma2 semaphore(%run_scoped3A : memref<!tpu.dma_semaphore, #tpu.memory_space<semaphore_mem>>) src(%dma_wait3A_125 : memref<32x128xi32, #tpu.memory_space<hbm>>) dst(%arg9 : memref<32x128xi32, #tpu.memory_space<vmem>>)
        tpu.yield
      }) : () -> ()
      "tpu.region"() ({
        %run_scoped3A = tpu.sem_alloc : memref<!tpu.dma_semaphore, #tpu.memory_space<semaphore_mem>>
        %dma_start3A_111 = arith.constant 96 : i32
        %dma_start3A_112 = arith.constant 0 : i32
        %dma_start3A_113 = tpu.memref_slice %arg4[%arg1, %dma_start3A_111, %dma_start3A_112] : memref<16x128x128xi32, #tpu.memory_space<hbm>> -> memref<1x32x128xi32, #tpu.memory_space<hbm>>
        %dma_start3A_114 = tpu.memref_squeeze %dma_start3A_113 : memref<1x32x128xi32, #tpu.memory_space<hbm>> -> memref<32x128xi32, #tpu.memory_space<hbm>>
        %dma_start3A_115 = arith.constant 96 : i32
        %dma_start3A_116 = arith.constant 0 : i32
        %dma_start3A_117 = tpu.memref_slice %arg4[%arg1, %dma_start3A_115, %dma_start3A_116] : memref<16x128x128xi32, #tpu.memory_space<hbm>> -> memref<1x32x128xi32, #tpu.memory_space<hbm>>
        %dma_start3A_118 = tpu.memref_squeeze %dma_start3A_117 : memref<1x32x128xi32, #tpu.memory_space<hbm>> -> memref<32x128xi32, #tpu.memory_space<hbm>>
        tpu.enqueue_dma source(%dma_start3A_118 : memref<32x128xi32, #tpu.memory_space<hbm>>) target(%arg10 : memref<32x128xi32, #tpu.memory_space<vmem>>) target_semaphore(%run_scoped3A : memref<!tpu.dma_semaphore, #tpu.memory_space<semaphore_mem>>)
        %dma_wait3A = arith.constant 96 : i32
        %dma_wait3A_119 = arith.constant 0 : i32
        %dma_wait3A_120 = tpu.memref_slice %arg4[%arg1, %dma_wait3A, %dma_wait3A_119] : memref<16x128x128xi32, #tpu.memory_space<hbm>> -> memref<1x32x128xi32, #tpu.memory_space<hbm>>
        %dma_wait3A_121 = tpu.memref_squeeze %dma_wait3A_120 : memref<1x32x128xi32, #tpu.memory_space<hbm>> -> memref<32x128xi32, #tpu.memory_space<hbm>>
        %dma_wait3A_122 = arith.constant 96 : i32
        %dma_wait3A_123 = arith.constant 0 : i32
        %dma_wait3A_124 = tpu.memref_slice %arg4[%arg1, %dma_wait3A_122, %dma_wait3A_123] : memref<16x128x128xi32, #tpu.memory_space<hbm>> -> memref<1x32x128xi32, #tpu.memory_space<hbm>>
        %dma_wait3A_125 = tpu.memref_squeeze %dma_wait3A_124 : memref<1x32x128xi32, #tpu.memory_space<hbm>> -> memref<32x128xi32, #tpu.memory_space<hbm>>
        tpu.wait_dma2 semaphore(%run_scoped3A : memref<!tpu.dma_semaphore, #tpu.memory_space<semaphore_mem>>) src(%dma_wait3A_125 : memref<32x128xi32, #tpu.memory_space<hbm>>) dst(%arg10 : memref<32x128xi32, #tpu.memory_space<vmem>>)
        tpu.yield
      }) : () -> ()
      %dma_start3A_99 = arith.constant 0 : i32
      %dma_start3A_100 = arith.constant 0 : i32
      %dma_start3A_101 = tpu.memref_slice %arg9[%dma_start3A_99, %dma_start3A_100] : memref<32x128xi32, #tpu.memory_space<vmem>> -> memref<1x128xi32, #tpu.memory_space<vmem>>
      %dma_start3A_102 = tpu.memref_squeeze %dma_start3A_101 : memref<1x128xi32, #tpu.memory_space<vmem>> -> memref<128xi32, #tpu.memory_space<vmem>>
      %dma_start3A_103 = arith.constant 0 : i32
      %dma_start3A_104 = arith.constant 0 : i32
      %dma_start3A_105 = tpu.memref_slice %arg2[%dma_start3A_103, %dma_start3A_104] : memref<10000x128xf32, #tpu.memory_space<hbm>> -> memref<10000x128xf32, #tpu.memory_space<hbm>>
      tpu.enqueue_indirect_dma source(%dma_start3A_105 : memref<10000x128xf32, #tpu.memory_space<hbm>>) target(%arg11 : memref<128x128xf32, #tpu.memory_space<vmem>>) offsets(%dma_start3A_102 : memref<128xi32, #tpu.memory_space<vmem>>) semaphore(%arg13 : memref<!tpu.dma_semaphore, #tpu.memory_space<semaphore_mem>>)
      %scan3A_106 = arith.constant 0 : i32
      %scan3A_107 = arith.constant 16 : i32
      %scan3A_108 = arith.addi %scan3A_106, %scan3A_107 : i32
      %scan3A_109 = arith.constant 1 : i32
      scf.for %scan3A_111 = %scan3A_106 to %scan3A_108 step %scan3A_109  : i32 {
        %mul3A_112 = arith.constant 2 : i32
        %mul3A_113 = arith.muli %scan3A_111, %mul3A_112 : i32
        %add3A_114 = arith.constant 0 : i32
        %add3A_115 = arith.addi %add3A_114, %mul3A_113 : i32
        %add3A_116 = arith.constant 1 : i32
        %add3A_117 = arith.addi %add3A_115, %add3A_116 : i32
        %dma_start3A_118 = arith.constant 0 : i32
        %dma_start3A_119 = tpu.memref_slice %arg9[%add3A_117, %dma_start3A_118] : memref<32x128xi32, #tpu.memory_space<vmem>> -> memref<1x128xi32, #tpu.memory_space<vmem>>
        %dma_start3A_120 = tpu.memref_squeeze %dma_start3A_119 : memref<1x128xi32, #tpu.memory_space<vmem>> -> memref<128xi32, #tpu.memory_space<vmem>>
        %dma_start3A_121 = arith.constant 0 : i32
        %dma_start3A_122 = arith.constant 0 : i32
        %dma_start3A_123 = tpu.memref_slice %arg2[%dma_start3A_121, %dma_start3A_122] : memref<10000x128xf32, #tpu.memory_space<hbm>> -> memref<10000x128xf32, #tpu.memory_space<hbm>>
        tpu.enqueue_indirect_dma source(%dma_start3A_123 : memref<10000x128xf32, #tpu.memory_space<hbm>>) target(%arg12 : memref<128x128xf32, #tpu.memory_space<vmem>>) offsets(%dma_start3A_120 : memref<128xi32, #tpu.memory_space<vmem>>) semaphore(%arg14 : memref<!tpu.dma_semaphore, #tpu.memory_space<semaphore_mem>>)
        %dma_wait3A = arith.constant 0 : i32
        %dma_wait3A_124 = tpu.memref_slice %arg9[%add3A_115, %dma_wait3A] : memref<32x128xi32, #tpu.memory_space<vmem>> -> memref<1x128xi32, #tpu.memory_space<vmem>>
        %dma_wait3A_125 = tpu.memref_squeeze %dma_wait3A_124 : memref<1x128xi32, #tpu.memory_space<vmem>> -> memref<128xi32, #tpu.memory_space<vmem>>
        %dma_wait3A_126 = arith.constant 0 : i32
        %dma_wait3A_127 = arith.constant 0 : i32
        %dma_wait3A_128 = tpu.memref_slice %arg2[%dma_wait3A_126, %dma_wait3A_127] : memref<10000x128xf32, #tpu.memory_space<hbm>> -> memref<10000x128xf32, #tpu.memory_space<hbm>>
        tpu.wait_indirect_dma semaphore(%arg13 : memref<!tpu.dma_semaphore, #tpu.memory_space<semaphore_mem>>) src(%dma_wait3A_128 : memref<10000x128xf32, #tpu.memory_space<hbm>>) dst(%arg11 : memref<128x128xf32, #tpu.memory_space<vmem>>)
        "tpu.region"() ({
          %run_scoped3A = tpu.sem_alloc : memref<!tpu.dma_semaphore, #tpu.memory_space<semaphore_mem>>
          %dma_start3A_145 = arith.constant 0 : i32
          %dma_start3A_146 = tpu.memref_slice %arg10[%add3A_115, %dma_start3A_145] : memref<32x128xi32, #tpu.memory_space<vmem>> -> memref<1x128xi32, #tpu.memory_space<vmem>>
          %dma_start3A_147 = tpu.memref_squeeze %dma_start3A_146 : memref<1x128xi32, #tpu.memory_space<vmem>> -> memref<128xi32, #tpu.memory_space<vmem>>
          %dma_start3A_148 = arith.constant 0 : i32
          %dma_start3A_149 = arith.constant 0 : i32
          %dma_start3A_150 = tpu.memref_slice %arg8[%dma_start3A_148, %dma_start3A_149] : memref<10008x128xf32, #tpu.memory_space<vmem_shared>> -> memref<10008x128xf32, #tpu.memory_space<vmem_shared>>
          tpu.enqueue_indirect_dma source(%arg11 : memref<128x128xf32, #tpu.memory_space<vmem>>) target(%dma_start3A_150 : memref<10008x128xf32, #tpu.memory_space<vmem_shared>>) offsets(%dma_start3A_147 : memref<128xi32, #tpu.memory_space<vmem>>) semaphore(%run_scoped3A : memref<!tpu.dma_semaphore, #tpu.memory_space<semaphore_mem>>) {add = true}
          %dma_wait3A_151 = arith.constant 0 : i32
          %dma_wait3A_152 = tpu.memref_slice %arg10[%add3A_115, %dma_wait3A_151] : memref<32x128xi32, #tpu.memory_space<vmem>> -> memref<1x128xi32, #tpu.memory_space<vmem>>
          %dma_wait3A_153 = tpu.memref_squeeze %dma_wait3A_152 : memref<1x128xi32, #tpu.memory_space<vmem>> -> memref<128xi32, #tpu.memory_space<vmem>>
          %dma_wait3A_154 = arith.constant 0 : i32
          %dma_wait3A_155 = arith.constant 0 : i32
          %dma_wait3A_156 = tpu.memref_slice %arg8[%dma_wait3A_154, %dma_wait3A_155] : memref<10008x128xf32, #tpu.memory_space<vmem_shared>> -> memref<10008x128xf32, #tpu.memory_space<vmem_shared>>
          tpu.wait_indirect_dma semaphore(%run_scoped3A : memref<!tpu.dma_semaphore, #tpu.memory_space<semaphore_mem>>) src(%arg11 : memref<128x128xf32, #tpu.memory_space<vmem>>) dst(%dma_wait3A_156 : memref<10008x128xf32, #tpu.memory_space<vmem_shared>>)
          tpu.yield
        }) : () -> ()
        %add3A_129 = arith.constant 2 : i32
        %add3A_130 = arith.addi %add3A_115, %add3A_129 : i32
        %lt3A = arith.constant 32 : i32
        %lt3A_131 = arith.cmpi slt, %add3A_130, %lt3A : i32
        %convert_element_type3A_132 = arith.extui %lt3A_131 : i1 to i32
        %cond3A_133 = arith.constant 0 : i32
        %cond3A_134 = arith.cmpi ne, %convert_element_type3A_132, %cond3A_133 : i32
        scf.if %cond3A_134 {
          %add3A_145 = arith.constant 2 : i32
          %add3A_146 = arith.addi %add3A_115, %add3A_145 : i32
          %dma_start3A_147 = arith.constant 0 : i32
          %dma_start3A_148 = tpu.memref_slice %arg9[%add3A_146, %dma_start3A_147] : memref<32x128xi32, #tpu.memory_space<vmem>> -> memref<1x128xi32, #tpu.memory_space<vmem>>
          %dma_start3A_149 = tpu.memref_squeeze %dma_start3A_148 : memref<1x128xi32, #tpu.memory_space<vmem>> -> memref<128xi32, #tpu.memory_space<vmem>>
          %dma_start3A_150 = arith.constant 0 : i32
          %dma_start3A_151 = arith.constant 0 : i32
          %dma_start3A_152 = tpu.memref_slice %arg2[%dma_start3A_150, %dma_start3A_151] : memref<10000x128xf32, #tpu.memory_space<hbm>> -> memref<10000x128xf32, #tpu.memory_space<hbm>>
          tpu.enqueue_indirect_dma source(%dma_start3A_152 : memref<10000x128xf32, #tpu.memory_space<hbm>>) target(%arg11 : memref<128x128xf32, #tpu.memory_space<vmem>>) offsets(%dma_start3A_149 : memref<128xi32, #tpu.memory_space<vmem>>) semaphore(%arg13 : memref<!tpu.dma_semaphore, #tpu.memory_space<semaphore_mem>>)
        } else {
        }
        %add3A_135 = arith.constant 1 : i32
        %add3A_136 = arith.addi %add3A_115, %add3A_135 : i32
        %dma_wait3A_137 = arith.constant 0 : i32
        %dma_wait3A_138 = tpu.memref_slice %arg9[%add3A_136, %dma_wait3A_137] : memref<32x128xi32, #tpu.memory_space<vmem>> -> memref<1x128xi32, #tpu.memory_space<vmem>>
        %dma_wait3A_139 = tpu.memref_squeeze %dma_wait3A_138 : memref<1x128xi32, #tpu.memory_space<vmem>> -> memref<128xi32, #tpu.memory_space<vmem>>
        %dma_wait3A_140 = arith.constant 0 : i32
        %dma_wait3A_141 = arith.constant 0 : i32
        %dma_wait3A_142 = tpu.memref_slice %arg2[%dma_wait3A_140, %dma_wait3A_141] : memref<10000x128xf32, #tpu.memory_space<hbm>> -> memref<10000x128xf32, #tpu.memory_space<hbm>>
        tpu.wait_indirect_dma semaphore(%arg14 : memref<!tpu.dma_semaphore, #tpu.memory_space<semaphore_mem>>) src(%dma_wait3A_142 : memref<10000x128xf32, #tpu.memory_space<hbm>>) dst(%arg12 : memref<128x128xf32, #tpu.memory_space<vmem>>)
        %add3A_143 = arith.constant 1 : i32
        %add3A_144 = arith.addi %add3A_115, %add3A_143 : i32
        "tpu.region"() ({
          %run_scoped3A = tpu.sem_alloc : memref<!tpu.dma_semaphore, #tpu.memory_space<semaphore_mem>>
          %dma_start3A_145 = arith.constant 0 : i32
          %dma_start3A_146 = tpu.memref_slice %arg10[%add3A_144, %dma_start3A_145] : memref<32x128xi32, #tpu.memory_space<vmem>> -> memref<1x128xi32, #tpu.memory_space<vmem>>
          %dma_start3A_147 = tpu.memref_squeeze %dma_start3A_146 : memref<1x128xi32, #tpu.memory_space<vmem>> -> memref<128xi32, #tpu.memory_space<vmem>>
          %dma_start3A_148 = arith.constant 0 : i32
          %dma_start3A_149 = arith.constant 0 : i32
          %dma_start3A_150 = tpu.memref_slice %arg8[%dma_start3A_148, %dma_start3A_149] : memref<10008x128xf32, #tpu.memory_space<vmem_shared>> -> memref<10008x128xf32, #tpu.memory_space<vmem_shared>>
          tpu.enqueue_indirect_dma source(%arg12 : memref<128x128xf32, #tpu.memory_space<vmem>>) target(%dma_start3A_150 : memref<10008x128xf32, #tpu.memory_space<vmem_shared>>) offsets(%dma_start3A_147 : memref<128xi32, #tpu.memory_space<vmem>>) semaphore(%run_scoped3A : memref<!tpu.dma_semaphore, #tpu.memory_space<semaphore_mem>>) {add = true}
          %dma_wait3A_151 = arith.constant 0 : i32
          %dma_wait3A_152 = tpu.memref_slice %arg10[%add3A_144, %dma_wait3A_151] : memref<32x128xi32, #tpu.memory_space<vmem>> -> memref<1x128xi32, #tpu.memory_space<vmem>>
          %dma_wait3A_153 = tpu.memref_squeeze %dma_wait3A_152 : memref<1x128xi32, #tpu.memory_space<vmem>> -> memref<128xi32, #tpu.memory_space<vmem>>
          %dma_wait3A_154 = arith.constant 0 : i32
          %dma_wait3A_155 = arith.constant 0 : i32
          %dma_wait3A_156 = tpu.memref_slice %arg8[%dma_wait3A_154, %dma_wait3A_155] : memref<10008x128xf32, #tpu.memory_space<vmem_shared>> -> memref<10008x128xf32, #tpu.memory_space<vmem_shared>>
          tpu.wait_indirect_dma semaphore(%run_scoped3A : memref<!tpu.dma_semaphore, #tpu.memory_space<semaphore_mem>>) src(%arg12 : memref<128x128xf32, #tpu.memory_space<vmem>>) dst(%dma_wait3A_156 : memref<10008x128xf32, #tpu.memory_space<vmem_shared>>)
          tpu.yield
        }) : () -> ()
      }
      %scan3A_110 = arith.constant 16 : i32
    } else {
    }
    %ne3A = arith.constant 0 : i32
    %ne3A_31 = arith.cmpi ne, %arg0, %ne3A : i32
    %convert_element_type3A_32 = arith.extui %ne3A_31 : i1 to i32
    %cond3A_33 = arith.constant 0 : i32
    %cond3A_34 = arith.cmpi ne, %convert_element_type3A_32, %cond3A_33 : i32
    scf.if %cond3A_34 {
      "tpu.region"() ({
        %run_scoped3A = tpu.sem_alloc : memref<!tpu.dma_semaphore, #tpu.memory_space<semaphore_mem>>
        %dma_start3A_75 = arith.constant 0 : i32
        %dma_start3A_76 = arith.constant 0 : i32
        %dma_start3A_77 = tpu.memref_slice %arg5[%arg1, %dma_start3A_75, %dma_start3A_76] : memref<16x32x128xi32, #tpu.memory_space<hbm>> -> memref<1x32x128xi32, #tpu.memory_space<hbm>>
        %dma_start3A_78 = tpu.memref_squeeze %dma_start3A_77 : memref<1x32x128xi32, #tpu.memory_space<hbm>> -> memref<32x128xi32, #tpu.memory_space<hbm>>
        %dma_start3A_79 = arith.constant 0 : i32
        %dma_start3A_80 = arith.constant 0 : i32
        %dma_start3A_81 = tpu.memref_slice %arg5[%arg1, %dma_start3A_79, %dma_start3A_80] : memref<16x32x128xi32, #tpu.memory_space<hbm>> -> memref<1x32x128xi32, #tpu.memory_space<hbm>>
        %dma_start3A_82 = tpu.memref_squeeze %dma_start3A_81 : memref<1x32x128xi32, #tpu.memory_space<hbm>> -> memref<32x128xi32, #tpu.memory_space<hbm>>
        tpu.enqueue_dma source(%dma_start3A_82 : memref<32x128xi32, #tpu.memory_space<hbm>>) target(%arg9 : memref<32x128xi32, #tpu.memory_space<vmem>>) target_semaphore(%run_scoped3A : memref<!tpu.dma_semaphore, #tpu.memory_space<semaphore_mem>>)
        %dma_wait3A = arith.constant 0 : i32
        %dma_wait3A_83 = arith.constant 0 : i32
        %dma_wait3A_84 = tpu.memref_slice %arg5[%arg1, %dma_wait3A, %dma_wait3A_83] : memref<16x32x128xi32, #tpu.memory_space<hbm>> -> memref<1x32x128xi32, #tpu.memory_space<hbm>>
        %dma_wait3A_85 = tpu.memref_squeeze %dma_wait3A_84 : memref<1x32x128xi32, #tpu.memory_space<hbm>> -> memref<32x128xi32, #tpu.memory_space<hbm>>
        %dma_wait3A_86 = arith.constant 0 : i32
        %dma_wait3A_87 = arith.constant 0 : i32
        %dma_wait3A_88 = tpu.memref_slice %arg5[%arg1, %dma_wait3A_86, %dma_wait3A_87] : memref<16x32x128xi32, #tpu.memory_space<hbm>> -> memref<1x32x128xi32, #tpu.memory_space<hbm>>
        %dma_wait3A_89 = tpu.memref_squeeze %dma_wait3A_88 : memref<1x32x128xi32, #tpu.memory_space<hbm>> -> memref<32x128xi32, #tpu.memory_space<hbm>>
        tpu.wait_dma2 semaphore(%run_scoped3A : memref<!tpu.dma_semaphore, #tpu.memory_space<semaphore_mem>>) src(%dma_wait3A_89 : memref<32x128xi32, #tpu.memory_space<hbm>>) dst(%arg9 : memref<32x128xi32, #tpu.memory_space<vmem>>)
        tpu.yield
      }) : () -> ()
      "tpu.region"() ({
        %run_scoped3A = tpu.sem_alloc : memref<!tpu.dma_semaphore, #tpu.memory_space<semaphore_mem>>
        %dma_start3A_75 = arith.constant 0 : i32
        %dma_start3A_76 = arith.constant 0 : i32
        %dma_start3A_77 = tpu.memref_slice %arg6[%arg1, %dma_start3A_75, %dma_start3A_76] : memref<16x32x128xi32, #tpu.memory_space<hbm>> -> memref<1x32x128xi32, #tpu.memory_space<hbm>>
        %dma_start3A_78 = tpu.memref_squeeze %dma_start3A_77 : memref<1x32x128xi32, #tpu.memory_space<hbm>> -> memref<32x128xi32, #tpu.memory_space<hbm>>
        %dma_start3A_79 = arith.constant 0 : i32
        %dma_start3A_80 = arith.constant 0 : i32
        %dma_start3A_81 = tpu.memref_slice %arg6[%arg1, %dma_start3A_79, %dma_start3A_80] : memref<16x32x128xi32, #tpu.memory_space<hbm>> -> memref<1x32x128xi32, #tpu.memory_space<hbm>>
        %dma_start3A_82 = tpu.memref_squeeze %dma_start3A_81 : memref<1x32x128xi32, #tpu.memory_space<hbm>> -> memref<32x128xi32, #tpu.memory_space<hbm>>
        tpu.enqueue_dma source(%dma_start3A_82 : memref<32x128xi32, #tpu.memory_space<hbm>>) target(%arg10 : memref<32x128xi32, #tpu.memory_space<vmem>>) target_semaphore(%run_scoped3A : memref<!tpu.dma_semaphore, #tpu.memory_space<semaphore_mem>>)
        %dma_wait3A = arith.constant 0 : i32
        %dma_wait3A_83 = arith.constant 0 : i32
        %dma_wait3A_84 = tpu.memref_slice %arg6[%arg1, %dma_wait3A, %dma_wait3A_83] : memref<16x32x128xi32, #tpu.memory_space<hbm>> -> memref<1x32x128xi32, #tpu.memory_space<hbm>>
        %dma_wait3A_85 = tpu.memref_squeeze %dma_wait3A_84 : memref<1x32x128xi32, #tpu.memory_space<hbm>> -> memref<32x128xi32, #tpu.memory_space<hbm>>
        %dma_wait3A_86 = arith.constant 0 : i32
        %dma_wait3A_87 = arith.constant 0 : i32
        %dma_wait3A_88 = tpu.memref_slice %arg6[%arg1, %dma_wait3A_86, %dma_wait3A_87] : memref<16x32x128xi32, #tpu.memory_space<hbm>> -> memref<1x32x128xi32, #tpu.memory_space<hbm>>
        %dma_wait3A_89 = tpu.memref_squeeze %dma_wait3A_88 : memref<1x32x128xi32, #tpu.memory_space<hbm>> -> memref<32x128xi32, #tpu.memory_space<hbm>>
        tpu.wait_dma2 semaphore(%run_scoped3A : memref<!tpu.dma_semaphore, #tpu.memory_space<semaphore_mem>>) src(%dma_wait3A_89 : memref<32x128xi32, #tpu.memory_space<hbm>>) dst(%arg10 : memref<32x128xi32, #tpu.memory_space<vmem>>)
        tpu.yield
      }) : () -> ()
      %dma_start3A = arith.constant 0 : i32
      %dma_start3A_65 = arith.constant 0 : i32
      %dma_start3A_66 = tpu.memref_slice %arg9[%dma_start3A, %dma_start3A_65] : memref<32x128xi32, #tpu.memory_space<vmem>> -> memref<1x128xi32, #tpu.memory_space<vmem>>
      %dma_start3A_67 = tpu.memref_squeeze %dma_start3A_66 : memref<1x128xi32, #tpu.memory_space<vmem>> -> memref<128xi32, #tpu.memory_space<vmem>>
      %dma_start3A_68 = arith.constant 0 : i32
      %dma_start3A_69 = arith.constant 0 : i32
      %dma_start3A_70 = tpu.memref_slice %arg2[%dma_start3A_68, %dma_start3A_69] : memref<10000x128xf32, #tpu.memory_space<hbm>> -> memref<10000x128xf32, #tpu.memory_space<hbm>>
      tpu.enqueue_indirect_dma source(%dma_start3A_70 : memref<10000x128xf32, #tpu.memory_space<hbm>>) target(%arg11 : memref<128x128xf32, #tpu.memory_space<vmem>>) offsets(%dma_start3A_67 : memref<128xi32, #tpu.memory_space<vmem>>) semaphore(%arg13 : memref<!tpu.dma_semaphore, #tpu.memory_space<semaphore_mem>>)
      %scan3A = arith.constant 0 : i32
      %scan3A_71 = arith.constant 16 : i32
      %scan3A_72 = arith.addi %scan3A, %scan3A_71 : i32
      %scan3A_73 = arith.constant 1 : i32
      scf.for %scan3A_75 = %scan3A to %scan3A_72 step %scan3A_73  : i32 {
        %mul3A_76 = arith.constant 2 : i32
        %mul3A_77 = arith.muli %scan3A_75, %mul3A_76 : i32
        %add3A_78 = arith.constant 0 : i32
        %add3A_79 = arith.addi %add3A_78, %mul3A_77 : i32
        %add3A_80 = arith.constant 1 : i32
        %add3A_81 = arith.addi %add3A_79, %add3A_80 : i32
        %dma_start3A_82 = arith.constant 0 : i32
        %dma_start3A_83 = tpu.memref_slice %arg9[%add3A_81, %dma_start3A_82] : memref<32x128xi32, #tpu.memory_space<vmem>> -> memref<1x128xi32, #tpu.memory_space<vmem>>
        %dma_start3A_84 = tpu.memref_squeeze %dma_start3A_83 : memref<1x128xi32, #tpu.memory_space<vmem>> -> memref<128xi32, #tpu.memory_space<vmem>>
        %dma_start3A_85 = arith.constant 0 : i32
        %dma_start3A_86 = arith.constant 0 : i32
        %dma_start3A_87 = tpu.memref_slice %arg2[%dma_start3A_85, %dma_start3A_86] : memref<10000x128xf32, #tpu.memory_space<hbm>> -> memref<10000x128xf32, #tpu.memory_space<hbm>>
        tpu.enqueue_indirect_dma source(%dma_start3A_87 : memref<10000x128xf32, #tpu.memory_space<hbm>>) target(%arg12 : memref<128x128xf32, #tpu.memory_space<vmem>>) offsets(%dma_start3A_84 : memref<128xi32, #tpu.memory_space<vmem>>) semaphore(%arg14 : memref<!tpu.dma_semaphore, #tpu.memory_space<semaphore_mem>>)
        %dma_wait3A = arith.constant 0 : i32
        %dma_wait3A_88 = tpu.memref_slice %arg9[%add3A_79, %dma_wait3A] : memref<32x128xi32, #tpu.memory_space<vmem>> -> memref<1x128xi32, #tpu.memory_space<vmem>>
        %dma_wait3A_89 = tpu.memref_squeeze %dma_wait3A_88 : memref<1x128xi32, #tpu.memory_space<vmem>> -> memref<128xi32, #tpu.memory_space<vmem>>
        %dma_wait3A_90 = arith.constant 0 : i32
        %dma_wait3A_91 = arith.constant 0 : i32
        %dma_wait3A_92 = tpu.memref_slice %arg2[%dma_wait3A_90, %dma_wait3A_91] : memref<10000x128xf32, #tpu.memory_space<hbm>> -> memref<10000x128xf32, #tpu.memory_space<hbm>>
        tpu.wait_indirect_dma semaphore(%arg13 : memref<!tpu.dma_semaphore, #tpu.memory_space<semaphore_mem>>) src(%dma_wait3A_92 : memref<10000x128xf32, #tpu.memory_space<hbm>>) dst(%arg11 : memref<128x128xf32, #tpu.memory_space<vmem>>)
        "tpu.region"() ({
          %run_scoped3A = tpu.sem_alloc : memref<!tpu.dma_semaphore, #tpu.memory_space<semaphore_mem>>
          %dma_start3A_109 = arith.constant 0 : i32
          %dma_start3A_110 = tpu.memref_slice %arg10[%add3A_79, %dma_start3A_109] : memref<32x128xi32, #tpu.memory_space<vmem>> -> memref<1x128xi32, #tpu.memory_space<vmem>>
          %dma_start3A_111 = tpu.memref_squeeze %dma_start3A_110 : memref<1x128xi32, #tpu.memory_space<vmem>> -> memref<128xi32, #tpu.memory_space<vmem>>
          %dma_start3A_112 = arith.constant 0 : i32
          %dma_start3A_113 = arith.constant 0 : i32
          %dma_start3A_114 = tpu.memref_slice %arg8[%dma_start3A_112, %dma_start3A_113] : memref<10008x128xf32, #tpu.memory_space<vmem_shared>> -> memref<10008x128xf32, #tpu.memory_space<vmem_shared>>
          tpu.enqueue_indirect_dma source(%arg11 : memref<128x128xf32, #tpu.memory_space<vmem>>) target(%dma_start3A_114 : memref<10008x128xf32, #tpu.memory_space<vmem_shared>>) offsets(%dma_start3A_111 : memref<128xi32, #tpu.memory_space<vmem>>) semaphore(%run_scoped3A : memref<!tpu.dma_semaphore, #tpu.memory_space<semaphore_mem>>) {add = true}
          %dma_wait3A_115 = arith.constant 0 : i32
          %dma_wait3A_116 = tpu.memref_slice %arg10[%add3A_79, %dma_wait3A_115] : memref<32x128xi32, #tpu.memory_space<vmem>> -> memref<1x128xi32, #tpu.memory_space<vmem>>
          %dma_wait3A_117 = tpu.memref_squeeze %dma_wait3A_116 : memref<1x128xi32, #tpu.memory_space<vmem>> -> memref<128xi32, #tpu.memory_space<vmem>>
          %dma_wait3A_118 = arith.constant 0 : i32
          %dma_wait3A_119 = arith.constant 0 : i32
          %dma_wait3A_120 = tpu.memref_slice %arg8[%dma_wait3A_118, %dma_wait3A_119] : memref<10008x128xf32, #tpu.memory_space<vmem_shared>> -> memref<10008x128xf32, #tpu.memory_space<vmem_shared>>
          tpu.wait_indirect_dma semaphore(%run_scoped3A : memref<!tpu.dma_semaphore, #tpu.memory_space<semaphore_mem>>) src(%arg11 : memref<128x128xf32, #tpu.memory_space<vmem>>) dst(%dma_wait3A_120 : memref<10008x128xf32, #tpu.memory_space<vmem_shared>>)
          tpu.yield
        }) : () -> ()
        %add3A_93 = arith.constant 2 : i32
        %add3A_94 = arith.addi %add3A_79, %add3A_93 : i32
        %lt3A = arith.constant 32 : i32
        %lt3A_95 = arith.cmpi slt, %add3A_94, %lt3A : i32
        %convert_element_type3A_96 = arith.extui %lt3A_95 : i1 to i32
        %cond3A_97 = arith.constant 0 : i32
        %cond3A_98 = arith.cmpi ne, %convert_element_type3A_96, %cond3A_97 : i32
        scf.if %cond3A_98 {
          %add3A_109 = arith.constant 2 : i32
          %add3A_110 = arith.addi %add3A_79, %add3A_109 : i32
          %dma_start3A_111 = arith.constant 0 : i32
          %dma_start3A_112 = tpu.memref_slice %arg9[%add3A_110, %dma_start3A_111] : memref<32x128xi32, #tpu.memory_space<vmem>> -> memref<1x128xi32, #tpu.memory_space<vmem>>
          %dma_start3A_113 = tpu.memref_squeeze %dma_start3A_112 : memref<1x128xi32, #tpu.memory_space<vmem>> -> memref<128xi32, #tpu.memory_space<vmem>>
          %dma_start3A_114 = arith.constant 0 : i32
          %dma_start3A_115 = arith.constant 0 : i32
          %dma_start3A_116 = tpu.memref_slice %arg2[%dma_start3A_114, %dma_start3A_115] : memref<10000x128xf32, #tpu.memory_space<hbm>> -> memref<10000x128xf32, #tpu.memory_space<hbm>>
          tpu.enqueue_indirect_dma source(%dma_start3A_116 : memref<10000x128xf32, #tpu.memory_space<hbm>>) target(%arg11 : memref<128x128xf32, #tpu.memory_space<vmem>>) offsets(%dma_start3A_113 : memref<128xi32, #tpu.memory_space<vmem>>) semaphore(%arg13 : memref<!tpu.dma_semaphore, #tpu.memory_space<semaphore_mem>>)
        } else {
        }
        %add3A_99 = arith.constant 1 : i32
        %add3A_100 = arith.addi %add3A_79, %add3A_99 : i32
        %dma_wait3A_101 = arith.constant 0 : i32
        %dma_wait3A_102 = tpu.memref_slice %arg9[%add3A_100, %dma_wait3A_101] : memref<32x128xi32, #tpu.memory_space<vmem>> -> memref<1x128xi32, #tpu.memory_space<vmem>>
        %dma_wait3A_103 = tpu.memref_squeeze %dma_wait3A_102 : memref<1x128xi32, #tpu.memory_space<vmem>> -> memref<128xi32, #tpu.memory_space<vmem>>
        %dma_wait3A_104 = arith.constant 0 : i32
        %dma_wait3A_105 = arith.constant 0 : i32
        %dma_wait3A_106 = tpu.memref_slice %arg2[%dma_wait3A_104, %dma_wait3A_105] : memref<10000x128xf32, #tpu.memory_space<hbm>> -> memref<10000x128xf32, #tpu.memory_space<hbm>>
        tpu.wait_indirect_dma semaphore(%arg14 : memref<!tpu.dma_semaphore, #tpu.memory_space<semaphore_mem>>) src(%dma_wait3A_106 : memref<10000x128xf32, #tpu.memory_space<hbm>>) dst(%arg12 : memref<128x128xf32, #tpu.memory_space<vmem>>)
        %add3A_107 = arith.constant 1 : i32
        %add3A_108 = arith.addi %add3A_79, %add3A_107 : i32
        "tpu.region"() ({
          %run_scoped3A = tpu.sem_alloc : memref<!tpu.dma_semaphore, #tpu.memory_space<semaphore_mem>>
          %dma_start3A_109 = arith.constant 0 : i32
          %dma_start3A_110 = tpu.memref_slice %arg10[%add3A_108, %dma_start3A_109] : memref<32x128xi32, #tpu.memory_space<vmem>> -> memref<1x128xi32, #tpu.memory_space<vmem>>
          %dma_start3A_111 = tpu.memref_squeeze %dma_start3A_110 : memref<1x128xi32, #tpu.memory_space<vmem>> -> memref<128xi32, #tpu.memory_space<vmem>>
          %dma_start3A_112 = arith.constant 0 : i32
          %dma_start3A_113 = arith.constant 0 : i32
          %dma_start3A_114 = tpu.memref_slice %arg8[%dma_start3A_112, %dma_start3A_113] : memref<10008x128xf32, #tpu.memory_space<vmem_shared>> -> memref<10008x128xf32, #tpu.memory_space<vmem_shared>>
          tpu.enqueue_indirect_dma source(%arg12 : memref<128x128xf32, #tpu.memory_space<vmem>>) target(%dma_start3A_114 : memref<10008x128xf32, #tpu.memory_space<vmem_shared>>) offsets(%dma_start3A_111 : memref<128xi32, #tpu.memory_space<vmem>>) semaphore(%run_scoped3A : memref<!tpu.dma_semaphore, #tpu.memory_space<semaphore_mem>>) {add = true}
          %dma_wait3A_115 = arith.constant 0 : i32
          %dma_wait3A_116 = tpu.memref_slice %arg10[%add3A_108, %dma_wait3A_115] : memref<32x128xi32, #tpu.memory_space<vmem>> -> memref<1x128xi32, #tpu.memory_space<vmem>>
          %dma_wait3A_117 = tpu.memref_squeeze %dma_wait3A_116 : memref<1x128xi32, #tpu.memory_space<vmem>> -> memref<128xi32, #tpu.memory_space<vmem>>
          %dma_wait3A_118 = arith.constant 0 : i32
          %dma_wait3A_119 = arith.constant 0 : i32
          %dma_wait3A_120 = tpu.memref_slice %arg8[%dma_wait3A_118, %dma_wait3A_119] : memref<10008x128xf32, #tpu.memory_space<vmem_shared>> -> memref<10008x128xf32, #tpu.memory_space<vmem_shared>>
          tpu.wait_indirect_dma semaphore(%run_scoped3A : memref<!tpu.dma_semaphore, #tpu.memory_space<semaphore_mem>>) src(%arg12 : memref<128x128xf32, #tpu.memory_space<vmem>>) dst(%dma_wait3A_120 : memref<10008x128xf32, #tpu.memory_space<vmem_shared>>)
          tpu.yield
        }) : () -> ()
      }
      %scan3A_74 = arith.constant 16 : i32
    } else {
    }
    %barrier3A_35 = arith.constant 0 : index
    tpu.barrier barrier_id(%barrier3A_35)
    %add3A_36 = arith.constant 0 : i32
    %add3A_37 = arith.addi %mul3A_0, %add3A_36 : i32
    "tpu.region"() ({
      %run_scoped3A = tpu.sem_alloc : memref<!tpu.dma_semaphore, #tpu.memory_space<semaphore_mem>>
      %dma_start3A = arith.constant 0 : i32
      %dma_start3A_65 = arith.constant 0 : i32
      %dma_start3A_66 = tpu.memref_slice %arg11[%dma_start3A, %dma_start3A_65] : memref<128x128xf32, #tpu.memory_space<vmem>> -> memref<104x128xf32, #tpu.memory_space<vmem>>
      %dma_start3A_67 = arith.constant 0 : i32
      %dma_start3A_68 = tpu.memref_slice %arg8[%add3A_37, %dma_start3A_67] : memref<10008x128xf32, #tpu.memory_space<vmem_shared>> -> memref<104x128xf32, #tpu.memory_space<vmem_shared>>
      %dma_start3A_69 = arith.constant 0 : i32
      %dma_start3A_70 = arith.constant 0 : i32
      %dma_start3A_71 = tpu.memref_slice %arg11[%dma_start3A_69, %dma_start3A_70] : memref<128x128xf32, #tpu.memory_space<vmem>> -> memref<104x128xf32, #tpu.memory_space<vmem>>
      %dma_start3A_72 = arith.constant 0 : i32
      %dma_start3A_73 = tpu.memref_slice %arg8[%add3A_37, %dma_start3A_72] : memref<10008x128xf32, #tpu.memory_space<vmem_shared>> -> memref<104x128xf32, #tpu.memory_space<vmem_shared>>
      tpu.enqueue_dma source(%dma_start3A_73 : memref<104x128xf32, #tpu.memory_space<vmem_shared>>) target(%dma_start3A_71 : memref<104x128xf32, #tpu.memory_space<vmem>>) target_semaphore(%run_scoped3A : memref<!tpu.dma_semaphore, #tpu.memory_space<semaphore_mem>>)
      %dma_wait3A = arith.constant 0 : i32
      %dma_wait3A_74 = arith.constant 0 : i32
      %dma_wait3A_75 = tpu.memref_slice %arg11[%dma_wait3A, %dma_wait3A_74] : memref<128x128xf32, #tpu.memory_space<vmem>> -> memref<104x128xf32, #tpu.memory_space<vmem>>
      %dma_wait3A_76 = arith.constant 0 : i32
      %dma_wait3A_77 = tpu.memref_slice %arg8[%add3A_37, %dma_wait3A_76] : memref<10008x128xf32, #tpu.memory_space<vmem_shared>> -> memref<104x128xf32, #tpu.memory_space<vmem_shared>>
      %dma_wait3A_78 = arith.constant 0 : i32
      %dma_wait3A_79 = arith.constant 0 : i32
      %dma_wait3A_80 = tpu.memref_slice %arg11[%dma_wait3A_78, %dma_wait3A_79] : memref<128x128xf32, #tpu.memory_space<vmem>> -> memref<104x128xf32, #tpu.memory_space<vmem>>
      %dma_wait3A_81 = arith.constant 0 : i32
      %dma_wait3A_82 = tpu.memref_slice %arg8[%add3A_37, %dma_wait3A_81] : memref<10008x128xf32, #tpu.memory_space<vmem_shared>> -> memref<104x128xf32, #tpu.memory_space<vmem_shared>>
      tpu.wait_dma2 semaphore(%run_scoped3A : memref<!tpu.dma_semaphore, #tpu.memory_space<semaphore_mem>>) src(%dma_wait3A_82 : memref<104x128xf32, #tpu.memory_space<vmem_shared>>) dst(%dma_wait3A_80 : memref<104x128xf32, #tpu.memory_space<vmem>>)
      tpu.yield
    }) : () -> ()
    %add3A_38 = arith.constant 0 : i32
    %add3A_39 = arith.addi %mul3A_0, %add3A_38 : i32
    "tpu.region"() ({
      %run_scoped3A = tpu.sem_alloc : memref<!tpu.dma_semaphore, #tpu.memory_space<semaphore_mem>>
      %dma_start3A = arith.constant 0 : i32
      %dma_start3A_65 = arith.constant 0 : i32
      %dma_start3A_66 = tpu.memref_slice %arg11[%dma_start3A, %dma_start3A_65] : memref<128x128xf32, #tpu.memory_space<vmem>> -> memref<104x128xf32, #tpu.memory_space<vmem>>
      %dma_start3A_67 = arith.constant 0 : i32
      %dma_start3A_68 = tpu.memref_slice %arg7[%arg0, %add3A_39, %dma_start3A_67] : memref<2x10000x128xf32, #tpu.memory_space<hbm>> -> memref<1x104x128xf32, #tpu.memory_space<hbm>>
      %dma_start3A_69 = tpu.memref_squeeze %dma_start3A_68 : memref<1x104x128xf32, #tpu.memory_space<hbm>> -> memref<104x128xf32, #tpu.memory_space<hbm>>
      %dma_start3A_70 = arith.constant 0 : i32
      %dma_start3A_71 = tpu.memref_slice %arg7[%arg0, %add3A_39, %dma_start3A_70] : memref<2x10000x128xf32, #tpu.memory_space<hbm>> -> memref<1x104x128xf32, #tpu.memory_space<hbm>>
      %dma_start3A_72 = tpu.memref_squeeze %dma_start3A_71 : memref<1x104x128xf32, #tpu.memory_space<hbm>> -> memref<104x128xf32, #tpu.memory_space<hbm>>
      %dma_start3A_73 = arith.constant 0 : i32
      %dma_start3A_74 = arith.constant 0 : i32
      %dma_start3A_75 = tpu.memref_slice %arg11[%dma_start3A_73, %dma_start3A_74] : memref<128x128xf32, #tpu.memory_space<vmem>> -> memref<104x128xf32, #tpu.memory_space<vmem>>
      tpu.enqueue_dma source(%dma_start3A_75 : memref<104x128xf32, #tpu.memory_space<vmem>>) target(%dma_start3A_72 : memref<104x128xf32, #tpu.memory_space<hbm>>) target_semaphore(%run_scoped3A : memref<!tpu.dma_semaphore, #tpu.memory_space<semaphore_mem>>)
      %dma_wait3A = arith.constant 0 : i32
      %dma_wait3A_76 = arith.constant 0 : i32
      %dma_wait3A_77 = tpu.memref_slice %arg11[%dma_wait3A, %dma_wait3A_76] : memref<128x128xf32, #tpu.memory_space<vmem>> -> memref<104x128xf32, #tpu.memory_space<vmem>>
      %dma_wait3A_78 = arith.constant 0 : i32
      %dma_wait3A_79 = tpu.memref_slice %arg7[%arg0, %add3A_39, %dma_wait3A_78] : memref<2x10000x128xf32, #tpu.memory_space<hbm>> -> memref<1x104x128xf32, #tpu.memory_space<hbm>>
      %dma_wait3A_80 = tpu.memref_squeeze %dma_wait3A_79 : memref<1x104x128xf32, #tpu.memory_space<hbm>> -> memref<104x128xf32, #tpu.memory_space<hbm>>
      %dma_wait3A_81 = arith.constant 0 : i32
      %dma_wait3A_82 = tpu.memref_slice %arg7[%arg0, %add3A_39, %dma_wait3A_81] : memref<2x10000x128xf32, #tpu.memory_space<hbm>> -> memref<1x104x128xf32, #tpu.memory_space<hbm>>
      %dma_wait3A_83 = tpu.memref_squeeze %dma_wait3A_82 : memref<1x104x128xf32, #tpu.memory_space<hbm>> -> memref<104x128xf32, #tpu.memory_space<hbm>>
      %dma_wait3A_84 = arith.constant 0 : i32
      %dma_wait3A_85 = arith.constant 0 : i32
      %dma_wait3A_86 = tpu.memref_slice %arg11[%dma_wait3A_84, %dma_wait3A_85] : memref<128x128xf32, #tpu.memory_space<vmem>> -> memref<104x128xf32, #tpu.memory_space<vmem>>
      tpu.wait_dma2 semaphore(%run_scoped3A : memref<!tpu.dma_semaphore, #tpu.memory_space<semaphore_mem>>) src(%dma_wait3A_86 : memref<104x128xf32, #tpu.memory_space<vmem>>) dst(%dma_wait3A_83 : memref<104x128xf32, #tpu.memory_space<hbm>>)
      tpu.yield
    }) : () -> ()
    %add3A_40 = arith.constant 104 : i32
    %add3A_41 = arith.addi %mul3A_0, %add3A_40 : i32
    "tpu.region"() ({
      %run_scoped3A = tpu.sem_alloc : memref<!tpu.dma_semaphore, #tpu.memory_space<semaphore_mem>>
      %dma_start3A = arith.constant 0 : i32
      %dma_start3A_65 = arith.constant 0 : i32
      %dma_start3A_66 = tpu.memref_slice %arg11[%dma_start3A, %dma_start3A_65] : memref<128x128xf32, #tpu.memory_space<vmem>> -> memref<104x128xf32, #tpu.memory_space<vmem>>
      %dma_start3A_67 = arith.constant 0 : i32
      %dma_start3A_68 = tpu.memref_slice %arg8[%add3A_41, %dma_start3A_67] : memref<10008x128xf32, #tpu.memory_space<vmem_shared>> -> memref<104x128xf32, #tpu.memory_space<vmem_shared>>
      %dma_start3A_69 = arith.constant 0 : i32
      %dma_start3A_70 = arith.constant 0 : i32
      %dma_start3A_71 = tpu.memref_slice %arg11[%dma_start3A_69, %dma_start3A_70] : memref<128x128xf32, #tpu.memory_space<vmem>> -> memref<104x128xf32, #tpu.memory_space<vmem>>
      %dma_start3A_72 = arith.constant 0 : i32
      %dma_start3A_73 = tpu.memref_slice %arg8[%add3A_41, %dma_start3A_72] : memref<10008x128xf32, #tpu.memory_space<vmem_shared>> -> memref<104x128xf32, #tpu.memory_space<vmem_shared>>
      tpu.enqueue_dma source(%dma_start3A_73 : memref<104x128xf32, #tpu.memory_space<vmem_shared>>) target(%dma_start3A_71 : memref<104x128xf32, #tpu.memory_space<vmem>>) target_semaphore(%run_scoped3A : memref<!tpu.dma_semaphore, #tpu.memory_space<semaphore_mem>>)
      %dma_wait3A = arith.constant 0 : i32
      %dma_wait3A_74 = arith.constant 0 : i32
      %dma_wait3A_75 = tpu.memref_slice %arg11[%dma_wait3A, %dma_wait3A_74] : memref<128x128xf32, #tpu.memory_space<vmem>> -> memref<104x128xf32, #tpu.memory_space<vmem>>
      %dma_wait3A_76 = arith.constant 0 : i32
      %dma_wait3A_77 = tpu.memref_slice %arg8[%add3A_41, %dma_wait3A_76] : memref<10008x128xf32, #tpu.memory_space<vmem_shared>> -> memref<104x128xf32, #tpu.memory_space<vmem_shared>>
      %dma_wait3A_78 = arith.constant 0 : i32
      %dma_wait3A_79 = arith.constant 0 : i32
      %dma_wait3A_80 = tpu.memref_slice %arg11[%dma_wait3A_78, %dma_wait3A_79] : memref<128x128xf32, #tpu.memory_space<vmem>> -> memref<104x128xf32, #tpu.memory_space<vmem>>
      %dma_wait3A_81 = arith.constant 0 : i32
      %dma_wait3A_82 = tpu.memref_slice %arg8[%add3A_41, %dma_wait3A_81] : memref<10008x128xf32, #tpu.memory_space<vmem_shared>> -> memref<104x128xf32, #tpu.memory_space<vmem_shared>>
      tpu.wait_dma2 semaphore(%run_scoped3A : memref<!tpu.dma_semaphore, #tpu.memory_space<semaphore_mem>>) src(%dma_wait3A_82 : memref<104x128xf32, #tpu.memory_space<vmem_shared>>) dst(%dma_wait3A_80 : memref<104x128xf32, #tpu.memory_space<vmem>>)
      tpu.yield
    }) : () -> ()
    %add3A_42 = arith.constant 104 : i32
    %add3A_43 = arith.addi %mul3A_0, %add3A_42 : i32
    "tpu.region"() ({
      %run_scoped3A = tpu.sem_alloc : memref<!tpu.dma_semaphore, #tpu.memory_space<semaphore_mem>>
      %dma_start3A = arith.constant 0 : i32
      %dma_start3A_65 = arith.constant 0 : i32
      %dma_start3A_66 = tpu.memref_slice %arg11[%dma_start3A, %dma_start3A_65] : memref<128x128xf32, #tpu.memory_space<vmem>> -> memref<104x128xf32, #tpu.memory_space<vmem>>
      %dma_start3A_67 = arith.constant 0 : i32
      %dma_start3A_68 = tpu.memref_slice %arg7[%arg0, %add3A_43, %dma_start3A_67] : memref<2x10000x128xf32, #tpu.memory_space<hbm>> -> memref<1x104x128xf32, #tpu.memory_space<hbm>>
      %dma_start3A_69 = tpu.memref_squeeze %dma_start3A_68 : memref<1x104x128xf32, #tpu.memory_space<hbm>> -> memref<104x128xf32, #tpu.memory_space<hbm>>
      %dma_start3A_70 = arith.constant 0 : i32
      %dma_start3A_71 = tpu.memref_slice %arg7[%arg0, %add3A_43, %dma_start3A_70] : memref<2x10000x128xf32, #tpu.memory_space<hbm>> -> memref<1x104x128xf32, #tpu.memory_space<hbm>>
      %dma_start3A_72 = tpu.memref_squeeze %dma_start3A_71 : memref<1x104x128xf32, #tpu.memory_space<hbm>> -> memref<104x128xf32, #tpu.memory_space<hbm>>
      %dma_start3A_73 = arith.constant 0 : i32
      %dma_start3A_74 = arith.constant 0 : i32
      %dma_start3A_75 = tpu.memref_slice %arg11[%dma_start3A_73, %dma_start3A_74] : memref<128x128xf32, #tpu.memory_space<vmem>> -> memref<104x128xf32, #tpu.memory_space<vmem>>
      tpu.enqueue_dma source(%dma_start3A_75 : memref<104x128xf32, #tpu.memory_space<vmem>>) target(%dma_start3A_72 : memref<104x128xf32, #tpu.memory_space<hbm>>) target_semaphore(%run_scoped3A : memref<!tpu.dma_semaphore, #tpu.memory_space<semaphore_mem>>)
      %dma_wait3A = arith.constant 0 : i32
      %dma_wait3A_76 = arith.constant 0 : i32
      %dma_wait3A_77 = tpu.memref_slice %arg11[%dma_wait3A, %dma_wait3A_76] : memref<128x128xf32, #tpu.memory_space<vmem>> -> memref<104x128xf32, #tpu.memory_space<vmem>>
      %dma_wait3A_78 = arith.constant 0 : i32
      %dma_wait3A_79 = tpu.memref_slice %arg7[%arg0, %add3A_43, %dma_wait3A_78] : memref<2x10000x128xf32, #tpu.memory_space<hbm>> -> memref<1x104x128xf32, #tpu.memory_space<hbm>>
      %dma_wait3A_80 = tpu.memref_squeeze %dma_wait3A_79 : memref<1x104x128xf32, #tpu.memory_space<hbm>> -> memref<104x128xf32, #tpu.memory_space<hbm>>
      %dma_wait3A_81 = arith.constant 0 : i32
      %dma_wait3A_82 = tpu.memref_slice %arg7[%arg0, %add3A_43, %dma_wait3A_81] : memref<2x10000x128xf32, #tpu.memory_space<hbm>> -> memref<1x104x128xf32, #tpu.memory_space<hbm>>
      %dma_wait3A_83 = tpu.memref_squeeze %dma_wait3A_82 : memref<1x104x128xf32, #tpu.memory_space<hbm>> -> memref<104x128xf32, #tpu.memory_space<hbm>>
      %dma_wait3A_84 = arith.constant 0 : i32
      %dma_wait3A_85 = arith.constant 0 : i32
      %dma_wait3A_86 = tpu.memref_slice %arg11[%dma_wait3A_84, %dma_wait3A_85] : memref<128x128xf32, #tpu.memory_space<vmem>> -> memref<104x128xf32, #tpu.memory_space<vmem>>
      tpu.wait_dma2 semaphore(%run_scoped3A : memref<!tpu.dma_semaphore, #tpu.memory_space<semaphore_mem>>) src(%dma_wait3A_86 : memref<104x128xf32, #tpu.memory_space<vmem>>) dst(%dma_wait3A_83 : memref<104x128xf32, #tpu.memory_space<hbm>>)
      tpu.yield
    }) : () -> ()
    %add3A_44 = arith.constant 208 : i32
    %add3A_45 = arith.addi %mul3A_0, %add3A_44 : i32
    "tpu.region"() ({
      %run_scoped3A = tpu.sem_alloc : memref<!tpu.dma_semaphore, #tpu.memory_space<semaphore_mem>>
      %dma_start3A = arith.constant 0 : i32
      %dma_start3A_65 = arith.constant 0 : i32
      %dma_start3A_66 = tpu.memref_slice %arg11[%dma_start3A, %dma_start3A_65] : memref<128x128xf32, #tpu.memory_space<vmem>> -> memref<104x128xf32, #tpu.memory_space<vmem>>
      %dma_start3A_67 = arith.constant 0 : i32
      %dma_start3A_68 = tpu.memref_slice %arg8[%add3A_45, %dma_start3A_67] : memref<10008x128xf32, #tpu.memory_space<vmem_shared>> -> memref<104x128xf32, #tpu.memory_space<vmem_shared>>
      %dma_start3A_69 = arith.constant 0 : i32
      %dma_start3A_70 = arith.constant 0 : i32
      %dma_start3A_71 = tpu.memref_slice %arg11[%dma_start3A_69, %dma_start3A_70] : memref<128x128xf32, #tpu.memory_space<vmem>> -> memref<104x128xf32, #tpu.memory_space<vmem>>
      %dma_start3A_72 = arith.constant 0 : i32
      %dma_start3A_73 = tpu.memref_slice %arg8[%add3A_45, %dma_start3A_72] : memref<10008x128xf32, #tpu.memory_space<vmem_shared>> -> memref<104x128xf32, #tpu.memory_space<vmem_shared>>
      tpu.enqueue_dma source(%dma_start3A_73 : memref<104x128xf32, #tpu.memory_space<vmem_shared>>) target(%dma_start3A_71 : memref<104x128xf32, #tpu.memory_space<vmem>>) target_semaphore(%run_scoped3A : memref<!tpu.dma_semaphore, #tpu.memory_space<semaphore_mem>>)
      %dma_wait3A = arith.constant 0 : i32
      %dma_wait3A_74 = arith.constant 0 : i32
      %dma_wait3A_75 = tpu.memref_slice %arg11[%dma_wait3A, %dma_wait3A_74] : memref<128x128xf32, #tpu.memory_space<vmem>> -> memref<104x128xf32, #tpu.memory_space<vmem>>
      %dma_wait3A_76 = arith.constant 0 : i32
      %dma_wait3A_77 = tpu.memref_slice %arg8[%add3A_45, %dma_wait3A_76] : memref<10008x128xf32, #tpu.memory_space<vmem_shared>> -> memref<104x128xf32, #tpu.memory_space<vmem_shared>>
      %dma_wait3A_78 = arith.constant 0 : i32
      %dma_wait3A_79 = arith.constant 0 : i32
      %dma_wait3A_80 = tpu.memref_slice %arg11[%dma_wait3A_78, %dma_wait3A_79] : memref<128x128xf32, #tpu.memory_space<vmem>> -> memref<104x128xf32, #tpu.memory_space<vmem>>
      %dma_wait3A_81 = arith.constant 0 : i32
      %dma_wait3A_82 = tpu.memref_slice %arg8[%add3A_45, %dma_wait3A_81] : memref<10008x128xf32, #tpu.memory_space<vmem_shared>> -> memref<104x128xf32, #tpu.memory_space<vmem_shared>>
      tpu.wait_dma2 semaphore(%run_scoped3A : memref<!tpu.dma_semaphore, #tpu.memory_space<semaphore_mem>>) src(%dma_wait3A_82 : memref<104x128xf32, #tpu.memory_space<vmem_shared>>) dst(%dma_wait3A_80 : memref<104x128xf32, #tpu.memory_space<vmem>>)
      tpu.yield
    }) : () -> ()
    %add3A_46 = arith.constant 208 : i32
    %add3A_47 = arith.addi %mul3A_0, %add3A_46 : i32
    "tpu.region"() ({
      %run_scoped3A = tpu.sem_alloc : memref<!tpu.dma_semaphore, #tpu.memory_space<semaphore_mem>>
      %dma_start3A = arith.constant 0 : i32
      %dma_start3A_65 = arith.constant 0 : i32
      %dma_start3A_66 = tpu.memref_slice %arg11[%dma_start3A, %dma_start3A_65] : memref<128x128xf32, #tpu.memory_space<vmem>> -> memref<104x128xf32, #tpu.memory_space<vmem>>
      %dma_start3A_67 = arith.constant 0 : i32
      %dma_start3A_68 = tpu.memref_slice %arg7[%arg0, %add3A_47, %dma_start3A_67] : memref<2x10000x128xf32, #tpu.memory_space<hbm>> -> memref<1x104x128xf32, #tpu.memory_space<hbm>>
      %dma_start3A_69 = tpu.memref_squeeze %dma_start3A_68 : memref<1x104x128xf32, #tpu.memory_space<hbm>> -> memref<104x128xf32, #tpu.memory_space<hbm>>
      %dma_start3A_70 = arith.constant 0 : i32
      %dma_start3A_71 = tpu.memref_slice %arg7[%arg0, %add3A_47, %dma_start3A_70] : memref<2x10000x128xf32, #tpu.memory_space<hbm>> -> memref<1x104x128xf32, #tpu.memory_space<hbm>>
      %dma_start3A_72 = tpu.memref_squeeze %dma_start3A_71 : memref<1x104x128xf32, #tpu.memory_space<hbm>> -> memref<104x128xf32, #tpu.memory_space<hbm>>
      %dma_start3A_73 = arith.constant 0 : i32
      %dma_start3A_74 = arith.constant 0 : i32
      %dma_start3A_75 = tpu.memref_slice %arg11[%dma_start3A_73, %dma_start3A_74] : memref<128x128xf32, #tpu.memory_space<vmem>> -> memref<104x128xf32, #tpu.memory_space<vmem>>
      tpu.enqueue_dma source(%dma_start3A_75 : memref<104x128xf32, #tpu.memory_space<vmem>>) target(%dma_start3A_72 : memref<104x128xf32, #tpu.memory_space<hbm>>) target_semaphore(%run_scoped3A : memref<!tpu.dma_semaphore, #tpu.memory_space<semaphore_mem>>)
      %dma_wait3A = arith.constant 0 : i32
      %dma_wait3A_76 = arith.constant 0 : i32
      %dma_wait3A_77 = tpu.memref_slice %arg11[%dma_wait3A, %dma_wait3A_76] : memref<128x128xf32, #tpu.memory_space<vmem>> -> memref<104x128xf32, #tpu.memory_space<vmem>>
      %dma_wait3A_78 = arith.constant 0 : i32
      %dma_wait3A_79 = tpu.memref_slice %arg7[%arg0, %add3A_47, %dma_wait3A_78] : memref<2x10000x128xf32, #tpu.memory_space<hbm>> -> memref<1x104x128xf32, #tpu.memory_space<hbm>>
      %dma_wait3A_80 = tpu.memref_squeeze %dma_wait3A_79 : memref<1x104x128xf32, #tpu.memory_space<hbm>> -> memref<104x128xf32, #tpu.memory_space<hbm>>
      %dma_wait3A_81 = arith.constant 0 : i32
      %dma_wait3A_82 = tpu.memref_slice %arg7[%arg0, %add3A_47, %dma_wait3A_81] : memref<2x10000x128xf32, #tpu.memory_space<hbm>> -> memref<1x104x128xf32, #tpu.memory_space<hbm>>
      %dma_wait3A_83 = tpu.memref_squeeze %dma_wait3A_82 : memref<1x104x128xf32, #tpu.memory_space<hbm>> -> memref<104x128xf32, #tpu.memory_space<hbm>>
      %dma_wait3A_84 = arith.constant 0 : i32
      %dma_wait3A_85 = arith.constant 0 : i32
      %dma_wait3A_86 = tpu.memref_slice %arg11[%dma_wait3A_84, %dma_wait3A_85] : memref<128x128xf32, #tpu.memory_space<vmem>> -> memref<104x128xf32, #tpu.memory_space<vmem>>
      tpu.wait_dma2 semaphore(%run_scoped3A : memref<!tpu.dma_semaphore, #tpu.memory_space<semaphore_mem>>) src(%dma_wait3A_86 : memref<104x128xf32, #tpu.memory_space<vmem>>) dst(%dma_wait3A_83 : memref<104x128xf32, #tpu.memory_space<hbm>>)
      tpu.yield
    }) : () -> ()
    %add3A_48 = arith.constant 312 : i32
    %add3A_49 = arith.addi %mul3A_0, %add3A_48 : i32
    "tpu.region"() ({
      %run_scoped3A = tpu.sem_alloc : memref<!tpu.dma_semaphore, #tpu.memory_space<semaphore_mem>>
      %dma_start3A = arith.constant 0 : i32
      %dma_start3A_65 = arith.constant 0 : i32
      %dma_start3A_66 = tpu.memref_slice %arg11[%dma_start3A, %dma_start3A_65] : memref<128x128xf32, #tpu.memory_space<vmem>> -> memref<104x128xf32, #tpu.memory_space<vmem>>
      %dma_start3A_67 = arith.constant 0 : i32
      %dma_start3A_68 = tpu.memref_slice %arg8[%add3A_49, %dma_start3A_67] : memref<10008x128xf32, #tpu.memory_space<vmem_shared>> -> memref<104x128xf32, #tpu.memory_space<vmem_shared>>
      %dma_start3A_69 = arith.constant 0 : i32
      %dma_start3A_70 = arith.constant 0 : i32
      %dma_start3A_71 = tpu.memref_slice %arg11[%dma_start3A_69, %dma_start3A_70] : memref<128x128xf32, #tpu.memory_space<vmem>> -> memref<104x128xf32, #tpu.memory_space<vmem>>
      %dma_start3A_72 = arith.constant 0 : i32
      %dma_start3A_73 = tpu.memref_slice %arg8[%add3A_49, %dma_start3A_72] : memref<10008x128xf32, #tpu.memory_space<vmem_shared>> -> memref<104x128xf32, #tpu.memory_space<vmem_shared>>
      tpu.enqueue_dma source(%dma_start3A_73 : memref<104x128xf32, #tpu.memory_space<vmem_shared>>) target(%dma_start3A_71 : memref<104x128xf32, #tpu.memory_space<vmem>>) target_semaphore(%run_scoped3A : memref<!tpu.dma_semaphore, #tpu.memory_space<semaphore_mem>>)
      %dma_wait3A = arith.constant 0 : i32
      %dma_wait3A_74 = arith.constant 0 : i32
      %dma_wait3A_75 = tpu.memref_slice %arg11[%dma_wait3A, %dma_wait3A_74] : memref<128x128xf32, #tpu.memory_space<vmem>> -> memref<104x128xf32, #tpu.memory_space<vmem>>
      %dma_wait3A_76 = arith.constant 0 : i32
      %dma_wait3A_77 = tpu.memref_slice %arg8[%add3A_49, %dma_wait3A_76] : memref<10008x128xf32, #tpu.memory_space<vmem_shared>> -> memref<104x128xf32, #tpu.memory_space<vmem_shared>>
      %dma_wait3A_78 = arith.constant 0 : i32
      %dma_wait3A_79 = arith.constant 0 : i32
      %dma_wait3A_80 = tpu.memref_slice %arg11[%dma_wait3A_78, %dma_wait3A_79] : memref<128x128xf32, #tpu.memory_space<vmem>> -> memref<104x128xf32, #tpu.memory_space<vmem>>
      %dma_wait3A_81 = arith.constant 0 : i32
      %dma_wait3A_82 = tpu.memref_slice %arg8[%add3A_49, %dma_wait3A_81] : memref<10008x128xf32, #tpu.memory_space<vmem_shared>> -> memref<104x128xf32, #tpu.memory_space<vmem_shared>>
      tpu.wait_dma2 semaphore(%run_scoped3A : memref<!tpu.dma_semaphore, #tpu.memory_space<semaphore_mem>>) src(%dma_wait3A_82 : memref<104x128xf32, #tpu.memory_space<vmem_shared>>) dst(%dma_wait3A_80 : memref<104x128xf32, #tpu.memory_space<vmem>>)
      tpu.yield
    }) : () -> ()
    %add3A_50 = arith.constant 312 : i32
    %add3A_51 = arith.addi %mul3A_0, %add3A_50 : i32
    "tpu.region"() ({
      %run_scoped3A = tpu.sem_alloc : memref<!tpu.dma_semaphore, #tpu.memory_space<semaphore_mem>>
      %dma_start3A = arith.constant 0 : i32
      %dma_start3A_65 = arith.constant 0 : i32
      %dma_start3A_66 = tpu.memref_slice %arg11[%dma_start3A, %dma_start3A_65] : memref<128x128xf32, #tpu.memory_space<vmem>> -> memref<104x128xf32, #tpu.memory_space<vmem>>
      %dma_start3A_67 = arith.constant 0 : i32
      %dma_start3A_68 = tpu.memref_slice %arg7[%arg0, %add3A_51, %dma_start3A_67] : memref<2x10000x128xf32, #tpu.memory_space<hbm>> -> memref<1x104x128xf32, #tpu.memory_space<hbm>>
      %dma_start3A_69 = tpu.memref_squeeze %dma_start3A_68 : memref<1x104x128xf32, #tpu.memory_space<hbm>> -> memref<104x128xf32, #tpu.memory_space<hbm>>
      %dma_start3A_70 = arith.constant 0 : i32
      %dma_start3A_71 = tpu.memref_slice %arg7[%arg0, %add3A_51, %dma_start3A_70] : memref<2x10000x128xf32, #tpu.memory_space<hbm>> -> memref<1x104x128xf32, #tpu.memory_space<hbm>>
      %dma_start3A_72 = tpu.memref_squeeze %dma_start3A_71 : memref<1x104x128xf32, #tpu.memory_space<hbm>> -> memref<104x128xf32, #tpu.memory_space<hbm>>
      %dma_start3A_73 = arith.constant 0 : i32
      %dma_start3A_74 = arith.constant 0 : i32
      %dma_start3A_75 = tpu.memref_slice %arg11[%dma_start3A_73, %dma_start3A_74] : memref<128x128xf32, #tpu.memory_space<vmem>> -> memref<104x128xf32, #tpu.memory_space<vmem>>
      tpu.enqueue_dma source(%dma_start3A_75 : memref<104x128xf32, #tpu.memory_space<vmem>>) target(%dma_start3A_72 : memref<104x128xf32, #tpu.memory_space<hbm>>) target_semaphore(%run_scoped3A : memref<!tpu.dma_semaphore, #tpu.memory_space<semaphore_mem>>)
      %dma_wait3A = arith.constant 0 : i32
      %dma_wait3A_76 = arith.constant 0 : i32
      %dma_wait3A_77 = tpu.memref_slice %arg11[%dma_wait3A, %dma_wait3A_76] : memref<128x128xf32, #tpu.memory_space<vmem>> -> memref<104x128xf32, #tpu.memory_space<vmem>>
      %dma_wait3A_78 = arith.constant 0 : i32
      %dma_wait3A_79 = tpu.memref_slice %arg7[%arg0, %add3A_51, %dma_wait3A_78] : memref<2x10000x128xf32, #tpu.memory_space<hbm>> -> memref<1x104x128xf32, #tpu.memory_space<hbm>>
      %dma_wait3A_80 = tpu.memref_squeeze %dma_wait3A_79 : memref<1x104x128xf32, #tpu.memory_space<hbm>> -> memref<104x128xf32, #tpu.memory_space<hbm>>
      %dma_wait3A_81 = arith.constant 0 : i32
      %dma_wait3A_82 = tpu.memref_slice %arg7[%arg0, %add3A_51, %dma_wait3A_81] : memref<2x10000x128xf32, #tpu.memory_space<hbm>> -> memref<1x104x128xf32, #tpu.memory_space<hbm>>
      %dma_wait3A_83 = tpu.memref_squeeze %dma_wait3A_82 : memref<1x104x128xf32, #tpu.memory_space<hbm>> -> memref<104x128xf32, #tpu.memory_space<hbm>>
      %dma_wait3A_84 = arith.constant 0 : i32
      %dma_wait3A_85 = arith.constant 0 : i32
      %dma_wait3A_86 = tpu.memref_slice %arg11[%dma_wait3A_84, %dma_wait3A_85] : memref<128x128xf32, #tpu.memory_space<vmem>> -> memref<104x128xf32, #tpu.memory_space<vmem>>
      tpu.wait_dma2 semaphore(%run_scoped3A : memref<!tpu.dma_semaphore, #tpu.memory_space<semaphore_mem>>) src(%dma_wait3A_86 : memref<104x128xf32, #tpu.memory_space<vmem>>) dst(%dma_wait3A_83 : memref<104x128xf32, #tpu.memory_space<hbm>>)
      tpu.yield
    }) : () -> ()
    %add3A_52 = arith.constant 416 : i32
    %add3A_53 = arith.addi %mul3A_0, %add3A_52 : i32
    "tpu.region"() ({
      %run_scoped3A = tpu.sem_alloc : memref<!tpu.dma_semaphore, #tpu.memory_space<semaphore_mem>>
      %dma_start3A = arith.constant 0 : i32
      %dma_start3A_65 = arith.constant 0 : i32
      %dma_start3A_66 = tpu.memref_slice %arg11[%dma_start3A, %dma_start3A_65] : memref<128x128xf32, #tpu.memory_space<vmem>> -> memref<104x128xf32, #tpu.memory_space<vmem>>
      %dma_start3A_67 = arith.constant 0 : i32
      %dma_start3A_68 = tpu.memref_slice %arg8[%add3A_53, %dma_start3A_67] : memref<10008x128xf32, #tpu.memory_space<vmem_shared>> -> memref<104x128xf32, #tpu.memory_space<vmem_shared>>
      %dma_start3A_69 = arith.constant 0 : i32
      %dma_start3A_70 = arith.constant 0 : i32
      %dma_start3A_71 = tpu.memref_slice %arg11[%dma_start3A_69, %dma_start3A_70] : memref<128x128xf32, #tpu.memory_space<vmem>> -> memref<104x128xf32, #tpu.memory_space<vmem>>
      %dma_start3A_72 = arith.constant 0 : i32
      %dma_start3A_73 = tpu.memref_slice %arg8[%add3A_53, %dma_start3A_72] : memref<10008x128xf32, #tpu.memory_space<vmem_shared>> -> memref<104x128xf32, #tpu.memory_space<vmem_shared>>
      tpu.enqueue_dma source(%dma_start3A_73 : memref<104x128xf32, #tpu.memory_space<vmem_shared>>) target(%dma_start3A_71 : memref<104x128xf32, #tpu.memory_space<vmem>>) target_semaphore(%run_scoped3A : memref<!tpu.dma_semaphore, #tpu.memory_space<semaphore_mem>>)
      %dma_wait3A = arith.constant 0 : i32
      %dma_wait3A_74 = arith.constant 0 : i32
      %dma_wait3A_75 = tpu.memref_slice %arg11[%dma_wait3A, %dma_wait3A_74] : memref<128x128xf32, #tpu.memory_space<vmem>> -> memref<104x128xf32, #tpu.memory_space<vmem>>
      %dma_wait3A_76 = arith.constant 0 : i32
      %dma_wait3A_77 = tpu.memref_slice %arg8[%add3A_53, %dma_wait3A_76] : memref<10008x128xf32, #tpu.memory_space<vmem_shared>> -> memref<104x128xf32, #tpu.memory_space<vmem_shared>>
      %dma_wait3A_78 = arith.constant 0 : i32
      %dma_wait3A_79 = arith.constant 0 : i32
      %dma_wait3A_80 = tpu.memref_slice %arg11[%dma_wait3A_78, %dma_wait3A_79] : memref<128x128xf32, #tpu.memory_space<vmem>> -> memref<104x128xf32, #tpu.memory_space<vmem>>
      %dma_wait3A_81 = arith.constant 0 : i32
      %dma_wait3A_82 = tpu.memref_slice %arg8[%add3A_53, %dma_wait3A_81] : memref<10008x128xf32, #tpu.memory_space<vmem_shared>> -> memref<104x128xf32, #tpu.memory_space<vmem_shared>>
      tpu.wait_dma2 semaphore(%run_scoped3A : memref<!tpu.dma_semaphore, #tpu.memory_space<semaphore_mem>>) src(%dma_wait3A_82 : memref<104x128xf32, #tpu.memory_space<vmem_shared>>) dst(%dma_wait3A_80 : memref<104x128xf32, #tpu.memory_space<vmem>>)
      tpu.yield
    }) : () -> ()
    %add3A_54 = arith.constant 416 : i32
    %add3A_55 = arith.addi %mul3A_0, %add3A_54 : i32
    "tpu.region"() ({
      %run_scoped3A = tpu.sem_alloc : memref<!tpu.dma_semaphore, #tpu.memory_space<semaphore_mem>>
      %dma_start3A = arith.constant 0 : i32
      %dma_start3A_65 = arith.constant 0 : i32
      %dma_start3A_66 = tpu.memref_slice %arg11[%dma_start3A, %dma_start3A_65] : memref<128x128xf32, #tpu.memory_space<vmem>> -> memref<104x128xf32, #tpu.memory_space<vmem>>
      %dma_start3A_67 = arith.constant 0 : i32
      %dma_start3A_68 = tpu.memref_slice %arg7[%arg0, %add3A_55, %dma_start3A_67] : memref<2x10000x128xf32, #tpu.memory_space<hbm>> -> memref<1x104x128xf32, #tpu.memory_space<hbm>>
      %dma_start3A_69 = tpu.memref_squeeze %dma_start3A_68 : memref<1x104x128xf32, #tpu.memory_space<hbm>> -> memref<104x128xf32, #tpu.memory_space<hbm>>
      %dma_start3A_70 = arith.constant 0 : i32
      %dma_start3A_71 = tpu.memref_slice %arg7[%arg0, %add3A_55, %dma_start3A_70] : memref<2x10000x128xf32, #tpu.memory_space<hbm>> -> memref<1x104x128xf32, #tpu.memory_space<hbm>>
      %dma_start3A_72 = tpu.memref_squeeze %dma_start3A_71 : memref<1x104x128xf32, #tpu.memory_space<hbm>> -> memref<104x128xf32, #tpu.memory_space<hbm>>
      %dma_start3A_73 = arith.constant 0 : i32
      %dma_start3A_74 = arith.constant 0 : i32
      %dma_start3A_75 = tpu.memref_slice %arg11[%dma_start3A_73, %dma_start3A_74] : memref<128x128xf32, #tpu.memory_space<vmem>> -> memref<104x128xf32, #tpu.memory_space<vmem>>
      tpu.enqueue_dma source(%dma_start3A_75 : memref<104x128xf32, #tpu.memory_space<vmem>>) target(%dma_start3A_72 : memref<104x128xf32, #tpu.memory_space<hbm>>) target_semaphore(%run_scoped3A : memref<!tpu.dma_semaphore, #tpu.memory_space<semaphore_mem>>)
      %dma_wait3A = arith.constant 0 : i32
      %dma_wait3A_76 = arith.constant 0 : i32
      %dma_wait3A_77 = tpu.memref_slice %arg11[%dma_wait3A, %dma_wait3A_76] : memref<128x128xf32, #tpu.memory_space<vmem>> -> memref<104x128xf32, #tpu.memory_space<vmem>>
      %dma_wait3A_78 = arith.constant 0 : i32
      %dma_wait3A_79 = tpu.memref_slice %arg7[%arg0, %add3A_55, %dma_wait3A_78] : memref<2x10000x128xf32, #tpu.memory_space<hbm>> -> memref<1x104x128xf32, #tpu.memory_space<hbm>>
      %dma_wait3A_80 = tpu.memref_squeeze %dma_wait3A_79 : memref<1x104x128xf32, #tpu.memory_space<hbm>> -> memref<104x128xf32, #tpu.memory_space<hbm>>
      %dma_wait3A_81 = arith.constant 0 : i32
      %dma_wait3A_82 = tpu.memref_slice %arg7[%arg0, %add3A_55, %dma_wait3A_81] : memref<2x10000x128xf32, #tpu.memory_space<hbm>> -> memref<1x104x128xf32, #tpu.memory_space<hbm>>
      %dma_wait3A_83 = tpu.memref_squeeze %dma_wait3A_82 : memref<1x104x128xf32, #tpu.memory_space<hbm>> -> memref<104x128xf32, #tpu.memory_space<hbm>>
      %dma_wait3A_84 = arith.constant 0 : i32
      %dma_wait3A_85 = arith.constant 0 : i32
      %dma_wait3A_86 = tpu.memref_slice %arg11[%dma_wait3A_84, %dma_wait3A_85] : memref<128x128xf32, #tpu.memory_space<vmem>> -> memref<104x128xf32, #tpu.memory_space<vmem>>
      tpu.wait_dma2 semaphore(%run_scoped3A : memref<!tpu.dma_semaphore, #tpu.memory_space<semaphore_mem>>) src(%dma_wait3A_86 : memref<104x128xf32, #tpu.memory_space<vmem>>) dst(%dma_wait3A_83 : memref<104x128xf32, #tpu.memory_space<hbm>>)
      tpu.yield
    }) : () -> ()
    %add3A_56 = arith.constant 520 : i32
    %add3A_57 = arith.addi %mul3A_0, %add3A_56 : i32
    "tpu.region"() ({
      %run_scoped3A = tpu.sem_alloc : memref<!tpu.dma_semaphore, #tpu.memory_space<semaphore_mem>>
      %dma_start3A = arith.constant 0 : i32
      %dma_start3A_65 = arith.constant 0 : i32
      %dma_start3A_66 = tpu.memref_slice %arg11[%dma_start3A, %dma_start3A_65] : memref<128x128xf32, #tpu.memory_space<vmem>> -> memref<104x128xf32, #tpu.memory_space<vmem>>
      %dma_start3A_67 = arith.constant 0 : i32
      %dma_start3A_68 = tpu.memref_slice %arg8[%add3A_57, %dma_start3A_67] : memref<10008x128xf32, #tpu.memory_space<vmem_shared>> -> memref<104x128xf32, #tpu.memory_space<vmem_shared>>
      %dma_start3A_69 = arith.constant 0 : i32
      %dma_start3A_70 = arith.constant 0 : i32
      %dma_start3A_71 = tpu.memref_slice %arg11[%dma_start3A_69, %dma_start3A_70] : memref<128x128xf32, #tpu.memory_space<vmem>> -> memref<104x128xf32, #tpu.memory_space<vmem>>
      %dma_start3A_72 = arith.constant 0 : i32
      %dma_start3A_73 = tpu.memref_slice %arg8[%add3A_57, %dma_start3A_72] : memref<10008x128xf32, #tpu.memory_space<vmem_shared>> -> memref<104x128xf32, #tpu.memory_space<vmem_shared>>
      tpu.enqueue_dma source(%dma_start3A_73 : memref<104x128xf32, #tpu.memory_space<vmem_shared>>) target(%dma_start3A_71 : memref<104x128xf32, #tpu.memory_space<vmem>>) target_semaphore(%run_scoped3A : memref<!tpu.dma_semaphore, #tpu.memory_space<semaphore_mem>>)
      %dma_wait3A = arith.constant 0 : i32
      %dma_wait3A_74 = arith.constant 0 : i32
      %dma_wait3A_75 = tpu.memref_slice %arg11[%dma_wait3A, %dma_wait3A_74] : memref<128x128xf32, #tpu.memory_space<vmem>> -> memref<104x128xf32, #tpu.memory_space<vmem>>
      %dma_wait3A_76 = arith.constant 0 : i32
      %dma_wait3A_77 = tpu.memref_slice %arg8[%add3A_57, %dma_wait3A_76] : memref<10008x128xf32, #tpu.memory_space<vmem_shared>> -> memref<104x128xf32, #tpu.memory_space<vmem_shared>>
      %dma_wait3A_78 = arith.constant 0 : i32
      %dma_wait3A_79 = arith.constant 0 : i32
      %dma_wait3A_80 = tpu.memref_slice %arg11[%dma_wait3A_78, %dma_wait3A_79] : memref<128x128xf32, #tpu.memory_space<vmem>> -> memref<104x128xf32, #tpu.memory_space<vmem>>
      %dma_wait3A_81 = arith.constant 0 : i32
      %dma_wait3A_82 = tpu.memref_slice %arg8[%add3A_57, %dma_wait3A_81] : memref<10008x128xf32, #tpu.memory_space<vmem_shared>> -> memref<104x128xf32, #tpu.memory_space<vmem_shared>>
      tpu.wait_dma2 semaphore(%run_scoped3A : memref<!tpu.dma_semaphore, #tpu.memory_space<semaphore_mem>>) src(%dma_wait3A_82 : memref<104x128xf32, #tpu.memory_space<vmem_shared>>) dst(%dma_wait3A_80 : memref<104x128xf32, #tpu.memory_space<vmem>>)
      tpu.yield
    }) : () -> ()
    %add3A_58 = arith.constant 520 : i32
    %add3A_59 = arith.addi %mul3A_0, %add3A_58 : i32
    "tpu.region"() ({
      %run_scoped3A = tpu.sem_alloc : memref<!tpu.dma_semaphore, #tpu.memory_space<semaphore_mem>>
      %dma_start3A = arith.constant 0 : i32
      %dma_start3A_65 = arith.constant 0 : i32
      %dma_start3A_66 = tpu.memref_slice %arg11[%dma_start3A, %dma_start3A_65] : memref<128x128xf32, #tpu.memory_space<vmem>> -> memref<104x128xf32, #tpu.memory_space<vmem>>
      %dma_start3A_67 = arith.constant 0 : i32
      %dma_start3A_68 = tpu.memref_slice %arg7[%arg0, %add3A_59, %dma_start3A_67] : memref<2x10000x128xf32, #tpu.memory_space<hbm>> -> memref<1x104x128xf32, #tpu.memory_space<hbm>>
      %dma_start3A_69 = tpu.memref_squeeze %dma_start3A_68 : memref<1x104x128xf32, #tpu.memory_space<hbm>> -> memref<104x128xf32, #tpu.memory_space<hbm>>
      %dma_start3A_70 = arith.constant 0 : i32
      %dma_start3A_71 = tpu.memref_slice %arg7[%arg0, %add3A_59, %dma_start3A_70] : memref<2x10000x128xf32, #tpu.memory_space<hbm>> -> memref<1x104x128xf32, #tpu.memory_space<hbm>>
      %dma_start3A_72 = tpu.memref_squeeze %dma_start3A_71 : memref<1x104x128xf32, #tpu.memory_space<hbm>> -> memref<104x128xf32, #tpu.memory_space<hbm>>
      %dma_start3A_73 = arith.constant 0 : i32
      %dma_start3A_74 = arith.constant 0 : i32
      %dma_start3A_75 = tpu.memref_slice %arg11[%dma_start3A_73, %dma_start3A_74] : memref<128x128xf32, #tpu.memory_space<vmem>> -> memref<104x128xf32, #tpu.memory_space<vmem>>
      tpu.enqueue_dma source(%dma_start3A_75 : memref<104x128xf32, #tpu.memory_space<vmem>>) target(%dma_start3A_72 : memref<104x128xf32, #tpu.memory_space<hbm>>) target_semaphore(%run_scoped3A : memref<!tpu.dma_semaphore, #tpu.memory_space<semaphore_mem>>)
      %dma_wait3A = arith.constant 0 : i32
      %dma_wait3A_76 = arith.constant 0 : i32
      %dma_wait3A_77 = tpu.memref_slice %arg11[%dma_wait3A, %dma_wait3A_76] : memref<128x128xf32, #tpu.memory_space<vmem>> -> memref<104x128xf32, #tpu.memory_space<vmem>>
      %dma_wait3A_78 = arith.constant 0 : i32
      %dma_wait3A_79 = tpu.memref_slice %arg7[%arg0, %add3A_59, %dma_wait3A_78] : memref<2x10000x128xf32, #tpu.memory_space<hbm>> -> memref<1x104x128xf32, #tpu.memory_space<hbm>>
      %dma_wait3A_80 = tpu.memref_squeeze %dma_wait3A_79 : memref<1x104x128xf32, #tpu.memory_space<hbm>> -> memref<104x128xf32, #tpu.memory_space<hbm>>
      %dma_wait3A_81 = arith.constant 0 : i32
      %dma_wait3A_82 = tpu.memref_slice %arg7[%arg0, %add3A_59, %dma_wait3A_81] : memref<2x10000x128xf32, #tpu.memory_space<hbm>> -> memref<1x104x128xf32, #tpu.memory_space<hbm>>
      %dma_wait3A_83 = tpu.memref_squeeze %dma_wait3A_82 : memref<1x104x128xf32, #tpu.memory_space<hbm>> -> memref<104x128xf32, #tpu.memory_space<hbm>>
      %dma_wait3A_84 = arith.constant 0 : i32
      %dma_wait3A_85 = arith.constant 0 : i32
      %dma_wait3A_86 = tpu.memref_slice %arg11[%dma_wait3A_84, %dma_wait3A_85] : memref<128x128xf32, #tpu.memory_space<vmem>> -> memref<104x128xf32, #tpu.memory_space<vmem>>
      tpu.wait_dma2 semaphore(%run_scoped3A : memref<!tpu.dma_semaphore, #tpu.memory_space<semaphore_mem>>) src(%dma_wait3A_86 : memref<104x128xf32, #tpu.memory_space<vmem>>) dst(%dma_wait3A_83 : memref<104x128xf32, #tpu.memory_space<hbm>>)
      tpu.yield
    }) : () -> ()
    %eq3A_60 = arith.constant 15 : i32
    %eq3A_61 = arith.cmpi eq, %arg1, %eq3A_60 : i32
    %convert_element_type3A_62 = arith.extui %eq3A_61 : i1 to i32
    %cond3A_63 = arith.constant 0 : i32
    %cond3A_64 = arith.cmpi ne, %convert_element_type3A_62, %cond3A_63 : i32
    scf.if %cond3A_64 {
      "tpu.region"() ({
        %run_scoped3A = tpu.sem_alloc : memref<!tpu.dma_semaphore, #tpu.memory_space<semaphore_mem>>
        %dma_start3A = arith.constant 0 : i32
        %dma_start3A_65 = arith.constant 0 : i32
        %dma_start3A_66 = tpu.memref_slice %arg11[%dma_start3A, %dma_start3A_65] : memref<128x128xf32, #tpu.memory_space<vmem>> -> memref<16x128xf32, #tpu.memory_space<vmem>>
        %dma_start3A_67 = arith.constant 9984 : i32
        %dma_start3A_68 = arith.constant 0 : i32
        %dma_start3A_69 = tpu.memref_slice %arg8[%dma_start3A_67, %dma_start3A_68] : memref<10008x128xf32, #tpu.memory_space<vmem_shared>> -> memref<16x128xf32, #tpu.memory_space<vmem_shared>>
        %dma_start3A_70 = arith.constant 0 : i32
        %dma_start3A_71 = arith.constant 0 : i32
        %dma_start3A_72 = tpu.memref_slice %arg11[%dma_start3A_70, %dma_start3A_71] : memref<128x128xf32, #tpu.memory_space<vmem>> -> memref<16x128xf32, #tpu.memory_space<vmem>>
        %dma_start3A_73 = arith.constant 9984 : i32
        %dma_start3A_74 = arith.constant 0 : i32
        %dma_start3A_75 = tpu.memref_slice %arg8[%dma_start3A_73, %dma_start3A_74] : memref<10008x128xf32, #tpu.memory_space<vmem_shared>> -> memref<16x128xf32, #tpu.memory_space<vmem_shared>>
        tpu.enqueue_dma source(%dma_start3A_75 : memref<16x128xf32, #tpu.memory_space<vmem_shared>>) target(%dma_start3A_72 : memref<16x128xf32, #tpu.memory_space<vmem>>) target_semaphore(%run_scoped3A : memref<!tpu.dma_semaphore, #tpu.memory_space<semaphore_mem>>)
        %dma_wait3A = arith.constant 0 : i32
        %dma_wait3A_76 = arith.constant 0 : i32
        %dma_wait3A_77 = tpu.memref_slice %arg11[%dma_wait3A, %dma_wait3A_76] : memref<128x128xf32, #tpu.memory_space<vmem>> -> memref<16x128xf32, #tpu.memory_space<vmem>>
        %dma_wait3A_78 = arith.constant 9984 : i32
        %dma_wait3A_79 = arith.constant 0 : i32
        %dma_wait3A_80 = tpu.memref_slice %arg8[%dma_wait3A_78, %dma_wait3A_79] : memref<10008x128xf32, #tpu.memory_space<vmem_shared>> -> memref<16x128xf32, #tpu.memory_space<vmem_shared>>
        %dma_wait3A_81 = arith.constant 0 : i32
        %dma_wait3A_82 = arith.constant 0 : i32
        %dma_wait3A_83 = tpu.memref_slice %arg11[%dma_wait3A_81, %dma_wait3A_82] : memref<128x128xf32, #tpu.memory_space<vmem>> -> memref<16x128xf32, #tpu.memory_space<vmem>>
        %dma_wait3A_84 = arith.constant 9984 : i32
        %dma_wait3A_85 = arith.constant 0 : i32
        %dma_wait3A_86 = tpu.memref_slice %arg8[%dma_wait3A_84, %dma_wait3A_85] : memref<10008x128xf32, #tpu.memory_space<vmem_shared>> -> memref<16x128xf32, #tpu.memory_space<vmem_shared>>
        tpu.wait_dma2 semaphore(%run_scoped3A : memref<!tpu.dma_semaphore, #tpu.memory_space<semaphore_mem>>) src(%dma_wait3A_86 : memref<16x128xf32, #tpu.memory_space<vmem_shared>>) dst(%dma_wait3A_83 : memref<16x128xf32, #tpu.memory_space<vmem>>)
        tpu.yield
      }) : () -> ()
      "tpu.region"() ({
        %run_scoped3A = tpu.sem_alloc : memref<!tpu.dma_semaphore, #tpu.memory_space<semaphore_mem>>
        %dma_start3A = arith.constant 0 : i32
        %dma_start3A_65 = arith.constant 0 : i32
        %dma_start3A_66 = tpu.memref_slice %arg11[%dma_start3A, %dma_start3A_65] : memref<128x128xf32, #tpu.memory_space<vmem>> -> memref<16x128xf32, #tpu.memory_space<vmem>>
        %dma_start3A_67 = arith.constant 9984 : i32
        %dma_start3A_68 = arith.constant 0 : i32
        %dma_start3A_69 = tpu.memref_slice %arg7[%arg0, %dma_start3A_67, %dma_start3A_68] : memref<2x10000x128xf32, #tpu.memory_space<hbm>> -> memref<1x16x128xf32, #tpu.memory_space<hbm>>
        %dma_start3A_70 = tpu.memref_squeeze %dma_start3A_69 : memref<1x16x128xf32, #tpu.memory_space<hbm>> -> memref<16x128xf32, #tpu.memory_space<hbm>>
        %dma_start3A_71 = arith.constant 9984 : i32
        %dma_start3A_72 = arith.constant 0 : i32
        %dma_start3A_73 = tpu.memref_slice %arg7[%arg0, %dma_start3A_71, %dma_start3A_72] : memref<2x10000x128xf32, #tpu.memory_space<hbm>> -> memref<1x16x128xf32, #tpu.memory_space<hbm>>
        %dma_start3A_74 = tpu.memref_squeeze %dma_start3A_73 : memref<1x16x128xf32, #tpu.memory_space<hbm>> -> memref<16x128xf32, #tpu.memory_space<hbm>>
        %dma_start3A_75 = arith.constant 0 : i32
        %dma_start3A_76 = arith.constant 0 : i32
        %dma_start3A_77 = tpu.memref_slice %arg11[%dma_start3A_75, %dma_start3A_76] : memref<128x128xf32, #tpu.memory_space<vmem>> -> memref<16x128xf32, #tpu.memory_space<vmem>>
        tpu.enqueue_dma source(%dma_start3A_77 : memref<16x128xf32, #tpu.memory_space<vmem>>) target(%dma_start3A_74 : memref<16x128xf32, #tpu.memory_space<hbm>>) target_semaphore(%run_scoped3A : memref<!tpu.dma_semaphore, #tpu.memory_space<semaphore_mem>>)
        %dma_wait3A = arith.constant 0 : i32
        %dma_wait3A_78 = arith.constant 0 : i32
        %dma_wait3A_79 = tpu.memref_slice %arg11[%dma_wait3A, %dma_wait3A_78] : memref<128x128xf32, #tpu.memory_space<vmem>> -> memref<16x128xf32, #tpu.memory_space<vmem>>
        %dma_wait3A_80 = arith.constant 9984 : i32
        %dma_wait3A_81 = arith.constant 0 : i32
        %dma_wait3A_82 = tpu.memref_slice %arg7[%arg0, %dma_wait3A_80, %dma_wait3A_81] : memref<2x10000x128xf32, #tpu.memory_space<hbm>> -> memref<1x16x128xf32, #tpu.memory_space<hbm>>
        %dma_wait3A_83 = tpu.memref_squeeze %dma_wait3A_82 : memref<1x16x128xf32, #tpu.memory_space<hbm>> -> memref<16x128xf32, #tpu.memory_space<hbm>>
        %dma_wait3A_84 = arith.constant 9984 : i32
        %dma_wait3A_85 = arith.constant 0 : i32
        %dma_wait3A_86 = tpu.memref_slice %arg7[%arg0, %dma_wait3A_84, %dma_wait3A_85] : memref<2x10000x128xf32, #tpu.memory_space<hbm>> -> memref<1x16x128xf32, #tpu.memory_space<hbm>>
        %dma_wait3A_87 = tpu.memref_squeeze %dma_wait3A_86 : memref<1x16x128xf32, #tpu.memory_space<hbm>> -> memref<16x128xf32, #tpu.memory_space<hbm>>
        %dma_wait3A_88 = arith.constant 0 : i32
        %dma_wait3A_89 = arith.constant 0 : i32
        %dma_wait3A_90 = tpu.memref_slice %arg11[%dma_wait3A_88, %dma_wait3A_89] : memref<128x128xf32, #tpu.memory_space<vmem>> -> memref<16x128xf32, #tpu.memory_space<vmem>>
        tpu.wait_dma2 semaphore(%run_scoped3A : memref<!tpu.dma_semaphore, #tpu.memory_space<semaphore_mem>>) src(%dma_wait3A_90 : memref<16x128xf32, #tpu.memory_space<vmem>>) dst(%dma_wait3A_87 : memref<16x128xf32, #tpu.memory_space<hbm>>)
        tpu.yield
      }) : () -> ()
    } else {
    }
    return
  }
}

#map = affine_map<(d0, d1) -> (0, 0)>
#map1 = affine_map<(d0, d1) -> (0, 0, 0)>
module attributes {stable_mosaic.version = 14 : i64} {
  func.func @body(%arg0: i32, %arg1: i32, %arg2: memref<10000x128xf32, #tpu.memory_space<hbm>>, %arg3: memref<16x128x128xi32, #tpu.memory_space<hbm>>, %arg4: memref<16x128x128xi32, #tpu.memory_space<hbm>>, %arg5: memref<16x32x128xi32, #tpu.memory_space<hbm>>, %arg6: memref<16x32x128xi32, #tpu.memory_space<hbm>>, %arg7: memref<2x10000x128xf32, #tpu.memory_space<hbm>>, %arg8: memref<10008x128xf32, #tpu.memory_space<vmem_shared>>, %arg9: memref<32x128xi32, #tpu.memory_space<vmem>>, %arg10: memref<32x128xi32, #tpu.memory_space<vmem>>, %arg11: memref<128x128xf32, #tpu.memory_space<vmem>>, %arg12: memref<128x128xf32, #tpu.memory_space<vmem>>, %arg13: memref<!tpu.dma_semaphore, #tpu.memory_space<semaphore_mem>>, %arg14: memref<!tpu.dma_semaphore, #tpu.memory_space<semaphore_mem>>) attributes {dimension_semantics = [#tpu.dimension_semantics<core_parallel>, #tpu.dimension_semantics<subcore_parallel>], iteration_bounds = array<i64: 2, 16>, scalar_prefetch = 0 : i64, scratch_operands = 7 : i64, tpu.core_type = #tpu.core_type<sc_vector_subcore>, window_params = [{transform_indices = #map}, {transform_indices = #map1}, {transform_indices = #map1}, {transform_indices = #map1}, {transform_indices = #map1}, {transform_indices = #map1}]} {
    %mul3A = arith.constant 624 : i32
    %mul3A_0 = arith.muli %arg1, %mul3A : i32
    %add3A = arith.constant 0 : i32
    %add3A_1 = arith.addi %mul3A_0, %add3A : i32
    "tpu.region"() ({
      %run_scoped3A = tpu.sem_alloc : memref<!tpu.dma_semaphore, #tpu.memory_space<semaphore_mem>>
      %dma_start3A = arith.constant 0 : i32
      %dma_start3A_65 = arith.constant 0 : i32
      %dma_start3A_66 = tpu.memref_slice %arg11[%dma_start3A, %dma_start3A_65] : memref<128x128xf32, #tpu.memory_space<vmem>> -> memref<104x128xf32, #tpu.memory_space<vmem>>
      %dma_start3A_67 = arith.constant 0 : i32
      %dma_start3A_68 = tpu.memref_slice %arg2[%add3A_1, %dma_start3A_67] : memref<10000x128xf32, #tpu.memory_space<hbm>> -> memref<104x128xf32, #tpu.memory_space<hbm>>
      %dma_start3A_69 = arith.constant 0 : i32
      %dma_start3A_70 = arith.constant 0 : i32
      %dma_start3A_71 = tpu.memref_slice %arg11[%dma_start3A_69, %dma_start3A_70] : memref<128x128xf32, #tpu.memory_space<vmem>> -> memref<104x128xf32, #tpu.memory_space<vmem>>
      %dma_start3A_72 = arith.constant 0 : i32
      %dma_start3A_73 = tpu.memref_slice %arg2[%add3A_1, %dma_start3A_72] : memref<10000x128xf32, #tpu.memory_space<hbm>> -> memref<104x128xf32, #tpu.memory_space<hbm>>
      tpu.enqueue_dma source(%dma_start3A_73 : memref<104x128xf32, #tpu.memory_space<hbm>>) target(%dma_start3A_71 : memref<104x128xf32, #tpu.memory_space<vmem>>) target_semaphore(%run_scoped3A : memref<!tpu.dma_semaphore, #tpu.memory_space<semaphore_mem>>)
      %dma_wait3A = arith.constant 0 : i32
      %dma_wait3A_74 = arith.constant 0 : i32
      %dma_wait3A_75 = tpu.memref_slice %arg11[%dma_wait3A, %dma_wait3A_74] : memref<128x128xf32, #tpu.memory_space<vmem>> -> memref<104x128xf32, #tpu.memory_space<vmem>>
      %dma_wait3A_76 = arith.constant 0 : i32
      %dma_wait3A_77 = tpu.memref_slice %arg2[%add3A_1, %dma_wait3A_76] : memref<10000x128xf32, #tpu.memory_space<hbm>> -> memref<104x128xf32, #tpu.memory_space<hbm>>
      %dma_wait3A_78 = arith.constant 0 : i32
      %dma_wait3A_79 = arith.constant 0 : i32
      %dma_wait3A_80 = tpu.memref_slice %arg11[%dma_wait3A_78, %dma_wait3A_79] : memref<128x128xf32, #tpu.memory_space<vmem>> -> memref<104x128xf32, #tpu.memory_space<vmem>>
      %dma_wait3A_81 = arith.constant 0 : i32
      %dma_wait3A_82 = tpu.memref_slice %arg2[%add3A_1, %dma_wait3A_81] : memref<10000x128xf32, #tpu.memory_space<hbm>> -> memref<104x128xf32, #tpu.memory_space<hbm>>
      tpu.wait_dma2 semaphore(%run_scoped3A : memref<!tpu.dma_semaphore, #tpu.memory_space<semaphore_mem>>) src(%dma_wait3A_82 : memref<104x128xf32, #tpu.memory_space<hbm>>) dst(%dma_wait3A_80 : memref<104x128xf32, #tpu.memory_space<vmem>>)
      tpu.yield
    }) : () -> ()
    %add3A_2 = arith.constant 0 : i32
    %add3A_3 = arith.addi %mul3A_0, %add3A_2 : i32
    "tpu.region"() ({
      %run_scoped3A = tpu.sem_alloc : memref<!tpu.dma_semaphore, #tpu.memory_space<semaphore_mem>>
      %dma_start3A = arith.constant 0 : i32
      %dma_start3A_65 = arith.constant 0 : i32
      %dma_start3A_66 = tpu.memref_slice %arg11[%dma_start3A, %dma_start3A_65] : memref<128x128xf32, #tpu.memory_space<vmem>> -> memref<104x128xf32, #tpu.memory_space<vmem>>
      %dma_start3A_67 = arith.constant 0 : i32
      %dma_start3A_68 = tpu.memref_slice %arg8[%add3A_3, %dma_start3A_67] : memref<10008x128xf32, #tpu.memory_space<vmem_shared>> -> memref<104x128xf32, #tpu.memory_space<vmem_shared>>
      %dma_start3A_69 = arith.constant 0 : i32
      %dma_start3A_70 = tpu.memref_slice %arg8[%add3A_3, %dma_start3A_69] : memref<10008x128xf32, #tpu.memory_space<vmem_shared>> -> memref<104x128xf32, #tpu.memory_space<vmem_shared>>
      %dma_start3A_71 = arith.constant 0 : i32
      %dma_start3A_72 = arith.constant 0 : i32
      %dma_start3A_73 = tpu.memref_slice %arg11[%dma_start3A_71, %dma_start3A_72] : memref<128x128xf32, #tpu.memory_space<vmem>> -> memref<104x128xf32, #tpu.memory_space<vmem>>
      tpu.enqueue_dma source(%dma_start3A_73 : memref<104x128xf32, #tpu.memory_space<vmem>>) target(%dma_start3A_70 : memref<104x128xf32, #tpu.memory_space<vmem_shared>>) target_semaphore(%run_scoped3A : memref<!tpu.dma_semaphore, #tpu.memory_space<semaphore_mem>>)
      %dma_wait3A = arith.constant 0 : i32
      %dma_wait3A_74 = arith.constant 0 : i32
      %dma_wait3A_75 = tpu.memref_slice %arg11[%dma_wait3A, %dma_wait3A_74] : memref<128x128xf32, #tpu.memory_space<vmem>> -> memref<104x128xf32, #tpu.memory_space<vmem>>
      %dma_wait3A_76 = arith.constant 0 : i32
      %dma_wait3A_77 = tpu.memref_slice %arg8[%add3A_3, %dma_wait3A_76] : memref<10008x128xf32, #tpu.memory_space<vmem_shared>> -> memref<104x128xf32, #tpu.memory_space<vmem_shared>>
      %dma_wait3A_78 = arith.constant 0 : i32
      %dma_wait3A_79 = tpu.memref_slice %arg8[%add3A_3, %dma_wait3A_78] : memref<10008x128xf32, #tpu.memory_space<vmem_shared>> -> memref<104x128xf32, #tpu.memory_space<vmem_shared>>
      %dma_wait3A_80 = arith.constant 0 : i32
      %dma_wait3A_81 = arith.constant 0 : i32
      %dma_wait3A_82 = tpu.memref_slice %arg11[%dma_wait3A_80, %dma_wait3A_81] : memref<128x128xf32, #tpu.memory_space<vmem>> -> memref<104x128xf32, #tpu.memory_space<vmem>>
      tpu.wait_dma2 semaphore(%run_scoped3A : memref<!tpu.dma_semaphore, #tpu.memory_space<semaphore_mem>>) src(%dma_wait3A_82 : memref<104x128xf32, #tpu.memory_space<vmem>>) dst(%dma_wait3A_79 : memref<104x128xf32, #tpu.memory_space<vmem_shared>>)
      tpu.yield
    }) : () -> ()
    %add3A_4 = arith.constant 104 : i32
    %add3A_5 = arith.addi %mul3A_0, %add3A_4 : i32
    "tpu.region"() ({
      %run_scoped3A = tpu.sem_alloc : memref<!tpu.dma_semaphore, #tpu.memory_space<semaphore_mem>>
      %dma_start3A = arith.constant 0 : i32
      %dma_start3A_65 = arith.constant 0 : i32
      %dma_start3A_66 = tpu.memref_slice %arg11[%dma_start3A, %dma_start3A_65] : memref<128x128xf32, #tpu.memory_space<vmem>> -> memref<104x128xf32, #tpu.memory_space<vmem>>
      %dma_start3A_67 = arith.constant 0 : i32
      %dma_start3A_68 = tpu.memref_slice %arg2[%add3A_5, %dma_start3A_67] : memref<10000x128xf32, #tpu.memory_space<hbm>> -> memref<104x128xf32, #tpu.memory_space<hbm>>
      %dma_start3A_69 = arith.constant 0 : i32
      %dma_start3A_70 = arith.constant 0 : i32
      %dma_start3A_71 = tpu.memref_slice %arg11[%dma_start3A_69, %dma_start3A_70] : memref<128x128xf32, #tpu.memory_space<vmem>> -> memref<104x128xf32, #tpu.memory_space<vmem>>
      %dma_start3A_72 = arith.constant 0 : i32
      %dma_start3A_73 = tpu.memref_slice %arg2[%add3A_5, %dma_start3A_72] : memref<10000x128xf32, #tpu.memory_space<hbm>> -> memref<104x128xf32, #tpu.memory_space<hbm>>
      tpu.enqueue_dma source(%dma_start3A_73 : memref<104x128xf32, #tpu.memory_space<hbm>>) target(%dma_start3A_71 : memref<104x128xf32, #tpu.memory_space<vmem>>) target_semaphore(%run_scoped3A : memref<!tpu.dma_semaphore, #tpu.memory_space<semaphore_mem>>)
      %dma_wait3A = arith.constant 0 : i32
      %dma_wait3A_74 = arith.constant 0 : i32
      %dma_wait3A_75 = tpu.memref_slice %arg11[%dma_wait3A, %dma_wait3A_74] : memref<128x128xf32, #tpu.memory_space<vmem>> -> memref<104x128xf32, #tpu.memory_space<vmem>>
      %dma_wait3A_76 = arith.constant 0 : i32
      %dma_wait3A_77 = tpu.memref_slice %arg2[%add3A_5, %dma_wait3A_76] : memref<10000x128xf32, #tpu.memory_space<hbm>> -> memref<104x128xf32, #tpu.memory_space<hbm>>
      %dma_wait3A_78 = arith.constant 0 : i32
      %dma_wait3A_79 = arith.constant 0 : i32
      %dma_wait3A_80 = tpu.memref_slice %arg11[%dma_wait3A_78, %dma_wait3A_79] : memref<128x128xf32, #tpu.memory_space<vmem>> -> memref<104x128xf32, #tpu.memory_space<vmem>>
      %dma_wait3A_81 = arith.constant 0 : i32
      %dma_wait3A_82 = tpu.memref_slice %arg2[%add3A_5, %dma_wait3A_81] : memref<10000x128xf32, #tpu.memory_space<hbm>> -> memref<104x128xf32, #tpu.memory_space<hbm>>
      tpu.wait_dma2 semaphore(%run_scoped3A : memref<!tpu.dma_semaphore, #tpu.memory_space<semaphore_mem>>) src(%dma_wait3A_82 : memref<104x128xf32, #tpu.memory_space<hbm>>) dst(%dma_wait3A_80 : memref<104x128xf32, #tpu.memory_space<vmem>>)
      tpu.yield
    }) : () -> ()
    %add3A_6 = arith.constant 104 : i32
    %add3A_7 = arith.addi %mul3A_0, %add3A_6 : i32
    "tpu.region"() ({
      %run_scoped3A = tpu.sem_alloc : memref<!tpu.dma_semaphore, #tpu.memory_space<semaphore_mem>>
      %dma_start3A = arith.constant 0 : i32
      %dma_start3A_65 = arith.constant 0 : i32
      %dma_start3A_66 = tpu.memref_slice %arg11[%dma_start3A, %dma_start3A_65] : memref<128x128xf32, #tpu.memory_space<vmem>> -> memref<104x128xf32, #tpu.memory_space<vmem>>
      %dma_start3A_67 = arith.constant 0 : i32
      %dma_start3A_68 = tpu.memref_slice %arg8[%add3A_7, %dma_start3A_67] : memref<10008x128xf32, #tpu.memory_space<vmem_shared>> -> memref<104x128xf32, #tpu.memory_space<vmem_shared>>
      %dma_start3A_69 = arith.constant 0 : i32
      %dma_start3A_70 = tpu.memref_slice %arg8[%add3A_7, %dma_start3A_69] : memref<10008x128xf32, #tpu.memory_space<vmem_shared>> -> memref<104x128xf32, #tpu.memory_space<vmem_shared>>
      %dma_start3A_71 = arith.constant 0 : i32
      %dma_start3A_72 = arith.constant 0 : i32
      %dma_start3A_73 = tpu.memref_slice %arg11[%dma_start3A_71, %dma_start3A_72] : memref<128x128xf32, #tpu.memory_space<vmem>> -> memref<104x128xf32, #tpu.memory_space<vmem>>
      tpu.enqueue_dma source(%dma_start3A_73 : memref<104x128xf32, #tpu.memory_space<vmem>>) target(%dma_start3A_70 : memref<104x128xf32, #tpu.memory_space<vmem_shared>>) target_semaphore(%run_scoped3A : memref<!tpu.dma_semaphore, #tpu.memory_space<semaphore_mem>>)
      %dma_wait3A = arith.constant 0 : i32
      %dma_wait3A_74 = arith.constant 0 : i32
      %dma_wait3A_75 = tpu.memref_slice %arg11[%dma_wait3A, %dma_wait3A_74] : memref<128x128xf32, #tpu.memory_space<vmem>> -> memref<104x128xf32, #tpu.memory_space<vmem>>
      %dma_wait3A_76 = arith.constant 0 : i32
      %dma_wait3A_77 = tpu.memref_slice %arg8[%add3A_7, %dma_wait3A_76] : memref<10008x128xf32, #tpu.memory_space<vmem_shared>> -> memref<104x128xf32, #tpu.memory_space<vmem_shared>>
      %dma_wait3A_78 = arith.constant 0 : i32
      %dma_wait3A_79 = tpu.memref_slice %arg8[%add3A_7, %dma_wait3A_78] : memref<10008x128xf32, #tpu.memory_space<vmem_shared>> -> memref<104x128xf32, #tpu.memory_space<vmem_shared>>
      %dma_wait3A_80 = arith.constant 0 : i32
      %dma_wait3A_81 = arith.constant 0 : i32
      %dma_wait3A_82 = tpu.memref_slice %arg11[%dma_wait3A_80, %dma_wait3A_81] : memref<128x128xf32, #tpu.memory_space<vmem>> -> memref<104x128xf32, #tpu.memory_space<vmem>>
      tpu.wait_dma2 semaphore(%run_scoped3A : memref<!tpu.dma_semaphore, #tpu.memory_space<semaphore_mem>>) src(%dma_wait3A_82 : memref<104x128xf32, #tpu.memory_space<vmem>>) dst(%dma_wait3A_79 : memref<104x128xf32, #tpu.memory_space<vmem_shared>>)
      tpu.yield
    }) : () -> ()
    %add3A_8 = arith.constant 208 : i32
    %add3A_9 = arith.addi %mul3A_0, %add3A_8 : i32
    "tpu.region"() ({
      %run_scoped3A = tpu.sem_alloc : memref<!tpu.dma_semaphore, #tpu.memory_space<semaphore_mem>>
      %dma_start3A = arith.constant 0 : i32
      %dma_start3A_65 = arith.constant 0 : i32
      %dma_start3A_66 = tpu.memref_slice %arg11[%dma_start3A, %dma_start3A_65] : memref<128x128xf32, #tpu.memory_space<vmem>> -> memref<104x128xf32, #tpu.memory_space<vmem>>
      %dma_start3A_67 = arith.constant 0 : i32
      %dma_start3A_68 = tpu.memref_slice %arg2[%add3A_9, %dma_start3A_67] : memref<10000x128xf32, #tpu.memory_space<hbm>> -> memref<104x128xf32, #tpu.memory_space<hbm>>
      %dma_start3A_69 = arith.constant 0 : i32
      %dma_start3A_70 = arith.constant 0 : i32
      %dma_start3A_71 = tpu.memref_slice %arg11[%dma_start3A_69, %dma_start3A_70] : memref<128x128xf32, #tpu.memory_space<vmem>> -> memref<104x128xf32, #tpu.memory_space<vmem>>
      %dma_start3A_72 = arith.constant 0 : i32
      %dma_start3A_73 = tpu.memref_slice %arg2[%add3A_9, %dma_start3A_72] : memref<10000x128xf32, #tpu.memory_space<hbm>> -> memref<104x128xf32, #tpu.memory_space<hbm>>
      tpu.enqueue_dma source(%dma_start3A_73 : memref<104x128xf32, #tpu.memory_space<hbm>>) target(%dma_start3A_71 : memref<104x128xf32, #tpu.memory_space<vmem>>) target_semaphore(%run_scoped3A : memref<!tpu.dma_semaphore, #tpu.memory_space<semaphore_mem>>)
      %dma_wait3A = arith.constant 0 : i32
      %dma_wait3A_74 = arith.constant 0 : i32
      %dma_wait3A_75 = tpu.memref_slice %arg11[%dma_wait3A, %dma_wait3A_74] : memref<128x128xf32, #tpu.memory_space<vmem>> -> memref<104x128xf32, #tpu.memory_space<vmem>>
      %dma_wait3A_76 = arith.constant 0 : i32
      %dma_wait3A_77 = tpu.memref_slice %arg2[%add3A_9, %dma_wait3A_76] : memref<10000x128xf32, #tpu.memory_space<hbm>> -> memref<104x128xf32, #tpu.memory_space<hbm>>
      %dma_wait3A_78 = arith.constant 0 : i32
      %dma_wait3A_79 = arith.constant 0 : i32
      %dma_wait3A_80 = tpu.memref_slice %arg11[%dma_wait3A_78, %dma_wait3A_79] : memref<128x128xf32, #tpu.memory_space<vmem>> -> memref<104x128xf32, #tpu.memory_space<vmem>>
      %dma_wait3A_81 = arith.constant 0 : i32
      %dma_wait3A_82 = tpu.memref_slice %arg2[%add3A_9, %dma_wait3A_81] : memref<10000x128xf32, #tpu.memory_space<hbm>> -> memref<104x128xf32, #tpu.memory_space<hbm>>
      tpu.wait_dma2 semaphore(%run_scoped3A : memref<!tpu.dma_semaphore, #tpu.memory_space<semaphore_mem>>) src(%dma_wait3A_82 : memref<104x128xf32, #tpu.memory_space<hbm>>) dst(%dma_wait3A_80 : memref<104x128xf32, #tpu.memory_space<vmem>>)
      tpu.yield
    }) : () -> ()
    %add3A_10 = arith.constant 208 : i32
    %add3A_11 = arith.addi %mul3A_0, %add3A_10 : i32
    "tpu.region"() ({
      %run_scoped3A = tpu.sem_alloc : memref<!tpu.dma_semaphore, #tpu.memory_space<semaphore_mem>>
      %dma_start3A = arith.constant 0 : i32
      %dma_start3A_65 = arith.constant 0 : i32
      %dma_start3A_66 = tpu.memref_slice %arg11[%dma_start3A, %dma_start3A_65] : memref<128x128xf32, #tpu.memory_space<vmem>> -> memref<104x128xf32, #tpu.memory_space<vmem>>
      %dma_start3A_67 = arith.constant 0 : i32
      %dma_start3A_68 = tpu.memref_slice %arg8[%add3A_11, %dma_start3A_67] : memref<10008x128xf32, #tpu.memory_space<vmem_shared>> -> memref<104x128xf32, #tpu.memory_space<vmem_shared>>
      %dma_start3A_69 = arith.constant 0 : i32
      %dma_start3A_70 = tpu.memref_slice %arg8[%add3A_11, %dma_start3A_69] : memref<10008x128xf32, #tpu.memory_space<vmem_shared>> -> memref<104x128xf32, #tpu.memory_space<vmem_shared>>
      %dma_start3A_71 = arith.constant 0 : i32
      %dma_start3A_72 = arith.constant 0 : i32
      %dma_start3A_73 = tpu.memref_slice %arg11[%dma_start3A_71, %dma_start3A_72] : memref<128x128xf32, #tpu.memory_space<vmem>> -> memref<104x128xf32, #tpu.memory_space<vmem>>
      tpu.enqueue_dma source(%dma_start3A_73 : memref<104x128xf32, #tpu.memory_space<vmem>>) target(%dma_start3A_70 : memref<104x128xf32, #tpu.memory_space<vmem_shared>>) target_semaphore(%run_scoped3A : memref<!tpu.dma_semaphore, #tpu.memory_space<semaphore_mem>>)
      %dma_wait3A = arith.constant 0 : i32
      %dma_wait3A_74 = arith.constant 0 : i32
      %dma_wait3A_75 = tpu.memref_slice %arg11[%dma_wait3A, %dma_wait3A_74] : memref<128x128xf32, #tpu.memory_space<vmem>> -> memref<104x128xf32, #tpu.memory_space<vmem>>
      %dma_wait3A_76 = arith.constant 0 : i32
      %dma_wait3A_77 = tpu.memref_slice %arg8[%add3A_11, %dma_wait3A_76] : memref<10008x128xf32, #tpu.memory_space<vmem_shared>> -> memref<104x128xf32, #tpu.memory_space<vmem_shared>>
      %dma_wait3A_78 = arith.constant 0 : i32
      %dma_wait3A_79 = tpu.memref_slice %arg8[%add3A_11, %dma_wait3A_78] : memref<10008x128xf32, #tpu.memory_space<vmem_shared>> -> memref<104x128xf32, #tpu.memory_space<vmem_shared>>
      %dma_wait3A_80 = arith.constant 0 : i32
      %dma_wait3A_81 = arith.constant 0 : i32
      %dma_wait3A_82 = tpu.memref_slice %arg11[%dma_wait3A_80, %dma_wait3A_81] : memref<128x128xf32, #tpu.memory_space<vmem>> -> memref<104x128xf32, #tpu.memory_space<vmem>>
      tpu.wait_dma2 semaphore(%run_scoped3A : memref<!tpu.dma_semaphore, #tpu.memory_space<semaphore_mem>>) src(%dma_wait3A_82 : memref<104x128xf32, #tpu.memory_space<vmem>>) dst(%dma_wait3A_79 : memref<104x128xf32, #tpu.memory_space<vmem_shared>>)
      tpu.yield
    }) : () -> ()
    %add3A_12 = arith.constant 312 : i32
    %add3A_13 = arith.addi %mul3A_0, %add3A_12 : i32
    "tpu.region"() ({
      %run_scoped3A = tpu.sem_alloc : memref<!tpu.dma_semaphore, #tpu.memory_space<semaphore_mem>>
      %dma_start3A = arith.constant 0 : i32
      %dma_start3A_65 = arith.constant 0 : i32
      %dma_start3A_66 = tpu.memref_slice %arg11[%dma_start3A, %dma_start3A_65] : memref<128x128xf32, #tpu.memory_space<vmem>> -> memref<104x128xf32, #tpu.memory_space<vmem>>
      %dma_start3A_67 = arith.constant 0 : i32
      %dma_start3A_68 = tpu.memref_slice %arg2[%add3A_13, %dma_start3A_67] : memref<10000x128xf32, #tpu.memory_space<hbm>> -> memref<104x128xf32, #tpu.memory_space<hbm>>
      %dma_start3A_69 = arith.constant 0 : i32
      %dma_start3A_70 = arith.constant 0 : i32
      %dma_start3A_71 = tpu.memref_slice %arg11[%dma_start3A_69, %dma_start3A_70] : memref<128x128xf32, #tpu.memory_space<vmem>> -> memref<104x128xf32, #tpu.memory_space<vmem>>
      %dma_start3A_72 = arith.constant 0 : i32
      %dma_start3A_73 = tpu.memref_slice %arg2[%add3A_13, %dma_start3A_72] : memref<10000x128xf32, #tpu.memory_space<hbm>> -> memref<104x128xf32, #tpu.memory_space<hbm>>
      tpu.enqueue_dma source(%dma_start3A_73 : memref<104x128xf32, #tpu.memory_space<hbm>>) target(%dma_start3A_71 : memref<104x128xf32, #tpu.memory_space<vmem>>) target_semaphore(%run_scoped3A : memref<!tpu.dma_semaphore, #tpu.memory_space<semaphore_mem>>)
      %dma_wait3A = arith.constant 0 : i32
      %dma_wait3A_74 = arith.constant 0 : i32
      %dma_wait3A_75 = tpu.memref_slice %arg11[%dma_wait3A, %dma_wait3A_74] : memref<128x128xf32, #tpu.memory_space<vmem>> -> memref<104x128xf32, #tpu.memory_space<vmem>>
      %dma_wait3A_76 = arith.constant 0 : i32
      %dma_wait3A_77 = tpu.memref_slice %arg2[%add3A_13, %dma_wait3A_76] : memref<10000x128xf32, #tpu.memory_space<hbm>> -> memref<104x128xf32, #tpu.memory_space<hbm>>
      %dma_wait3A_78 = arith.constant 0 : i32
      %dma_wait3A_79 = arith.constant 0 : i32
      %dma_wait3A_80 = tpu.memref_slice %arg11[%dma_wait3A_78, %dma_wait3A_79] : memref<128x128xf32, #tpu.memory_space<vmem>> -> memref<104x128xf32, #tpu.memory_space<vmem>>
      %dma_wait3A_81 = arith.constant 0 : i32
      %dma_wait3A_82 = tpu.memref_slice %arg2[%add3A_13, %dma_wait3A_81] : memref<10000x128xf32, #tpu.memory_space<hbm>> -> memref<104x128xf32, #tpu.memory_space<hbm>>
      tpu.wait_dma2 semaphore(%run_scoped3A : memref<!tpu.dma_semaphore, #tpu.memory_space<semaphore_mem>>) src(%dma_wait3A_82 : memref<104x128xf32, #tpu.memory_space<hbm>>) dst(%dma_wait3A_80 : memref<104x128xf32, #tpu.memory_space<vmem>>)
      tpu.yield
    }) : () -> ()
    %add3A_14 = arith.constant 312 : i32
    %add3A_15 = arith.addi %mul3A_0, %add3A_14 : i32
    "tpu.region"() ({
      %run_scoped3A = tpu.sem_alloc : memref<!tpu.dma_semaphore, #tpu.memory_space<semaphore_mem>>
      %dma_start3A = arith.constant 0 : i32
      %dma_start3A_65 = arith.constant 0 : i32
      %dma_start3A_66 = tpu.memref_slice %arg11[%dma_start3A, %dma_start3A_65] : memref<128x128xf32, #tpu.memory_space<vmem>> -> memref<104x128xf32, #tpu.memory_space<vmem>>
      %dma_start3A_67 = arith.constant 0 : i32
      %dma_start3A_68 = tpu.memref_slice %arg8[%add3A_15, %dma_start3A_67] : memref<10008x128xf32, #tpu.memory_space<vmem_shared>> -> memref<104x128xf32, #tpu.memory_space<vmem_shared>>
      %dma_start3A_69 = arith.constant 0 : i32
      %dma_start3A_70 = tpu.memref_slice %arg8[%add3A_15, %dma_start3A_69] : memref<10008x128xf32, #tpu.memory_space<vmem_shared>> -> memref<104x128xf32, #tpu.memory_space<vmem_shared>>
      %dma_start3A_71 = arith.constant 0 : i32
      %dma_start3A_72 = arith.constant 0 : i32
      %dma_start3A_73 = tpu.memref_slice %arg11[%dma_start3A_71, %dma_start3A_72] : memref<128x128xf32, #tpu.memory_space<vmem>> -> memref<104x128xf32, #tpu.memory_space<vmem>>
      tpu.enqueue_dma source(%dma_start3A_73 : memref<104x128xf32, #tpu.memory_space<vmem>>) target(%dma_start3A_70 : memref<104x128xf32, #tpu.memory_space<vmem_shared>>) target_semaphore(%run_scoped3A : memref<!tpu.dma_semaphore, #tpu.memory_space<semaphore_mem>>)
      %dma_wait3A = arith.constant 0 : i32
      %dma_wait3A_74 = arith.constant 0 : i32
      %dma_wait3A_75 = tpu.memref_slice %arg11[%dma_wait3A, %dma_wait3A_74] : memref<128x128xf32, #tpu.memory_space<vmem>> -> memref<104x128xf32, #tpu.memory_space<vmem>>
      %dma_wait3A_76 = arith.constant 0 : i32
      %dma_wait3A_77 = tpu.memref_slice %arg8[%add3A_15, %dma_wait3A_76] : memref<10008x128xf32, #tpu.memory_space<vmem_shared>> -> memref<104x128xf32, #tpu.memory_space<vmem_shared>>
      %dma_wait3A_78 = arith.constant 0 : i32
      %dma_wait3A_79 = tpu.memref_slice %arg8[%add3A_15, %dma_wait3A_78] : memref<10008x128xf32, #tpu.memory_space<vmem_shared>> -> memref<104x128xf32, #tpu.memory_space<vmem_shared>>
      %dma_wait3A_80 = arith.constant 0 : i32
      %dma_wait3A_81 = arith.constant 0 : i32
      %dma_wait3A_82 = tpu.memref_slice %arg11[%dma_wait3A_80, %dma_wait3A_81] : memref<128x128xf32, #tpu.memory_space<vmem>> -> memref<104x128xf32, #tpu.memory_space<vmem>>
      tpu.wait_dma2 semaphore(%run_scoped3A : memref<!tpu.dma_semaphore, #tpu.memory_space<semaphore_mem>>) src(%dma_wait3A_82 : memref<104x128xf32, #tpu.memory_space<vmem>>) dst(%dma_wait3A_79 : memref<104x128xf32, #tpu.memory_space<vmem_shared>>)
      tpu.yield
    }) : () -> ()
    %add3A_16 = arith.constant 416 : i32
    %add3A_17 = arith.addi %mul3A_0, %add3A_16 : i32
    "tpu.region"() ({
      %run_scoped3A = tpu.sem_alloc : memref<!tpu.dma_semaphore, #tpu.memory_space<semaphore_mem>>
      %dma_start3A = arith.constant 0 : i32
      %dma_start3A_65 = arith.constant 0 : i32
      %dma_start3A_66 = tpu.memref_slice %arg11[%dma_start3A, %dma_start3A_65] : memref<128x128xf32, #tpu.memory_space<vmem>> -> memref<104x128xf32, #tpu.memory_space<vmem>>
      %dma_start3A_67 = arith.constant 0 : i32
      %dma_start3A_68 = tpu.memref_slice %arg2[%add3A_17, %dma_start3A_67] : memref<10000x128xf32, #tpu.memory_space<hbm>> -> memref<104x128xf32, #tpu.memory_space<hbm>>
      %dma_start3A_69 = arith.constant 0 : i32
      %dma_start3A_70 = arith.constant 0 : i32
      %dma_start3A_71 = tpu.memref_slice %arg11[%dma_start3A_69, %dma_start3A_70] : memref<128x128xf32, #tpu.memory_space<vmem>> -> memref<104x128xf32, #tpu.memory_space<vmem>>
      %dma_start3A_72 = arith.constant 0 : i32
      %dma_start3A_73 = tpu.memref_slice %arg2[%add3A_17, %dma_start3A_72] : memref<10000x128xf32, #tpu.memory_space<hbm>> -> memref<104x128xf32, #tpu.memory_space<hbm>>
      tpu.enqueue_dma source(%dma_start3A_73 : memref<104x128xf32, #tpu.memory_space<hbm>>) target(%dma_start3A_71 : memref<104x128xf32, #tpu.memory_space<vmem>>) target_semaphore(%run_scoped3A : memref<!tpu.dma_semaphore, #tpu.memory_space<semaphore_mem>>)
      %dma_wait3A = arith.constant 0 : i32
      %dma_wait3A_74 = arith.constant 0 : i32
      %dma_wait3A_75 = tpu.memref_slice %arg11[%dma_wait3A, %dma_wait3A_74] : memref<128x128xf32, #tpu.memory_space<vmem>> -> memref<104x128xf32, #tpu.memory_space<vmem>>
      %dma_wait3A_76 = arith.constant 0 : i32
      %dma_wait3A_77 = tpu.memref_slice %arg2[%add3A_17, %dma_wait3A_76] : memref<10000x128xf32, #tpu.memory_space<hbm>> -> memref<104x128xf32, #tpu.memory_space<hbm>>
      %dma_wait3A_78 = arith.constant 0 : i32
      %dma_wait3A_79 = arith.constant 0 : i32
      %dma_wait3A_80 = tpu.memref_slice %arg11[%dma_wait3A_78, %dma_wait3A_79] : memref<128x128xf32, #tpu.memory_space<vmem>> -> memref<104x128xf32, #tpu.memory_space<vmem>>
      %dma_wait3A_81 = arith.constant 0 : i32
      %dma_wait3A_82 = tpu.memref_slice %arg2[%add3A_17, %dma_wait3A_81] : memref<10000x128xf32, #tpu.memory_space<hbm>> -> memref<104x128xf32, #tpu.memory_space<hbm>>
      tpu.wait_dma2 semaphore(%run_scoped3A : memref<!tpu.dma_semaphore, #tpu.memory_space<semaphore_mem>>) src(%dma_wait3A_82 : memref<104x128xf32, #tpu.memory_space<hbm>>) dst(%dma_wait3A_80 : memref<104x128xf32, #tpu.memory_space<vmem>>)
      tpu.yield
    }) : () -> ()
    %add3A_18 = arith.constant 416 : i32
    %add3A_19 = arith.addi %mul3A_0, %add3A_18 : i32
    "tpu.region"() ({
      %run_scoped3A = tpu.sem_alloc : memref<!tpu.dma_semaphore, #tpu.memory_space<semaphore_mem>>
      %dma_start3A = arith.constant 0 : i32
      %dma_start3A_65 = arith.constant 0 : i32
      %dma_start3A_66 = tpu.memref_slice %arg11[%dma_start3A, %dma_start3A_65] : memref<128x128xf32, #tpu.memory_space<vmem>> -> memref<104x128xf32, #tpu.memory_space<vmem>>
      %dma_start3A_67 = arith.constant 0 : i32
      %dma_start3A_68 = tpu.memref_slice %arg8[%add3A_19, %dma_start3A_67] : memref<10008x128xf32, #tpu.memory_space<vmem_shared>> -> memref<104x128xf32, #tpu.memory_space<vmem_shared>>
      %dma_start3A_69 = arith.constant 0 : i32
      %dma_start3A_70 = tpu.memref_slice %arg8[%add3A_19, %dma_start3A_69] : memref<10008x128xf32, #tpu.memory_space<vmem_shared>> -> memref<104x128xf32, #tpu.memory_space<vmem_shared>>
      %dma_start3A_71 = arith.constant 0 : i32
      %dma_start3A_72 = arith.constant 0 : i32
      %dma_start3A_73 = tpu.memref_slice %arg11[%dma_start3A_71, %dma_start3A_72] : memref<128x128xf32, #tpu.memory_space<vmem>> -> memref<104x128xf32, #tpu.memory_space<vmem>>
      tpu.enqueue_dma source(%dma_start3A_73 : memref<104x128xf32, #tpu.memory_space<vmem>>) target(%dma_start3A_70 : memref<104x128xf32, #tpu.memory_space<vmem_shared>>) target_semaphore(%run_scoped3A : memref<!tpu.dma_semaphore, #tpu.memory_space<semaphore_mem>>)
      %dma_wait3A = arith.constant 0 : i32
      %dma_wait3A_74 = arith.constant 0 : i32
      %dma_wait3A_75 = tpu.memref_slice %arg11[%dma_wait3A, %dma_wait3A_74] : memref<128x128xf32, #tpu.memory_space<vmem>> -> memref<104x128xf32, #tpu.memory_space<vmem>>
      %dma_wait3A_76 = arith.constant 0 : i32
      %dma_wait3A_77 = tpu.memref_slice %arg8[%add3A_19, %dma_wait3A_76] : memref<10008x128xf32, #tpu.memory_space<vmem_shared>> -> memref<104x128xf32, #tpu.memory_space<vmem_shared>>
      %dma_wait3A_78 = arith.constant 0 : i32
      %dma_wait3A_79 = tpu.memref_slice %arg8[%add3A_19, %dma_wait3A_78] : memref<10008x128xf32, #tpu.memory_space<vmem_shared>> -> memref<104x128xf32, #tpu.memory_space<vmem_shared>>
      %dma_wait3A_80 = arith.constant 0 : i32
      %dma_wait3A_81 = arith.constant 0 : i32
      %dma_wait3A_82 = tpu.memref_slice %arg11[%dma_wait3A_80, %dma_wait3A_81] : memref<128x128xf32, #tpu.memory_space<vmem>> -> memref<104x128xf32, #tpu.memory_space<vmem>>
      tpu.wait_dma2 semaphore(%run_scoped3A : memref<!tpu.dma_semaphore, #tpu.memory_space<semaphore_mem>>) src(%dma_wait3A_82 : memref<104x128xf32, #tpu.memory_space<vmem>>) dst(%dma_wait3A_79 : memref<104x128xf32, #tpu.memory_space<vmem_shared>>)
      tpu.yield
    }) : () -> ()
    %add3A_20 = arith.constant 520 : i32
    %add3A_21 = arith.addi %mul3A_0, %add3A_20 : i32
    "tpu.region"() ({
      %run_scoped3A = tpu.sem_alloc : memref<!tpu.dma_semaphore, #tpu.memory_space<semaphore_mem>>
      %dma_start3A = arith.constant 0 : i32
      %dma_start3A_65 = arith.constant 0 : i32
      %dma_start3A_66 = tpu.memref_slice %arg11[%dma_start3A, %dma_start3A_65] : memref<128x128xf32, #tpu.memory_space<vmem>> -> memref<104x128xf32, #tpu.memory_space<vmem>>
      %dma_start3A_67 = arith.constant 0 : i32
      %dma_start3A_68 = tpu.memref_slice %arg2[%add3A_21, %dma_start3A_67] : memref<10000x128xf32, #tpu.memory_space<hbm>> -> memref<104x128xf32, #tpu.memory_space<hbm>>
      %dma_start3A_69 = arith.constant 0 : i32
      %dma_start3A_70 = arith.constant 0 : i32
      %dma_start3A_71 = tpu.memref_slice %arg11[%dma_start3A_69, %dma_start3A_70] : memref<128x128xf32, #tpu.memory_space<vmem>> -> memref<104x128xf32, #tpu.memory_space<vmem>>
      %dma_start3A_72 = arith.constant 0 : i32
      %dma_start3A_73 = tpu.memref_slice %arg2[%add3A_21, %dma_start3A_72] : memref<10000x128xf32, #tpu.memory_space<hbm>> -> memref<104x128xf32, #tpu.memory_space<hbm>>
      tpu.enqueue_dma source(%dma_start3A_73 : memref<104x128xf32, #tpu.memory_space<hbm>>) target(%dma_start3A_71 : memref<104x128xf32, #tpu.memory_space<vmem>>) target_semaphore(%run_scoped3A : memref<!tpu.dma_semaphore, #tpu.memory_space<semaphore_mem>>)
      %dma_wait3A = arith.constant 0 : i32
      %dma_wait3A_74 = arith.constant 0 : i32
      %dma_wait3A_75 = tpu.memref_slice %arg11[%dma_wait3A, %dma_wait3A_74] : memref<128x128xf32, #tpu.memory_space<vmem>> -> memref<104x128xf32, #tpu.memory_space<vmem>>
      %dma_wait3A_76 = arith.constant 0 : i32
      %dma_wait3A_77 = tpu.memref_slice %arg2[%add3A_21, %dma_wait3A_76] : memref<10000x128xf32, #tpu.memory_space<hbm>> -> memref<104x128xf32, #tpu.memory_space<hbm>>
      %dma_wait3A_78 = arith.constant 0 : i32
      %dma_wait3A_79 = arith.constant 0 : i32
      %dma_wait3A_80 = tpu.memref_slice %arg11[%dma_wait3A_78, %dma_wait3A_79] : memref<128x128xf32, #tpu.memory_space<vmem>> -> memref<104x128xf32, #tpu.memory_space<vmem>>
      %dma_wait3A_81 = arith.constant 0 : i32
      %dma_wait3A_82 = tpu.memref_slice %arg2[%add3A_21, %dma_wait3A_81] : memref<10000x128xf32, #tpu.memory_space<hbm>> -> memref<104x128xf32, #tpu.memory_space<hbm>>
      tpu.wait_dma2 semaphore(%run_scoped3A : memref<!tpu.dma_semaphore, #tpu.memory_space<semaphore_mem>>) src(%dma_wait3A_82 : memref<104x128xf32, #tpu.memory_space<hbm>>) dst(%dma_wait3A_80 : memref<104x128xf32, #tpu.memory_space<vmem>>)
      tpu.yield
    }) : () -> ()
    %add3A_22 = arith.constant 520 : i32
    %add3A_23 = arith.addi %mul3A_0, %add3A_22 : i32
    "tpu.region"() ({
      %run_scoped3A = tpu.sem_alloc : memref<!tpu.dma_semaphore, #tpu.memory_space<semaphore_mem>>
      %dma_start3A = arith.constant 0 : i32
      %dma_start3A_65 = arith.constant 0 : i32
      %dma_start3A_66 = tpu.memref_slice %arg11[%dma_start3A, %dma_start3A_65] : memref<128x128xf32, #tpu.memory_space<vmem>> -> memref<104x128xf32, #tpu.memory_space<vmem>>
      %dma_start3A_67 = arith.constant 0 : i32
      %dma_start3A_68 = tpu.memref_slice %arg8[%add3A_23, %dma_start3A_67] : memref<10008x128xf32, #tpu.memory_space<vmem_shared>> -> memref<104x128xf32, #tpu.memory_space<vmem_shared>>
      %dma_start3A_69 = arith.constant 0 : i32
      %dma_start3A_70 = tpu.memref_slice %arg8[%add3A_23, %dma_start3A_69] : memref<10008x128xf32, #tpu.memory_space<vmem_shared>> -> memref<104x128xf32, #tpu.memory_space<vmem_shared>>
      %dma_start3A_71 = arith.constant 0 : i32
      %dma_start3A_72 = arith.constant 0 : i32
      %dma_start3A_73 = tpu.memref_slice %arg11[%dma_start3A_71, %dma_start3A_72] : memref<128x128xf32, #tpu.memory_space<vmem>> -> memref<104x128xf32, #tpu.memory_space<vmem>>
      tpu.enqueue_dma source(%dma_start3A_73 : memref<104x128xf32, #tpu.memory_space<vmem>>) target(%dma_start3A_70 : memref<104x128xf32, #tpu.memory_space<vmem_shared>>) target_semaphore(%run_scoped3A : memref<!tpu.dma_semaphore, #tpu.memory_space<semaphore_mem>>)
      %dma_wait3A = arith.constant 0 : i32
      %dma_wait3A_74 = arith.constant 0 : i32
      %dma_wait3A_75 = tpu.memref_slice %arg11[%dma_wait3A, %dma_wait3A_74] : memref<128x128xf32, #tpu.memory_space<vmem>> -> memref<104x128xf32, #tpu.memory_space<vmem>>
      %dma_wait3A_76 = arith.constant 0 : i32
      %dma_wait3A_77 = tpu.memref_slice %arg8[%add3A_23, %dma_wait3A_76] : memref<10008x128xf32, #tpu.memory_space<vmem_shared>> -> memref<104x128xf32, #tpu.memory_space<vmem_shared>>
      %dma_wait3A_78 = arith.constant 0 : i32
      %dma_wait3A_79 = tpu.memref_slice %arg8[%add3A_23, %dma_wait3A_78] : memref<10008x128xf32, #tpu.memory_space<vmem_shared>> -> memref<104x128xf32, #tpu.memory_space<vmem_shared>>
      %dma_wait3A_80 = arith.constant 0 : i32
      %dma_wait3A_81 = arith.constant 0 : i32
      %dma_wait3A_82 = tpu.memref_slice %arg11[%dma_wait3A_80, %dma_wait3A_81] : memref<128x128xf32, #tpu.memory_space<vmem>> -> memref<104x128xf32, #tpu.memory_space<vmem>>
      tpu.wait_dma2 semaphore(%run_scoped3A : memref<!tpu.dma_semaphore, #tpu.memory_space<semaphore_mem>>) src(%dma_wait3A_82 : memref<104x128xf32, #tpu.memory_space<vmem>>) dst(%dma_wait3A_79 : memref<104x128xf32, #tpu.memory_space<vmem_shared>>)
      tpu.yield
    }) : () -> ()
    %eq3A = arith.constant 15 : i32
    %eq3A_24 = arith.cmpi eq, %arg1, %eq3A : i32
    %convert_element_type3A = arith.extui %eq3A_24 : i1 to i32
    %cond3A = arith.constant 0 : i32
    %cond3A_25 = arith.cmpi ne, %convert_element_type3A, %cond3A : i32
    scf.if %cond3A_25 {
      "tpu.region"() ({
        %run_scoped3A = tpu.sem_alloc : memref<!tpu.dma_semaphore, #tpu.memory_space<semaphore_mem>>
        %dma_start3A = arith.constant 0 : i32
        %dma_start3A_65 = arith.constant 0 : i32
        %dma_start3A_66 = tpu.memref_slice %arg11[%dma_start3A, %dma_start3A_65] : memref<128x128xf32, #tpu.memory_space<vmem>> -> memref<16x128xf32, #tpu.memory_space<vmem>>
        %dma_start3A_67 = arith.constant 9984 : i32
        %dma_start3A_68 = arith.constant 0 : i32
        %dma_start3A_69 = tpu.memref_slice %arg2[%dma_start3A_67, %dma_start3A_68] : memref<10000x128xf32, #tpu.memory_space<hbm>> -> memref<16x128xf32, #tpu.memory_space<hbm>>
        %dma_start3A_70 = arith.constant 0 : i32
        %dma_start3A_71 = arith.constant 0 : i32
        %dma_start3A_72 = tpu.memref_slice %arg11[%dma_start3A_70, %dma_start3A_71] : memref<128x128xf32, #tpu.memory_space<vmem>> -> memref<16x128xf32, #tpu.memory_space<vmem>>
        %dma_start3A_73 = arith.constant 9984 : i32
        %dma_start3A_74 = arith.constant 0 : i32
        %dma_start3A_75 = tpu.memref_slice %arg2[%dma_start3A_73, %dma_start3A_74] : memref<10000x128xf32, #tpu.memory_space<hbm>> -> memref<16x128xf32, #tpu.memory_space<hbm>>
        tpu.enqueue_dma source(%dma_start3A_75 : memref<16x128xf32, #tpu.memory_space<hbm>>) target(%dma_start3A_72 : memref<16x128xf32, #tpu.memory_space<vmem>>) target_semaphore(%run_scoped3A : memref<!tpu.dma_semaphore, #tpu.memory_space<semaphore_mem>>)
        %dma_wait3A = arith.constant 0 : i32
        %dma_wait3A_76 = arith.constant 0 : i32
        %dma_wait3A_77 = tpu.memref_slice %arg11[%dma_wait3A, %dma_wait3A_76] : memref<128x128xf32, #tpu.memory_space<vmem>> -> memref<16x128xf32, #tpu.memory_space<vmem>>
        %dma_wait3A_78 = arith.constant 9984 : i32
        %dma_wait3A_79 = arith.constant 0 : i32
        %dma_wait3A_80 = tpu.memref_slice %arg2[%dma_wait3A_78, %dma_wait3A_79] : memref<10000x128xf32, #tpu.memory_space<hbm>> -> memref<16x128xf32, #tpu.memory_space<hbm>>
        %dma_wait3A_81 = arith.constant 0 : i32
        %dma_wait3A_82 = arith.constant 0 : i32
        %dma_wait3A_83 = tpu.memref_slice %arg11[%dma_wait3A_81, %dma_wait3A_82] : memref<128x128xf32, #tpu.memory_space<vmem>> -> memref<16x128xf32, #tpu.memory_space<vmem>>
        %dma_wait3A_84 = arith.constant 9984 : i32
        %dma_wait3A_85 = arith.constant 0 : i32
        %dma_wait3A_86 = tpu.memref_slice %arg2[%dma_wait3A_84, %dma_wait3A_85] : memref<10000x128xf32, #tpu.memory_space<hbm>> -> memref<16x128xf32, #tpu.memory_space<hbm>>
        tpu.wait_dma2 semaphore(%run_scoped3A : memref<!tpu.dma_semaphore, #tpu.memory_space<semaphore_mem>>) src(%dma_wait3A_86 : memref<16x128xf32, #tpu.memory_space<hbm>>) dst(%dma_wait3A_83 : memref<16x128xf32, #tpu.memory_space<vmem>>)
        tpu.yield
      }) : () -> ()
      "tpu.region"() ({
        %run_scoped3A = tpu.sem_alloc : memref<!tpu.dma_semaphore, #tpu.memory_space<semaphore_mem>>
        %dma_start3A = arith.constant 0 : i32
        %dma_start3A_65 = arith.constant 0 : i32
        %dma_start3A_66 = tpu.memref_slice %arg11[%dma_start3A, %dma_start3A_65] : memref<128x128xf32, #tpu.memory_space<vmem>> -> memref<16x128xf32, #tpu.memory_space<vmem>>
        %dma_start3A_67 = arith.constant 9984 : i32
        %dma_start3A_68 = arith.constant 0 : i32
        %dma_start3A_69 = tpu.memref_slice %arg8[%dma_start3A_67, %dma_start3A_68] : memref<10008x128xf32, #tpu.memory_space<vmem_shared>> -> memref<16x128xf32, #tpu.memory_space<vmem_shared>>
        %dma_start3A_70 = arith.constant 9984 : i32
        %dma_start3A_71 = arith.constant 0 : i32
        %dma_start3A_72 = tpu.memref_slice %arg8[%dma_start3A_70, %dma_start3A_71] : memref<10008x128xf32, #tpu.memory_space<vmem_shared>> -> memref<16x128xf32, #tpu.memory_space<vmem_shared>>
        %dma_start3A_73 = arith.constant 0 : i32
        %dma_start3A_74 = arith.constant 0 : i32
        %dma_start3A_75 = tpu.memref_slice %arg11[%dma_start3A_73, %dma_start3A_74] : memref<128x128xf32, #tpu.memory_space<vmem>> -> memref<16x128xf32, #tpu.memory_space<vmem>>
        tpu.enqueue_dma source(%dma_start3A_75 : memref<16x128xf32, #tpu.memory_space<vmem>>) target(%dma_start3A_72 : memref<16x128xf32, #tpu.memory_space<vmem_shared>>) target_semaphore(%run_scoped3A : memref<!tpu.dma_semaphore, #tpu.memory_space<semaphore_mem>>)
        %dma_wait3A = arith.constant 0 : i32
        %dma_wait3A_76 = arith.constant 0 : i32
        %dma_wait3A_77 = tpu.memref_slice %arg11[%dma_wait3A, %dma_wait3A_76] : memref<128x128xf32, #tpu.memory_space<vmem>> -> memref<16x128xf32, #tpu.memory_space<vmem>>
        %dma_wait3A_78 = arith.constant 9984 : i32
        %dma_wait3A_79 = arith.constant 0 : i32
        %dma_wait3A_80 = tpu.memref_slice %arg8[%dma_wait3A_78, %dma_wait3A_79] : memref<10008x128xf32, #tpu.memory_space<vmem_shared>> -> memref<16x128xf32, #tpu.memory_space<vmem_shared>>
        %dma_wait3A_81 = arith.constant 9984 : i32
        %dma_wait3A_82 = arith.constant 0 : i32
        %dma_wait3A_83 = tpu.memref_slice %arg8[%dma_wait3A_81, %dma_wait3A_82] : memref<10008x128xf32, #tpu.memory_space<vmem_shared>> -> memref<16x128xf32, #tpu.memory_space<vmem_shared>>
        %dma_wait3A_84 = arith.constant 0 : i32
        %dma_wait3A_85 = arith.constant 0 : i32
        %dma_wait3A_86 = tpu.memref_slice %arg11[%dma_wait3A_84, %dma_wait3A_85] : memref<128x128xf32, #tpu.memory_space<vmem>> -> memref<16x128xf32, #tpu.memory_space<vmem>>
        tpu.wait_dma2 semaphore(%run_scoped3A : memref<!tpu.dma_semaphore, #tpu.memory_space<semaphore_mem>>) src(%dma_wait3A_86 : memref<16x128xf32, #tpu.memory_space<vmem>>) dst(%dma_wait3A_83 : memref<16x128xf32, #tpu.memory_space<vmem_shared>>)
        tpu.yield
      }) : () -> ()
    } else {
    }
    %barrier3A = arith.constant 0 : index
    tpu.barrier barrier_id(%barrier3A)
    %eq3A_26 = arith.constant 0 : i32
    %eq3A_27 = arith.cmpi eq, %arg0, %eq3A_26 : i32
    %convert_element_type3A_28 = arith.extui %eq3A_27 : i1 to i32
    %cond3A_29 = arith.constant 0 : i32
    %cond3A_30 = arith.cmpi ne, %convert_element_type3A_28, %cond3A_29 : i32
    scf.if %cond3A_30 {
      "tpu.region"() ({
        %run_scoped3A = tpu.sem_alloc : memref<!tpu.dma_semaphore, #tpu.memory_space<semaphore_mem>>
        %dma_start3A_111 = arith.constant 0 : i32
        %dma_start3A_112 = arith.constant 0 : i32
        %dma_start3A_113 = tpu.memref_slice %arg3[%arg1, %dma_start3A_111, %dma_start3A_112] : memref<16x128x128xi32, #tpu.memory_space<hbm>> -> memref<1x32x128xi32, #tpu.memory_space<hbm>>
        %dma_start3A_114 = tpu.memref_squeeze %dma_start3A_113 : memref<1x32x128xi32, #tpu.memory_space<hbm>> -> memref<32x128xi32, #tpu.memory_space<hbm>>
        %dma_start3A_115 = arith.constant 0 : i32
        %dma_start3A_116 = arith.constant 0 : i32
        %dma_start3A_117 = tpu.memref_slice %arg3[%arg1, %dma_start3A_115, %dma_start3A_116] : memref<16x128x128xi32, #tpu.memory_space<hbm>> -> memref<1x32x128xi32, #tpu.memory_space<hbm>>
        %dma_start3A_118 = tpu.memref_squeeze %dma_start3A_117 : memref<1x32x128xi32, #tpu.memory_space<hbm>> -> memref<32x128xi32, #tpu.memory_space<hbm>>
        tpu.enqueue_dma source(%dma_start3A_118 : memref<32x128xi32, #tpu.memory_space<hbm>>) target(%arg9 : memref<32x128xi32, #tpu.memory_space<vmem>>) target_semaphore(%run_scoped3A : memref<!tpu.dma_semaphore, #tpu.memory_space<semaphore_mem>>)
        %dma_wait3A = arith.constant 0 : i32
        %dma_wait3A_119 = arith.constant 0 : i32
        %dma_wait3A_120 = tpu.memref_slice %arg3[%arg1, %dma_wait3A, %dma_wait3A_119] : memref<16x128x128xi32, #tpu.memory_space<hbm>> -> memref<1x32x128xi32, #tpu.memory_space<hbm>>
        %dma_wait3A_121 = tpu.memref_squeeze %dma_wait3A_120 : memref<1x32x128xi32, #tpu.memory_space<hbm>> -> memref<32x128xi32, #tpu.memory_space<hbm>>
        %dma_wait3A_122 = arith.constant 0 : i32
        %dma_wait3A_123 = arith.constant 0 : i32
        %dma_wait3A_124 = tpu.memref_slice %arg3[%arg1, %dma_wait3A_122, %dma_wait3A_123] : memref<16x128x128xi32, #tpu.memory_space<hbm>> -> memref<1x32x128xi32, #tpu.memory_space<hbm>>
        %dma_wait3A_125 = tpu.memref_squeeze %dma_wait3A_124 : memref<1x32x128xi32, #tpu.memory_space<hbm>> -> memref<32x128xi32, #tpu.memory_space<hbm>>
        tpu.wait_dma2 semaphore(%run_scoped3A : memref<!tpu.dma_semaphore, #tpu.memory_space<semaphore_mem>>) src(%dma_wait3A_125 : memref<32x128xi32, #tpu.memory_space<hbm>>) dst(%arg9 : memref<32x128xi32, #tpu.memory_space<vmem>>)
        tpu.yield
      }) : () -> ()
      "tpu.region"() ({
        %run_scoped3A = tpu.sem_alloc : memref<!tpu.dma_semaphore, #tpu.memory_space<semaphore_mem>>
        %dma_start3A_111 = arith.constant 0 : i32
        %dma_start3A_112 = arith.constant 0 : i32
        %dma_start3A_113 = tpu.memref_slice %arg4[%arg1, %dma_start3A_111, %dma_start3A_112] : memref<16x128x128xi32, #tpu.memory_space<hbm>> -> memref<1x32x128xi32, #tpu.memory_space<hbm>>
        %dma_start3A_114 = tpu.memref_squeeze %dma_start3A_113 : memref<1x32x128xi32, #tpu.memory_space<hbm>> -> memref<32x128xi32, #tpu.memory_space<hbm>>
        %dma_start3A_115 = arith.constant 0 : i32
        %dma_start3A_116 = arith.constant 0 : i32
        %dma_start3A_117 = tpu.memref_slice %arg4[%arg1, %dma_start3A_115, %dma_start3A_116] : memref<16x128x128xi32, #tpu.memory_space<hbm>> -> memref<1x32x128xi32, #tpu.memory_space<hbm>>
        %dma_start3A_118 = tpu.memref_squeeze %dma_start3A_117 : memref<1x32x128xi32, #tpu.memory_space<hbm>> -> memref<32x128xi32, #tpu.memory_space<hbm>>
        tpu.enqueue_dma source(%dma_start3A_118 : memref<32x128xi32, #tpu.memory_space<hbm>>) target(%arg10 : memref<32x128xi32, #tpu.memory_space<vmem>>) target_semaphore(%run_scoped3A : memref<!tpu.dma_semaphore, #tpu.memory_space<semaphore_mem>>)
        %dma_wait3A = arith.constant 0 : i32
        %dma_wait3A_119 = arith.constant 0 : i32
        %dma_wait3A_120 = tpu.memref_slice %arg4[%arg1, %dma_wait3A, %dma_wait3A_119] : memref<16x128x128xi32, #tpu.memory_space<hbm>> -> memref<1x32x128xi32, #tpu.memory_space<hbm>>
        %dma_wait3A_121 = tpu.memref_squeeze %dma_wait3A_120 : memref<1x32x128xi32, #tpu.memory_space<hbm>> -> memref<32x128xi32, #tpu.memory_space<hbm>>
        %dma_wait3A_122 = arith.constant 0 : i32
        %dma_wait3A_123 = arith.constant 0 : i32
        %dma_wait3A_124 = tpu.memref_slice %arg4[%arg1, %dma_wait3A_122, %dma_wait3A_123] : memref<16x128x128xi32, #tpu.memory_space<hbm>> -> memref<1x32x128xi32, #tpu.memory_space<hbm>>
        %dma_wait3A_125 = tpu.memref_squeeze %dma_wait3A_124 : memref<1x32x128xi32, #tpu.memory_space<hbm>> -> memref<32x128xi32, #tpu.memory_space<hbm>>
        tpu.wait_dma2 semaphore(%run_scoped3A : memref<!tpu.dma_semaphore, #tpu.memory_space<semaphore_mem>>) src(%dma_wait3A_125 : memref<32x128xi32, #tpu.memory_space<hbm>>) dst(%arg10 : memref<32x128xi32, #tpu.memory_space<vmem>>)
        tpu.yield
      }) : () -> ()
      %dma_start3A = arith.constant 0 : i32
      %dma_start3A_65 = arith.constant 0 : i32
      %dma_start3A_66 = tpu.memref_slice %arg9[%dma_start3A, %dma_start3A_65] : memref<32x128xi32, #tpu.memory_space<vmem>> -> memref<1x128xi32, #tpu.memory_space<vmem>>
      %dma_start3A_67 = tpu.memref_squeeze %dma_start3A_66 : memref<1x128xi32, #tpu.memory_space<vmem>> -> memref<128xi32, #tpu.memory_space<vmem>>
      %dma_start3A_68 = arith.constant 0 : i32
      %dma_start3A_69 = arith.constant 0 : i32
      %dma_start3A_70 = tpu.memref_slice %arg2[%dma_start3A_68, %dma_start3A_69] : memref<10000x128xf32, #tpu.memory_space<hbm>> -> memref<10000x128xf32, #tpu.memory_space<hbm>>
      tpu.enqueue_indirect_dma source(%dma_start3A_70 : memref<10000x128xf32, #tpu.memory_space<hbm>>) target(%arg11 : memref<128x128xf32, #tpu.memory_space<vmem>>) offsets(%dma_start3A_67 : memref<128xi32, #tpu.memory_space<vmem>>) semaphore(%arg13 : memref<!tpu.dma_semaphore, #tpu.memory_space<semaphore_mem>>)
      %scan3A = arith.constant 0 : i32
      %scan3A_71 = arith.constant 16 : i32
      %scan3A_72 = arith.addi %scan3A, %scan3A_71 : i32
      %scan3A_73 = arith.constant 1 : i32
      scf.for %scan3A_111 = %scan3A to %scan3A_72 step %scan3A_73  : i32 {
        %mul3A_112 = arith.constant 2 : i32
        %mul3A_113 = arith.muli %scan3A_111, %mul3A_112 : i32
        %add3A_114 = arith.constant 0 : i32
        %add3A_115 = arith.addi %add3A_114, %mul3A_113 : i32
        %add3A_116 = arith.constant 1 : i32
        %add3A_117 = arith.addi %add3A_115, %add3A_116 : i32
        %dma_start3A_118 = arith.constant 0 : i32
        %dma_start3A_119 = tpu.memref_slice %arg9[%add3A_117, %dma_start3A_118] : memref<32x128xi32, #tpu.memory_space<vmem>> -> memref<1x128xi32, #tpu.memory_space<vmem>>
        %dma_start3A_120 = tpu.memref_squeeze %dma_start3A_119 : memref<1x128xi32, #tpu.memory_space<vmem>> -> memref<128xi32, #tpu.memory_space<vmem>>
        %dma_start3A_121 = arith.constant 0 : i32
        %dma_start3A_122 = arith.constant 0 : i32
        %dma_start3A_123 = tpu.memref_slice %arg2[%dma_start3A_121, %dma_start3A_122] : memref<10000x128xf32, #tpu.memory_space<hbm>> -> memref<10000x128xf32, #tpu.memory_space<hbm>>
        tpu.enqueue_indirect_dma source(%dma_start3A_123 : memref<10000x128xf32, #tpu.memory_space<hbm>>) target(%arg12 : memref<128x128xf32, #tpu.memory_space<vmem>>) offsets(%dma_start3A_120 : memref<128xi32, #tpu.memory_space<vmem>>) semaphore(%arg14 : memref<!tpu.dma_semaphore, #tpu.memory_space<semaphore_mem>>)
        %dma_wait3A = arith.constant 0 : i32
        %dma_wait3A_124 = tpu.memref_slice %arg9[%add3A_115, %dma_wait3A] : memref<32x128xi32, #tpu.memory_space<vmem>> -> memref<1x128xi32, #tpu.memory_space<vmem>>
        %dma_wait3A_125 = tpu.memref_squeeze %dma_wait3A_124 : memref<1x128xi32, #tpu.memory_space<vmem>> -> memref<128xi32, #tpu.memory_space<vmem>>
        %dma_wait3A_126 = arith.constant 0 : i32
        %dma_wait3A_127 = arith.constant 0 : i32
        %dma_wait3A_128 = tpu.memref_slice %arg2[%dma_wait3A_126, %dma_wait3A_127] : memref<10000x128xf32, #tpu.memory_space<hbm>> -> memref<10000x128xf32, #tpu.memory_space<hbm>>
        tpu.wait_indirect_dma semaphore(%arg13 : memref<!tpu.dma_semaphore, #tpu.memory_space<semaphore_mem>>) src(%dma_wait3A_128 : memref<10000x128xf32, #tpu.memory_space<hbm>>) dst(%arg11 : memref<128x128xf32, #tpu.memory_space<vmem>>)
        "tpu.region"() ({
          %run_scoped3A = tpu.sem_alloc : memref<!tpu.dma_semaphore, #tpu.memory_space<semaphore_mem>>
          %dma_start3A_145 = arith.constant 0 : i32
          %dma_start3A_146 = tpu.memref_slice %arg10[%add3A_115, %dma_start3A_145] : memref<32x128xi32, #tpu.memory_space<vmem>> -> memref<1x128xi32, #tpu.memory_space<vmem>>
          %dma_start3A_147 = tpu.memref_squeeze %dma_start3A_146 : memref<1x128xi32, #tpu.memory_space<vmem>> -> memref<128xi32, #tpu.memory_space<vmem>>
          %dma_start3A_148 = arith.constant 0 : i32
          %dma_start3A_149 = arith.constant 0 : i32
          %dma_start3A_150 = tpu.memref_slice %arg8[%dma_start3A_148, %dma_start3A_149] : memref<10008x128xf32, #tpu.memory_space<vmem_shared>> -> memref<10008x128xf32, #tpu.memory_space<vmem_shared>>
          tpu.enqueue_indirect_dma source(%arg11 : memref<128x128xf32, #tpu.memory_space<vmem>>) target(%dma_start3A_150 : memref<10008x128xf32, #tpu.memory_space<vmem_shared>>) offsets(%dma_start3A_147 : memref<128xi32, #tpu.memory_space<vmem>>) semaphore(%run_scoped3A : memref<!tpu.dma_semaphore, #tpu.memory_space<semaphore_mem>>) {add = true}
          %dma_wait3A_151 = arith.constant 0 : i32
          %dma_wait3A_152 = tpu.memref_slice %arg10[%add3A_115, %dma_wait3A_151] : memref<32x128xi32, #tpu.memory_space<vmem>> -> memref<1x128xi32, #tpu.memory_space<vmem>>
          %dma_wait3A_153 = tpu.memref_squeeze %dma_wait3A_152 : memref<1x128xi32, #tpu.memory_space<vmem>> -> memref<128xi32, #tpu.memory_space<vmem>>
          %dma_wait3A_154 = arith.constant 0 : i32
          %dma_wait3A_155 = arith.constant 0 : i32
          %dma_wait3A_156 = tpu.memref_slice %arg8[%dma_wait3A_154, %dma_wait3A_155] : memref<10008x128xf32, #tpu.memory_space<vmem_shared>> -> memref<10008x128xf32, #tpu.memory_space<vmem_shared>>
          tpu.wait_indirect_dma semaphore(%run_scoped3A : memref<!tpu.dma_semaphore, #tpu.memory_space<semaphore_mem>>) src(%arg11 : memref<128x128xf32, #tpu.memory_space<vmem>>) dst(%dma_wait3A_156 : memref<10008x128xf32, #tpu.memory_space<vmem_shared>>)
          tpu.yield
        }) : () -> ()
        %add3A_129 = arith.constant 2 : i32
        %add3A_130 = arith.addi %add3A_115, %add3A_129 : i32
        %lt3A = arith.constant 32 : i32
        %lt3A_131 = arith.cmpi slt, %add3A_130, %lt3A : i32
        %convert_element_type3A_132 = arith.extui %lt3A_131 : i1 to i32
        %cond3A_133 = arith.constant 0 : i32
        %cond3A_134 = arith.cmpi ne, %convert_element_type3A_132, %cond3A_133 : i32
        scf.if %cond3A_134 {
          %add3A_145 = arith.constant 2 : i32
          %add3A_146 = arith.addi %add3A_115, %add3A_145 : i32
          %dma_start3A_147 = arith.constant 0 : i32
          %dma_start3A_148 = tpu.memref_slice %arg9[%add3A_146, %dma_start3A_147] : memref<32x128xi32, #tpu.memory_space<vmem>> -> memref<1x128xi32, #tpu.memory_space<vmem>>
          %dma_start3A_149 = tpu.memref_squeeze %dma_start3A_148 : memref<1x128xi32, #tpu.memory_space<vmem>> -> memref<128xi32, #tpu.memory_space<vmem>>
          %dma_start3A_150 = arith.constant 0 : i32
          %dma_start3A_151 = arith.constant 0 : i32
          %dma_start3A_152 = tpu.memref_slice %arg2[%dma_start3A_150, %dma_start3A_151] : memref<10000x128xf32, #tpu.memory_space<hbm>> -> memref<10000x128xf32, #tpu.memory_space<hbm>>
          tpu.enqueue_indirect_dma source(%dma_start3A_152 : memref<10000x128xf32, #tpu.memory_space<hbm>>) target(%arg11 : memref<128x128xf32, #tpu.memory_space<vmem>>) offsets(%dma_start3A_149 : memref<128xi32, #tpu.memory_space<vmem>>) semaphore(%arg13 : memref<!tpu.dma_semaphore, #tpu.memory_space<semaphore_mem>>)
        } else {
        }
        %add3A_135 = arith.constant 1 : i32
        %add3A_136 = arith.addi %add3A_115, %add3A_135 : i32
        %dma_wait3A_137 = arith.constant 0 : i32
        %dma_wait3A_138 = tpu.memref_slice %arg9[%add3A_136, %dma_wait3A_137] : memref<32x128xi32, #tpu.memory_space<vmem>> -> memref<1x128xi32, #tpu.memory_space<vmem>>
        %dma_wait3A_139 = tpu.memref_squeeze %dma_wait3A_138 : memref<1x128xi32, #tpu.memory_space<vmem>> -> memref<128xi32, #tpu.memory_space<vmem>>
        %dma_wait3A_140 = arith.constant 0 : i32
        %dma_wait3A_141 = arith.constant 0 : i32
        %dma_wait3A_142 = tpu.memref_slice %arg2[%dma_wait3A_140, %dma_wait3A_141] : memref<10000x128xf32, #tpu.memory_space<hbm>> -> memref<10000x128xf32, #tpu.memory_space<hbm>>
        tpu.wait_indirect_dma semaphore(%arg14 : memref<!tpu.dma_semaphore, #tpu.memory_space<semaphore_mem>>) src(%dma_wait3A_142 : memref<10000x128xf32, #tpu.memory_space<hbm>>) dst(%arg12 : memref<128x128xf32, #tpu.memory_space<vmem>>)
        %add3A_143 = arith.constant 1 : i32
        %add3A_144 = arith.addi %add3A_115, %add3A_143 : i32
        "tpu.region"() ({
          %run_scoped3A = tpu.sem_alloc : memref<!tpu.dma_semaphore, #tpu.memory_space<semaphore_mem>>
          %dma_start3A_145 = arith.constant 0 : i32
          %dma_start3A_146 = tpu.memref_slice %arg10[%add3A_144, %dma_start3A_145] : memref<32x128xi32, #tpu.memory_space<vmem>> -> memref<1x128xi32, #tpu.memory_space<vmem>>
          %dma_start3A_147 = tpu.memref_squeeze %dma_start3A_146 : memref<1x128xi32, #tpu.memory_space<vmem>> -> memref<128xi32, #tpu.memory_space<vmem>>
          %dma_start3A_148 = arith.constant 0 : i32
          %dma_start3A_149 = arith.constant 0 : i32
          %dma_start3A_150 = tpu.memref_slice %arg8[%dma_start3A_148, %dma_start3A_149] : memref<10008x128xf32, #tpu.memory_space<vmem_shared>> -> memref<10008x128xf32, #tpu.memory_space<vmem_shared>>
          tpu.enqueue_indirect_dma source(%arg12 : memref<128x128xf32, #tpu.memory_space<vmem>>) target(%dma_start3A_150 : memref<10008x128xf32, #tpu.memory_space<vmem_shared>>) offsets(%dma_start3A_147 : memref<128xi32, #tpu.memory_space<vmem>>) semaphore(%run_scoped3A : memref<!tpu.dma_semaphore, #tpu.memory_space<semaphore_mem>>) {add = true}
          %dma_wait3A_151 = arith.constant 0 : i32
          %dma_wait3A_152 = tpu.memref_slice %arg10[%add3A_144, %dma_wait3A_151] : memref<32x128xi32, #tpu.memory_space<vmem>> -> memref<1x128xi32, #tpu.memory_space<vmem>>
          %dma_wait3A_153 = tpu.memref_squeeze %dma_wait3A_152 : memref<1x128xi32, #tpu.memory_space<vmem>> -> memref<128xi32, #tpu.memory_space<vmem>>
          %dma_wait3A_154 = arith.constant 0 : i32
          %dma_wait3A_155 = arith.constant 0 : i32
          %dma_wait3A_156 = tpu.memref_slice %arg8[%dma_wait3A_154, %dma_wait3A_155] : memref<10008x128xf32, #tpu.memory_space<vmem_shared>> -> memref<10008x128xf32, #tpu.memory_space<vmem_shared>>
          tpu.wait_indirect_dma semaphore(%run_scoped3A : memref<!tpu.dma_semaphore, #tpu.memory_space<semaphore_mem>>) src(%arg12 : memref<128x128xf32, #tpu.memory_space<vmem>>) dst(%dma_wait3A_156 : memref<10008x128xf32, #tpu.memory_space<vmem_shared>>)
          tpu.yield
        }) : () -> ()
      }
      %scan3A_74 = arith.constant 16 : i32
      "tpu.region"() ({
        %run_scoped3A = tpu.sem_alloc : memref<!tpu.dma_semaphore, #tpu.memory_space<semaphore_mem>>
        %dma_start3A_111 = arith.constant 32 : i32
        %dma_start3A_112 = arith.constant 0 : i32
        %dma_start3A_113 = tpu.memref_slice %arg3[%arg1, %dma_start3A_111, %dma_start3A_112] : memref<16x128x128xi32, #tpu.memory_space<hbm>> -> memref<1x32x128xi32, #tpu.memory_space<hbm>>
        %dma_start3A_114 = tpu.memref_squeeze %dma_start3A_113 : memref<1x32x128xi32, #tpu.memory_space<hbm>> -> memref<32x128xi32, #tpu.memory_space<hbm>>
        %dma_start3A_115 = arith.constant 32 : i32
        %dma_start3A_116 = arith.constant 0 : i32
        %dma_start3A_117 = tpu.memref_slice %arg3[%arg1, %dma_start3A_115, %dma_start3A_116] : memref<16x128x128xi32, #tpu.memory_space<hbm>> -> memref<1x32x128xi32, #tpu.memory_space<hbm>>
        %dma_start3A_118 = tpu.memref_squeeze %dma_start3A_117 : memref<1x32x128xi32, #tpu.memory_space<hbm>> -> memref<32x128xi32, #tpu.memory_space<hbm>>
        tpu.enqueue_dma source(%dma_start3A_118 : memref<32x128xi32, #tpu.memory_space<hbm>>) target(%arg9 : memref<32x128xi32, #tpu.memory_space<vmem>>) target_semaphore(%run_scoped3A : memref<!tpu.dma_semaphore, #tpu.memory_space<semaphore_mem>>)
        %dma_wait3A = arith.constant 32 : i32
        %dma_wait3A_119 = arith.constant 0 : i32
        %dma_wait3A_120 = tpu.memref_slice %arg3[%arg1, %dma_wait3A, %dma_wait3A_119] : memref<16x128x128xi32, #tpu.memory_space<hbm>> -> memref<1x32x128xi32, #tpu.memory_space<hbm>>
        %dma_wait3A_121 = tpu.memref_squeeze %dma_wait3A_120 : memref<1x32x128xi32, #tpu.memory_space<hbm>> -> memref<32x128xi32, #tpu.memory_space<hbm>>
        %dma_wait3A_122 = arith.constant 32 : i32
        %dma_wait3A_123 = arith.constant 0 : i32
        %dma_wait3A_124 = tpu.memref_slice %arg3[%arg1, %dma_wait3A_122, %dma_wait3A_123] : memref<16x128x128xi32, #tpu.memory_space<hbm>> -> memref<1x32x128xi32, #tpu.memory_space<hbm>>
        %dma_wait3A_125 = tpu.memref_squeeze %dma_wait3A_124 : memref<1x32x128xi32, #tpu.memory_space<hbm>> -> memref<32x128xi32, #tpu.memory_space<hbm>>
        tpu.wait_dma2 semaphore(%run_scoped3A : memref<!tpu.dma_semaphore, #tpu.memory_space<semaphore_mem>>) src(%dma_wait3A_125 : memref<32x128xi32, #tpu.memory_space<hbm>>) dst(%arg9 : memref<32x128xi32, #tpu.memory_space<vmem>>)
        tpu.yield
      }) : () -> ()
      "tpu.region"() ({
        %run_scoped3A = tpu.sem_alloc : memref<!tpu.dma_semaphore, #tpu.memory_space<semaphore_mem>>
        %dma_start3A_111 = arith.constant 32 : i32
        %dma_start3A_112 = arith.constant 0 : i32
        %dma_start3A_113 = tpu.memref_slice %arg4[%arg1, %dma_start3A_111, %dma_start3A_112] : memref<16x128x128xi32, #tpu.memory_space<hbm>> -> memref<1x32x128xi32, #tpu.memory_space<hbm>>
        %dma_start3A_114 = tpu.memref_squeeze %dma_start3A_113 : memref<1x32x128xi32, #tpu.memory_space<hbm>> -> memref<32x128xi32, #tpu.memory_space<hbm>>
        %dma_start3A_115 = arith.constant 32 : i32
        %dma_start3A_116 = arith.constant 0 : i32
        %dma_start3A_117 = tpu.memref_slice %arg4[%arg1, %dma_start3A_115, %dma_start3A_116] : memref<16x128x128xi32, #tpu.memory_space<hbm>> -> memref<1x32x128xi32, #tpu.memory_space<hbm>>
        %dma_start3A_118 = tpu.memref_squeeze %dma_start3A_117 : memref<1x32x128xi32, #tpu.memory_space<hbm>> -> memref<32x128xi32, #tpu.memory_space<hbm>>
        tpu.enqueue_dma source(%dma_start3A_118 : memref<32x128xi32, #tpu.memory_space<hbm>>) target(%arg10 : memref<32x128xi32, #tpu.memory_space<vmem>>) target_semaphore(%run_scoped3A : memref<!tpu.dma_semaphore, #tpu.memory_space<semaphore_mem>>)
        %dma_wait3A = arith.constant 32 : i32
        %dma_wait3A_119 = arith.constant 0 : i32
        %dma_wait3A_120 = tpu.memref_slice %arg4[%arg1, %dma_wait3A, %dma_wait3A_119] : memref<16x128x128xi32, #tpu.memory_space<hbm>> -> memref<1x32x128xi32, #tpu.memory_space<hbm>>
        %dma_wait3A_121 = tpu.memref_squeeze %dma_wait3A_120 : memref<1x32x128xi32, #tpu.memory_space<hbm>> -> memref<32x128xi32, #tpu.memory_space<hbm>>
        %dma_wait3A_122 = arith.constant 32 : i32
        %dma_wait3A_123 = arith.constant 0 : i32
        %dma_wait3A_124 = tpu.memref_slice %arg4[%arg1, %dma_wait3A_122, %dma_wait3A_123] : memref<16x128x128xi32, #tpu.memory_space<hbm>> -> memref<1x32x128xi32, #tpu.memory_space<hbm>>
        %dma_wait3A_125 = tpu.memref_squeeze %dma_wait3A_124 : memref<1x32x128xi32, #tpu.memory_space<hbm>> -> memref<32x128xi32, #tpu.memory_space<hbm>>
        tpu.wait_dma2 semaphore(%run_scoped3A : memref<!tpu.dma_semaphore, #tpu.memory_space<semaphore_mem>>) src(%dma_wait3A_125 : memref<32x128xi32, #tpu.memory_space<hbm>>) dst(%arg10 : memref<32x128xi32, #tpu.memory_space<vmem>>)
        tpu.yield
      }) : () -> ()
      %dma_start3A_75 = arith.constant 0 : i32
      %dma_start3A_76 = arith.constant 0 : i32
      %dma_start3A_77 = tpu.memref_slice %arg9[%dma_start3A_75, %dma_start3A_76] : memref<32x128xi32, #tpu.memory_space<vmem>> -> memref<1x128xi32, #tpu.memory_space<vmem>>
      %dma_start3A_78 = tpu.memref_squeeze %dma_start3A_77 : memref<1x128xi32, #tpu.memory_space<vmem>> -> memref<128xi32, #tpu.memory_space<vmem>>
      %dma_start3A_79 = arith.constant 0 : i32
      %dma_start3A_80 = arith.constant 0 : i32
      %dma_start3A_81 = tpu.memref_slice %arg2[%dma_start3A_79, %dma_start3A_80] : memref<10000x128xf32, #tpu.memory_space<hbm>> -> memref<10000x128xf32, #tpu.memory_space<hbm>>
      tpu.enqueue_indirect_dma source(%dma_start3A_81 : memref<10000x128xf32, #tpu.memory_space<hbm>>) target(%arg11 : memref<128x128xf32, #tpu.memory_space<vmem>>) offsets(%dma_start3A_78 : memref<128xi32, #tpu.memory_space<vmem>>) semaphore(%arg13 : memref<!tpu.dma_semaphore, #tpu.memory_space<semaphore_mem>>)
      %scan3A_82 = arith.constant 0 : i32
      %scan3A_83 = arith.constant 16 : i32
      %scan3A_84 = arith.addi %scan3A_82, %scan3A_83 : i32
      %scan3A_85 = arith.constant 1 : i32
      scf.for %scan3A_111 = %scan3A_82 to %scan3A_84 step %scan3A_85  : i32 {
        %mul3A_112 = arith.constant 2 : i32
        %mul3A_113 = arith.muli %scan3A_111, %mul3A_112 : i32
        %add3A_114 = arith.constant 0 : i32
        %add3A_115 = arith.addi %add3A_114, %mul3A_113 : i32
        %add3A_116 = arith.constant 1 : i32
        %add3A_117 = arith.addi %add3A_115, %add3A_116 : i32
        %dma_start3A_118 = arith.constant 0 : i32
        %dma_start3A_119 = tpu.memref_slice %arg9[%add3A_117, %dma_start3A_118] : memref<32x128xi32, #tpu.memory_space<vmem>> -> memref<1x128xi32, #tpu.memory_space<vmem>>
        %dma_start3A_120 = tpu.memref_squeeze %dma_start3A_119 : memref<1x128xi32, #tpu.memory_space<vmem>> -> memref<128xi32, #tpu.memory_space<vmem>>
        %dma_start3A_121 = arith.constant 0 : i32
        %dma_start3A_122 = arith.constant 0 : i32
        %dma_start3A_123 = tpu.memref_slice %arg2[%dma_start3A_121, %dma_start3A_122] : memref<10000x128xf32, #tpu.memory_space<hbm>> -> memref<10000x128xf32, #tpu.memory_space<hbm>>
        tpu.enqueue_indirect_dma source(%dma_start3A_123 : memref<10000x128xf32, #tpu.memory_space<hbm>>) target(%arg12 : memref<128x128xf32, #tpu.memory_space<vmem>>) offsets(%dma_start3A_120 : memref<128xi32, #tpu.memory_space<vmem>>) semaphore(%arg14 : memref<!tpu.dma_semaphore, #tpu.memory_space<semaphore_mem>>)
        %dma_wait3A = arith.constant 0 : i32
        %dma_wait3A_124 = tpu.memref_slice %arg9[%add3A_115, %dma_wait3A] : memref<32x128xi32, #tpu.memory_space<vmem>> -> memref<1x128xi32, #tpu.memory_space<vmem>>
        %dma_wait3A_125 = tpu.memref_squeeze %dma_wait3A_124 : memref<1x128xi32, #tpu.memory_space<vmem>> -> memref<128xi32, #tpu.memory_space<vmem>>
        %dma_wait3A_126 = arith.constant 0 : i32
        %dma_wait3A_127 = arith.constant 0 : i32
        %dma_wait3A_128 = tpu.memref_slice %arg2[%dma_wait3A_126, %dma_wait3A_127] : memref<10000x128xf32, #tpu.memory_space<hbm>> -> memref<10000x128xf32, #tpu.memory_space<hbm>>
        tpu.wait_indirect_dma semaphore(%arg13 : memref<!tpu.dma_semaphore, #tpu.memory_space<semaphore_mem>>) src(%dma_wait3A_128 : memref<10000x128xf32, #tpu.memory_space<hbm>>) dst(%arg11 : memref<128x128xf32, #tpu.memory_space<vmem>>)
        "tpu.region"() ({
          %run_scoped3A = tpu.sem_alloc : memref<!tpu.dma_semaphore, #tpu.memory_space<semaphore_mem>>
          %dma_start3A_145 = arith.constant 0 : i32
          %dma_start3A_146 = tpu.memref_slice %arg10[%add3A_115, %dma_start3A_145] : memref<32x128xi32, #tpu.memory_space<vmem>> -> memref<1x128xi32, #tpu.memory_space<vmem>>
          %dma_start3A_147 = tpu.memref_squeeze %dma_start3A_146 : memref<1x128xi32, #tpu.memory_space<vmem>> -> memref<128xi32, #tpu.memory_space<vmem>>
          %dma_start3A_148 = arith.constant 0 : i32
          %dma_start3A_149 = arith.constant 0 : i32
          %dma_start3A_150 = tpu.memref_slice %arg8[%dma_start3A_148, %dma_start3A_149] : memref<10008x128xf32, #tpu.memory_space<vmem_shared>> -> memref<10008x128xf32, #tpu.memory_space<vmem_shared>>
          tpu.enqueue_indirect_dma source(%arg11 : memref<128x128xf32, #tpu.memory_space<vmem>>) target(%dma_start3A_150 : memref<10008x128xf32, #tpu.memory_space<vmem_shared>>) offsets(%dma_start3A_147 : memref<128xi32, #tpu.memory_space<vmem>>) semaphore(%run_scoped3A : memref<!tpu.dma_semaphore, #tpu.memory_space<semaphore_mem>>) {add = true}
          %dma_wait3A_151 = arith.constant 0 : i32
          %dma_wait3A_152 = tpu.memref_slice %arg10[%add3A_115, %dma_wait3A_151] : memref<32x128xi32, #tpu.memory_space<vmem>> -> memref<1x128xi32, #tpu.memory_space<vmem>>
          %dma_wait3A_153 = tpu.memref_squeeze %dma_wait3A_152 : memref<1x128xi32, #tpu.memory_space<vmem>> -> memref<128xi32, #tpu.memory_space<vmem>>
          %dma_wait3A_154 = arith.constant 0 : i32
          %dma_wait3A_155 = arith.constant 0 : i32
          %dma_wait3A_156 = tpu.memref_slice %arg8[%dma_wait3A_154, %dma_wait3A_155] : memref<10008x128xf32, #tpu.memory_space<vmem_shared>> -> memref<10008x128xf32, #tpu.memory_space<vmem_shared>>
          tpu.wait_indirect_dma semaphore(%run_scoped3A : memref<!tpu.dma_semaphore, #tpu.memory_space<semaphore_mem>>) src(%arg11 : memref<128x128xf32, #tpu.memory_space<vmem>>) dst(%dma_wait3A_156 : memref<10008x128xf32, #tpu.memory_space<vmem_shared>>)
          tpu.yield
        }) : () -> ()
        %add3A_129 = arith.constant 2 : i32
        %add3A_130 = arith.addi %add3A_115, %add3A_129 : i32
        %lt3A = arith.constant 32 : i32
        %lt3A_131 = arith.cmpi slt, %add3A_130, %lt3A : i32
        %convert_element_type3A_132 = arith.extui %lt3A_131 : i1 to i32
        %cond3A_133 = arith.constant 0 : i32
        %cond3A_134 = arith.cmpi ne, %convert_element_type3A_132, %cond3A_133 : i32
        scf.if %cond3A_134 {
          %add3A_145 = arith.constant 2 : i32
          %add3A_146 = arith.addi %add3A_115, %add3A_145 : i32
          %dma_start3A_147 = arith.constant 0 : i32
          %dma_start3A_148 = tpu.memref_slice %arg9[%add3A_146, %dma_start3A_147] : memref<32x128xi32, #tpu.memory_space<vmem>> -> memref<1x128xi32, #tpu.memory_space<vmem>>
          %dma_start3A_149 = tpu.memref_squeeze %dma_start3A_148 : memref<1x128xi32, #tpu.memory_space<vmem>> -> memref<128xi32, #tpu.memory_space<vmem>>
          %dma_start3A_150 = arith.constant 0 : i32
          %dma_start3A_151 = arith.constant 0 : i32
          %dma_start3A_152 = tpu.memref_slice %arg2[%dma_start3A_150, %dma_start3A_151] : memref<10000x128xf32, #tpu.memory_space<hbm>> -> memref<10000x128xf32, #tpu.memory_space<hbm>>
          tpu.enqueue_indirect_dma source(%dma_start3A_152 : memref<10000x128xf32, #tpu.memory_space<hbm>>) target(%arg11 : memref<128x128xf32, #tpu.memory_space<vmem>>) offsets(%dma_start3A_149 : memref<128xi32, #tpu.memory_space<vmem>>) semaphore(%arg13 : memref<!tpu.dma_semaphore, #tpu.memory_space<semaphore_mem>>)
        } else {
        }
        %add3A_135 = arith.constant 1 : i32
        %add3A_136 = arith.addi %add3A_115, %add3A_135 : i32
        %dma_wait3A_137 = arith.constant 0 : i32
        %dma_wait3A_138 = tpu.memref_slice %arg9[%add3A_136, %dma_wait3A_137] : memref<32x128xi32, #tpu.memory_space<vmem>> -> memref<1x128xi32, #tpu.memory_space<vmem>>
        %dma_wait3A_139 = tpu.memref_squeeze %dma_wait3A_138 : memref<1x128xi32, #tpu.memory_space<vmem>> -> memref<128xi32, #tpu.memory_space<vmem>>
        %dma_wait3A_140 = arith.constant 0 : i32
        %dma_wait3A_141 = arith.constant 0 : i32
        %dma_wait3A_142 = tpu.memref_slice %arg2[%dma_wait3A_140, %dma_wait3A_141] : memref<10000x128xf32, #tpu.memory_space<hbm>> -> memref<10000x128xf32, #tpu.memory_space<hbm>>
        tpu.wait_indirect_dma semaphore(%arg14 : memref<!tpu.dma_semaphore, #tpu.memory_space<semaphore_mem>>) src(%dma_wait3A_142 : memref<10000x128xf32, #tpu.memory_space<hbm>>) dst(%arg12 : memref<128x128xf32, #tpu.memory_space<vmem>>)
        %add3A_143 = arith.constant 1 : i32
        %add3A_144 = arith.addi %add3A_115, %add3A_143 : i32
        "tpu.region"() ({
          %run_scoped3A = tpu.sem_alloc : memref<!tpu.dma_semaphore, #tpu.memory_space<semaphore_mem>>
          %dma_start3A_145 = arith.constant 0 : i32
          %dma_start3A_146 = tpu.memref_slice %arg10[%add3A_144, %dma_start3A_145] : memref<32x128xi32, #tpu.memory_space<vmem>> -> memref<1x128xi32, #tpu.memory_space<vmem>>
          %dma_start3A_147 = tpu.memref_squeeze %dma_start3A_146 : memref<1x128xi32, #tpu.memory_space<vmem>> -> memref<128xi32, #tpu.memory_space<vmem>>
          %dma_start3A_148 = arith.constant 0 : i32
          %dma_start3A_149 = arith.constant 0 : i32
          %dma_start3A_150 = tpu.memref_slice %arg8[%dma_start3A_148, %dma_start3A_149] : memref<10008x128xf32, #tpu.memory_space<vmem_shared>> -> memref<10008x128xf32, #tpu.memory_space<vmem_shared>>
          tpu.enqueue_indirect_dma source(%arg12 : memref<128x128xf32, #tpu.memory_space<vmem>>) target(%dma_start3A_150 : memref<10008x128xf32, #tpu.memory_space<vmem_shared>>) offsets(%dma_start3A_147 : memref<128xi32, #tpu.memory_space<vmem>>) semaphore(%run_scoped3A : memref<!tpu.dma_semaphore, #tpu.memory_space<semaphore_mem>>) {add = true}
          %dma_wait3A_151 = arith.constant 0 : i32
          %dma_wait3A_152 = tpu.memref_slice %arg10[%add3A_144, %dma_wait3A_151] : memref<32x128xi32, #tpu.memory_space<vmem>> -> memref<1x128xi32, #tpu.memory_space<vmem>>
          %dma_wait3A_153 = tpu.memref_squeeze %dma_wait3A_152 : memref<1x128xi32, #tpu.memory_space<vmem>> -> memref<128xi32, #tpu.memory_space<vmem>>
          %dma_wait3A_154 = arith.constant 0 : i32
          %dma_wait3A_155 = arith.constant 0 : i32
          %dma_wait3A_156 = tpu.memref_slice %arg8[%dma_wait3A_154, %dma_wait3A_155] : memref<10008x128xf32, #tpu.memory_space<vmem_shared>> -> memref<10008x128xf32, #tpu.memory_space<vmem_shared>>
          tpu.wait_indirect_dma semaphore(%run_scoped3A : memref<!tpu.dma_semaphore, #tpu.memory_space<semaphore_mem>>) src(%arg12 : memref<128x128xf32, #tpu.memory_space<vmem>>) dst(%dma_wait3A_156 : memref<10008x128xf32, #tpu.memory_space<vmem_shared>>)
          tpu.yield
        }) : () -> ()
      }
      %scan3A_86 = arith.constant 16 : i32
      "tpu.region"() ({
        %run_scoped3A = tpu.sem_alloc : memref<!tpu.dma_semaphore, #tpu.memory_space<semaphore_mem>>
        %dma_start3A_111 = arith.constant 64 : i32
        %dma_start3A_112 = arith.constant 0 : i32
        %dma_start3A_113 = tpu.memref_slice %arg3[%arg1, %dma_start3A_111, %dma_start3A_112] : memref<16x128x128xi32, #tpu.memory_space<hbm>> -> memref<1x32x128xi32, #tpu.memory_space<hbm>>
        %dma_start3A_114 = tpu.memref_squeeze %dma_start3A_113 : memref<1x32x128xi32, #tpu.memory_space<hbm>> -> memref<32x128xi32, #tpu.memory_space<hbm>>
        %dma_start3A_115 = arith.constant 64 : i32
        %dma_start3A_116 = arith.constant 0 : i32
        %dma_start3A_117 = tpu.memref_slice %arg3[%arg1, %dma_start3A_115, %dma_start3A_116] : memref<16x128x128xi32, #tpu.memory_space<hbm>> -> memref<1x32x128xi32, #tpu.memory_space<hbm>>
        %dma_start3A_118 = tpu.memref_squeeze %dma_start3A_117 : memref<1x32x128xi32, #tpu.memory_space<hbm>> -> memref<32x128xi32, #tpu.memory_space<hbm>>
        tpu.enqueue_dma source(%dma_start3A_118 : memref<32x128xi32, #tpu.memory_space<hbm>>) target(%arg9 : memref<32x128xi32, #tpu.memory_space<vmem>>) target_semaphore(%run_scoped3A : memref<!tpu.dma_semaphore, #tpu.memory_space<semaphore_mem>>)
        %dma_wait3A = arith.constant 64 : i32
        %dma_wait3A_119 = arith.constant 0 : i32
        %dma_wait3A_120 = tpu.memref_slice %arg3[%arg1, %dma_wait3A, %dma_wait3A_119] : memref<16x128x128xi32, #tpu.memory_space<hbm>> -> memref<1x32x128xi32, #tpu.memory_space<hbm>>
        %dma_wait3A_121 = tpu.memref_squeeze %dma_wait3A_120 : memref<1x32x128xi32, #tpu.memory_space<hbm>> -> memref<32x128xi32, #tpu.memory_space<hbm>>
        %dma_wait3A_122 = arith.constant 64 : i32
        %dma_wait3A_123 = arith.constant 0 : i32
        %dma_wait3A_124 = tpu.memref_slice %arg3[%arg1, %dma_wait3A_122, %dma_wait3A_123] : memref<16x128x128xi32, #tpu.memory_space<hbm>> -> memref<1x32x128xi32, #tpu.memory_space<hbm>>
        %dma_wait3A_125 = tpu.memref_squeeze %dma_wait3A_124 : memref<1x32x128xi32, #tpu.memory_space<hbm>> -> memref<32x128xi32, #tpu.memory_space<hbm>>
        tpu.wait_dma2 semaphore(%run_scoped3A : memref<!tpu.dma_semaphore, #tpu.memory_space<semaphore_mem>>) src(%dma_wait3A_125 : memref<32x128xi32, #tpu.memory_space<hbm>>) dst(%arg9 : memref<32x128xi32, #tpu.memory_space<vmem>>)
        tpu.yield
      }) : () -> ()
      "tpu.region"() ({
        %run_scoped3A = tpu.sem_alloc : memref<!tpu.dma_semaphore, #tpu.memory_space<semaphore_mem>>
        %dma_start3A_111 = arith.constant 64 : i32
        %dma_start3A_112 = arith.constant 0 : i32
        %dma_start3A_113 = tpu.memref_slice %arg4[%arg1, %dma_start3A_111, %dma_start3A_112] : memref<16x128x128xi32, #tpu.memory_space<hbm>> -> memref<1x32x128xi32, #tpu.memory_space<hbm>>
        %dma_start3A_114 = tpu.memref_squeeze %dma_start3A_113 : memref<1x32x128xi32, #tpu.memory_space<hbm>> -> memref<32x128xi32, #tpu.memory_space<hbm>>
        %dma_start3A_115 = arith.constant 64 : i32
        %dma_start3A_116 = arith.constant 0 : i32
        %dma_start3A_117 = tpu.memref_slice %arg4[%arg1, %dma_start3A_115, %dma_start3A_116] : memref<16x128x128xi32, #tpu.memory_space<hbm>> -> memref<1x32x128xi32, #tpu.memory_space<hbm>>
        %dma_start3A_118 = tpu.memref_squeeze %dma_start3A_117 : memref<1x32x128xi32, #tpu.memory_space<hbm>> -> memref<32x128xi32, #tpu.memory_space<hbm>>
        tpu.enqueue_dma source(%dma_start3A_118 : memref<32x128xi32, #tpu.memory_space<hbm>>) target(%arg10 : memref<32x128xi32, #tpu.memory_space<vmem>>) target_semaphore(%run_scoped3A : memref<!tpu.dma_semaphore, #tpu.memory_space<semaphore_mem>>)
        %dma_wait3A = arith.constant 64 : i32
        %dma_wait3A_119 = arith.constant 0 : i32
        %dma_wait3A_120 = tpu.memref_slice %arg4[%arg1, %dma_wait3A, %dma_wait3A_119] : memref<16x128x128xi32, #tpu.memory_space<hbm>> -> memref<1x32x128xi32, #tpu.memory_space<hbm>>
        %dma_wait3A_121 = tpu.memref_squeeze %dma_wait3A_120 : memref<1x32x128xi32, #tpu.memory_space<hbm>> -> memref<32x128xi32, #tpu.memory_space<hbm>>
        %dma_wait3A_122 = arith.constant 64 : i32
        %dma_wait3A_123 = arith.constant 0 : i32
        %dma_wait3A_124 = tpu.memref_slice %arg4[%arg1, %dma_wait3A_122, %dma_wait3A_123] : memref<16x128x128xi32, #tpu.memory_space<hbm>> -> memref<1x32x128xi32, #tpu.memory_space<hbm>>
        %dma_wait3A_125 = tpu.memref_squeeze %dma_wait3A_124 : memref<1x32x128xi32, #tpu.memory_space<hbm>> -> memref<32x128xi32, #tpu.memory_space<hbm>>
        tpu.wait_dma2 semaphore(%run_scoped3A : memref<!tpu.dma_semaphore, #tpu.memory_space<semaphore_mem>>) src(%dma_wait3A_125 : memref<32x128xi32, #tpu.memory_space<hbm>>) dst(%arg10 : memref<32x128xi32, #tpu.memory_space<vmem>>)
        tpu.yield
      }) : () -> ()
      %dma_start3A_87 = arith.constant 0 : i32
      %dma_start3A_88 = arith.constant 0 : i32
      %dma_start3A_89 = tpu.memref_slice %arg9[%dma_start3A_87, %dma_start3A_88] : memref<32x128xi32, #tpu.memory_space<vmem>> -> memref<1x128xi32, #tpu.memory_space<vmem>>
      %dma_start3A_90 = tpu.memref_squeeze %dma_start3A_89 : memref<1x128xi32, #tpu.memory_space<vmem>> -> memref<128xi32, #tpu.memory_space<vmem>>
      %dma_start3A_91 = arith.constant 0 : i32
      %dma_start3A_92 = arith.constant 0 : i32
      %dma_start3A_93 = tpu.memref_slice %arg2[%dma_start3A_91, %dma_start3A_92] : memref<10000x128xf32, #tpu.memory_space<hbm>> -> memref<10000x128xf32, #tpu.memory_space<hbm>>
      tpu.enqueue_indirect_dma source(%dma_start3A_93 : memref<10000x128xf32, #tpu.memory_space<hbm>>) target(%arg11 : memref<128x128xf32, #tpu.memory_space<vmem>>) offsets(%dma_start3A_90 : memref<128xi32, #tpu.memory_space<vmem>>) semaphore(%arg13 : memref<!tpu.dma_semaphore, #tpu.memory_space<semaphore_mem>>)
      %scan3A_94 = arith.constant 0 : i32
      %scan3A_95 = arith.constant 16 : i32
      %scan3A_96 = arith.addi %scan3A_94, %scan3A_95 : i32
      %scan3A_97 = arith.constant 1 : i32
      scf.for %scan3A_111 = %scan3A_94 to %scan3A_96 step %scan3A_97  : i32 {
        %mul3A_112 = arith.constant 2 : i32
        %mul3A_113 = arith.muli %scan3A_111, %mul3A_112 : i32
        %add3A_114 = arith.constant 0 : i32
        %add3A_115 = arith.addi %add3A_114, %mul3A_113 : i32
        %add3A_116 = arith.constant 1 : i32
        %add3A_117 = arith.addi %add3A_115, %add3A_116 : i32
        %dma_start3A_118 = arith.constant 0 : i32
        %dma_start3A_119 = tpu.memref_slice %arg9[%add3A_117, %dma_start3A_118] : memref<32x128xi32, #tpu.memory_space<vmem>> -> memref<1x128xi32, #tpu.memory_space<vmem>>
        %dma_start3A_120 = tpu.memref_squeeze %dma_start3A_119 : memref<1x128xi32, #tpu.memory_space<vmem>> -> memref<128xi32, #tpu.memory_space<vmem>>
        %dma_start3A_121 = arith.constant 0 : i32
        %dma_start3A_122 = arith.constant 0 : i32
        %dma_start3A_123 = tpu.memref_slice %arg2[%dma_start3A_121, %dma_start3A_122] : memref<10000x128xf32, #tpu.memory_space<hbm>> -> memref<10000x128xf32, #tpu.memory_space<hbm>>
        tpu.enqueue_indirect_dma source(%dma_start3A_123 : memref<10000x128xf32, #tpu.memory_space<hbm>>) target(%arg12 : memref<128x128xf32, #tpu.memory_space<vmem>>) offsets(%dma_start3A_120 : memref<128xi32, #tpu.memory_space<vmem>>) semaphore(%arg14 : memref<!tpu.dma_semaphore, #tpu.memory_space<semaphore_mem>>)
        %dma_wait3A = arith.constant 0 : i32
        %dma_wait3A_124 = tpu.memref_slice %arg9[%add3A_115, %dma_wait3A] : memref<32x128xi32, #tpu.memory_space<vmem>> -> memref<1x128xi32, #tpu.memory_space<vmem>>
        %dma_wait3A_125 = tpu.memref_squeeze %dma_wait3A_124 : memref<1x128xi32, #tpu.memory_space<vmem>> -> memref<128xi32, #tpu.memory_space<vmem>>
        %dma_wait3A_126 = arith.constant 0 : i32
        %dma_wait3A_127 = arith.constant 0 : i32
        %dma_wait3A_128 = tpu.memref_slice %arg2[%dma_wait3A_126, %dma_wait3A_127] : memref<10000x128xf32, #tpu.memory_space<hbm>> -> memref<10000x128xf32, #tpu.memory_space<hbm>>
        tpu.wait_indirect_dma semaphore(%arg13 : memref<!tpu.dma_semaphore, #tpu.memory_space<semaphore_mem>>) src(%dma_wait3A_128 : memref<10000x128xf32, #tpu.memory_space<hbm>>) dst(%arg11 : memref<128x128xf32, #tpu.memory_space<vmem>>)
        "tpu.region"() ({
          %run_scoped3A = tpu.sem_alloc : memref<!tpu.dma_semaphore, #tpu.memory_space<semaphore_mem>>
          %dma_start3A_145 = arith.constant 0 : i32
          %dma_start3A_146 = tpu.memref_slice %arg10[%add3A_115, %dma_start3A_145] : memref<32x128xi32, #tpu.memory_space<vmem>> -> memref<1x128xi32, #tpu.memory_space<vmem>>
          %dma_start3A_147 = tpu.memref_squeeze %dma_start3A_146 : memref<1x128xi32, #tpu.memory_space<vmem>> -> memref<128xi32, #tpu.memory_space<vmem>>
          %dma_start3A_148 = arith.constant 0 : i32
          %dma_start3A_149 = arith.constant 0 : i32
          %dma_start3A_150 = tpu.memref_slice %arg8[%dma_start3A_148, %dma_start3A_149] : memref<10008x128xf32, #tpu.memory_space<vmem_shared>> -> memref<10008x128xf32, #tpu.memory_space<vmem_shared>>
          tpu.enqueue_indirect_dma source(%arg11 : memref<128x128xf32, #tpu.memory_space<vmem>>) target(%dma_start3A_150 : memref<10008x128xf32, #tpu.memory_space<vmem_shared>>) offsets(%dma_start3A_147 : memref<128xi32, #tpu.memory_space<vmem>>) semaphore(%run_scoped3A : memref<!tpu.dma_semaphore, #tpu.memory_space<semaphore_mem>>) {add = true}
          %dma_wait3A_151 = arith.constant 0 : i32
          %dma_wait3A_152 = tpu.memref_slice %arg10[%add3A_115, %dma_wait3A_151] : memref<32x128xi32, #tpu.memory_space<vmem>> -> memref<1x128xi32, #tpu.memory_space<vmem>>
          %dma_wait3A_153 = tpu.memref_squeeze %dma_wait3A_152 : memref<1x128xi32, #tpu.memory_space<vmem>> -> memref<128xi32, #tpu.memory_space<vmem>>
          %dma_wait3A_154 = arith.constant 0 : i32
          %dma_wait3A_155 = arith.constant 0 : i32
          %dma_wait3A_156 = tpu.memref_slice %arg8[%dma_wait3A_154, %dma_wait3A_155] : memref<10008x128xf32, #tpu.memory_space<vmem_shared>> -> memref<10008x128xf32, #tpu.memory_space<vmem_shared>>
          tpu.wait_indirect_dma semaphore(%run_scoped3A : memref<!tpu.dma_semaphore, #tpu.memory_space<semaphore_mem>>) src(%arg11 : memref<128x128xf32, #tpu.memory_space<vmem>>) dst(%dma_wait3A_156 : memref<10008x128xf32, #tpu.memory_space<vmem_shared>>)
          tpu.yield
        }) : () -> ()
        %add3A_129 = arith.constant 2 : i32
        %add3A_130 = arith.addi %add3A_115, %add3A_129 : i32
        %lt3A = arith.constant 32 : i32
        %lt3A_131 = arith.cmpi slt, %add3A_130, %lt3A : i32
        %convert_element_type3A_132 = arith.extui %lt3A_131 : i1 to i32
        %cond3A_133 = arith.constant 0 : i32
        %cond3A_134 = arith.cmpi ne, %convert_element_type3A_132, %cond3A_133 : i32
        scf.if %cond3A_134 {
          %add3A_145 = arith.constant 2 : i32
          %add3A_146 = arith.addi %add3A_115, %add3A_145 : i32
          %dma_start3A_147 = arith.constant 0 : i32
          %dma_start3A_148 = tpu.memref_slice %arg9[%add3A_146, %dma_start3A_147] : memref<32x128xi32, #tpu.memory_space<vmem>> -> memref<1x128xi32, #tpu.memory_space<vmem>>
          %dma_start3A_149 = tpu.memref_squeeze %dma_start3A_148 : memref<1x128xi32, #tpu.memory_space<vmem>> -> memref<128xi32, #tpu.memory_space<vmem>>
          %dma_start3A_150 = arith.constant 0 : i32
          %dma_start3A_151 = arith.constant 0 : i32
          %dma_start3A_152 = tpu.memref_slice %arg2[%dma_start3A_150, %dma_start3A_151] : memref<10000x128xf32, #tpu.memory_space<hbm>> -> memref<10000x128xf32, #tpu.memory_space<hbm>>
          tpu.enqueue_indirect_dma source(%dma_start3A_152 : memref<10000x128xf32, #tpu.memory_space<hbm>>) target(%arg11 : memref<128x128xf32, #tpu.memory_space<vmem>>) offsets(%dma_start3A_149 : memref<128xi32, #tpu.memory_space<vmem>>) semaphore(%arg13 : memref<!tpu.dma_semaphore, #tpu.memory_space<semaphore_mem>>)
        } else {
        }
        %add3A_135 = arith.constant 1 : i32
        %add3A_136 = arith.addi %add3A_115, %add3A_135 : i32
        %dma_wait3A_137 = arith.constant 0 : i32
        %dma_wait3A_138 = tpu.memref_slice %arg9[%add3A_136, %dma_wait3A_137] : memref<32x128xi32, #tpu.memory_space<vmem>> -> memref<1x128xi32, #tpu.memory_space<vmem>>
        %dma_wait3A_139 = tpu.memref_squeeze %dma_wait3A_138 : memref<1x128xi32, #tpu.memory_space<vmem>> -> memref<128xi32, #tpu.memory_space<vmem>>
        %dma_wait3A_140 = arith.constant 0 : i32
        %dma_wait3A_141 = arith.constant 0 : i32
        %dma_wait3A_142 = tpu.memref_slice %arg2[%dma_wait3A_140, %dma_wait3A_141] : memref<10000x128xf32, #tpu.memory_space<hbm>> -> memref<10000x128xf32, #tpu.memory_space<hbm>>
        tpu.wait_indirect_dma semaphore(%arg14 : memref<!tpu.dma_semaphore, #tpu.memory_space<semaphore_mem>>) src(%dma_wait3A_142 : memref<10000x128xf32, #tpu.memory_space<hbm>>) dst(%arg12 : memref<128x128xf32, #tpu.memory_space<vmem>>)
        %add3A_143 = arith.constant 1 : i32
        %add3A_144 = arith.addi %add3A_115, %add3A_143 : i32
        "tpu.region"() ({
          %run_scoped3A = tpu.sem_alloc : memref<!tpu.dma_semaphore, #tpu.memory_space<semaphore_mem>>
          %dma_start3A_145 = arith.constant 0 : i32
          %dma_start3A_146 = tpu.memref_slice %arg10[%add3A_144, %dma_start3A_145] : memref<32x128xi32, #tpu.memory_space<vmem>> -> memref<1x128xi32, #tpu.memory_space<vmem>>
          %dma_start3A_147 = tpu.memref_squeeze %dma_start3A_146 : memref<1x128xi32, #tpu.memory_space<vmem>> -> memref<128xi32, #tpu.memory_space<vmem>>
          %dma_start3A_148 = arith.constant 0 : i32
          %dma_start3A_149 = arith.constant 0 : i32
          %dma_start3A_150 = tpu.memref_slice %arg8[%dma_start3A_148, %dma_start3A_149] : memref<10008x128xf32, #tpu.memory_space<vmem_shared>> -> memref<10008x128xf32, #tpu.memory_space<vmem_shared>>
          tpu.enqueue_indirect_dma source(%arg12 : memref<128x128xf32, #tpu.memory_space<vmem>>) target(%dma_start3A_150 : memref<10008x128xf32, #tpu.memory_space<vmem_shared>>) offsets(%dma_start3A_147 : memref<128xi32, #tpu.memory_space<vmem>>) semaphore(%run_scoped3A : memref<!tpu.dma_semaphore, #tpu.memory_space<semaphore_mem>>) {add = true}
          %dma_wait3A_151 = arith.constant 0 : i32
          %dma_wait3A_152 = tpu.memref_slice %arg10[%add3A_144, %dma_wait3A_151] : memref<32x128xi32, #tpu.memory_space<vmem>> -> memref<1x128xi32, #tpu.memory_space<vmem>>
          %dma_wait3A_153 = tpu.memref_squeeze %dma_wait3A_152 : memref<1x128xi32, #tpu.memory_space<vmem>> -> memref<128xi32, #tpu.memory_space<vmem>>
          %dma_wait3A_154 = arith.constant 0 : i32
          %dma_wait3A_155 = arith.constant 0 : i32
          %dma_wait3A_156 = tpu.memref_slice %arg8[%dma_wait3A_154, %dma_wait3A_155] : memref<10008x128xf32, #tpu.memory_space<vmem_shared>> -> memref<10008x128xf32, #tpu.memory_space<vmem_shared>>
          tpu.wait_indirect_dma semaphore(%run_scoped3A : memref<!tpu.dma_semaphore, #tpu.memory_space<semaphore_mem>>) src(%arg12 : memref<128x128xf32, #tpu.memory_space<vmem>>) dst(%dma_wait3A_156 : memref<10008x128xf32, #tpu.memory_space<vmem_shared>>)
          tpu.yield
        }) : () -> ()
      }
      %scan3A_98 = arith.constant 16 : i32
      "tpu.region"() ({
        %run_scoped3A = tpu.sem_alloc : memref<!tpu.dma_semaphore, #tpu.memory_space<semaphore_mem>>
        %dma_start3A_111 = arith.constant 96 : i32
        %dma_start3A_112 = arith.constant 0 : i32
        %dma_start3A_113 = tpu.memref_slice %arg3[%arg1, %dma_start3A_111, %dma_start3A_112] : memref<16x128x128xi32, #tpu.memory_space<hbm>> -> memref<1x32x128xi32, #tpu.memory_space<hbm>>
        %dma_start3A_114 = tpu.memref_squeeze %dma_start3A_113 : memref<1x32x128xi32, #tpu.memory_space<hbm>> -> memref<32x128xi32, #tpu.memory_space<hbm>>
        %dma_start3A_115 = arith.constant 96 : i32
        %dma_start3A_116 = arith.constant 0 : i32
        %dma_start3A_117 = tpu.memref_slice %arg3[%arg1, %dma_start3A_115, %dma_start3A_116] : memref<16x128x128xi32, #tpu.memory_space<hbm>> -> memref<1x32x128xi32, #tpu.memory_space<hbm>>
        %dma_start3A_118 = tpu.memref_squeeze %dma_start3A_117 : memref<1x32x128xi32, #tpu.memory_space<hbm>> -> memref<32x128xi32, #tpu.memory_space<hbm>>
        tpu.enqueue_dma source(%dma_start3A_118 : memref<32x128xi32, #tpu.memory_space<hbm>>) target(%arg9 : memref<32x128xi32, #tpu.memory_space<vmem>>) target_semaphore(%run_scoped3A : memref<!tpu.dma_semaphore, #tpu.memory_space<semaphore_mem>>)
        %dma_wait3A = arith.constant 96 : i32
        %dma_wait3A_119 = arith.constant 0 : i32
        %dma_wait3A_120 = tpu.memref_slice %arg3[%arg1, %dma_wait3A, %dma_wait3A_119] : memref<16x128x128xi32, #tpu.memory_space<hbm>> -> memref<1x32x128xi32, #tpu.memory_space<hbm>>
        %dma_wait3A_121 = tpu.memref_squeeze %dma_wait3A_120 : memref<1x32x128xi32, #tpu.memory_space<hbm>> -> memref<32x128xi32, #tpu.memory_space<hbm>>
        %dma_wait3A_122 = arith.constant 96 : i32
        %dma_wait3A_123 = arith.constant 0 : i32
        %dma_wait3A_124 = tpu.memref_slice %arg3[%arg1, %dma_wait3A_122, %dma_wait3A_123] : memref<16x128x128xi32, #tpu.memory_space<hbm>> -> memref<1x32x128xi32, #tpu.memory_space<hbm>>
        %dma_wait3A_125 = tpu.memref_squeeze %dma_wait3A_124 : memref<1x32x128xi32, #tpu.memory_space<hbm>> -> memref<32x128xi32, #tpu.memory_space<hbm>>
        tpu.wait_dma2 semaphore(%run_scoped3A : memref<!tpu.dma_semaphore, #tpu.memory_space<semaphore_mem>>) src(%dma_wait3A_125 : memref<32x128xi32, #tpu.memory_space<hbm>>) dst(%arg9 : memref<32x128xi32, #tpu.memory_space<vmem>>)
        tpu.yield
      }) : () -> ()
      "tpu.region"() ({
        %run_scoped3A = tpu.sem_alloc : memref<!tpu.dma_semaphore, #tpu.memory_space<semaphore_mem>>
        %dma_start3A_111 = arith.constant 96 : i32
        %dma_start3A_112 = arith.constant 0 : i32
        %dma_start3A_113 = tpu.memref_slice %arg4[%arg1, %dma_start3A_111, %dma_start3A_112] : memref<16x128x128xi32, #tpu.memory_space<hbm>> -> memref<1x32x128xi32, #tpu.memory_space<hbm>>
        %dma_start3A_114 = tpu.memref_squeeze %dma_start3A_113 : memref<1x32x128xi32, #tpu.memory_space<hbm>> -> memref<32x128xi32, #tpu.memory_space<hbm>>
        %dma_start3A_115 = arith.constant 96 : i32
        %dma_start3A_116 = arith.constant 0 : i32
        %dma_start3A_117 = tpu.memref_slice %arg4[%arg1, %dma_start3A_115, %dma_start3A_116] : memref<16x128x128xi32, #tpu.memory_space<hbm>> -> memref<1x32x128xi32, #tpu.memory_space<hbm>>
        %dma_start3A_118 = tpu.memref_squeeze %dma_start3A_117 : memref<1x32x128xi32, #tpu.memory_space<hbm>> -> memref<32x128xi32, #tpu.memory_space<hbm>>
        tpu.enqueue_dma source(%dma_start3A_118 : memref<32x128xi32, #tpu.memory_space<hbm>>) target(%arg10 : memref<32x128xi32, #tpu.memory_space<vmem>>) target_semaphore(%run_scoped3A : memref<!tpu.dma_semaphore, #tpu.memory_space<semaphore_mem>>)
        %dma_wait3A = arith.constant 96 : i32
        %dma_wait3A_119 = arith.constant 0 : i32
        %dma_wait3A_120 = tpu.memref_slice %arg4[%arg1, %dma_wait3A, %dma_wait3A_119] : memref<16x128x128xi32, #tpu.memory_space<hbm>> -> memref<1x32x128xi32, #tpu.memory_space<hbm>>
        %dma_wait3A_121 = tpu.memref_squeeze %dma_wait3A_120 : memref<1x32x128xi32, #tpu.memory_space<hbm>> -> memref<32x128xi32, #tpu.memory_space<hbm>>
        %dma_wait3A_122 = arith.constant 96 : i32
        %dma_wait3A_123 = arith.constant 0 : i32
        %dma_wait3A_124 = tpu.memref_slice %arg4[%arg1, %dma_wait3A_122, %dma_wait3A_123] : memref<16x128x128xi32, #tpu.memory_space<hbm>> -> memref<1x32x128xi32, #tpu.memory_space<hbm>>
        %dma_wait3A_125 = tpu.memref_squeeze %dma_wait3A_124 : memref<1x32x128xi32, #tpu.memory_space<hbm>> -> memref<32x128xi32, #tpu.memory_space<hbm>>
        tpu.wait_dma2 semaphore(%run_scoped3A : memref<!tpu.dma_semaphore, #tpu.memory_space<semaphore_mem>>) src(%dma_wait3A_125 : memref<32x128xi32, #tpu.memory_space<hbm>>) dst(%arg10 : memref<32x128xi32, #tpu.memory_space<vmem>>)
        tpu.yield
      }) : () -> ()
      %dma_start3A_99 = arith.constant 0 : i32
      %dma_start3A_100 = arith.constant 0 : i32
      %dma_start3A_101 = tpu.memref_slice %arg9[%dma_start3A_99, %dma_start3A_100] : memref<32x128xi32, #tpu.memory_space<vmem>> -> memref<1x128xi32, #tpu.memory_space<vmem>>
      %dma_start3A_102 = tpu.memref_squeeze %dma_start3A_101 : memref<1x128xi32, #tpu.memory_space<vmem>> -> memref<128xi32, #tpu.memory_space<vmem>>
      %dma_start3A_103 = arith.constant 0 : i32
      %dma_start3A_104 = arith.constant 0 : i32
      %dma_start3A_105 = tpu.memref_slice %arg2[%dma_start3A_103, %dma_start3A_104] : memref<10000x128xf32, #tpu.memory_space<hbm>> -> memref<10000x128xf32, #tpu.memory_space<hbm>>
      tpu.enqueue_indirect_dma source(%dma_start3A_105 : memref<10000x128xf32, #tpu.memory_space<hbm>>) target(%arg11 : memref<128x128xf32, #tpu.memory_space<vmem>>) offsets(%dma_start3A_102 : memref<128xi32, #tpu.memory_space<vmem>>) semaphore(%arg13 : memref<!tpu.dma_semaphore, #tpu.memory_space<semaphore_mem>>)
      %scan3A_106 = arith.constant 0 : i32
      %scan3A_107 = arith.constant 16 : i32
      %scan3A_108 = arith.addi %scan3A_106, %scan3A_107 : i32
      %scan3A_109 = arith.constant 1 : i32
      scf.for %scan3A_111 = %scan3A_106 to %scan3A_108 step %scan3A_109  : i32 {
        %mul3A_112 = arith.constant 2 : i32
        %mul3A_113 = arith.muli %scan3A_111, %mul3A_112 : i32
        %add3A_114 = arith.constant 0 : i32
        %add3A_115 = arith.addi %add3A_114, %mul3A_113 : i32
        %add3A_116 = arith.constant 1 : i32
        %add3A_117 = arith.addi %add3A_115, %add3A_116 : i32
        %dma_start3A_118 = arith.constant 0 : i32
        %dma_start3A_119 = tpu.memref_slice %arg9[%add3A_117, %dma_start3A_118] : memref<32x128xi32, #tpu.memory_space<vmem>> -> memref<1x128xi32, #tpu.memory_space<vmem>>
        %dma_start3A_120 = tpu.memref_squeeze %dma_start3A_119 : memref<1x128xi32, #tpu.memory_space<vmem>> -> memref<128xi32, #tpu.memory_space<vmem>>
        %dma_start3A_121 = arith.constant 0 : i32
        %dma_start3A_122 = arith.constant 0 : i32
        %dma_start3A_123 = tpu.memref_slice %arg2[%dma_start3A_121, %dma_start3A_122] : memref<10000x128xf32, #tpu.memory_space<hbm>> -> memref<10000x128xf32, #tpu.memory_space<hbm>>
        tpu.enqueue_indirect_dma source(%dma_start3A_123 : memref<10000x128xf32, #tpu.memory_space<hbm>>) target(%arg12 : memref<128x128xf32, #tpu.memory_space<vmem>>) offsets(%dma_start3A_120 : memref<128xi32, #tpu.memory_space<vmem>>) semaphore(%arg14 : memref<!tpu.dma_semaphore, #tpu.memory_space<semaphore_mem>>)
        %dma_wait3A = arith.constant 0 : i32
        %dma_wait3A_124 = tpu.memref_slice %arg9[%add3A_115, %dma_wait3A] : memref<32x128xi32, #tpu.memory_space<vmem>> -> memref<1x128xi32, #tpu.memory_space<vmem>>
        %dma_wait3A_125 = tpu.memref_squeeze %dma_wait3A_124 : memref<1x128xi32, #tpu.memory_space<vmem>> -> memref<128xi32, #tpu.memory_space<vmem>>
        %dma_wait3A_126 = arith.constant 0 : i32
        %dma_wait3A_127 = arith.constant 0 : i32
        %dma_wait3A_128 = tpu.memref_slice %arg2[%dma_wait3A_126, %dma_wait3A_127] : memref<10000x128xf32, #tpu.memory_space<hbm>> -> memref<10000x128xf32, #tpu.memory_space<hbm>>
        tpu.wait_indirect_dma semaphore(%arg13 : memref<!tpu.dma_semaphore, #tpu.memory_space<semaphore_mem>>) src(%dma_wait3A_128 : memref<10000x128xf32, #tpu.memory_space<hbm>>) dst(%arg11 : memref<128x128xf32, #tpu.memory_space<vmem>>)
        "tpu.region"() ({
          %run_scoped3A = tpu.sem_alloc : memref<!tpu.dma_semaphore, #tpu.memory_space<semaphore_mem>>
          %dma_start3A_145 = arith.constant 0 : i32
          %dma_start3A_146 = tpu.memref_slice %arg10[%add3A_115, %dma_start3A_145] : memref<32x128xi32, #tpu.memory_space<vmem>> -> memref<1x128xi32, #tpu.memory_space<vmem>>
          %dma_start3A_147 = tpu.memref_squeeze %dma_start3A_146 : memref<1x128xi32, #tpu.memory_space<vmem>> -> memref<128xi32, #tpu.memory_space<vmem>>
          %dma_start3A_148 = arith.constant 0 : i32
          %dma_start3A_149 = arith.constant 0 : i32
          %dma_start3A_150 = tpu.memref_slice %arg8[%dma_start3A_148, %dma_start3A_149] : memref<10008x128xf32, #tpu.memory_space<vmem_shared>> -> memref<10008x128xf32, #tpu.memory_space<vmem_shared>>
          tpu.enqueue_indirect_dma source(%arg11 : memref<128x128xf32, #tpu.memory_space<vmem>>) target(%dma_start3A_150 : memref<10008x128xf32, #tpu.memory_space<vmem_shared>>) offsets(%dma_start3A_147 : memref<128xi32, #tpu.memory_space<vmem>>) semaphore(%run_scoped3A : memref<!tpu.dma_semaphore, #tpu.memory_space<semaphore_mem>>) {add = true}
          %dma_wait3A_151 = arith.constant 0 : i32
          %dma_wait3A_152 = tpu.memref_slice %arg10[%add3A_115, %dma_wait3A_151] : memref<32x128xi32, #tpu.memory_space<vmem>> -> memref<1x128xi32, #tpu.memory_space<vmem>>
          %dma_wait3A_153 = tpu.memref_squeeze %dma_wait3A_152 : memref<1x128xi32, #tpu.memory_space<vmem>> -> memref<128xi32, #tpu.memory_space<vmem>>
          %dma_wait3A_154 = arith.constant 0 : i32
          %dma_wait3A_155 = arith.constant 0 : i32
          %dma_wait3A_156 = tpu.memref_slice %arg8[%dma_wait3A_154, %dma_wait3A_155] : memref<10008x128xf32, #tpu.memory_space<vmem_shared>> -> memref<10008x128xf32, #tpu.memory_space<vmem_shared>>
          tpu.wait_indirect_dma semaphore(%run_scoped3A : memref<!tpu.dma_semaphore, #tpu.memory_space<semaphore_mem>>) src(%arg11 : memref<128x128xf32, #tpu.memory_space<vmem>>) dst(%dma_wait3A_156 : memref<10008x128xf32, #tpu.memory_space<vmem_shared>>)
          tpu.yield
        }) : () -> ()
        %add3A_129 = arith.constant 2 : i32
        %add3A_130 = arith.addi %add3A_115, %add3A_129 : i32
        %lt3A = arith.constant 32 : i32
        %lt3A_131 = arith.cmpi slt, %add3A_130, %lt3A : i32
        %convert_element_type3A_132 = arith.extui %lt3A_131 : i1 to i32
        %cond3A_133 = arith.constant 0 : i32
        %cond3A_134 = arith.cmpi ne, %convert_element_type3A_132, %cond3A_133 : i32
        scf.if %cond3A_134 {
          %add3A_145 = arith.constant 2 : i32
          %add3A_146 = arith.addi %add3A_115, %add3A_145 : i32
          %dma_start3A_147 = arith.constant 0 : i32
          %dma_start3A_148 = tpu.memref_slice %arg9[%add3A_146, %dma_start3A_147] : memref<32x128xi32, #tpu.memory_space<vmem>> -> memref<1x128xi32, #tpu.memory_space<vmem>>
          %dma_start3A_149 = tpu.memref_squeeze %dma_start3A_148 : memref<1x128xi32, #tpu.memory_space<vmem>> -> memref<128xi32, #tpu.memory_space<vmem>>
          %dma_start3A_150 = arith.constant 0 : i32
          %dma_start3A_151 = arith.constant 0 : i32
          %dma_start3A_152 = tpu.memref_slice %arg2[%dma_start3A_150, %dma_start3A_151] : memref<10000x128xf32, #tpu.memory_space<hbm>> -> memref<10000x128xf32, #tpu.memory_space<hbm>>
          tpu.enqueue_indirect_dma source(%dma_start3A_152 : memref<10000x128xf32, #tpu.memory_space<hbm>>) target(%arg11 : memref<128x128xf32, #tpu.memory_space<vmem>>) offsets(%dma_start3A_149 : memref<128xi32, #tpu.memory_space<vmem>>) semaphore(%arg13 : memref<!tpu.dma_semaphore, #tpu.memory_space<semaphore_mem>>)
        } else {
        }
        %add3A_135 = arith.constant 1 : i32
        %add3A_136 = arith.addi %add3A_115, %add3A_135 : i32
        %dma_wait3A_137 = arith.constant 0 : i32
        %dma_wait3A_138 = tpu.memref_slice %arg9[%add3A_136, %dma_wait3A_137] : memref<32x128xi32, #tpu.memory_space<vmem>> -> memref<1x128xi32, #tpu.memory_space<vmem>>
        %dma_wait3A_139 = tpu.memref_squeeze %dma_wait3A_138 : memref<1x128xi32, #tpu.memory_space<vmem>> -> memref<128xi32, #tpu.memory_space<vmem>>
        %dma_wait3A_140 = arith.constant 0 : i32
        %dma_wait3A_141 = arith.constant 0 : i32
        %dma_wait3A_142 = tpu.memref_slice %arg2[%dma_wait3A_140, %dma_wait3A_141] : memref<10000x128xf32, #tpu.memory_space<hbm>> -> memref<10000x128xf32, #tpu.memory_space<hbm>>
        tpu.wait_indirect_dma semaphore(%arg14 : memref<!tpu.dma_semaphore, #tpu.memory_space<semaphore_mem>>) src(%dma_wait3A_142 : memref<10000x128xf32, #tpu.memory_space<hbm>>) dst(%arg12 : memref<128x128xf32, #tpu.memory_space<vmem>>)
        %add3A_143 = arith.constant 1 : i32
        %add3A_144 = arith.addi %add3A_115, %add3A_143 : i32
        "tpu.region"() ({
          %run_scoped3A = tpu.sem_alloc : memref<!tpu.dma_semaphore, #tpu.memory_space<semaphore_mem>>
          %dma_start3A_145 = arith.constant 0 : i32
          %dma_start3A_146 = tpu.memref_slice %arg10[%add3A_144, %dma_start3A_145] : memref<32x128xi32, #tpu.memory_space<vmem>> -> memref<1x128xi32, #tpu.memory_space<vmem>>
          %dma_start3A_147 = tpu.memref_squeeze %dma_start3A_146 : memref<1x128xi32, #tpu.memory_space<vmem>> -> memref<128xi32, #tpu.memory_space<vmem>>
          %dma_start3A_148 = arith.constant 0 : i32
          %dma_start3A_149 = arith.constant 0 : i32
          %dma_start3A_150 = tpu.memref_slice %arg8[%dma_start3A_148, %dma_start3A_149] : memref<10008x128xf32, #tpu.memory_space<vmem_shared>> -> memref<10008x128xf32, #tpu.memory_space<vmem_shared>>
          tpu.enqueue_indirect_dma source(%arg12 : memref<128x128xf32, #tpu.memory_space<vmem>>) target(%dma_start3A_150 : memref<10008x128xf32, #tpu.memory_space<vmem_shared>>) offsets(%dma_start3A_147 : memref<128xi32, #tpu.memory_space<vmem>>) semaphore(%run_scoped3A : memref<!tpu.dma_semaphore, #tpu.memory_space<semaphore_mem>>) {add = true}
          %dma_wait3A_151 = arith.constant 0 : i32
          %dma_wait3A_152 = tpu.memref_slice %arg10[%add3A_144, %dma_wait3A_151] : memref<32x128xi32, #tpu.memory_space<vmem>> -> memref<1x128xi32, #tpu.memory_space<vmem>>
          %dma_wait3A_153 = tpu.memref_squeeze %dma_wait3A_152 : memref<1x128xi32, #tpu.memory_space<vmem>> -> memref<128xi32, #tpu.memory_space<vmem>>
          %dma_wait3A_154 = arith.constant 0 : i32
          %dma_wait3A_155 = arith.constant 0 : i32
          %dma_wait3A_156 = tpu.memref_slice %arg8[%dma_wait3A_154, %dma_wait3A_155] : memref<10008x128xf32, #tpu.memory_space<vmem_shared>> -> memref<10008x128xf32, #tpu.memory_space<vmem_shared>>
          tpu.wait_indirect_dma semaphore(%run_scoped3A : memref<!tpu.dma_semaphore, #tpu.memory_space<semaphore_mem>>) src(%arg12 : memref<128x128xf32, #tpu.memory_space<vmem>>) dst(%dma_wait3A_156 : memref<10008x128xf32, #tpu.memory_space<vmem_shared>>)
          tpu.yield
        }) : () -> ()
      }
      %scan3A_110 = arith.constant 16 : i32
    } else {
    }
    %ne3A = arith.constant 0 : i32
    %ne3A_31 = arith.cmpi ne, %arg0, %ne3A : i32
    %convert_element_type3A_32 = arith.extui %ne3A_31 : i1 to i32
    %cond3A_33 = arith.constant 0 : i32
    %cond3A_34 = arith.cmpi ne, %convert_element_type3A_32, %cond3A_33 : i32
    scf.if %cond3A_34 {
      "tpu.region"() ({
        %run_scoped3A = tpu.sem_alloc : memref<!tpu.dma_semaphore, #tpu.memory_space<semaphore_mem>>
        %dma_start3A_75 = arith.constant 0 : i32
        %dma_start3A_76 = arith.constant 0 : i32
        %dma_start3A_77 = tpu.memref_slice %arg5[%arg1, %dma_start3A_75, %dma_start3A_76] : memref<16x32x128xi32, #tpu.memory_space<hbm>> -> memref<1x32x128xi32, #tpu.memory_space<hbm>>
        %dma_start3A_78 = tpu.memref_squeeze %dma_start3A_77 : memref<1x32x128xi32, #tpu.memory_space<hbm>> -> memref<32x128xi32, #tpu.memory_space<hbm>>
        %dma_start3A_79 = arith.constant 0 : i32
        %dma_start3A_80 = arith.constant 0 : i32
        %dma_start3A_81 = tpu.memref_slice %arg5[%arg1, %dma_start3A_79, %dma_start3A_80] : memref<16x32x128xi32, #tpu.memory_space<hbm>> -> memref<1x32x128xi32, #tpu.memory_space<hbm>>
        %dma_start3A_82 = tpu.memref_squeeze %dma_start3A_81 : memref<1x32x128xi32, #tpu.memory_space<hbm>> -> memref<32x128xi32, #tpu.memory_space<hbm>>
        tpu.enqueue_dma source(%dma_start3A_82 : memref<32x128xi32, #tpu.memory_space<hbm>>) target(%arg9 : memref<32x128xi32, #tpu.memory_space<vmem>>) target_semaphore(%run_scoped3A : memref<!tpu.dma_semaphore, #tpu.memory_space<semaphore_mem>>)
        %dma_wait3A = arith.constant 0 : i32
        %dma_wait3A_83 = arith.constant 0 : i32
        %dma_wait3A_84 = tpu.memref_slice %arg5[%arg1, %dma_wait3A, %dma_wait3A_83] : memref<16x32x128xi32, #tpu.memory_space<hbm>> -> memref<1x32x128xi32, #tpu.memory_space<hbm>>
        %dma_wait3A_85 = tpu.memref_squeeze %dma_wait3A_84 : memref<1x32x128xi32, #tpu.memory_space<hbm>> -> memref<32x128xi32, #tpu.memory_space<hbm>>
        %dma_wait3A_86 = arith.constant 0 : i32
        %dma_wait3A_87 = arith.constant 0 : i32
        %dma_wait3A_88 = tpu.memref_slice %arg5[%arg1, %dma_wait3A_86, %dma_wait3A_87] : memref<16x32x128xi32, #tpu.memory_space<hbm>> -> memref<1x32x128xi32, #tpu.memory_space<hbm>>
        %dma_wait3A_89 = tpu.memref_squeeze %dma_wait3A_88 : memref<1x32x128xi32, #tpu.memory_space<hbm>> -> memref<32x128xi32, #tpu.memory_space<hbm>>
        tpu.wait_dma2 semaphore(%run_scoped3A : memref<!tpu.dma_semaphore, #tpu.memory_space<semaphore_mem>>) src(%dma_wait3A_89 : memref<32x128xi32, #tpu.memory_space<hbm>>) dst(%arg9 : memref<32x128xi32, #tpu.memory_space<vmem>>)
        tpu.yield
      }) : () -> ()
      "tpu.region"() ({
        %run_scoped3A = tpu.sem_alloc : memref<!tpu.dma_semaphore, #tpu.memory_space<semaphore_mem>>
        %dma_start3A_75 = arith.constant 0 : i32
        %dma_start3A_76 = arith.constant 0 : i32
        %dma_start3A_77 = tpu.memref_slice %arg6[%arg1, %dma_start3A_75, %dma_start3A_76] : memref<16x32x128xi32, #tpu.memory_space<hbm>> -> memref<1x32x128xi32, #tpu.memory_space<hbm>>
        %dma_start3A_78 = tpu.memref_squeeze %dma_start3A_77 : memref<1x32x128xi32, #tpu.memory_space<hbm>> -> memref<32x128xi32, #tpu.memory_space<hbm>>
        %dma_start3A_79 = arith.constant 0 : i32
        %dma_start3A_80 = arith.constant 0 : i32
        %dma_start3A_81 = tpu.memref_slice %arg6[%arg1, %dma_start3A_79, %dma_start3A_80] : memref<16x32x128xi32, #tpu.memory_space<hbm>> -> memref<1x32x128xi32, #tpu.memory_space<hbm>>
        %dma_start3A_82 = tpu.memref_squeeze %dma_start3A_81 : memref<1x32x128xi32, #tpu.memory_space<hbm>> -> memref<32x128xi32, #tpu.memory_space<hbm>>
        tpu.enqueue_dma source(%dma_start3A_82 : memref<32x128xi32, #tpu.memory_space<hbm>>) target(%arg10 : memref<32x128xi32, #tpu.memory_space<vmem>>) target_semaphore(%run_scoped3A : memref<!tpu.dma_semaphore, #tpu.memory_space<semaphore_mem>>)
        %dma_wait3A = arith.constant 0 : i32
        %dma_wait3A_83 = arith.constant 0 : i32
        %dma_wait3A_84 = tpu.memref_slice %arg6[%arg1, %dma_wait3A, %dma_wait3A_83] : memref<16x32x128xi32, #tpu.memory_space<hbm>> -> memref<1x32x128xi32, #tpu.memory_space<hbm>>
        %dma_wait3A_85 = tpu.memref_squeeze %dma_wait3A_84 : memref<1x32x128xi32, #tpu.memory_space<hbm>> -> memref<32x128xi32, #tpu.memory_space<hbm>>
        %dma_wait3A_86 = arith.constant 0 : i32
        %dma_wait3A_87 = arith.constant 0 : i32
        %dma_wait3A_88 = tpu.memref_slice %arg6[%arg1, %dma_wait3A_86, %dma_wait3A_87] : memref<16x32x128xi32, #tpu.memory_space<hbm>> -> memref<1x32x128xi32, #tpu.memory_space<hbm>>
        %dma_wait3A_89 = tpu.memref_squeeze %dma_wait3A_88 : memref<1x32x128xi32, #tpu.memory_space<hbm>> -> memref<32x128xi32, #tpu.memory_space<hbm>>
        tpu.wait_dma2 semaphore(%run_scoped3A : memref<!tpu.dma_semaphore, #tpu.memory_space<semaphore_mem>>) src(%dma_wait3A_89 : memref<32x128xi32, #tpu.memory_space<hbm>>) dst(%arg10 : memref<32x128xi32, #tpu.memory_space<vmem>>)
        tpu.yield
      }) : () -> ()
      %dma_start3A = arith.constant 0 : i32
      %dma_start3A_65 = arith.constant 0 : i32
      %dma_start3A_66 = tpu.memref_slice %arg9[%dma_start3A, %dma_start3A_65] : memref<32x128xi32, #tpu.memory_space<vmem>> -> memref<1x128xi32, #tpu.memory_space<vmem>>
      %dma_start3A_67 = tpu.memref_squeeze %dma_start3A_66 : memref<1x128xi32, #tpu.memory_space<vmem>> -> memref<128xi32, #tpu.memory_space<vmem>>
      %dma_start3A_68 = arith.constant 0 : i32
      %dma_start3A_69 = arith.constant 0 : i32
      %dma_start3A_70 = tpu.memref_slice %arg2[%dma_start3A_68, %dma_start3A_69] : memref<10000x128xf32, #tpu.memory_space<hbm>> -> memref<10000x128xf32, #tpu.memory_space<hbm>>
      tpu.enqueue_indirect_dma source(%dma_start3A_70 : memref<10000x128xf32, #tpu.memory_space<hbm>>) target(%arg11 : memref<128x128xf32, #tpu.memory_space<vmem>>) offsets(%dma_start3A_67 : memref<128xi32, #tpu.memory_space<vmem>>) semaphore(%arg13 : memref<!tpu.dma_semaphore, #tpu.memory_space<semaphore_mem>>)
      %scan3A = arith.constant 0 : i32
      %scan3A_71 = arith.constant 16 : i32
      %scan3A_72 = arith.addi %scan3A, %scan3A_71 : i32
      %scan3A_73 = arith.constant 1 : i32
      scf.for %scan3A_75 = %scan3A to %scan3A_72 step %scan3A_73  : i32 {
        %mul3A_76 = arith.constant 2 : i32
        %mul3A_77 = arith.muli %scan3A_75, %mul3A_76 : i32
        %add3A_78 = arith.constant 0 : i32
        %add3A_79 = arith.addi %add3A_78, %mul3A_77 : i32
        %add3A_80 = arith.constant 1 : i32
        %add3A_81 = arith.addi %add3A_79, %add3A_80 : i32
        %dma_start3A_82 = arith.constant 0 : i32
        %dma_start3A_83 = tpu.memref_slice %arg9[%add3A_81, %dma_start3A_82] : memref<32x128xi32, #tpu.memory_space<vmem>> -> memref<1x128xi32, #tpu.memory_space<vmem>>
        %dma_start3A_84 = tpu.memref_squeeze %dma_start3A_83 : memref<1x128xi32, #tpu.memory_space<vmem>> -> memref<128xi32, #tpu.memory_space<vmem>>
        %dma_start3A_85 = arith.constant 0 : i32
        %dma_start3A_86 = arith.constant 0 : i32
        %dma_start3A_87 = tpu.memref_slice %arg2[%dma_start3A_85, %dma_start3A_86] : memref<10000x128xf32, #tpu.memory_space<hbm>> -> memref<10000x128xf32, #tpu.memory_space<hbm>>
        tpu.enqueue_indirect_dma source(%dma_start3A_87 : memref<10000x128xf32, #tpu.memory_space<hbm>>) target(%arg12 : memref<128x128xf32, #tpu.memory_space<vmem>>) offsets(%dma_start3A_84 : memref<128xi32, #tpu.memory_space<vmem>>) semaphore(%arg14 : memref<!tpu.dma_semaphore, #tpu.memory_space<semaphore_mem>>)
        %dma_wait3A = arith.constant 0 : i32
        %dma_wait3A_88 = tpu.memref_slice %arg9[%add3A_79, %dma_wait3A] : memref<32x128xi32, #tpu.memory_space<vmem>> -> memref<1x128xi32, #tpu.memory_space<vmem>>
        %dma_wait3A_89 = tpu.memref_squeeze %dma_wait3A_88 : memref<1x128xi32, #tpu.memory_space<vmem>> -> memref<128xi32, #tpu.memory_space<vmem>>
        %dma_wait3A_90 = arith.constant 0 : i32
        %dma_wait3A_91 = arith.constant 0 : i32
        %dma_wait3A_92 = tpu.memref_slice %arg2[%dma_wait3A_90, %dma_wait3A_91] : memref<10000x128xf32, #tpu.memory_space<hbm>> -> memref<10000x128xf32, #tpu.memory_space<hbm>>
        tpu.wait_indirect_dma semaphore(%arg13 : memref<!tpu.dma_semaphore, #tpu.memory_space<semaphore_mem>>) src(%dma_wait3A_92 : memref<10000x128xf32, #tpu.memory_space<hbm>>) dst(%arg11 : memref<128x128xf32, #tpu.memory_space<vmem>>)
        "tpu.region"() ({
          %run_scoped3A = tpu.sem_alloc : memref<!tpu.dma_semaphore, #tpu.memory_space<semaphore_mem>>
          %dma_start3A_109 = arith.constant 0 : i32
          %dma_start3A_110 = tpu.memref_slice %arg10[%add3A_79, %dma_start3A_109] : memref<32x128xi32, #tpu.memory_space<vmem>> -> memref<1x128xi32, #tpu.memory_space<vmem>>
          %dma_start3A_111 = tpu.memref_squeeze %dma_start3A_110 : memref<1x128xi32, #tpu.memory_space<vmem>> -> memref<128xi32, #tpu.memory_space<vmem>>
          %dma_start3A_112 = arith.constant 0 : i32
          %dma_start3A_113 = arith.constant 0 : i32
          %dma_start3A_114 = tpu.memref_slice %arg8[%dma_start3A_112, %dma_start3A_113] : memref<10008x128xf32, #tpu.memory_space<vmem_shared>> -> memref<10008x128xf32, #tpu.memory_space<vmem_shared>>
          tpu.enqueue_indirect_dma source(%arg11 : memref<128x128xf32, #tpu.memory_space<vmem>>) target(%dma_start3A_114 : memref<10008x128xf32, #tpu.memory_space<vmem_shared>>) offsets(%dma_start3A_111 : memref<128xi32, #tpu.memory_space<vmem>>) semaphore(%run_scoped3A : memref<!tpu.dma_semaphore, #tpu.memory_space<semaphore_mem>>) {add = true}
          %dma_wait3A_115 = arith.constant 0 : i32
          %dma_wait3A_116 = tpu.memref_slice %arg10[%add3A_79, %dma_wait3A_115] : memref<32x128xi32, #tpu.memory_space<vmem>> -> memref<1x128xi32, #tpu.memory_space<vmem>>
          %dma_wait3A_117 = tpu.memref_squeeze %dma_wait3A_116 : memref<1x128xi32, #tpu.memory_space<vmem>> -> memref<128xi32, #tpu.memory_space<vmem>>
          %dma_wait3A_118 = arith.constant 0 : i32
          %dma_wait3A_119 = arith.constant 0 : i32
          %dma_wait3A_120 = tpu.memref_slice %arg8[%dma_wait3A_118, %dma_wait3A_119] : memref<10008x128xf32, #tpu.memory_space<vmem_shared>> -> memref<10008x128xf32, #tpu.memory_space<vmem_shared>>
          tpu.wait_indirect_dma semaphore(%run_scoped3A : memref<!tpu.dma_semaphore, #tpu.memory_space<semaphore_mem>>) src(%arg11 : memref<128x128xf32, #tpu.memory_space<vmem>>) dst(%dma_wait3A_120 : memref<10008x128xf32, #tpu.memory_space<vmem_shared>>)
          tpu.yield
        }) : () -> ()
        %add3A_93 = arith.constant 2 : i32
        %add3A_94 = arith.addi %add3A_79, %add3A_93 : i32
        %lt3A = arith.constant 32 : i32
        %lt3A_95 = arith.cmpi slt, %add3A_94, %lt3A : i32
        %convert_element_type3A_96 = arith.extui %lt3A_95 : i1 to i32
        %cond3A_97 = arith.constant 0 : i32
        %cond3A_98 = arith.cmpi ne, %convert_element_type3A_96, %cond3A_97 : i32
        scf.if %cond3A_98 {
          %add3A_109 = arith.constant 2 : i32
          %add3A_110 = arith.addi %add3A_79, %add3A_109 : i32
          %dma_start3A_111 = arith.constant 0 : i32
          %dma_start3A_112 = tpu.memref_slice %arg9[%add3A_110, %dma_start3A_111] : memref<32x128xi32, #tpu.memory_space<vmem>> -> memref<1x128xi32, #tpu.memory_space<vmem>>
          %dma_start3A_113 = tpu.memref_squeeze %dma_start3A_112 : memref<1x128xi32, #tpu.memory_space<vmem>> -> memref<128xi32, #tpu.memory_space<vmem>>
          %dma_start3A_114 = arith.constant 0 : i32
          %dma_start3A_115 = arith.constant 0 : i32
          %dma_start3A_116 = tpu.memref_slice %arg2[%dma_start3A_114, %dma_start3A_115] : memref<10000x128xf32, #tpu.memory_space<hbm>> -> memref<10000x128xf32, #tpu.memory_space<hbm>>
          tpu.enqueue_indirect_dma source(%dma_start3A_116 : memref<10000x128xf32, #tpu.memory_space<hbm>>) target(%arg11 : memref<128x128xf32, #tpu.memory_space<vmem>>) offsets(%dma_start3A_113 : memref<128xi32, #tpu.memory_space<vmem>>) semaphore(%arg13 : memref<!tpu.dma_semaphore, #tpu.memory_space<semaphore_mem>>)
        } else {
        }
        %add3A_99 = arith.constant 1 : i32
        %add3A_100 = arith.addi %add3A_79, %add3A_99 : i32
        %dma_wait3A_101 = arith.constant 0 : i32
        %dma_wait3A_102 = tpu.memref_slice %arg9[%add3A_100, %dma_wait3A_101] : memref<32x128xi32, #tpu.memory_space<vmem>> -> memref<1x128xi32, #tpu.memory_space<vmem>>
        %dma_wait3A_103 = tpu.memref_squeeze %dma_wait3A_102 : memref<1x128xi32, #tpu.memory_space<vmem>> -> memref<128xi32, #tpu.memory_space<vmem>>
        %dma_wait3A_104 = arith.constant 0 : i32
        %dma_wait3A_105 = arith.constant 0 : i32
        %dma_wait3A_106 = tpu.memref_slice %arg2[%dma_wait3A_104, %dma_wait3A_105] : memref<10000x128xf32, #tpu.memory_space<hbm>> -> memref<10000x128xf32, #tpu.memory_space<hbm>>
        tpu.wait_indirect_dma semaphore(%arg14 : memref<!tpu.dma_semaphore, #tpu.memory_space<semaphore_mem>>) src(%dma_wait3A_106 : memref<10000x128xf32, #tpu.memory_space<hbm>>) dst(%arg12 : memref<128x128xf32, #tpu.memory_space<vmem>>)
        %add3A_107 = arith.constant 1 : i32
        %add3A_108 = arith.addi %add3A_79, %add3A_107 : i32
        "tpu.region"() ({
          %run_scoped3A = tpu.sem_alloc : memref<!tpu.dma_semaphore, #tpu.memory_space<semaphore_mem>>
          %dma_start3A_109 = arith.constant 0 : i32
          %dma_start3A_110 = tpu.memref_slice %arg10[%add3A_108, %dma_start3A_109] : memref<32x128xi32, #tpu.memory_space<vmem>> -> memref<1x128xi32, #tpu.memory_space<vmem>>
          %dma_start3A_111 = tpu.memref_squeeze %dma_start3A_110 : memref<1x128xi32, #tpu.memory_space<vmem>> -> memref<128xi32, #tpu.memory_space<vmem>>
          %dma_start3A_112 = arith.constant 0 : i32
          %dma_start3A_113 = arith.constant 0 : i32
          %dma_start3A_114 = tpu.memref_slice %arg8[%dma_start3A_112, %dma_start3A_113] : memref<10008x128xf32, #tpu.memory_space<vmem_shared>> -> memref<10008x128xf32, #tpu.memory_space<vmem_shared>>
          tpu.enqueue_indirect_dma source(%arg12 : memref<128x128xf32, #tpu.memory_space<vmem>>) target(%dma_start3A_114 : memref<10008x128xf32, #tpu.memory_space<vmem_shared>>) offsets(%dma_start3A_111 : memref<128xi32, #tpu.memory_space<vmem>>) semaphore(%run_scoped3A : memref<!tpu.dma_semaphore, #tpu.memory_space<semaphore_mem>>) {add = true}
          %dma_wait3A_115 = arith.constant 0 : i32
          %dma_wait3A_116 = tpu.memref_slice %arg10[%add3A_108, %dma_wait3A_115] : memref<32x128xi32, #tpu.memory_space<vmem>> -> memref<1x128xi32, #tpu.memory_space<vmem>>
          %dma_wait3A_117 = tpu.memref_squeeze %dma_wait3A_116 : memref<1x128xi32, #tpu.memory_space<vmem>> -> memref<128xi32, #tpu.memory_space<vmem>>
          %dma_wait3A_118 = arith.constant 0 : i32
          %dma_wait3A_119 = arith.constant 0 : i32
          %dma_wait3A_120 = tpu.memref_slice %arg8[%dma_wait3A_118, %dma_wait3A_119] : memref<10008x128xf32, #tpu.memory_space<vmem_shared>> -> memref<10008x128xf32, #tpu.memory_space<vmem_shared>>
          tpu.wait_indirect_dma semaphore(%run_scoped3A : memref<!tpu.dma_semaphore, #tpu.memory_space<semaphore_mem>>) src(%arg12 : memref<128x128xf32, #tpu.memory_space<vmem>>) dst(%dma_wait3A_120 : memref<10008x128xf32, #tpu.memory_space<vmem_shared>>)
          tpu.yield
        }) : () -> ()
      }
      %scan3A_74 = arith.constant 16 : i32
    } else {
    }
    %barrier3A_35 = arith.constant 0 : index
    tpu.barrier barrier_id(%barrier3A_35)
    %add3A_36 = arith.constant 0 : i32
    %add3A_37 = arith.addi %mul3A_0, %add3A_36 : i32
    "tpu.region"() ({
      %run_scoped3A = tpu.sem_alloc : memref<!tpu.dma_semaphore, #tpu.memory_space<semaphore_mem>>
      %dma_start3A = arith.constant 0 : i32
      %dma_start3A_65 = arith.constant 0 : i32
      %dma_start3A_66 = tpu.memref_slice %arg11[%dma_start3A, %dma_start3A_65] : memref<128x128xf32, #tpu.memory_space<vmem>> -> memref<104x128xf32, #tpu.memory_space<vmem>>
      %dma_start3A_67 = arith.constant 0 : i32
      %dma_start3A_68 = tpu.memref_slice %arg8[%add3A_37, %dma_start3A_67] : memref<10008x128xf32, #tpu.memory_space<vmem_shared>> -> memref<104x128xf32, #tpu.memory_space<vmem_shared>>
      %dma_start3A_69 = arith.constant 0 : i32
      %dma_start3A_70 = arith.constant 0 : i32
      %dma_start3A_71 = tpu.memref_slice %arg11[%dma_start3A_69, %dma_start3A_70] : memref<128x128xf32, #tpu.memory_space<vmem>> -> memref<104x128xf32, #tpu.memory_space<vmem>>
      %dma_start3A_72 = arith.constant 0 : i32
      %dma_start3A_73 = tpu.memref_slice %arg8[%add3A_37, %dma_start3A_72] : memref<10008x128xf32, #tpu.memory_space<vmem_shared>> -> memref<104x128xf32, #tpu.memory_space<vmem_shared>>
      tpu.enqueue_dma source(%dma_start3A_73 : memref<104x128xf32, #tpu.memory_space<vmem_shared>>) target(%dma_start3A_71 : memref<104x128xf32, #tpu.memory_space<vmem>>) target_semaphore(%run_scoped3A : memref<!tpu.dma_semaphore, #tpu.memory_space<semaphore_mem>>)
      %dma_wait3A = arith.constant 0 : i32
      %dma_wait3A_74 = arith.constant 0 : i32
      %dma_wait3A_75 = tpu.memref_slice %arg11[%dma_wait3A, %dma_wait3A_74] : memref<128x128xf32, #tpu.memory_space<vmem>> -> memref<104x128xf32, #tpu.memory_space<vmem>>
      %dma_wait3A_76 = arith.constant 0 : i32
      %dma_wait3A_77 = tpu.memref_slice %arg8[%add3A_37, %dma_wait3A_76] : memref<10008x128xf32, #tpu.memory_space<vmem_shared>> -> memref<104x128xf32, #tpu.memory_space<vmem_shared>>
      %dma_wait3A_78 = arith.constant 0 : i32
      %dma_wait3A_79 = arith.constant 0 : i32
      %dma_wait3A_80 = tpu.memref_slice %arg11[%dma_wait3A_78, %dma_wait3A_79] : memref<128x128xf32, #tpu.memory_space<vmem>> -> memref<104x128xf32, #tpu.memory_space<vmem>>
      %dma_wait3A_81 = arith.constant 0 : i32
      %dma_wait3A_82 = tpu.memref_slice %arg8[%add3A_37, %dma_wait3A_81] : memref<10008x128xf32, #tpu.memory_space<vmem_shared>> -> memref<104x128xf32, #tpu.memory_space<vmem_shared>>
      tpu.wait_dma2 semaphore(%run_scoped3A : memref<!tpu.dma_semaphore, #tpu.memory_space<semaphore_mem>>) src(%dma_wait3A_82 : memref<104x128xf32, #tpu.memory_space<vmem_shared>>) dst(%dma_wait3A_80 : memref<104x128xf32, #tpu.memory_space<vmem>>)
      tpu.yield
    }) : () -> ()
    %add3A_38 = arith.constant 0 : i32
    %add3A_39 = arith.addi %mul3A_0, %add3A_38 : i32
    "tpu.region"() ({
      %run_scoped3A = tpu.sem_alloc : memref<!tpu.dma_semaphore, #tpu.memory_space<semaphore_mem>>
      %dma_start3A = arith.constant 0 : i32
      %dma_start3A_65 = arith.constant 0 : i32
      %dma_start3A_66 = tpu.memref_slice %arg11[%dma_start3A, %dma_start3A_65] : memref<128x128xf32, #tpu.memory_space<vmem>> -> memref<104x128xf32, #tpu.memory_space<vmem>>
      %dma_start3A_67 = arith.constant 0 : i32
      %dma_start3A_68 = tpu.memref_slice %arg7[%arg0, %add3A_39, %dma_start3A_67] : memref<2x10000x128xf32, #tpu.memory_space<hbm>> -> memref<1x104x128xf32, #tpu.memory_space<hbm>>
      %dma_start3A_69 = tpu.memref_squeeze %dma_start3A_68 : memref<1x104x128xf32, #tpu.memory_space<hbm>> -> memref<104x128xf32, #tpu.memory_space<hbm>>
      %dma_start3A_70 = arith.constant 0 : i32
      %dma_start3A_71 = tpu.memref_slice %arg7[%arg0, %add3A_39, %dma_start3A_70] : memref<2x10000x128xf32, #tpu.memory_space<hbm>> -> memref<1x104x128xf32, #tpu.memory_space<hbm>>
      %dma_start3A_72 = tpu.memref_squeeze %dma_start3A_71 : memref<1x104x128xf32, #tpu.memory_space<hbm>> -> memref<104x128xf32, #tpu.memory_space<hbm>>
      %dma_start3A_73 = arith.constant 0 : i32
      %dma_start3A_74 = arith.constant 0 : i32
      %dma_start3A_75 = tpu.memref_slice %arg11[%dma_start3A_73, %dma_start3A_74] : memref<128x128xf32, #tpu.memory_space<vmem>> -> memref<104x128xf32, #tpu.memory_space<vmem>>
      tpu.enqueue_dma source(%dma_start3A_75 : memref<104x128xf32, #tpu.memory_space<vmem>>) target(%dma_start3A_72 : memref<104x128xf32, #tpu.memory_space<hbm>>) target_semaphore(%run_scoped3A : memref<!tpu.dma_semaphore, #tpu.memory_space<semaphore_mem>>)
      %dma_wait3A = arith.constant 0 : i32
      %dma_wait3A_76 = arith.constant 0 : i32
      %dma_wait3A_77 = tpu.memref_slice %arg11[%dma_wait3A, %dma_wait3A_76] : memref<128x128xf32, #tpu.memory_space<vmem>> -> memref<104x128xf32, #tpu.memory_space<vmem>>
      %dma_wait3A_78 = arith.constant 0 : i32
      %dma_wait3A_79 = tpu.memref_slice %arg7[%arg0, %add3A_39, %dma_wait3A_78] : memref<2x10000x128xf32, #tpu.memory_space<hbm>> -> memref<1x104x128xf32, #tpu.memory_space<hbm>>
      %dma_wait3A_80 = tpu.memref_squeeze %dma_wait3A_79 : memref<1x104x128xf32, #tpu.memory_space<hbm>> -> memref<104x128xf32, #tpu.memory_space<hbm>>
      %dma_wait3A_81 = arith.constant 0 : i32
      %dma_wait3A_82 = tpu.memref_slice %arg7[%arg0, %add3A_39, %dma_wait3A_81] : memref<2x10000x128xf32, #tpu.memory_space<hbm>> -> memref<1x104x128xf32, #tpu.memory_space<hbm>>
      %dma_wait3A_83 = tpu.memref_squeeze %dma_wait3A_82 : memref<1x104x128xf32, #tpu.memory_space<hbm>> -> memref<104x128xf32, #tpu.memory_space<hbm>>
      %dma_wait3A_84 = arith.constant 0 : i32
      %dma_wait3A_85 = arith.constant 0 : i32
      %dma_wait3A_86 = tpu.memref_slice %arg11[%dma_wait3A_84, %dma_wait3A_85] : memref<128x128xf32, #tpu.memory_space<vmem>> -> memref<104x128xf32, #tpu.memory_space<vmem>>
      tpu.wait_dma2 semaphore(%run_scoped3A : memref<!tpu.dma_semaphore, #tpu.memory_space<semaphore_mem>>) src(%dma_wait3A_86 : memref<104x128xf32, #tpu.memory_space<vmem>>) dst(%dma_wait3A_83 : memref<104x128xf32, #tpu.memory_space<hbm>>)
      tpu.yield
    }) : () -> ()
    %add3A_40 = arith.constant 104 : i32
    %add3A_41 = arith.addi %mul3A_0, %add3A_40 : i32
    "tpu.region"() ({
      %run_scoped3A = tpu.sem_alloc : memref<!tpu.dma_semaphore, #tpu.memory_space<semaphore_mem>>
      %dma_start3A = arith.constant 0 : i32
      %dma_start3A_65 = arith.constant 0 : i32
      %dma_start3A_66 = tpu.memref_slice %arg11[%dma_start3A, %dma_start3A_65] : memref<128x128xf32, #tpu.memory_space<vmem>> -> memref<104x128xf32, #tpu.memory_space<vmem>>
      %dma_start3A_67 = arith.constant 0 : i32
      %dma_start3A_68 = tpu.memref_slice %arg8[%add3A_41, %dma_start3A_67] : memref<10008x128xf32, #tpu.memory_space<vmem_shared>> -> memref<104x128xf32, #tpu.memory_space<vmem_shared>>
      %dma_start3A_69 = arith.constant 0 : i32
      %dma_start3A_70 = arith.constant 0 : i32
      %dma_start3A_71 = tpu.memref_slice %arg11[%dma_start3A_69, %dma_start3A_70] : memref<128x128xf32, #tpu.memory_space<vmem>> -> memref<104x128xf32, #tpu.memory_space<vmem>>
      %dma_start3A_72 = arith.constant 0 : i32
      %dma_start3A_73 = tpu.memref_slice %arg8[%add3A_41, %dma_start3A_72] : memref<10008x128xf32, #tpu.memory_space<vmem_shared>> -> memref<104x128xf32, #tpu.memory_space<vmem_shared>>
      tpu.enqueue_dma source(%dma_start3A_73 : memref<104x128xf32, #tpu.memory_space<vmem_shared>>) target(%dma_start3A_71 : memref<104x128xf32, #tpu.memory_space<vmem>>) target_semaphore(%run_scoped3A : memref<!tpu.dma_semaphore, #tpu.memory_space<semaphore_mem>>)
      %dma_wait3A = arith.constant 0 : i32
      %dma_wait3A_74 = arith.constant 0 : i32
      %dma_wait3A_75 = tpu.memref_slice %arg11[%dma_wait3A, %dma_wait3A_74] : memref<128x128xf32, #tpu.memory_space<vmem>> -> memref<104x128xf32, #tpu.memory_space<vmem>>
      %dma_wait3A_76 = arith.constant 0 : i32
      %dma_wait3A_77 = tpu.memref_slice %arg8[%add3A_41, %dma_wait3A_76] : memref<10008x128xf32, #tpu.memory_space<vmem_shared>> -> memref<104x128xf32, #tpu.memory_space<vmem_shared>>
      %dma_wait3A_78 = arith.constant 0 : i32
      %dma_wait3A_79 = arith.constant 0 : i32
      %dma_wait3A_80 = tpu.memref_slice %arg11[%dma_wait3A_78, %dma_wait3A_79] : memref<128x128xf32, #tpu.memory_space<vmem>> -> memref<104x128xf32, #tpu.memory_space<vmem>>
      %dma_wait3A_81 = arith.constant 0 : i32
      %dma_wait3A_82 = tpu.memref_slice %arg8[%add3A_41, %dma_wait3A_81] : memref<10008x128xf32, #tpu.memory_space<vmem_shared>> -> memref<104x128xf32, #tpu.memory_space<vmem_shared>>
      tpu.wait_dma2 semaphore(%run_scoped3A : memref<!tpu.dma_semaphore, #tpu.memory_space<semaphore_mem>>) src(%dma_wait3A_82 : memref<104x128xf32, #tpu.memory_space<vmem_shared>>) dst(%dma_wait3A_80 : memref<104x128xf32, #tpu.memory_space<vmem>>)
      tpu.yield
    }) : () -> ()
    %add3A_42 = arith.constant 104 : i32
    %add3A_43 = arith.addi %mul3A_0, %add3A_42 : i32
    "tpu.region"() ({
      %run_scoped3A = tpu.sem_alloc : memref<!tpu.dma_semaphore, #tpu.memory_space<semaphore_mem>>
      %dma_start3A = arith.constant 0 : i32
      %dma_start3A_65 = arith.constant 0 : i32
      %dma_start3A_66 = tpu.memref_slice %arg11[%dma_start3A, %dma_start3A_65] : memref<128x128xf32, #tpu.memory_space<vmem>> -> memref<104x128xf32, #tpu.memory_space<vmem>>
      %dma_start3A_67 = arith.constant 0 : i32
      %dma_start3A_68 = tpu.memref_slice %arg7[%arg0, %add3A_43, %dma_start3A_67] : memref<2x10000x128xf32, #tpu.memory_space<hbm>> -> memref<1x104x128xf32, #tpu.memory_space<hbm>>
      %dma_start3A_69 = tpu.memref_squeeze %dma_start3A_68 : memref<1x104x128xf32, #tpu.memory_space<hbm>> -> memref<104x128xf32, #tpu.memory_space<hbm>>
      %dma_start3A_70 = arith.constant 0 : i32
      %dma_start3A_71 = tpu.memref_slice %arg7[%arg0, %add3A_43, %dma_start3A_70] : memref<2x10000x128xf32, #tpu.memory_space<hbm>> -> memref<1x104x128xf32, #tpu.memory_space<hbm>>
      %dma_start3A_72 = tpu.memref_squeeze %dma_start3A_71 : memref<1x104x128xf32, #tpu.memory_space<hbm>> -> memref<104x128xf32, #tpu.memory_space<hbm>>
      %dma_start3A_73 = arith.constant 0 : i32
      %dma_start3A_74 = arith.constant 0 : i32
      %dma_start3A_75 = tpu.memref_slice %arg11[%dma_start3A_73, %dma_start3A_74] : memref<128x128xf32, #tpu.memory_space<vmem>> -> memref<104x128xf32, #tpu.memory_space<vmem>>
      tpu.enqueue_dma source(%dma_start3A_75 : memref<104x128xf32, #tpu.memory_space<vmem>>) target(%dma_start3A_72 : memref<104x128xf32, #tpu.memory_space<hbm>>) target_semaphore(%run_scoped3A : memref<!tpu.dma_semaphore, #tpu.memory_space<semaphore_mem>>)
      %dma_wait3A = arith.constant 0 : i32
      %dma_wait3A_76 = arith.constant 0 : i32
      %dma_wait3A_77 = tpu.memref_slice %arg11[%dma_wait3A, %dma_wait3A_76] : memref<128x128xf32, #tpu.memory_space<vmem>> -> memref<104x128xf32, #tpu.memory_space<vmem>>
      %dma_wait3A_78 = arith.constant 0 : i32
      %dma_wait3A_79 = tpu.memref_slice %arg7[%arg0, %add3A_43, %dma_wait3A_78] : memref<2x10000x128xf32, #tpu.memory_space<hbm>> -> memref<1x104x128xf32, #tpu.memory_space<hbm>>
      %dma_wait3A_80 = tpu.memref_squeeze %dma_wait3A_79 : memref<1x104x128xf32, #tpu.memory_space<hbm>> -> memref<104x128xf32, #tpu.memory_space<hbm>>
      %dma_wait3A_81 = arith.constant 0 : i32
      %dma_wait3A_82 = tpu.memref_slice %arg7[%arg0, %add3A_43, %dma_wait3A_81] : memref<2x10000x128xf32, #tpu.memory_space<hbm>> -> memref<1x104x128xf32, #tpu.memory_space<hbm>>
      %dma_wait3A_83 = tpu.memref_squeeze %dma_wait3A_82 : memref<1x104x128xf32, #tpu.memory_space<hbm>> -> memref<104x128xf32, #tpu.memory_space<hbm>>
      %dma_wait3A_84 = arith.constant 0 : i32
      %dma_wait3A_85 = arith.constant 0 : i32
      %dma_wait3A_86 = tpu.memref_slice %arg11[%dma_wait3A_84, %dma_wait3A_85] : memref<128x128xf32, #tpu.memory_space<vmem>> -> memref<104x128xf32, #tpu.memory_space<vmem>>
      tpu.wait_dma2 semaphore(%run_scoped3A : memref<!tpu.dma_semaphore, #tpu.memory_space<semaphore_mem>>) src(%dma_wait3A_86 : memref<104x128xf32, #tpu.memory_space<vmem>>) dst(%dma_wait3A_83 : memref<104x128xf32, #tpu.memory_space<hbm>>)
      tpu.yield
    }) : () -> ()
    %add3A_44 = arith.constant 208 : i32
    %add3A_45 = arith.addi %mul3A_0, %add3A_44 : i32
    "tpu.region"() ({
      %run_scoped3A = tpu.sem_alloc : memref<!tpu.dma_semaphore, #tpu.memory_space<semaphore_mem>>
      %dma_start3A = arith.constant 0 : i32
      %dma_start3A_65 = arith.constant 0 : i32
      %dma_start3A_66 = tpu.memref_slice %arg11[%dma_start3A, %dma_start3A_65] : memref<128x128xf32, #tpu.memory_space<vmem>> -> memref<104x128xf32, #tpu.memory_space<vmem>>
      %dma_start3A_67 = arith.constant 0 : i32
      %dma_start3A_68 = tpu.memref_slice %arg8[%add3A_45, %dma_start3A_67] : memref<10008x128xf32, #tpu.memory_space<vmem_shared>> -> memref<104x128xf32, #tpu.memory_space<vmem_shared>>
      %dma_start3A_69 = arith.constant 0 : i32
      %dma_start3A_70 = arith.constant 0 : i32
      %dma_start3A_71 = tpu.memref_slice %arg11[%dma_start3A_69, %dma_start3A_70] : memref<128x128xf32, #tpu.memory_space<vmem>> -> memref<104x128xf32, #tpu.memory_space<vmem>>
      %dma_start3A_72 = arith.constant 0 : i32
      %dma_start3A_73 = tpu.memref_slice %arg8[%add3A_45, %dma_start3A_72] : memref<10008x128xf32, #tpu.memory_space<vmem_shared>> -> memref<104x128xf32, #tpu.memory_space<vmem_shared>>
      tpu.enqueue_dma source(%dma_start3A_73 : memref<104x128xf32, #tpu.memory_space<vmem_shared>>) target(%dma_start3A_71 : memref<104x128xf32, #tpu.memory_space<vmem>>) target_semaphore(%run_scoped3A : memref<!tpu.dma_semaphore, #tpu.memory_space<semaphore_mem>>)
      %dma_wait3A = arith.constant 0 : i32
      %dma_wait3A_74 = arith.constant 0 : i32
      %dma_wait3A_75 = tpu.memref_slice %arg11[%dma_wait3A, %dma_wait3A_74] : memref<128x128xf32, #tpu.memory_space<vmem>> -> memref<104x128xf32, #tpu.memory_space<vmem>>
      %dma_wait3A_76 = arith.constant 0 : i32
      %dma_wait3A_77 = tpu.memref_slice %arg8[%add3A_45, %dma_wait3A_76] : memref<10008x128xf32, #tpu.memory_space<vmem_shared>> -> memref<104x128xf32, #tpu.memory_space<vmem_shared>>
      %dma_wait3A_78 = arith.constant 0 : i32
      %dma_wait3A_79 = arith.constant 0 : i32
      %dma_wait3A_80 = tpu.memref_slice %arg11[%dma_wait3A_78, %dma_wait3A_79] : memref<128x128xf32, #tpu.memory_space<vmem>> -> memref<104x128xf32, #tpu.memory_space<vmem>>
      %dma_wait3A_81 = arith.constant 0 : i32
      %dma_wait3A_82 = tpu.memref_slice %arg8[%add3A_45, %dma_wait3A_81] : memref<10008x128xf32, #tpu.memory_space<vmem_shared>> -> memref<104x128xf32, #tpu.memory_space<vmem_shared>>
      tpu.wait_dma2 semaphore(%run_scoped3A : memref<!tpu.dma_semaphore, #tpu.memory_space<semaphore_mem>>) src(%dma_wait3A_82 : memref<104x128xf32, #tpu.memory_space<vmem_shared>>) dst(%dma_wait3A_80 : memref<104x128xf32, #tpu.memory_space<vmem>>)
      tpu.yield
    }) : () -> ()
    %add3A_46 = arith.constant 208 : i32
    %add3A_47 = arith.addi %mul3A_0, %add3A_46 : i32
    "tpu.region"() ({
      %run_scoped3A = tpu.sem_alloc : memref<!tpu.dma_semaphore, #tpu.memory_space<semaphore_mem>>
      %dma_start3A = arith.constant 0 : i32
      %dma_start3A_65 = arith.constant 0 : i32
      %dma_start3A_66 = tpu.memref_slice %arg11[%dma_start3A, %dma_start3A_65] : memref<128x128xf32, #tpu.memory_space<vmem>> -> memref<104x128xf32, #tpu.memory_space<vmem>>
      %dma_start3A_67 = arith.constant 0 : i32
      %dma_start3A_68 = tpu.memref_slice %arg7[%arg0, %add3A_47, %dma_start3A_67] : memref<2x10000x128xf32, #tpu.memory_space<hbm>> -> memref<1x104x128xf32, #tpu.memory_space<hbm>>
      %dma_start3A_69 = tpu.memref_squeeze %dma_start3A_68 : memref<1x104x128xf32, #tpu.memory_space<hbm>> -> memref<104x128xf32, #tpu.memory_space<hbm>>
      %dma_start3A_70 = arith.constant 0 : i32
      %dma_start3A_71 = tpu.memref_slice %arg7[%arg0, %add3A_47, %dma_start3A_70] : memref<2x10000x128xf32, #tpu.memory_space<hbm>> -> memref<1x104x128xf32, #tpu.memory_space<hbm>>
      %dma_start3A_72 = tpu.memref_squeeze %dma_start3A_71 : memref<1x104x128xf32, #tpu.memory_space<hbm>> -> memref<104x128xf32, #tpu.memory_space<hbm>>
      %dma_start3A_73 = arith.constant 0 : i32
      %dma_start3A_74 = arith.constant 0 : i32
      %dma_start3A_75 = tpu.memref_slice %arg11[%dma_start3A_73, %dma_start3A_74] : memref<128x128xf32, #tpu.memory_space<vmem>> -> memref<104x128xf32, #tpu.memory_space<vmem>>
      tpu.enqueue_dma source(%dma_start3A_75 : memref<104x128xf32, #tpu.memory_space<vmem>>) target(%dma_start3A_72 : memref<104x128xf32, #tpu.memory_space<hbm>>) target_semaphore(%run_scoped3A : memref<!tpu.dma_semaphore, #tpu.memory_space<semaphore_mem>>)
      %dma_wait3A = arith.constant 0 : i32
      %dma_wait3A_76 = arith.constant 0 : i32
      %dma_wait3A_77 = tpu.memref_slice %arg11[%dma_wait3A, %dma_wait3A_76] : memref<128x128xf32, #tpu.memory_space<vmem>> -> memref<104x128xf32, #tpu.memory_space<vmem>>
      %dma_wait3A_78 = arith.constant 0 : i32
      %dma_wait3A_79 = tpu.memref_slice %arg7[%arg0, %add3A_47, %dma_wait3A_78] : memref<2x10000x128xf32, #tpu.memory_space<hbm>> -> memref<1x104x128xf32, #tpu.memory_space<hbm>>
      %dma_wait3A_80 = tpu.memref_squeeze %dma_wait3A_79 : memref<1x104x128xf32, #tpu.memory_space<hbm>> -> memref<104x128xf32, #tpu.memory_space<hbm>>
      %dma_wait3A_81 = arith.constant 0 : i32
      %dma_wait3A_82 = tpu.memref_slice %arg7[%arg0, %add3A_47, %dma_wait3A_81] : memref<2x10000x128xf32, #tpu.memory_space<hbm>> -> memref<1x104x128xf32, #tpu.memory_space<hbm>>
      %dma_wait3A_83 = tpu.memref_squeeze %dma_wait3A_82 : memref<1x104x128xf32, #tpu.memory_space<hbm>> -> memref<104x128xf32, #tpu.memory_space<hbm>>
      %dma_wait3A_84 = arith.constant 0 : i32
      %dma_wait3A_85 = arith.constant 0 : i32
      %dma_wait3A_86 = tpu.memref_slice %arg11[%dma_wait3A_84, %dma_wait3A_85] : memref<128x128xf32, #tpu.memory_space<vmem>> -> memref<104x128xf32, #tpu.memory_space<vmem>>
      tpu.wait_dma2 semaphore(%run_scoped3A : memref<!tpu.dma_semaphore, #tpu.memory_space<semaphore_mem>>) src(%dma_wait3A_86 : memref<104x128xf32, #tpu.memory_space<vmem>>) dst(%dma_wait3A_83 : memref<104x128xf32, #tpu.memory_space<hbm>>)
      tpu.yield
    }) : () -> ()
    %add3A_48 = arith.constant 312 : i32
    %add3A_49 = arith.addi %mul3A_0, %add3A_48 : i32
    "tpu.region"() ({
      %run_scoped3A = tpu.sem_alloc : memref<!tpu.dma_semaphore, #tpu.memory_space<semaphore_mem>>
      %dma_start3A = arith.constant 0 : i32
      %dma_start3A_65 = arith.constant 0 : i32
      %dma_start3A_66 = tpu.memref_slice %arg11[%dma_start3A, %dma_start3A_65] : memref<128x128xf32, #tpu.memory_space<vmem>> -> memref<104x128xf32, #tpu.memory_space<vmem>>
      %dma_start3A_67 = arith.constant 0 : i32
      %dma_start3A_68 = tpu.memref_slice %arg8[%add3A_49, %dma_start3A_67] : memref<10008x128xf32, #tpu.memory_space<vmem_shared>> -> memref<104x128xf32, #tpu.memory_space<vmem_shared>>
      %dma_start3A_69 = arith.constant 0 : i32
      %dma_start3A_70 = arith.constant 0 : i32
      %dma_start3A_71 = tpu.memref_slice %arg11[%dma_start3A_69, %dma_start3A_70] : memref<128x128xf32, #tpu.memory_space<vmem>> -> memref<104x128xf32, #tpu.memory_space<vmem>>
      %dma_start3A_72 = arith.constant 0 : i32
      %dma_start3A_73 = tpu.memref_slice %arg8[%add3A_49, %dma_start3A_72] : memref<10008x128xf32, #tpu.memory_space<vmem_shared>> -> memref<104x128xf32, #tpu.memory_space<vmem_shared>>
      tpu.enqueue_dma source(%dma_start3A_73 : memref<104x128xf32, #tpu.memory_space<vmem_shared>>) target(%dma_start3A_71 : memref<104x128xf32, #tpu.memory_space<vmem>>) target_semaphore(%run_scoped3A : memref<!tpu.dma_semaphore, #tpu.memory_space<semaphore_mem>>)
      %dma_wait3A = arith.constant 0 : i32
      %dma_wait3A_74 = arith.constant 0 : i32
      %dma_wait3A_75 = tpu.memref_slice %arg11[%dma_wait3A, %dma_wait3A_74] : memref<128x128xf32, #tpu.memory_space<vmem>> -> memref<104x128xf32, #tpu.memory_space<vmem>>
      %dma_wait3A_76 = arith.constant 0 : i32
      %dma_wait3A_77 = tpu.memref_slice %arg8[%add3A_49, %dma_wait3A_76] : memref<10008x128xf32, #tpu.memory_space<vmem_shared>> -> memref<104x128xf32, #tpu.memory_space<vmem_shared>>
      %dma_wait3A_78 = arith.constant 0 : i32
      %dma_wait3A_79 = arith.constant 0 : i32
      %dma_wait3A_80 = tpu.memref_slice %arg11[%dma_wait3A_78, %dma_wait3A_79] : memref<128x128xf32, #tpu.memory_space<vmem>> -> memref<104x128xf32, #tpu.memory_space<vmem>>
      %dma_wait3A_81 = arith.constant 0 : i32
      %dma_wait3A_82 = tpu.memref_slice %arg8[%add3A_49, %dma_wait3A_81] : memref<10008x128xf32, #tpu.memory_space<vmem_shared>> -> memref<104x128xf32, #tpu.memory_space<vmem_shared>>
      tpu.wait_dma2 semaphore(%run_scoped3A : memref<!tpu.dma_semaphore, #tpu.memory_space<semaphore_mem>>) src(%dma_wait3A_82 : memref<104x128xf32, #tpu.memory_space<vmem_shared>>) dst(%dma_wait3A_80 : memref<104x128xf32, #tpu.memory_space<vmem>>)
      tpu.yield
    }) : () -> ()
    %add3A_50 = arith.constant 312 : i32
    %add3A_51 = arith.addi %mul3A_0, %add3A_50 : i32
    "tpu.region"() ({
      %run_scoped3A = tpu.sem_alloc : memref<!tpu.dma_semaphore, #tpu.memory_space<semaphore_mem>>
      %dma_start3A = arith.constant 0 : i32
      %dma_start3A_65 = arith.constant 0 : i32
      %dma_start3A_66 = tpu.memref_slice %arg11[%dma_start3A, %dma_start3A_65] : memref<128x128xf32, #tpu.memory_space<vmem>> -> memref<104x128xf32, #tpu.memory_space<vmem>>
      %dma_start3A_67 = arith.constant 0 : i32
      %dma_start3A_68 = tpu.memref_slice %arg7[%arg0, %add3A_51, %dma_start3A_67] : memref<2x10000x128xf32, #tpu.memory_space<hbm>> -> memref<1x104x128xf32, #tpu.memory_space<hbm>>
      %dma_start3A_69 = tpu.memref_squeeze %dma_start3A_68 : memref<1x104x128xf32, #tpu.memory_space<hbm>> -> memref<104x128xf32, #tpu.memory_space<hbm>>
      %dma_start3A_70 = arith.constant 0 : i32
      %dma_start3A_71 = tpu.memref_slice %arg7[%arg0, %add3A_51, %dma_start3A_70] : memref<2x10000x128xf32, #tpu.memory_space<hbm>> -> memref<1x104x128xf32, #tpu.memory_space<hbm>>
      %dma_start3A_72 = tpu.memref_squeeze %dma_start3A_71 : memref<1x104x128xf32, #tpu.memory_space<hbm>> -> memref<104x128xf32, #tpu.memory_space<hbm>>
      %dma_start3A_73 = arith.constant 0 : i32
      %dma_start3A_74 = arith.constant 0 : i32
      %dma_start3A_75 = tpu.memref_slice %arg11[%dma_start3A_73, %dma_start3A_74] : memref<128x128xf32, #tpu.memory_space<vmem>> -> memref<104x128xf32, #tpu.memory_space<vmem>>
      tpu.enqueue_dma source(%dma_start3A_75 : memref<104x128xf32, #tpu.memory_space<vmem>>) target(%dma_start3A_72 : memref<104x128xf32, #tpu.memory_space<hbm>>) target_semaphore(%run_scoped3A : memref<!tpu.dma_semaphore, #tpu.memory_space<semaphore_mem>>)
      %dma_wait3A = arith.constant 0 : i32
      %dma_wait3A_76 = arith.constant 0 : i32
      %dma_wait3A_77 = tpu.memref_slice %arg11[%dma_wait3A, %dma_wait3A_76] : memref<128x128xf32, #tpu.memory_space<vmem>> -> memref<104x128xf32, #tpu.memory_space<vmem>>
      %dma_wait3A_78 = arith.constant 0 : i32
      %dma_wait3A_79 = tpu.memref_slice %arg7[%arg0, %add3A_51, %dma_wait3A_78] : memref<2x10000x128xf32, #tpu.memory_space<hbm>> -> memref<1x104x128xf32, #tpu.memory_space<hbm>>
      %dma_wait3A_80 = tpu.memref_squeeze %dma_wait3A_79 : memref<1x104x128xf32, #tpu.memory_space<hbm>> -> memref<104x128xf32, #tpu.memory_space<hbm>>
      %dma_wait3A_81 = arith.constant 0 : i32
      %dma_wait3A_82 = tpu.memref_slice %arg7[%arg0, %add3A_51, %dma_wait3A_81] : memref<2x10000x128xf32, #tpu.memory_space<hbm>> -> memref<1x104x128xf32, #tpu.memory_space<hbm>>
      %dma_wait3A_83 = tpu.memref_squeeze %dma_wait3A_82 : memref<1x104x128xf32, #tpu.memory_space<hbm>> -> memref<104x128xf32, #tpu.memory_space<hbm>>
      %dma_wait3A_84 = arith.constant 0 : i32
      %dma_wait3A_85 = arith.constant 0 : i32
      %dma_wait3A_86 = tpu.memref_slice %arg11[%dma_wait3A_84, %dma_wait3A_85] : memref<128x128xf32, #tpu.memory_space<vmem>> -> memref<104x128xf32, #tpu.memory_space<vmem>>
      tpu.wait_dma2 semaphore(%run_scoped3A : memref<!tpu.dma_semaphore, #tpu.memory_space<semaphore_mem>>) src(%dma_wait3A_86 : memref<104x128xf32, #tpu.memory_space<vmem>>) dst(%dma_wait3A_83 : memref<104x128xf32, #tpu.memory_space<hbm>>)
      tpu.yield
    }) : () -> ()
    %add3A_52 = arith.constant 416 : i32
    %add3A_53 = arith.addi %mul3A_0, %add3A_52 : i32
    "tpu.region"() ({
      %run_scoped3A = tpu.sem_alloc : memref<!tpu.dma_semaphore, #tpu.memory_space<semaphore_mem>>
      %dma_start3A = arith.constant 0 : i32
      %dma_start3A_65 = arith.constant 0 : i32
      %dma_start3A_66 = tpu.memref_slice %arg11[%dma_start3A, %dma_start3A_65] : memref<128x128xf32, #tpu.memory_space<vmem>> -> memref<104x128xf32, #tpu.memory_space<vmem>>
      %dma_start3A_67 = arith.constant 0 : i32
      %dma_start3A_68 = tpu.memref_slice %arg8[%add3A_53, %dma_start3A_67] : memref<10008x128xf32, #tpu.memory_space<vmem_shared>> -> memref<104x128xf32, #tpu.memory_space<vmem_shared>>
      %dma_start3A_69 = arith.constant 0 : i32
      %dma_start3A_70 = arith.constant 0 : i32
      %dma_start3A_71 = tpu.memref_slice %arg11[%dma_start3A_69, %dma_start3A_70] : memref<128x128xf32, #tpu.memory_space<vmem>> -> memref<104x128xf32, #tpu.memory_space<vmem>>
      %dma_start3A_72 = arith.constant 0 : i32
      %dma_start3A_73 = tpu.memref_slice %arg8[%add3A_53, %dma_start3A_72] : memref<10008x128xf32, #tpu.memory_space<vmem_shared>> -> memref<104x128xf32, #tpu.memory_space<vmem_shared>>
      tpu.enqueue_dma source(%dma_start3A_73 : memref<104x128xf32, #tpu.memory_space<vmem_shared>>) target(%dma_start3A_71 : memref<104x128xf32, #tpu.memory_space<vmem>>) target_semaphore(%run_scoped3A : memref<!tpu.dma_semaphore, #tpu.memory_space<semaphore_mem>>)
      %dma_wait3A = arith.constant 0 : i32
      %dma_wait3A_74 = arith.constant 0 : i32
      %dma_wait3A_75 = tpu.memref_slice %arg11[%dma_wait3A, %dma_wait3A_74] : memref<128x128xf32, #tpu.memory_space<vmem>> -> memref<104x128xf32, #tpu.memory_space<vmem>>
      %dma_wait3A_76 = arith.constant 0 : i32
      %dma_wait3A_77 = tpu.memref_slice %arg8[%add3A_53, %dma_wait3A_76] : memref<10008x128xf32, #tpu.memory_space<vmem_shared>> -> memref<104x128xf32, #tpu.memory_space<vmem_shared>>
      %dma_wait3A_78 = arith.constant 0 : i32
      %dma_wait3A_79 = arith.constant 0 : i32
      %dma_wait3A_80 = tpu.memref_slice %arg11[%dma_wait3A_78, %dma_wait3A_79] : memref<128x128xf32, #tpu.memory_space<vmem>> -> memref<104x128xf32, #tpu.memory_space<vmem>>
      %dma_wait3A_81 = arith.constant 0 : i32
      %dma_wait3A_82 = tpu.memref_slice %arg8[%add3A_53, %dma_wait3A_81] : memref<10008x128xf32, #tpu.memory_space<vmem_shared>> -> memref<104x128xf32, #tpu.memory_space<vmem_shared>>
      tpu.wait_dma2 semaphore(%run_scoped3A : memref<!tpu.dma_semaphore, #tpu.memory_space<semaphore_mem>>) src(%dma_wait3A_82 : memref<104x128xf32, #tpu.memory_space<vmem_shared>>) dst(%dma_wait3A_80 : memref<104x128xf32, #tpu.memory_space<vmem>>)
      tpu.yield
    }) : () -> ()
    %add3A_54 = arith.constant 416 : i32
    %add3A_55 = arith.addi %mul3A_0, %add3A_54 : i32
    "tpu.region"() ({
      %run_scoped3A = tpu.sem_alloc : memref<!tpu.dma_semaphore, #tpu.memory_space<semaphore_mem>>
      %dma_start3A = arith.constant 0 : i32
      %dma_start3A_65 = arith.constant 0 : i32
      %dma_start3A_66 = tpu.memref_slice %arg11[%dma_start3A, %dma_start3A_65] : memref<128x128xf32, #tpu.memory_space<vmem>> -> memref<104x128xf32, #tpu.memory_space<vmem>>
      %dma_start3A_67 = arith.constant 0 : i32
      %dma_start3A_68 = tpu.memref_slice %arg7[%arg0, %add3A_55, %dma_start3A_67] : memref<2x10000x128xf32, #tpu.memory_space<hbm>> -> memref<1x104x128xf32, #tpu.memory_space<hbm>>
      %dma_start3A_69 = tpu.memref_squeeze %dma_start3A_68 : memref<1x104x128xf32, #tpu.memory_space<hbm>> -> memref<104x128xf32, #tpu.memory_space<hbm>>
      %dma_start3A_70 = arith.constant 0 : i32
      %dma_start3A_71 = tpu.memref_slice %arg7[%arg0, %add3A_55, %dma_start3A_70] : memref<2x10000x128xf32, #tpu.memory_space<hbm>> -> memref<1x104x128xf32, #tpu.memory_space<hbm>>
      %dma_start3A_72 = tpu.memref_squeeze %dma_start3A_71 : memref<1x104x128xf32, #tpu.memory_space<hbm>> -> memref<104x128xf32, #tpu.memory_space<hbm>>
      %dma_start3A_73 = arith.constant 0 : i32
      %dma_start3A_74 = arith.constant 0 : i32
      %dma_start3A_75 = tpu.memref_slice %arg11[%dma_start3A_73, %dma_start3A_74] : memref<128x128xf32, #tpu.memory_space<vmem>> -> memref<104x128xf32, #tpu.memory_space<vmem>>
      tpu.enqueue_dma source(%dma_start3A_75 : memref<104x128xf32, #tpu.memory_space<vmem>>) target(%dma_start3A_72 : memref<104x128xf32, #tpu.memory_space<hbm>>) target_semaphore(%run_scoped3A : memref<!tpu.dma_semaphore, #tpu.memory_space<semaphore_mem>>)
      %dma_wait3A = arith.constant 0 : i32
      %dma_wait3A_76 = arith.constant 0 : i32
      %dma_wait3A_77 = tpu.memref_slice %arg11[%dma_wait3A, %dma_wait3A_76] : memref<128x128xf32, #tpu.memory_space<vmem>> -> memref<104x128xf32, #tpu.memory_space<vmem>>
      %dma_wait3A_78 = arith.constant 0 : i32
      %dma_wait3A_79 = tpu.memref_slice %arg7[%arg0, %add3A_55, %dma_wait3A_78] : memref<2x10000x128xf32, #tpu.memory_space<hbm>> -> memref<1x104x128xf32, #tpu.memory_space<hbm>>
      %dma_wait3A_80 = tpu.memref_squeeze %dma_wait3A_79 : memref<1x104x128xf32, #tpu.memory_space<hbm>> -> memref<104x128xf32, #tpu.memory_space<hbm>>
      %dma_wait3A_81 = arith.constant 0 : i32
      %dma_wait3A_82 = tpu.memref_slice %arg7[%arg0, %add3A_55, %dma_wait3A_81] : memref<2x10000x128xf32, #tpu.memory_space<hbm>> -> memref<1x104x128xf32, #tpu.memory_space<hbm>>
      %dma_wait3A_83 = tpu.memref_squeeze %dma_wait3A_82 : memref<1x104x128xf32, #tpu.memory_space<hbm>> -> memref<104x128xf32, #tpu.memory_space<hbm>>
      %dma_wait3A_84 = arith.constant 0 : i32
      %dma_wait3A_85 = arith.constant 0 : i32
      %dma_wait3A_86 = tpu.memref_slice %arg11[%dma_wait3A_84, %dma_wait3A_85] : memref<128x128xf32, #tpu.memory_space<vmem>> -> memref<104x128xf32, #tpu.memory_space<vmem>>
      tpu.wait_dma2 semaphore(%run_scoped3A : memref<!tpu.dma_semaphore, #tpu.memory_space<semaphore_mem>>) src(%dma_wait3A_86 : memref<104x128xf32, #tpu.memory_space<vmem>>) dst(%dma_wait3A_83 : memref<104x128xf32, #tpu.memory_space<hbm>>)
      tpu.yield
    }) : () -> ()
    %add3A_56 = arith.constant 520 : i32
    %add3A_57 = arith.addi %mul3A_0, %add3A_56 : i32
    "tpu.region"() ({
      %run_scoped3A = tpu.sem_alloc : memref<!tpu.dma_semaphore, #tpu.memory_space<semaphore_mem>>
      %dma_start3A = arith.constant 0 : i32
      %dma_start3A_65 = arith.constant 0 : i32
      %dma_start3A_66 = tpu.memref_slice %arg11[%dma_start3A, %dma_start3A_65] : memref<128x128xf32, #tpu.memory_space<vmem>> -> memref<104x128xf32, #tpu.memory_space<vmem>>
      %dma_start3A_67 = arith.constant 0 : i32
      %dma_start3A_68 = tpu.memref_slice %arg8[%add3A_57, %dma_start3A_67] : memref<10008x128xf32, #tpu.memory_space<vmem_shared>> -> memref<104x128xf32, #tpu.memory_space<vmem_shared>>
      %dma_start3A_69 = arith.constant 0 : i32
      %dma_start3A_70 = arith.constant 0 : i32
      %dma_start3A_71 = tpu.memref_slice %arg11[%dma_start3A_69, %dma_start3A_70] : memref<128x128xf32, #tpu.memory_space<vmem>> -> memref<104x128xf32, #tpu.memory_space<vmem>>
      %dma_start3A_72 = arith.constant 0 : i32
      %dma_start3A_73 = tpu.memref_slice %arg8[%add3A_57, %dma_start3A_72] : memref<10008x128xf32, #tpu.memory_space<vmem_shared>> -> memref<104x128xf32, #tpu.memory_space<vmem_shared>>
      tpu.enqueue_dma source(%dma_start3A_73 : memref<104x128xf32, #tpu.memory_space<vmem_shared>>) target(%dma_start3A_71 : memref<104x128xf32, #tpu.memory_space<vmem>>) target_semaphore(%run_scoped3A : memref<!tpu.dma_semaphore, #tpu.memory_space<semaphore_mem>>)
      %dma_wait3A = arith.constant 0 : i32
      %dma_wait3A_74 = arith.constant 0 : i32
      %dma_wait3A_75 = tpu.memref_slice %arg11[%dma_wait3A, %dma_wait3A_74] : memref<128x128xf32, #tpu.memory_space<vmem>> -> memref<104x128xf32, #tpu.memory_space<vmem>>
      %dma_wait3A_76 = arith.constant 0 : i32
      %dma_wait3A_77 = tpu.memref_slice %arg8[%add3A_57, %dma_wait3A_76] : memref<10008x128xf32, #tpu.memory_space<vmem_shared>> -> memref<104x128xf32, #tpu.memory_space<vmem_shared>>
      %dma_wait3A_78 = arith.constant 0 : i32
      %dma_wait3A_79 = arith.constant 0 : i32
      %dma_wait3A_80 = tpu.memref_slice %arg11[%dma_wait3A_78, %dma_wait3A_79] : memref<128x128xf32, #tpu.memory_space<vmem>> -> memref<104x128xf32, #tpu.memory_space<vmem>>
      %dma_wait3A_81 = arith.constant 0 : i32
      %dma_wait3A_82 = tpu.memref_slice %arg8[%add3A_57, %dma_wait3A_81] : memref<10008x128xf32, #tpu.memory_space<vmem_shared>> -> memref<104x128xf32, #tpu.memory_space<vmem_shared>>
      tpu.wait_dma2 semaphore(%run_scoped3A : memref<!tpu.dma_semaphore, #tpu.memory_space<semaphore_mem>>) src(%dma_wait3A_82 : memref<104x128xf32, #tpu.memory_space<vmem_shared>>) dst(%dma_wait3A_80 : memref<104x128xf32, #tpu.memory_space<vmem>>)
      tpu.yield
    }) : () -> ()
    %add3A_58 = arith.constant 520 : i32
    %add3A_59 = arith.addi %mul3A_0, %add3A_58 : i32
    "tpu.region"() ({
      %run_scoped3A = tpu.sem_alloc : memref<!tpu.dma_semaphore, #tpu.memory_space<semaphore_mem>>
      %dma_start3A = arith.constant 0 : i32
      %dma_start3A_65 = arith.constant 0 : i32
      %dma_start3A_66 = tpu.memref_slice %arg11[%dma_start3A, %dma_start3A_65] : memref<128x128xf32, #tpu.memory_space<vmem>> -> memref<104x128xf32, #tpu.memory_space<vmem>>
      %dma_start3A_67 = arith.constant 0 : i32
      %dma_start3A_68 = tpu.memref_slice %arg7[%arg0, %add3A_59, %dma_start3A_67] : memref<2x10000x128xf32, #tpu.memory_space<hbm>> -> memref<1x104x128xf32, #tpu.memory_space<hbm>>
      %dma_start3A_69 = tpu.memref_squeeze %dma_start3A_68 : memref<1x104x128xf32, #tpu.memory_space<hbm>> -> memref<104x128xf32, #tpu.memory_space<hbm>>
      %dma_start3A_70 = arith.constant 0 : i32
      %dma_start3A_71 = tpu.memref_slice %arg7[%arg0, %add3A_59, %dma_start3A_70] : memref<2x10000x128xf32, #tpu.memory_space<hbm>> -> memref<1x104x128xf32, #tpu.memory_space<hbm>>
      %dma_start3A_72 = tpu.memref_squeeze %dma_start3A_71 : memref<1x104x128xf32, #tpu.memory_space<hbm>> -> memref<104x128xf32, #tpu.memory_space<hbm>>
      %dma_start3A_73 = arith.constant 0 : i32
      %dma_start3A_74 = arith.constant 0 : i32
      %dma_start3A_75 = tpu.memref_slice %arg11[%dma_start3A_73, %dma_start3A_74] : memref<128x128xf32, #tpu.memory_space<vmem>> -> memref<104x128xf32, #tpu.memory_space<vmem>>
      tpu.enqueue_dma source(%dma_start3A_75 : memref<104x128xf32, #tpu.memory_space<vmem>>) target(%dma_start3A_72 : memref<104x128xf32, #tpu.memory_space<hbm>>) target_semaphore(%run_scoped3A : memref<!tpu.dma_semaphore, #tpu.memory_space<semaphore_mem>>)
      %dma_wait3A = arith.constant 0 : i32
      %dma_wait3A_76 = arith.constant 0 : i32
      %dma_wait3A_77 = tpu.memref_slice %arg11[%dma_wait3A, %dma_wait3A_76] : memref<128x128xf32, #tpu.memory_space<vmem>> -> memref<104x128xf32, #tpu.memory_space<vmem>>
      %dma_wait3A_78 = arith.constant 0 : i32
      %dma_wait3A_79 = tpu.memref_slice %arg7[%arg0, %add3A_59, %dma_wait3A_78] : memref<2x10000x128xf32, #tpu.memory_space<hbm>> -> memref<1x104x128xf32, #tpu.memory_space<hbm>>
      %dma_wait3A_80 = tpu.memref_squeeze %dma_wait3A_79 : memref<1x104x128xf32, #tpu.memory_space<hbm>> -> memref<104x128xf32, #tpu.memory_space<hbm>>
      %dma_wait3A_81 = arith.constant 0 : i32
      %dma_wait3A_82 = tpu.memref_slice %arg7[%arg0, %add3A_59, %dma_wait3A_81] : memref<2x10000x128xf32, #tpu.memory_space<hbm>> -> memref<1x104x128xf32, #tpu.memory_space<hbm>>
      %dma_wait3A_83 = tpu.memref_squeeze %dma_wait3A_82 : memref<1x104x128xf32, #tpu.memory_space<hbm>> -> memref<104x128xf32, #tpu.memory_space<hbm>>
      %dma_wait3A_84 = arith.constant 0 : i32
      %dma_wait3A_85 = arith.constant 0 : i32
      %dma_wait3A_86 = tpu.memref_slice %arg11[%dma_wait3A_84, %dma_wait3A_85] : memref<128x128xf32, #tpu.memory_space<vmem>> -> memref<104x128xf32, #tpu.memory_space<vmem>>
      tpu.wait_dma2 semaphore(%run_scoped3A : memref<!tpu.dma_semaphore, #tpu.memory_space<semaphore_mem>>) src(%dma_wait3A_86 : memref<104x128xf32, #tpu.memory_space<vmem>>) dst(%dma_wait3A_83 : memref<104x128xf32, #tpu.memory_space<hbm>>)
      tpu.yield
    }) : () -> ()
    %eq3A_60 = arith.constant 15 : i32
    %eq3A_61 = arith.cmpi eq, %arg1, %eq3A_60 : i32
    %convert_element_type3A_62 = arith.extui %eq3A_61 : i1 to i32
    %cond3A_63 = arith.constant 0 : i32
    %cond3A_64 = arith.cmpi ne, %convert_element_type3A_62, %cond3A_63 : i32
    scf.if %cond3A_64 {
      "tpu.region"() ({
        %run_scoped3A = tpu.sem_alloc : memref<!tpu.dma_semaphore, #tpu.memory_space<semaphore_mem>>
        %dma_start3A = arith.constant 0 : i32
        %dma_start3A_65 = arith.constant 0 : i32
        %dma_start3A_66 = tpu.memref_slice %arg11[%dma_start3A, %dma_start3A_65] : memref<128x128xf32, #tpu.memory_space<vmem>> -> memref<16x128xf32, #tpu.memory_space<vmem>>
        %dma_start3A_67 = arith.constant 9984 : i32
        %dma_start3A_68 = arith.constant 0 : i32
        %dma_start3A_69 = tpu.memref_slice %arg8[%dma_start3A_67, %dma_start3A_68] : memref<10008x128xf32, #tpu.memory_space<vmem_shared>> -> memref<16x128xf32, #tpu.memory_space<vmem_shared>>
        %dma_start3A_70 = arith.constant 0 : i32
        %dma_start3A_71 = arith.constant 0 : i32
        %dma_start3A_72 = tpu.memref_slice %arg11[%dma_start3A_70, %dma_start3A_71] : memref<128x128xf32, #tpu.memory_space<vmem>> -> memref<16x128xf32, #tpu.memory_space<vmem>>
        %dma_start3A_73 = arith.constant 9984 : i32
        %dma_start3A_74 = arith.constant 0 : i32
        %dma_start3A_75 = tpu.memref_slice %arg8[%dma_start3A_73, %dma_start3A_74] : memref<10008x128xf32, #tpu.memory_space<vmem_shared>> -> memref<16x128xf32, #tpu.memory_space<vmem_shared>>
        tpu.enqueue_dma source(%dma_start3A_75 : memref<16x128xf32, #tpu.memory_space<vmem_shared>>) target(%dma_start3A_72 : memref<16x128xf32, #tpu.memory_space<vmem>>) target_semaphore(%run_scoped3A : memref<!tpu.dma_semaphore, #tpu.memory_space<semaphore_mem>>)
        %dma_wait3A = arith.constant 0 : i32
        %dma_wait3A_76 = arith.constant 0 : i32
        %dma_wait3A_77 = tpu.memref_slice %arg11[%dma_wait3A, %dma_wait3A_76] : memref<128x128xf32, #tpu.memory_space<vmem>> -> memref<16x128xf32, #tpu.memory_space<vmem>>
        %dma_wait3A_78 = arith.constant 9984 : i32
        %dma_wait3A_79 = arith.constant 0 : i32
        %dma_wait3A_80 = tpu.memref_slice %arg8[%dma_wait3A_78, %dma_wait3A_79] : memref<10008x128xf32, #tpu.memory_space<vmem_shared>> -> memref<16x128xf32, #tpu.memory_space<vmem_shared>>
        %dma_wait3A_81 = arith.constant 0 : i32
        %dma_wait3A_82 = arith.constant 0 : i32
        %dma_wait3A_83 = tpu.memref_slice %arg11[%dma_wait3A_81, %dma_wait3A_82] : memref<128x128xf32, #tpu.memory_space<vmem>> -> memref<16x128xf32, #tpu.memory_space<vmem>>
        %dma_wait3A_84 = arith.constant 9984 : i32
        %dma_wait3A_85 = arith.constant 0 : i32
        %dma_wait3A_86 = tpu.memref_slice %arg8[%dma_wait3A_84, %dma_wait3A_85] : memref<10008x128xf32, #tpu.memory_space<vmem_shared>> -> memref<16x128xf32, #tpu.memory_space<vmem_shared>>
        tpu.wait_dma2 semaphore(%run_scoped3A : memref<!tpu.dma_semaphore, #tpu.memory_space<semaphore_mem>>) src(%dma_wait3A_86 : memref<16x128xf32, #tpu.memory_space<vmem_shared>>) dst(%dma_wait3A_83 : memref<16x128xf32, #tpu.memory_space<vmem>>)
        tpu.yield
      }) : () -> ()
      "tpu.region"() ({
        %run_scoped3A = tpu.sem_alloc : memref<!tpu.dma_semaphore, #tpu.memory_space<semaphore_mem>>
        %dma_start3A = arith.constant 0 : i32
        %dma_start3A_65 = arith.constant 0 : i32
        %dma_start3A_66 = tpu.memref_slice %arg11[%dma_start3A, %dma_start3A_65] : memref<128x128xf32, #tpu.memory_space<vmem>> -> memref<16x128xf32, #tpu.memory_space<vmem>>
        %dma_start3A_67 = arith.constant 9984 : i32
        %dma_start3A_68 = arith.constant 0 : i32
        %dma_start3A_69 = tpu.memref_slice %arg7[%arg0, %dma_start3A_67, %dma_start3A_68] : memref<2x10000x128xf32, #tpu.memory_space<hbm>> -> memref<1x16x128xf32, #tpu.memory_space<hbm>>
        %dma_start3A_70 = tpu.memref_squeeze %dma_start3A_69 : memref<1x16x128xf32, #tpu.memory_space<hbm>> -> memref<16x128xf32, #tpu.memory_space<hbm>>
        %dma_start3A_71 = arith.constant 9984 : i32
        %dma_start3A_72 = arith.constant 0 : i32
        %dma_start3A_73 = tpu.memref_slice %arg7[%arg0, %dma_start3A_71, %dma_start3A_72] : memref<2x10000x128xf32, #tpu.memory_space<hbm>> -> memref<1x16x128xf32, #tpu.memory_space<hbm>>
        %dma_start3A_74 = tpu.memref_squeeze %dma_start3A_73 : memref<1x16x128xf32, #tpu.memory_space<hbm>> -> memref<16x128xf32, #tpu.memory_space<hbm>>
        %dma_start3A_75 = arith.constant 0 : i32
        %dma_start3A_76 = arith.constant 0 : i32
        %dma_start3A_77 = tpu.memref_slice %arg11[%dma_start3A_75, %dma_start3A_76] : memref<128x128xf32, #tpu.memory_space<vmem>> -> memref<16x128xf32, #tpu.memory_space<vmem>>
        tpu.enqueue_dma source(%dma_start3A_77 : memref<16x128xf32, #tpu.memory_space<vmem>>) target(%dma_start3A_74 : memref<16x128xf32, #tpu.memory_space<hbm>>) target_semaphore(%run_scoped3A : memref<!tpu.dma_semaphore, #tpu.memory_space<semaphore_mem>>)
        %dma_wait3A = arith.constant 0 : i32
        %dma_wait3A_78 = arith.constant 0 : i32
        %dma_wait3A_79 = tpu.memref_slice %arg11[%dma_wait3A, %dma_wait3A_78] : memref<128x128xf32, #tpu.memory_space<vmem>> -> memref<16x128xf32, #tpu.memory_space<vmem>>
        %dma_wait3A_80 = arith.constant 9984 : i32
        %dma_wait3A_81 = arith.constant 0 : i32
        %dma_wait3A_82 = tpu.memref_slice %arg7[%arg0, %dma_wait3A_80, %dma_wait3A_81] : memref<2x10000x128xf32, #tpu.memory_space<hbm>> -> memref<1x16x128xf32, #tpu.memory_space<hbm>>
        %dma_wait3A_83 = tpu.memref_squeeze %dma_wait3A_82 : memref<1x16x128xf32, #tpu.memory_space<hbm>> -> memref<16x128xf32, #tpu.memory_space<hbm>>
        %dma_wait3A_84 = arith.constant 9984 : i32
        %dma_wait3A_85 = arith.constant 0 : i32
        %dma_wait3A_86 = tpu.memref_slice %arg7[%arg0, %dma_wait3A_84, %dma_wait3A_85] : memref<2x10000x128xf32, #tpu.memory_space<hbm>> -> memref<1x16x128xf32, #tpu.memory_space<hbm>>
        %dma_wait3A_87 = tpu.memref_squeeze %dma_wait3A_86 : memref<1x16x128xf32, #tpu.memory_space<hbm>> -> memref<16x128xf32, #tpu.memory_space<hbm>>
        %dma_wait3A_88 = arith.constant 0 : i32
        %dma_wait3A_89 = arith.constant 0 : i32
        %dma_wait3A_90 = tpu.memref_slice %arg11[%dma_wait3A_88, %dma_wait3A_89] : memref<128x128xf32, #tpu.memory_space<vmem>> -> memref<16x128xf32, #tpu.memory_space<vmem>>
        tpu.wait_dma2 semaphore(%run_scoped3A : memref<!tpu.dma_semaphore, #tpu.memory_space<semaphore_mem>>) src(%dma_wait3A_90 : memref<16x128xf32, #tpu.memory_space<vmem>>) dst(%dma_wait3A_87 : memref<16x128xf32, #tpu.memory_space<hbm>>)
        tpu.yield
      }) : () -> ()
    } else {
    }
    return
  }
}

module attributes {stable_mosaic.version = 14 : i64} {
  func.func @_tc1_body(%arg0: i32, %arg1: memref<1000x128xf32, #tpu.memory_space<vmem>>, %arg2: memref<128x128xf32, #tpu.memory_space<vmem>>, %arg3: memref<2x1000x1xf32, #tpu.memory_space<vmem>>, %arg4: memref<1000x128xf32, #tpu.memory_space<vmem>>, %arg5: memref<1000x128xf32, #tpu.memory_space<vmem>>) attributes {dimension_semantics = [#tpu.dimension_semantics<arbitrary>], iteration_bounds = array<i64: 10>, scalar_prefetch = 0 : i64, scratch_operands = 0 : i64, tpu.core_type = #tpu.core_type<tc>, window_params = [{transform_indices = @transform_0, window_bounds = array<i64: 1000, 128>}, {pipeline_mode = #tpu.pipeline_mode<synchronous>, transform_indices = @transform_1, window_bounds = array<i64: 128, 128>}, {transform_indices = @transform_2, window_bounds = array<i64: 2, 1000, 1>}, {transform_indices = @transform_3, window_bounds = array<i64: 1000, 128>}, {transform_indices = @transform_4, window_bounds = array<i64: 1000, 128>}]} {
    %get3A = arith.constant 0 : index
    %get3A_0 = arith.constant 0 : index
    %get3A_1 = arith.constant 0 : index
    %get3A_2 = vector.load %arg3[%get3A, %get3A_0, %get3A_1] : memref<2x1000x1xf32, #tpu.memory_space<vmem>>, vector<1x1000x1xf32>
    %get3A_3 = vector.shape_cast %get3A_2 : vector<1x1000x1xf32> to vector<1000x1xf32>
    %get3A_4 = arith.constant 1 : index
    %get3A_5 = arith.constant 0 : index
    %get3A_6 = arith.constant 0 : index
    %get3A_7 = vector.load %arg3[%get3A_4, %get3A_5, %get3A_6] : memref<2x1000x1xf32, #tpu.memory_space<vmem>>, vector<1x1000x1xf32>
    %get3A_8 = vector.shape_cast %get3A_7 : vector<1x1000x1xf32> to vector<1000x1xf32>
    %add3A = arith.addf %get3A_3, %get3A_8 : vector<1000x1xf32>
    %sub3A = arith.constant 1.000000e+00 : f32
    %sub3A_9 = vector.broadcast %sub3A : f32 to vector<1000x1xf32>
    %sub3A_10 = arith.subf %add3A, %sub3A_9 : vector<1000x1xf32>
    %rsqrt3A = math.rsqrt %sub3A_10 : vector<1000x1xf32>
    %get3A_11 = arith.constant 0 : index
    %get3A_12 = arith.constant 0 : index
    %get3A_13 = vector.load %arg1[%get3A_11, %get3A_12] : memref<1000x128xf32, #tpu.memory_space<vmem>>, vector<1000x128xf32>
    %get3A_14 = arith.constant 0 : index
    %get3A_15 = arith.constant 0 : index
    %get3A_16 = vector.load %arg2[%get3A_14, %get3A_15] : memref<128x128xf32, #tpu.memory_space<vmem>>, vector<128x128xf32>
    %dot_general3A = arith.constant dense<0.000000e+00> : vector<1000x128xf32>
    %dot_general3A_17 = tpu.matmul %get3A_13, %get3A_16, %dot_general3A {dimension_numbers = #tpu.dot_dimension_numbers<[1], [0], [0], [1], [0, 0, 1, 1], [], []>, transpose_lhs_hint = false} : vector<1000x128xf32>, vector<128x128xf32>, vector<1000x128xf32> -> vector<1000x128xf32>
    %mul3A = vector.broadcast %rsqrt3A : vector<1000x1xf32> to vector<1000x128xf32>
    %mul3A_18 = arith.mulf %dot_general3A_17, %mul3A : vector<1000x128xf32>
    %swap3A = arith.constant 0 : index
    %swap3A_19 = arith.constant 0 : index
    %swap3A_20 = vector.load %arg4[%swap3A, %swap3A_19] : memref<1000x128xf32, #tpu.memory_space<vmem>>, vector<1000x128xf32>
    tpu.vector_store %arg4[%swap3A, %swap3A_19], %mul3A_18 {strides = array<i32>} : memref<1000x128xf32, #tpu.memory_space<vmem>>, vector<1000x128xf32>,
    %broadcast_in_dim3A = vector.shape_cast %rsqrt3A : vector<1000x1xf32> to vector<1000x1xf32>
    %broadcast_in_dim3A_21 = vector.broadcast %broadcast_in_dim3A : vector<1000x1xf32> to vector<1000x128xf32>
    %swap3A_22 = arith.constant 0 : index
    %swap3A_23 = arith.constant 0 : index
    %swap3A_24 = vector.load %arg5[%swap3A_22, %swap3A_23] : memref<1000x128xf32, #tpu.memory_space<vmem>>, vector<1000x128xf32>
    tpu.vector_store %arg5[%swap3A_22, %swap3A_23], %broadcast_in_dim3A_21 {strides = array<i32>} : memref<1000x128xf32, #tpu.memory_space<vmem>>, vector<1000x128xf32>,
    return
  }
  func.func @transform_0(%arg0: i32) -> (i32, i32) {
    %c0_i32 = arith.constant 0 : i32
    %c0_i32_0 = arith.constant 0 : i32
    return %arg0, %c0_i32 : i32, i32
  }
  func.func @transform_1(%arg0: i32) -> (i32, i32) {
    %c0_i32 = arith.constant 0 : i32
    %c0_i32_0 = arith.constant 0 : i32
    %c0_i32_1 = arith.constant 0 : i32
    return %c0_i32, %c0_i32_0 : i32, i32
  }
  func.func @transform_2(%arg0: i32) -> (i32, i32, i32) {
    %c0_i32 = arith.constant 0 : i32
    %c0_i32_0 = arith.constant 0 : i32
    %c0_i32_1 = arith.constant 0 : i32
    return %c0_i32, %arg0, %c0_i32_0 : i32, i32, i32
  }
  func.func @transform_3(%arg0: i32) -> (i32, i32) {
    %c0_i32 = arith.constant 0 : i32
    %c0_i32_0 = arith.constant 0 : i32
    return %arg0, %c0_i32 : i32, i32
  }
  func.func @transform_4(%arg0: i32) -> (i32, i32) {
    %c0_i32 = arith.constant 0 : i32
    %c0_i32_0 = arith.constant 0 : i32
    return %arg0, %c0_i32 : i32, i32
  }
}

module attributes {stable_mosaic.version = 14 : i64} {
  func.func @_tc2_body(%arg0: i32, %arg1: memref<2x1000x128xf32, #tpu.memory_space<vmem>>, %arg2: memref<1000x128xf32, #tpu.memory_space<vmem>>, %arg3: memref<1000x128xf32, #tpu.memory_space<vmem>>, %arg4: memref<128x128xf32, #tpu.memory_space<vmem>>, %arg5: memref<1x128xf32, #tpu.memory_space<vmem>>, %arg6: memref<1x128xf32, #tpu.memory_space<vmem>>, %arg7: memref<1x128xf32, #tpu.memory_space<vmem>>, %arg8: memref<1000x128xf32, #tpu.memory_space<vmem>>) attributes {dimension_semantics = [#tpu.dimension_semantics<arbitrary>], iteration_bounds = array<i64: 10>, scalar_prefetch = 0 : i64, scratch_operands = 0 : i64, tpu.core_type = #tpu.core_type<tc>, window_params = [{transform_indices = @transform_0, window_bounds = array<i64: 2, 1000, 128>}, {transform_indices = @transform_1, window_bounds = array<i64: 1000, 128>}, {transform_indices = @transform_2, window_bounds = array<i64: 1000, 128>}, {pipeline_mode = #tpu.pipeline_mode<synchronous>, transform_indices = @transform_3, window_bounds = array<i64: 128, 128>}, {pipeline_mode = #tpu.pipeline_mode<synchronous>, transform_indices = @transform_4, window_bounds = array<i64: 1, 128>}, {pipeline_mode = #tpu.pipeline_mode<synchronous>, transform_indices = @transform_5, window_bounds = array<i64: 1, 128>}, {pipeline_mode = #tpu.pipeline_mode<synchronous>, transform_indices = @transform_6, window_bounds = array<i64: 1, 128>}, {transform_indices = @transform_7, window_bounds = array<i64: 1000, 128>}]} {
    %get3A = arith.constant 0 : index
    %get3A_0 = arith.constant 0 : index
    %get3A_1 = vector.load %arg3[%get3A, %get3A_0] : memref<1000x128xf32, #tpu.memory_space<vmem>>, vector<1000x128xf32>
    %get3A_2 = arith.constant 0 : index
    %get3A_3 = arith.constant 0 : index
    %get3A_4 = arith.constant 0 : index
    %get3A_5 = vector.load %arg1[%get3A_2, %get3A_3, %get3A_4] : memref<2x1000x128xf32, #tpu.memory_space<vmem>>, vector<1x1000x128xf32>
    %get3A_6 = vector.shape_cast %get3A_5 : vector<1x1000x128xf32> to vector<1000x128xf32>
    %get3A_7 = arith.constant 1 : index
    %get3A_8 = arith.constant 0 : index
    %get3A_9 = arith.constant 0 : index
    %get3A_10 = vector.load %arg1[%get3A_7, %get3A_8, %get3A_9] : memref<2x1000x128xf32, #tpu.memory_space<vmem>>, vector<1x1000x128xf32>
    %get3A_11 = vector.shape_cast %get3A_10 : vector<1x1000x128xf32> to vector<1000x128xf32>
    %add3A = arith.addf %get3A_6, %get3A_11 : vector<1000x128xf32>
    %get3A_12 = arith.constant 0 : index
    %get3A_13 = arith.constant 0 : index
    %get3A_14 = vector.load %arg2[%get3A_12, %get3A_13] : memref<1000x128xf32, #tpu.memory_space<vmem>>, vector<1000x128xf32>
    %sub3A = arith.subf %add3A, %get3A_14 : vector<1000x128xf32>
    %mul3A = arith.mulf %get3A_1, %sub3A : vector<1000x128xf32>
    %get3A_15 = arith.constant 0 : index
    %get3A_16 = arith.constant 0 : index
    %get3A_17 = vector.load %arg5[%get3A_15, %get3A_16] : memref<1x128xf32, #tpu.memory_space<vmem>>, vector<1x128xf32>
    %add3A_18 = vector.broadcast %get3A_17 : vector<1x128xf32> to vector<1000x128xf32>
    %add3A_19 = arith.addf %mul3A, %add3A_18 : vector<1000x128xf32>
    %get3A_20 = arith.constant 0 : index
    %get3A_21 = arith.constant 0 : index
    %get3A_22 = vector.load %arg6[%get3A_20, %get3A_21] : memref<1x128xf32, #tpu.memory_space<vmem>>, vector<1x128xf32>
    %mul3A_23 = arith.constant 0.999994993 : f32
    %mul3A_24 = vector.broadcast %mul3A_23 : f32 to vector<1000x128xf32>
    %mul3A_25 = arith.mulf %add3A_19, %mul3A_24 : vector<1000x128xf32>
    %mul3A_26 = vector.broadcast %get3A_22 : vector<1x128xf32> to vector<1000x128xf32>
    %mul3A_27 = arith.mulf %mul3A_26, %mul3A_25 : vector<1000x128xf32>
    %get3A_28 = arith.constant 0 : index
    %get3A_29 = arith.constant 0 : index
    %get3A_30 = vector.load %arg7[%get3A_28, %get3A_29] : memref<1x128xf32, #tpu.memory_space<vmem>>, vector<1x128xf32>
    %add3A_31 = vector.broadcast %get3A_30 : vector<1x128xf32> to vector<1000x128xf32>
    %add3A_32 = arith.addf %mul3A_27, %add3A_31 : vector<1000x128xf32>
    %max3A = arith.constant 0.000000e+00 : f32
    %max3A_33 = vector.broadcast %max3A : f32 to vector<1000x128xf32>
    %max3A_34 = arith.maximumf %add3A_32, %max3A_33 : vector<1000x128xf32>
    %get3A_35 = arith.constant 0 : index
    %get3A_36 = arith.constant 0 : index
    %get3A_37 = vector.load %arg4[%get3A_35, %get3A_36] : memref<128x128xf32, #tpu.memory_space<vmem>>, vector<128x128xf32>
    %dot_general3A = arith.constant dense<0.000000e+00> : vector<1000x128xf32>
    %dot_general3A_38 = tpu.matmul %max3A_34, %get3A_37, %dot_general3A {dimension_numbers = #tpu.dot_dimension_numbers<[1], [0], [0], [1], [0, 0, 1, 1], [], []>, transpose_lhs_hint = false} : vector<1000x128xf32>, vector<128x128xf32>, vector<1000x128xf32> -> vector<1000x128xf32>
    %mul3A_39 = arith.mulf %get3A_1, %dot_general3A_38 : vector<1000x128xf32>
    %swap3A = arith.constant 0 : index
    %swap3A_40 = arith.constant 0 : index
    %swap3A_41 = vector.load %arg8[%swap3A, %swap3A_40] : memref<1000x128xf32, #tpu.memory_space<vmem>>, vector<1000x128xf32>
    tpu.vector_store %arg8[%swap3A, %swap3A_40], %mul3A_39 {strides = array<i32>} : memref<1000x128xf32, #tpu.memory_space<vmem>>, vector<1000x128xf32>,
    return
  }
  func.func @transform_0(%arg0: i32) -> (i32, i32, i32) {
    %c0_i32 = arith.constant 0 : i32
    %c0_i32_0 = arith.constant 0 : i32
    %c0_i32_1 = arith.constant 0 : i32
    return %c0_i32, %arg0, %c0_i32_0 : i32, i32, i32
  }
  func.func @transform_1(%arg0: i32) -> (i32, i32) {
    %c0_i32 = arith.constant 0 : i32
    %c0_i32_0 = arith.constant 0 : i32
    return %arg0, %c0_i32 : i32, i32
  }
  func.func @transform_2(%arg0: i32) -> (i32, i32) {
    %c0_i32 = arith.constant 0 : i32
    %c0_i32_0 = arith.constant 0 : i32
    return %arg0, %c0_i32 : i32, i32
  }
  func.func @transform_3(%arg0: i32) -> (i32, i32) {
    %c0_i32 = arith.constant 0 : i32
    %c0_i32_0 = arith.constant 0 : i32
    %c0_i32_1 = arith.constant 0 : i32
    return %c0_i32, %c0_i32_0 : i32, i32
  }
  func.func @transform_4(%arg0: i32) -> (i32, i32) {
    %c0_i32 = arith.constant 0 : i32
    %c0_i32_0 = arith.constant 0 : i32
    %c0_i32_1 = arith.constant 0 : i32
    return %c0_i32, %c0_i32_0 : i32, i32
  }
  func.func @transform_5(%arg0: i32) -> (i32, i32) {
    %c0_i32 = arith.constant 0 : i32
    %c0_i32_0 = arith.constant 0 : i32
    %c0_i32_1 = arith.constant 0 : i32
    return %c0_i32, %c0_i32_0 : i32, i32
  }
  func.func @transform_6(%arg0: i32) -> (i32, i32) {
    %c0_i32 = arith.constant 0 : i32
    %c0_i32_0 = arith.constant 0 : i32
    %c0_i32_1 = arith.constant 0 : i32
    return %c0_i32, %c0_i32_0 : i32, i32
  }
  func.func @transform_7(%arg0: i32) -> (i32, i32) {
    %c0_i32 = arith.constant 0 : i32
    %c0_i32_0 = arith.constant 0 : i32
    return %arg0, %c0_i32 : i32, i32
  }
}

module attributes {stable_mosaic.version = 14 : i64} {
  func.func @_tc3_body(%arg0: i32, %arg1: memref<2x1000x128xf32, #tpu.memory_space<vmem>>, %arg2: memref<1000x128xf32, #tpu.memory_space<vmem>>, %arg3: memref<1000x128xf32, #tpu.memory_space<vmem>>, %arg4: memref<1x128xf32, #tpu.memory_space<vmem>>, %arg5: memref<1000x128xf32, #tpu.memory_space<vmem>>) attributes {dimension_semantics = [#tpu.dimension_semantics<arbitrary>], iteration_bounds = array<i64: 10>, scalar_prefetch = 0 : i64, scratch_operands = 0 : i64, tpu.core_type = #tpu.core_type<tc>, window_params = [{transform_indices = @transform_0, window_bounds = array<i64: 2, 1000, 128>}, {transform_indices = @transform_1, window_bounds = array<i64: 1000, 128>}, {transform_indices = @transform_2, window_bounds = array<i64: 1000, 128>}, {pipeline_mode = #tpu.pipeline_mode<synchronous>, transform_indices = @transform_3, window_bounds = array<i64: 1, 128>}, {transform_indices = @transform_4, window_bounds = array<i64: 1000, 128>}]} {
    %get3A = arith.constant 0 : index
    %get3A_0 = arith.constant 0 : index
    %get3A_1 = vector.load %arg3[%get3A, %get3A_0] : memref<1000x128xf32, #tpu.memory_space<vmem>>, vector<1000x128xf32>
    %get3A_2 = arith.constant 0 : index
    %get3A_3 = arith.constant 0 : index
    %get3A_4 = arith.constant 0 : index
    %get3A_5 = vector.load %arg1[%get3A_2, %get3A_3, %get3A_4] : memref<2x1000x128xf32, #tpu.memory_space<vmem>>, vector<1x1000x128xf32>
    %get3A_6 = vector.shape_cast %get3A_5 : vector<1x1000x128xf32> to vector<1000x128xf32>
    %get3A_7 = arith.constant 1 : index
    %get3A_8 = arith.constant 0 : index
    %get3A_9 = arith.constant 0 : index
    %get3A_10 = vector.load %arg1[%get3A_7, %get3A_8, %get3A_9] : memref<2x1000x128xf32, #tpu.memory_space<vmem>>, vector<1x1000x128xf32>
    %get3A_11 = vector.shape_cast %get3A_10 : vector<1x1000x128xf32> to vector<1000x128xf32>
    %add3A = arith.addf %get3A_6, %get3A_11 : vector<1000x128xf32>
    %get3A_12 = arith.constant 0 : index
    %get3A_13 = arith.constant 0 : index
    %get3A_14 = vector.load %arg2[%get3A_12, %get3A_13] : memref<1000x128xf32, #tpu.memory_space<vmem>>, vector<1000x128xf32>
    %sub3A = arith.subf %add3A, %get3A_14 : vector<1000x128xf32>
    %mul3A = arith.mulf %get3A_1, %sub3A : vector<1000x128xf32>
    %get3A_15 = arith.constant 0 : index
    %get3A_16 = arith.constant 0 : index
    %get3A_17 = vector.load %arg4[%get3A_15, %get3A_16] : memref<1x128xf32, #tpu.memory_space<vmem>>, vector<1x128xf32>
    %add3A_18 = vector.broadcast %get3A_17 : vector<1x128xf32> to vector<1000x128xf32>
    %add3A_19 = arith.addf %mul3A, %add3A_18 : vector<1000x128xf32>
    %swap3A = arith.constant 0 : index
    %swap3A_20 = arith.constant 0 : index
    %swap3A_21 = vector.load %arg5[%swap3A, %swap3A_20] : memref<1000x128xf32, #tpu.memory_space<vmem>>, vector<1000x128xf32>
    tpu.vector_store %arg5[%swap3A, %swap3A_20], %add3A_19 {strides = array<i32>} : memref<1000x128xf32, #tpu.memory_space<vmem>>, vector<1000x128xf32>,
    return
  }
  func.func @transform_0(%arg0: i32) -> (i32, i32, i32) {
    %c0_i32 = arith.constant 0 : i32
    %c0_i32_0 = arith.constant 0 : i32
    %c0_i32_1 = arith.constant 0 : i32
    return %c0_i32, %arg0, %c0_i32_0 : i32, i32, i32
  }
  func.func @transform_1(%arg0: i32) -> (i32, i32) {
    %c0_i32 = arith.constant 0 : i32
    %c0_i32_0 = arith.constant 0 : i32
    return %arg0, %c0_i32 : i32, i32
  }
  func.func @transform_2(%arg0: i32) -> (i32, i32) {
    %c0_i32 = arith.constant 0 : i32
    %c0_i32_0 = arith.constant 0 : i32
    return %arg0, %c0_i32 : i32, i32
  }
  func.func @transform_3(%arg0: i32) -> (i32, i32) {
    %c0_i32 = arith.constant 0 : i32
    %c0_i32_0 = arith.constant 0 : i32
    %c0_i32_1 = arith.constant 0 : i32
    return %c0_i32, %c0_i32_0 : i32, i32
  }
  func.func @transform_4(%arg0: i32) -> (i32, i32) {
    %c0_i32 = arith.constant 0 : i32
    %c0_i32_0 = arith.constant 0 : i32
    return %arg0, %c0_i32 : i32, i32
  }
}

</mosaic_0001>

<sc_bundles>
// kernel: kernel.11.cloned.1.call-start
scs
__scs_entry_jumppad:
0x0: {  	(pc) =	sbr.rel $0x88, $3  }
0x1: {  	(tag) =	ssettag $0x0;
	lr =	simm.s32 $0x1  }
0x2: {  	[smem:$0x3F99] =	sst lr;
	_ =	strace $0xD0000000  }
0x3: {  	_ = 	snop  }
0x4: {  	_ = 	snop  }
0x5: {  	_ = 	snop  }
0x6: {  	_ = 	snop  }
0x7: {  	_ = 	snop  }
__scs_overlays_trampoline_lowered:
0x8: {  	[smem:$0x3FA8] =	sst s0  }
0x9: {  	[smem:$0x3FA9] =	sst s1  }
0xa: {  	[smem:$0x3FAA] =	sst s2  }
0xb: {  	[smem:$0x3FAB] =	sst s3  }
0xc: {  	[smem:$0x3FAC] =	sst s4  }
0xd: {  	[smem:$0x3FAD] =	sst s5  }
0xe: {  	[smem:$0x3FAE] =	sst s6  }
0xf: {  	[smem:$0x3FAF] =	sst s7  }
0x10: {  	[smem:$0x3FB0] =	sst s8  }
0x11: {  	[smem:$0x3FB1] =	sst s9;
	s0 =	simm.s32 @!p0 $0x0  }
0x12: {  	s1 =	sld [smem:$0x3F97];
	s0 =	simm.s32 @p0 $0x1  }
0x13: {  	[smem:$0x3FB2] =	sst s0;
	s0 =	simm.s32 @!p1 $0x0  }
0x14: {  	s2 =	sld [smem:$0x3F96];
	s0 =	simm.s32 @p1 $0x1  }
0x15: {  	[smem:$0x3FB3] =	sst s0;
	s0 =	simm.s32 @!p2 $0x0  }
0x16: {  	s3 =	sld [smem:$0x3FDB];
	s0 =	simm.s32 @p2 $0x1  }
0x17: {  	s4 =	simm.s32 $0x1BF5;
	[smem:$0x3FB5] =	sst s0  }
0x18: {  	s0 =	sld [smem:$0x3F98];
	_ =	swait.ge [sflag:s4], $0x0  }
0x19: {  	s7 =	sld [smem:$0x3F99]  }
0x1a: {  	s8 =	sadd.s32 $0xFFFFE003, lr  }
0x1b: {  	s9 =	sadd.s32 $0xFFFFFEF7, lr;
	s5 =	simm.s32 $0xFFFFFFFF;
	p2 =	slt.u32 s8, $0xFFFFF086  }
0x1c: {  	p1 =	slt.u32 s9, $0xF7A;
	s5 =	simm.s32 @!p2 $0x0  }
0x1d: {  	s5 =	simm.s32 @p1 $0x1;
	p0 =	seq.s32 s7, s2  }
0x1e: {  	s7 =	smul.u32 @!p0 $0xF7A, s2;
	p2 =	seq.s32 @!p0 s5, $0x0  }
0x1f: {  	s9 =	smul.u32 $0xF7A, s1;
	s8 =	simm.s32 @!p0 $0x1BF5;
	p2 =	por !p2, p0  }
0x20: {  	[sflag:s8] =	ssyncset.s32 @!p0 $0xFFFFF086;
	s6 =	sadd.s32 @!p0 s3, s7;
	s7 =	simm.s32 @!p0 $0x108  }
0x21: {  	s3 =	sadd.s32 s3, s9;
	s6 =	sadd.s32 @!p0 $0x88, s6;
	s7 =	simm.s32 @p2 $0x1082  }
0x22: {  	[simem:s7], [sflag:s8] =	dma.local @!p0 [hbm:s6], $0xF7A  }
0x23: {  	s9 =	sor.u32 $0xD0000000, s2;
	s6 =	simm.s32 $0x108;
	_ =	swait.ge @!p0 [sflag:s8], $0x0  }
0x24: {  	s3 =	sadd.s32 $0x88, s3;
	s6 =	simm.s32 @!p1 $0x1082;
	[sflag:s4] =	ssyncset.s32 $0xFFFFF086  }
0x25: {  	[simem:s6], [sflag:s4] =	dma.local [hbm:s3], $0xF7A  }
0x26: {  	[smem:$0x3F99] =	sst s1;
	(tag) =	ssettag s2;
	_ =	strace s9  }
0x27: {  	s1 =	sld [smem:$0x3FA9]  }
0x28: {  	s2 =	sld [smem:$0x3FAA]  }
0x29: {  	s4 =	sld [smem:$0x3FAC]  }
0x2a: {  	p0 =	seq.s32 s5, $0x0;
	s5 =	sld [smem:$0x3FAD]  }
0x2b: {  	s6 =	sld [smem:$0x3FAE]  }
0x2c: {  	s7 =	sld [smem:$0x3FAF]  }
0x2d: {  	s3 =	simm.s32 $0x108;
	s8 =	sld [smem:$0x3FB0]  }
0x2e: {  	s3 =	simm.s32 @!p0 $0x1082;
	s9 =	sld [smem:$0x3FB1]  }
0x2f: {  	lr =	sadd.s32 s0, s3;
	s0 =	sld [smem:$0x3FA8]  }
0x30: {  	s3 =	sld [smem:$0x3FAB]  }
0x31: {  	[smem:$0x3FB4] =	sst s10  }
0x32: {  	s10 =	sld [smem:$0x3FB2];
	_ =	sdelay $0x3  }
0x33: {  	p0 =	seq.s32 s10, $0x1;
	s10 =	sld [smem:$0x3FB4];
	_ =	sdelay $0x3  }
0x34: {  	[smem:$0x3FB4] =	sst s10  }
0x35: {  	s10 =	sld [smem:$0x3FB3];
	_ =	sdelay $0x3  }
0x36: {  	p1 =	seq.s32 s10, $0x1;
	s10 =	sld [smem:$0x3FB4];
	_ =	sdelay $0x3  }
0x37: {  	[smem:$0x3FB4] =	sst s10  }
0x38: {  	s10 =	sld [smem:$0x3FB5]  }
0x39: {  	_ = 	snop;
	(pc) =	sbr.ind lr, $3  }
0x3a: {  	_ = 	snop  }
0x3b: {  	_ = 	snop  }
0x3c: {  	p2 =	seq.s32 s10, $0x1;
	s10 =	sld [smem:$0x3FB4]  }
0x3d: {  	_ =	shalt  }
0x3e: {  	_ =	shalt  }
0x3f: {  	_ =	shalt  }
0x40: {  	_ =	shalt  }
0x41: {  	_ =	shalt  }
0x42: {  	_ =	shalt  }
0x43: {  	_ =	shalt  }
0x44: {  	_ =	shalt  }
0x45: {  	_ =	shalt  }
0x46: {  	_ =	shalt  }
0x47: {  	_ =	shalt  }
0x48: {  	_ =	shalt  }
0x49: {  	_ =	shalt  }
0x4a: {  	_ =	shalt  }
0x4b: {  	_ =	shalt  }
0x4c: {  	_ =	shalt  }
0x4d: {  	_ =	shalt  }
0x4e: {  	_ =	shalt  }
0x4f: {  	_ =	shalt  }
0x50: {  	_ =	shalt  }
0x51: {  	_ =	shalt  }
0x52: {  	_ =	shalt  }
0x53: {  	_ =	shalt  }
0x54: {  	_ =	shalt  }
0x55: {  	_ =	shalt  }
0x56: {  	_ =	shalt  }
0x57: {  	_ =	shalt  }
0x58: {  	_ =	shalt  }
0x59: {  	_ =	shalt  }
0x5a: {  	_ =	shalt  }
0x5b: {  	_ =	shalt  }
0x5c: {  	_ =	shalt  }
0x5d: {  	_ =	shalt  }
0x5e: {  	_ =	shalt  }
0x5f: {  	_ =	shalt  }
0x60: {  	_ =	shalt  }
0x61: {  	_ =	shalt  }
0x62: {  	_ =	shalt  }
0x63: {  	_ =	shalt  }
0x64: {  	_ =	shalt  }
0x65: {  	_ =	shalt  }
0x66: {  	_ =	shalt  }
0x67: {  	_ =	shalt  }
0x68: {  	_ =	shalt  }
0x69: {  	_ =	shalt  }
0x6a: {  	_ =	shalt  }
0x6b: {  	_ =	shalt  }
0x6c: {  	_ =	shalt  }
0x6d: {  	_ =	shalt  }
0x6e: {  	_ =	shalt  }
0x6f: {  	_ =	shalt  }
0x70: {  	_ =	shalt  }
0x71: {  	_ =	shalt  }
0x72: {  	_ =	shalt  }
0x73: {  	_ =	shalt  }
0x74: {  	_ =	shalt  }
0x75: {  	_ =	shalt  }
0x76: {  	_ =	shalt  }
0x77: {  	_ =	shalt  }
0x78: {  	_ =	shalt  }
0x79: {  	_ =	shalt  }
0x7a: {  	_ =	shalt  }
0x7b: {  	_ =	shalt  }
0x7c: {  	_ =	shalt  }
0x7d: {  	_ =	shalt  }
0x7e: {  	_ =	shalt  }
0x7f: {  	_ =	shalt  }
0x80: {  	_ =	shalt  }
0x81: {  	_ =	shalt  }
0x82: {  	_ =	shalt  }
0x83: {  	_ =	shalt  }
0x84: {  	_ =	shalt  }
0x85: {  	_ =	shalt  }
0x86: {  	_ =	shalt  }
0x87: {  	_ =	shalt  }
.Lfunc_end0:
.L_simem_size_0:
called_computation.1_lowered:
.L_overlay_start_0:
0x88: {  	s2 =	sld [smem:$0x3FD9]  }
0x89: {  	s3 =	sld [smem:$0x3FFE];
	_ =	sdelay $0x1  }
0x8a: {  	s1 =	srdreg.scid  }
0x8b: {  	s0 =	sand.u32 $0x1, s1  }
0x8c: {  	s17 =	sshll.u32 s0, $0xA;
	s2 =	sadd.s32 s3, s2  }
0x8d: {  	s2 =	sadd.s32 s2, s17  }
0x8e: {  	[smem:$0x3FC0] =	sst s2  }
0x8f: {  	_ = 	snop  }
0x90: {  	s2 =	sld [smem:$0x3FD0];
	(tm) =	ssettm $0x1  }
0x91: {  	s18 =	sld [smem:$0x3FFB];
	_ =	sdelay $0x3  }
0x92: {  	_ =	strace s18  }
0x93: {  	s3 =	sld [smem:$0x3FFC];
	_ =	sdelay $0x3  }
0x94: {  	_ =	strace s3  }
0x95: {  	s3 =	sld [smem:$0x3FFD];
	_ =	sdelay $0x3  }
0x96: {  	_ =	strace s3  }
0x97: {  	_ =	strace $0x8FFFFFFF  }
0x98: {  	s19 =	sld [smem:$0x3FDB];
	_ =	sdelay $0x1  }
0x99: {  	s4 =	simm.s32 $_scs_section_size  }
0x9a: {  	s5 =	simm.s32 $_size__tile_overlayer_lowered;
	s6 =	simm.s32 $_tile_overlayer_lowered  }
0x9b: {  	s22 =	simm.s32 $0x1BFF;
	s21 =	sshll.u32 s6, $0x1;
	s3 =	sadd.s32 s4, s19  }
0x9c: {  	s7 =	simm.s32 $0x0;
	s20 =	sshll.u32 s5, $0x1;
	s5 =	sadd.s32 s21, s3  }
0x9d: {  	[timem:s7], [sflag:s22] =	dma.local [hbm:s5], s20  }
0x9e: {  	_ =	swait.ge [sflag:s22], s20  }
0x9f: {  	s4 =	ssub.s32 $0x0, s20;
	[sflag:s22] =	ssyncset.done $0x0  }
0xa0: {  	[sflag:s22] =	ssyncadd.s32 s4;
	_ =	sdelay $0x1  }
0xa1: {  	s23 =	simm.s32 $0x1B8B  }
0xa2: {  	_ =	swait.ge [sflag:s23], $0x1  }
0xa3: {  	[sflag:s23] =	ssyncset.done $0x0  }
0xa4: {  	s25 =	simm.s32 $0x1B8E;
	s24 =	sld [smem:$0x3FFE];
	[sflag:s23] =	ssyncadd.s32 $0xFFFFFFFF  }
0xa5: {  	s26 =	simm.s32 $execute0_lowered;
	[smem:$0x3FD2] =	sst s25  }
0xa6: {  	s5 =	sshll.u32 s26, $0x1;
	_ =	strace $0x80000049;
	[dreg:$0x1] =	wrdreg $0xFFFFFFFF  }
0xa7: {  	s28 =	simm.s32 $_size_execute0_lowered;
	s3 =	sadd.s32 s3, s5;
	[dreg:$0x0] =	wrdreg $0x0  }
0xa8: {  	s5 =	sshll.u32 s28, $0x1;
	[dreg:$0x2] =	wrdreg s3  }
0xa9: {  	[dreg:$0x3] =	wrdreg s5  }
0xaa: {  	[dreg:$0x4] =	wrdreg $0xC0  }
0xab: {  	_ =	task [dreg:s7], $0x5FFFF  }
0xac: {  	[dreg:$0x1] =	wrdreg $0xFFFFFFFF  }
0xad: {  	[dreg:$0x0] =	wrdreg $0x60  }
0xae: {  	[dreg:$0x2] =	wrdreg s2  }
0xaf: {  	[dreg:$0x3] =	wrdreg s24  }
0xb0: {  	[dreg:$0x4] =	wrdreg $0x0  }
0xb1: {  	[dreg:$0x5] =	wrdreg $0x9  }
0xb2: {  	_ =	task.clear_ibuf [dreg:s7], $0x6FFFF;
	_ =	strace $0x90000049  }
0xb3: {  	s29 =	simm.s32 $0x9;
	_ =	strace $0x8000004B  }
0xb4: {  	_ =	swait.ge [sflag:s29], $0x1  }
0xb5: {  	[sflag:s29] =	ssyncadd.s32 $0xFFFFFFFF  }
0xb6: {  	_ =	strace $0x9000004B  }
0xb7: {  	_ =	sfence  }
0xb8: {  	s30 =	sld [smem:$0x0];
	_ =	sdelay $0x2  }
0xb9: {  	s31 =	sshll.u32 s1, $0xD;
	s1 =	sshrl.u32 s1, $0x2  }
0xba: {  	s3 =	sand.u32 $0x4000, s31;
	s1 =	sadd.s32 s1, s30  }
0xbb: {  	s0 =	sor.u32 s3, s0;
	s1 =	sshll.u32 s1, $0x11  }
0xbc: {  	s0 =	sor.u32 s1, s0  }
0xbd: {  	s0 =	sadd.s32 $0x8F2B, s0  }
0xbe: {  	[sflag:s0] =	ssyncadd.remote.s32 $0x1  }
0xbf: {  	_ =	sfence.sel $0xFFFF  }
0xc0: {  	[dreg:$0x0] =	wrdreg $0xFFFFFFFF;
	(pc) =	sbr.abs _section_cstart, $3  }
0xc1: {  	[dreg:$0x1] =	wrdreg $0xFFFFFFFF  }
0xc2: {  	_ =	task.clear_ibuf [dreg:s7], $0x2FFFF;
	_ =	strace $0x9FFFFFFF  }
0xc3: {  	(tm) =	ssettm $0x7FFFFFFF  }
tec
execute0_lowered:
.L_overlay_start_1:
0x0: {  	(tag) =	ssettag $0x1  }
0x1: {  	s2 =	rddreg [dreg:$0x1]  }
0x2: {  	s1 =	simm.s32 $0x0;
	s0 =	srdreg.scid;
	s21 =	stileid.u32  }
0x3: {  	[smem:$0x7FF] =	sst s1;
	s4 =	sadd.s32 $0xF800, s2;
	s5 =	sand.u32 $0x1, s0  }
0x4: {  	s23 =	sshll.u32 s21, $0x9;
	s6 =	smul.u32 $0x270, s21;
	s7 =	sadd.s32 $0x7800, s2  }
0x5: {  	s9 =	smul.u32 $0x13800, s21;
	s14 =	sshll.u32 s21, $0xB;
	p1 =	sne.s32 s21, $0xF  }
0x6: {  	s3 =	ssub.s32 $0x2, s5;
	s0 =	sadd.s32 s23, s2;
	s2 =	sadd.s32 $0x17800, s2  }
0x7: {  	s16 =	sor.u32 $0x200, s14;
	s17 =	sadd.s32 s4, s14;
	s24 =	sadd.s32 s7, s14  }
0x8: {  	s26 =	sor.u32 $0x400, s14;
	s18 =	smul.u32 $0x138800, s5;
	s14 =	sor.u32 $0x600, s14  }
0x9: {  	p0 =	sne.s32 s5, $0x0;
	s8 =	sshrl.u32 s3, $0x1;
	[dreg:$0x4] =	wrdreg s17  }
0xa: {  	s11 =	sadd.s32 $0xD0, s6;
	[dreg:$0x5] =	wrdreg s24;
	s25 =	sadd.s32 s4, s16  }
0xb: {  	s13 =	sadd.s32 $0x138, s6;
	s16 =	sadd.s32 s7, s16;
	[dreg:$0x6] =	wrdreg s25  }
0xc: {  	s15 =	sadd.s32 $0x1A0, s6;
	s28 =	sadd.s32 s4, s26;
	[dreg:$0x7] =	wrdreg s16  }
0xd: {  	s4 =	sadd.s32 s4, s14;
	s17 =	sadd.s32 s7, s14;
	[dreg:$0x8] =	wrdreg s28  }
0xe: {  	s3 =	ssub.s32 s3, s8;
	s8 =	sadd.s32 $0x68, s6;
	[dreg:$0xa] =	wrdreg s4  }
0xf: {  	s12 =	sshll.u32 s11, $0x7;
	s6 =	sadd.s32 $0x208, s6;
	[dreg:$0xb] =	wrdreg s17  }
0x10: {  	s16 =	sadd.s32 s7, s26;
	s19 =	sadd.s32 s9, s18;
	s17 =	rddreg [dreg:$0x0]  }
0x11: {  	s7 =	sshll.u32 s15, $0x7;
	s10 =	sshll.u32 s8, $0x7;
	[dreg:$0x9] =	wrdreg s16  }
0x12: {  	s4 =	sshrl.u32 s19, $0x3;
	s22 =	sadd.s32 s18, s12;
	s14 =	sshll.u32 s6, $0x7  }
0x13: {  	s28 =	sadd.s32 s18, s7;
	s3 =	smax.u32 s3, $0x1;
	s20 =	sadd.s32 s18, s10  }
0x14: {  	s4 =	sadd.s32 s2, s4;
	s24 =	sshrl.u32 s22, $0x3;
	s19 =	sadd.s32 s18, s14  }
0x15: {  	[dreg:$0xc] =	wrdreg s4;
	s23 =	sshrl.u32 s20, $0x3;
	s25 =	sadd.s32 s2, s24  }
0x16: {  	s20 =	sshrl.u32 s28, $0x3;
	s22 =	sshrl.u32 s19, $0x3;
	s24 =	sshrl.u32 s18, $0x3  }
0x17: {  	s19 =	sshll.u32 s13, $0x4;
	s4 =	sadd.s32 s2, s23;
	[dreg:$0xe] =	wrdreg s25  }
0x18: {  	s23 =	sadd.s32 s2, s22;
	s25 =	smul.u32 $0x4E000, s21;
	[dreg:$0xd] =	wrdreg s4  }
0x19: {  	s4 =	sshll.u32 s13, $0x7;
	[dreg:$0x11] =	wrdreg s23;
	s23 =	sshll.u32 s15, $0x4  }
0x1a: {  	s13 =	simm.s32 $0x157C0;
	s15 =	simm.s32 $0x0;
	s26 =	sadd.s32 s18, s4  }
0x1b: {  	s18 =	rddreg [dreg:$0x2];
	s28 =	sshrl.u32 s25, $0x2;
	s25 =	sshll.u32 s6, $0x4  }
0x1c: {  	s6 =	simm.s32 $0x158C0;
	s16 =	sshrl.u32 s26, $0x3;
	s26 =	sshrl.u32 s9, $0x3  }
0x1d: {  	s9 =	sshll.u32 s8, $0x4;
	s22 =	sadd.s32 s10, s18;
	s29 =	sadd.s32 s7, s18  }
0x1e: {  	s30 =	sadd.s32 s17, s25;
	s31 =	sadd.s32 s14, s18;
	s7 =	simm.s32 $0x3  }
0x1f: {  	s8 =	simm.s32 $0x138C0;
	s10 =	simm.s32 $0x1;
	s14 =	simm.s32 $0x15840  }
0x20: {  	s16 =	sadd.s32 s2, s16;
	s5 =	sadd.s32 s17, s26;
	s26 =	sadd.s32 s4, s18  }
0x21: {  	s4 =	sadd.s32 s17, s23;
	[dreg:$0xf] =	wrdreg s16;
	s16 =	sadd.s32 s2, s20  }
0x22: {  	s2 =	sadd.s32 s2, s24;
	s20 =	sadd.s32 s28, s18;
	s24 =	sadd.s32 s12, s18  }
0x23: {  	s28 =	sadd.s32 $0x5800, s0;
	s0 =	sadd.s32 $0x3800, s0;
	[dreg:$0x10] =	wrdreg s16  }
0x24: {  	s12 =	simm.s32 $0x14840;
	_ =	strace $0x8000004A;
	[dreg:$0x12] =	wrdreg s5  }
0x25: {  	s16 =	sshll.u32 s11, $0x4;
	s2 =	sadd.s32 $0x27000, s2;
	[dreg:$0x16] =	wrdreg s4  }
.Ltmp0:
0x26: {  	s11 =	simm.s32 $0x2;
	[dreg:$0x17] =	wrdreg s28;
	(pc) =	sbr.rel .LBB2_1-.Ltmp0, $4  }
0x27: {  	s5 =	sadd.s32 s17, s9;
	[dreg:$0x18] =	wrdreg s0;
	s4 =	sadd.s32 $0x27000, s17  }
0x28: {  	s9 =	simm.s32 $0x148C0;
	[dreg:$0x13] =	wrdreg s5;
	s5 =	sadd.s32 s17, s16  }
0x29: {  	s0 =	simm.s32 $0x198C0;
	[dreg:$0x14] =	wrdreg s5;
	s5 =	sadd.s32 s17, s19  }
0x2a: {  	s16 =	simm.s32 $0x80;
	[dreg:$0x15] =	wrdreg s5;
	s5 =	sadd.s32 $0x138000, s18  }
.LBB2_13:
0x2b: {  	s21 =	sadd.s32 $0x13940, s19;
	[sflag:s7] =	ssyncadd.s32 $0xFFFFC000  }
0x2c: {  	[tilespmem:s0], [sflag:$0x2] =	stream.indirect.gather [hbm4b:s17+s16], $0x80, s21, s16, $0xb8;
	[tilespmem:$0x1D8C0] =	vst v63  }
0x2d: {  	_ =	swait.ge [sflag:s10], $0x4000  }
0x2e: {  	[sflag:s10] =	ssyncset.done $0x0  }
0x2f: {  	s23 =	sadd.s32 $0x148C0, s19;
	[sflag:s10] =	ssyncadd.s32 $0xFFFFC000  }
0x30: {  	[spmem:s18] =	stream.indirect.scatter.add.f32 [tilespmem:s6], [sflag:$0x3], $0x80, s23, s16, $0xb8;
	[tilespmem:$0x1D8C0] =	vst v63  }
0x31: {  	_ =	swait.ge [sflag:s7], $0x4000  }
0x32: {  	[sflag:s7] =	ssyncset.done $0x0  }
0x33: {  	s25 =	sadd.s32 $0x139C0, s19;
	[sflag:s7] =	ssyncadd.s32 $0xFFFFC000  }
0x34: {  	[tilespmem:s6], [sflag:$0x1] =	stream.indirect.gather [hbm4b:s17+s16], $0x80, s25, s16, $0xb8;
	[tilespmem:$0x1D8C0] =	vst v63  }
0x35: {  	_ =	swait.ge [sflag:s11], $0x4000  }
0x36: {  	[sflag:s11] =	ssyncset.done $0x0  }
0x37: {  	s28 =	sadd.s32 $0x14940, s19;
	[sflag:s11] =	ssyncadd.s32 $0xFFFFC000  }
0x38: {  	[spmem:s18] =	stream.indirect.scatter.add.f32 [tilespmem:s0], [sflag:$0x3], $0x80, s28, s16, $0xb8;
	[tilespmem:$0x1D8C0] =	vst v63  }
0x39: {  	_ =	swait.ge [sflag:s7], $0x4000  }
0x3a: {  	[sflag:s7] =	ssyncset.done $0x0  }
0x3b: {  	[sflag:s7] =	ssyncadd.s32 $0xFFFFC000  }
.LBB2_14:
0x3c: {  	[tilespmem:s0], [sflag:$0x2] =	stream.indirect.gather [hbm4b:s17+s16], $0x80, s12, s16, $0xb8;
	[tilespmem:$0x1D8C0] =	vst v63  }
0x3d: {  	_ =	swait.ge [sflag:s10], $0x4000  }
0x3e: {  	[sflag:s10] =	ssyncset.done $0x0  }
0x3f: {  	[sflag:s10] =	ssyncadd.s32 $0xFFFFC000  }
0x40: {  	[spmem:s18] =	stream.indirect.scatter.add.f32 [tilespmem:s6], [sflag:$0x3], $0x80, s13, s16, $0xb8;
	[tilespmem:$0x1D8C0] =	vst v63  }
0x41: {  	_ =	swait.ge [sflag:s7], $0x4000  }
0x42: {  	[sflag:s7] =	ssyncset.done $0x0  }
0x43: {  	[sflag:s7] =	ssyncadd.s32 $0xFFFFC000  }
0x44: {  	_ =	swait.ge [sflag:s11], $0x4000  }
0x45: {  	[sflag:s11] =	ssyncset.done $0x0  }
0x46: {  	[sflag:s11] =	ssyncadd.s32 $0xFFFFC000  }
0x47: {  	[spmem:s18] =	stream.indirect.scatter.add.f32 [tilespmem:s0], [sflag:$0x3], $0x80, s14, s16, $0xb8;
	[tilespmem:$0x1D8C0] =	vst v63  }
0x48: {  	_ =	swait.ge [sflag:s7], $0x4000  }
0x49: {  	[sflag:s7] =	ssyncset.done $0x0  }
0x4a: {  	[sflag:s7] =	ssyncadd.s32 $0xFFFFC000  }
0x4b: {  	[bflag:$0x0] =	sbarrier.arrive $0xFFFF  }
0x4c: {  	[tilespmem:s6], [sflag:$0x3] =	stream.linear.gather [spmem:s20], $0x3400, $0x38;
	[tilespmem:$0x1D8C0] =	vst v63  }
0x4d: {  	_ =	swait.ge [sflag:s7], $0x3400  }
0x4e: {  	[sflag:s7] =	ssyncset.done $0x0  }
0x4f: {  	s19 =	rddreg [dreg:$0xc];
	[sflag:s7] =	ssyncadd.s32 $0xFFFFCC00  }
0x50: {  	[hbm4b:s19+s1] =	stream.linear.scatter [tilespmem:s6], [sflag:$0x3], $0x3400, $0x38;
	[tilespmem:$0x1D8C0] =	vst v63  }
0x51: {  	_ =	swait.ge [sflag:s7], $0x3400  }
0x52: {  	[sflag:s7] =	ssyncset.done $0x0  }
0x53: {  	[sflag:s7] =	ssyncadd.s32 $0xFFFFCC00  }
0x54: {  	[tilespmem:s6], [sflag:$0x3] =	stream.linear.gather [spmem:s22], $0x3400, $0x38;
	[tilespmem:$0x1D8C0] =	vst v63  }
0x55: {  	_ =	swait.ge [sflag:s7], $0x3400  }
0x56: {  	[sflag:s7] =	ssyncset.done $0x0  }
0x57: {  	s28 =	rddreg [dreg:$0xd];
	[sflag:s7] =	ssyncadd.s32 $0xFFFFCC00  }
0x58: {  	[hbm4b:s28+s1] =	stream.linear.scatter [tilespmem:s6], [sflag:$0x3], $0x3400, $0x38;
	[tilespmem:$0x1D8C0] =	vst v63  }
0x59: {  	_ =	swait.ge [sflag:s7], $0x3400  }
0x5a: {  	[sflag:s7] =	ssyncset.done $0x0  }
0x5b: {  	[sflag:s7] =	ssyncadd.s32 $0xFFFFCC00  }
0x5c: {  	[tilespmem:s6], [sflag:$0x3] =	stream.linear.gather [spmem:s24], $0x3400, $0x38;
	[tilespmem:$0x1D8C0] =	vst v63  }
0x5d: {  	_ =	swait.ge [sflag:s7], $0x3400  }
0x5e: {  	[sflag:s7] =	ssyncset.done $0x0  }
0x5f: {  	s21 =	rddreg [dreg:$0xe];
	[sflag:s7] =	ssyncadd.s32 $0xFFFFCC00  }
0x60: {  	[hbm4b:s21+s1] =	stream.linear.scatter [tilespmem:s6], [sflag:$0x3], $0x3400, $0x38;
	[tilespmem:$0x1D8C0] =	vst v63  }
0x61: {  	_ =	swait.ge [sflag:s7], $0x3400  }
0x62: {  	[sflag:s7] =	ssyncset.done $0x0  }
0x63: {  	[sflag:s7] =	ssyncadd.s32 $0xFFFFCC00  }
0x64: {  	[tilespmem:s6], [sflag:$0x3] =	stream.linear.gather [spmem:s26], $0x3400, $0x38;
	[tilespmem:$0x1D8C0] =	vst v63  }
0x65: {  	_ =	swait.ge [sflag:s7], $0x3400  }
0x66: {  	[sflag:s7] =	ssyncset.done $0x0  }
0x67: {  	s23 =	rddreg [dreg:$0xf];
	[sflag:s7] =	ssyncadd.s32 $0xFFFFCC00  }
0x68: {  	[hbm4b:s23+s1] =	stream.linear.scatter [tilespmem:s6], [sflag:$0x3], $0x3400, $0x38;
	[tilespmem:$0x1D8C0] =	vst v63  }
0x69: {  	_ =	swait.ge [sflag:s7], $0x3400  }
0x6a: {  	[sflag:s7] =	ssyncset.done $0x0  }
0x6b: {  	[sflag:s7] =	ssyncadd.s32 $0xFFFFCC00  }
0x6c: {  	[tilespmem:s6], [sflag:$0x3] =	stream.linear.gather [spmem:s29], $0x3400, $0x38;
	[tilespmem:$0x1D8C0] =	vst v63  }
0x6d: {  	_ =	swait.ge [sflag:s7], $0x3400  }
0x6e: {  	[sflag:s7] =	ssyncset.done $0x0  }
0x6f: {  	s25 =	rddreg [dreg:$0x10];
	[sflag:s7] =	ssyncadd.s32 $0xFFFFCC00  }
0x70: {  	[hbm4b:s25+s1] =	stream.linear.scatter [tilespmem:s6], [sflag:$0x3], $0x3400, $0x38;
	[tilespmem:$0x1D8C0] =	vst v63  }
0x71: {  	_ =	swait.ge [sflag:s7], $0x3400  }
0x72: {  	[sflag:s7] =	ssyncset.done $0x0  }
0x73: {  	[sflag:s7] =	ssyncadd.s32 $0xFFFFCC00  }
0x74: {  	[tilespmem:s6], [sflag:$0x3] =	stream.linear.gather [spmem:s31], $0x3400, $0x38;
	[tilespmem:$0x1D8C0] =	vst v63  }
0x75: {  	_ =	swait.ge [sflag:s7], $0x3400  }
0x76: {  	[sflag:s7] =	ssyncset.done $0x0  }
0x77: {  	s28 =	rddreg [dreg:$0x11];
	[sflag:s7] =	ssyncadd.s32 $0xFFFFCC00  }
0x78: {  	[hbm4b:s28+s1] =	stream.linear.scatter [tilespmem:s6], [sflag:$0x3], $0x3400, $0x38;
	[tilespmem:$0x1D8C0] =	vst v63  }
0x79: {  	_ =	swait.ge [sflag:s7], $0x3400  }
0x7a: {  	[sflag:s7] =	ssyncset.done $0x0  }
0x7b: {  	s19 =	simm.s32 @!p1 $0x158C0;
	s21 =	simm.s32 @!p1 $0x3;
	[sflag:s7] =	ssyncadd.s32 $0xFFFFCC00  }
0x7c: {  	[tilespmem:s19], [sflag:$0x3] =	stream.linear.gather @!p1 [spmem:s5], $0x800, $0x38;
	[tilespmem:$0x1D8C0] =	vst v63  }
0x7d: {  	s15 =	sadd.s32 $0x1, s15;
	_ =	swait.ge @!p1 [sflag:s21], $0x800  }
0x7e: {  	p2 =	sne.s32 s15, s3;
	[sflag:s21] =	ssyncset.done @!p1 $0x0  }
.Ltmp1:
0x7f: {  	s23 =	simm.s32 @!p1 $0x0;
	[sflag:s21] =	ssyncadd.s32 @!p1 $0xFFFFF800;
	(pc) =	sbr.rel @!p2 .LBB2_15-.Ltmp1, $4  }
0x80: {  	[hbm4b:s2+s23] =	stream.linear.scatter @!p1 [tilespmem:s19], [sflag:$0x3], $0x800, $0x38;
	[tilespmem:$0x1D8C0] =	vst v63  }
0x81: {  	_ =	swait.ge @!p1 [sflag:s21], $0x800  }
0x82: {  	[sflag:s21] =	ssyncset.done @!p1 $0x0  }
0x83: {  	[sflag:s21] =	ssyncadd.s32 @!p1 $0xFFFFF800  }
.LBB2_1:
0x84: {  	s19 =	rddreg [dreg:$0x12]  }
0x85: {  	[tilespmem:s6], [sflag:$0x3] =	stream.linear.gather [hbm4b:s19+s1], $0x3400, $0x38;
	[tilespmem:$0x1D8C0] =	vst v63  }
0x86: {  	_ =	swait.ge [sflag:s7], $0x3400  }
0x87: {  	[sflag:s7] =	ssyncset.done $0x0  }
0x88: {  	[sflag:s7] =	ssyncadd.s32 $0xFFFFCC00  }
0x89: {  	[spmem:s20] =	stream.linear.scatter [tilespmem:s6], [sflag:$0x3], $0x3400, $0x38;
	[tilespmem:$0x1D8C0] =	vst v63  }
0x8a: {  	_ =	swait.ge [sflag:s7], $0x3400  }
0x8b: {  	[sflag:s7] =	ssyncset.done $0x0  }
0x8c: {  	s21 =	rddreg [dreg:$0x13];
	[sflag:s7] =	ssyncadd.s32 $0xFFFFCC00  }
0x8d: {  	[tilespmem:s6], [sflag:$0x3] =	stream.linear.gather [hbm4b:s21+s1], $0x3400, $0x38;
	[tilespmem:$0x1D8C0] =	vst v63  }
0x8e: {  	_ =	swait.ge [sflag:s7], $0x3400  }
0x8f: {  	[sflag:s7] =	ssyncset.done $0x0  }
0x90: {  	[sflag:s7] =	ssyncadd.s32 $0xFFFFCC00  }
0x91: {  	[spmem:s22] =	stream.linear.scatter [tilespmem:s6], [sflag:$0x3], $0x3400, $0x38;
	[tilespmem:$0x1D8C0] =	vst v63  }
0x92: {  	_ =	swait.ge [sflag:s7], $0x3400  }
0x93: {  	[sflag:s7] =	ssyncset.done $0x0  }
0x94: {  	s23 =	rddreg [dreg:$0x14];
	[sflag:s7] =	ssyncadd.s32 $0xFFFFCC00  }
0x95: {  	[tilespmem:s6], [sflag:$0x3] =	stream.linear.gather [hbm4b:s23+s1], $0x3400, $0x38;
	[tilespmem:$0x1D8C0] =	vst v63  }
0x96: {  	_ =	swait.ge [sflag:s7], $0x3400  }
0x97: {  	[sflag:s7] =	ssyncset.done $0x0  }
0x98: {  	[sflag:s7] =	ssyncadd.s32 $0xFFFFCC00  }
0x99: {  	[spmem:s24] =	stream.linear.scatter [tilespmem:s6], [sflag:$0x3], $0x3400, $0x38;
	[tilespmem:$0x1D8C0] =	vst v63  }
0x9a: {  	_ =	swait.ge [sflag:s7], $0x3400  }
0x9b: {  	[sflag:s7] =	ssyncset.done $0x0  }
0x9c: {  	s25 =	rddreg [dreg:$0x15];
	[sflag:s7] =	ssyncadd.s32 $0xFFFFCC00  }
0x9d: {  	[tilespmem:s6], [sflag:$0x3] =	stream.linear.gather [hbm4b:s25+s1], $0x3400, $0x38;
	[tilespmem:$0x1D8C0] =	vst v63  }
0x9e: {  	_ =	swait.ge [sflag:s7], $0x3400  }
0x9f: {  	[sflag:s7] =	ssyncset.done $0x0  }
0xa0: {  	[sflag:s7] =	ssyncadd.s32 $0xFFFFCC00  }
0xa1: {  	[spmem:s26] =	stream.linear.scatter [tilespmem:s6], [sflag:$0x3], $0x3400, $0x38;
	[tilespmem:$0x1D8C0] =	vst v63  }
0xa2: {  	_ =	swait.ge [sflag:s7], $0x3400  }
0xa3: {  	[sflag:s7] =	ssyncset.done $0x0  }
0xa4: {  	s28 =	rddreg [dreg:$0x16];
	[sflag:s7] =	ssyncadd.s32 $0xFFFFCC00  }
0xa5: {  	[tilespmem:s6], [sflag:$0x3] =	stream.linear.gather [hbm4b:s28+s1], $0x3400, $0x38;
	[tilespmem:$0x1D8C0] =	vst v63  }
0xa6: {  	_ =	swait.ge [sflag:s7], $0x3400  }
0xa7: {  	[sflag:s7] =	ssyncset.done $0x0  }
0xa8: {  	[sflag:s7] =	ssyncadd.s32 $0xFFFFCC00  }
0xa9: {  	[spmem:s29] =	stream.linear.scatter [tilespmem:s6], [sflag:$0x3], $0x3400, $0x38;
	[tilespmem:$0x1D8C0] =	vst v63  }
0xaa: {  	_ =	swait.ge [sflag:s7], $0x3400  }
0xab: {  	[sflag:s7] =	ssyncset.done $0x0  }
0xac: {  	[sflag:s7] =	ssyncadd.s32 $0xFFFFCC00  }
0xad: {  	[tilespmem:s6], [sflag:$0x3] =	stream.linear.gather [hbm4b:s30+s1], $0x3400, $0x38;
	[tilespmem:$0x1D8C0] =	vst v63  }
0xae: {  	_ =	swait.ge [sflag:s7], $0x3400  }
0xaf: {  	[sflag:s7] =	ssyncset.done $0x0  }
0xb0: {  	[sflag:s7] =	ssyncadd.s32 $0xFFFFCC00  }
0xb1: {  	[spmem:s31] =	stream.linear.scatter [tilespmem:s6], [sflag:$0x3], $0x3400, $0x38;
	[tilespmem:$0x1D8C0] =	vst v63  }
0xb2: {  	_ =	swait.ge [sflag:s7], $0x3400  }
0xb3: {  	[sflag:s7] =	ssyncset.done $0x0  }
0xb4: {  	s19 =	simm.s32 @!p1 $0x0;
	s21 =	simm.s32 @!p1 $0x158C0;
	[sflag:s7] =	ssyncadd.s32 $0xFFFFCC00  }
0xb5: {  	[tilespmem:s21], [sflag:$0x3] =	stream.linear.gather @!p1 [hbm4b:s4+s19], $0x800, $0x38;
	[tilespmem:$0x1D8C0] =	vst v63  }
0xb6: {  	s19 =	simm.s32 @!p1 $0x3  }
0xb7: {  	_ =	swait.ge @!p1 [sflag:s19], $0x800  }
0xb8: {  	[sflag:s19] =	ssyncset.done @!p1 $0x0  }
0xb9: {  	[sflag:s19] =	ssyncadd.s32 @!p1 $0xFFFFF800  }
0xba: {  	[spmem:s5] =	stream.linear.scatter @!p1 [tilespmem:s21], [sflag:$0x3], $0x800, $0x38;
	[tilespmem:$0x1D8C0] =	vst v63  }
.Ltmp2:
0xbb: {  	_ =	swait.ge @!p1 [sflag:s19], $0x800;
	(pc) =	sbr.rel @p0 .LBB2_11-.Ltmp2, $4  }
0xbc: {  	[sflag:s19] =	ssyncset.done @!p1 $0x0  }
0xbd: {  	[sflag:s19] =	ssyncadd.s32 @!p1 $0xFFFFF800  }
0xbe: {  	[bflag:$0x0] =	sbarrier.arrive $0xFFFF  }
0xbf: {  	s19 =	simm.s32 $0x0  }
0xc0: {  	s21 =	rddreg [dreg:$0x4]  }
0xc1: {  	[tilespmem:s8], [sflag:$0x3] =	stream.linear.gather [hbm4b:s21+s19], $0x1000, $0x38;
	[tilespmem:$0x1D8C0] =	vst v63  }
0xc2: {  	_ =	swait.ge [sflag:s7], $0x1000  }
0xc3: {  	[sflag:s7] =	ssyncset.done $0x0  }
0xc4: {  	s28 =	rddreg [dreg:$0x5];
	[sflag:s7] =	ssyncadd.s32 $0xFFFFF000  }
0xc5: {  	[tilespmem:s9], [sflag:$0x3] =	stream.linear.gather [hbm4b:s28+s19], $0x1000, $0x38;
	[tilespmem:$0x1D8C0] =	vst v63  }
0xc6: {  	_ =	swait.ge [sflag:s7], $0x1000  }
0xc7: {  	[sflag:s7] =	ssyncset.done $0x0  }
0xc8: {  	[sflag:s7] =	ssyncadd.s32 $0xFFFFF000  }
0xc9: {  	[tilespmem:s6], [sflag:$0x1] =	stream.indirect.gather [hbm4b:s17+s16], $0x80, s8, s16, $0xb8;
	[tilespmem:$0x1D8C0] =	vst v63  }
0xca: {  	s21 =	simm.s32 $0x13940  }
0xcb: {  	[tilespmem:s0], [sflag:$0x2] =	stream.indirect.gather [hbm4b:s17+s16], $0x80, s21, s16, $0xb8;
	[tilespmem:$0x1D8C0] =	vst v63  }
0xcc: {  	_ =	swait.ge [sflag:s10], $0x4000  }
0xcd: {  	[sflag:s10] =	ssyncset.done $0x0  }
0xce: {  	s23 =	simm.s32 $0x148C0;
	[sflag:s10] =	ssyncadd.s32 $0xFFFFC000  }
0xcf: {  	[spmem:s18] =	stream.indirect.scatter.add.f32 [tilespmem:s6], [sflag:$0x3], $0x80, s23, s16, $0xb8;
	[tilespmem:$0x1D8C0] =	vst v63  }
0xd0: {  	_ =	swait.ge [sflag:s7], $0x4000  }
0xd1: {  	[sflag:s7] =	ssyncset.done $0x0  }
0xd2: {  	s25 =	simm.s32 $0x139C0;
	[sflag:s7] =	ssyncadd.s32 $0xFFFFC000  }
0xd3: {  	[tilespmem:s6], [sflag:$0x1] =	stream.indirect.gather [hbm4b:s17+s16], $0x80, s25, s16, $0xb8;
	[tilespmem:$0x1D8C0] =	vst v63  }
0xd4: {  	_ =	swait.ge [sflag:s11], $0x4000  }
0xd5: {  	[sflag:s11] =	ssyncset.done $0x0  }
0xd6: {  	s28 =	simm.s32 $0x14940;
	[sflag:s11] =	ssyncadd.s32 $0xFFFFC000  }
0xd7: {  	[spmem:s18] =	stream.indirect.scatter.add.f32 [tilespmem:s0], [sflag:$0x3], $0x80, s28, s16, $0xb8;
	[tilespmem:$0x1D8C0] =	vst v63  }
0xd8: {  	_ =	swait.ge [sflag:s7], $0x4000  }
0xd9: {  	s19 =	simm.s32 $0x100;
	s21 =	simm.s32 $0x800;
	[sflag:s7] =	ssyncset.done $0x0  }
.LBB2_3:
0xda: {  	s23 =	sadd.s32 $0x13940, s19  }
0xdb: {  	[sflag:s7] =	ssyncadd.s32 $0xFFFFC000;
	s25 =	smov.u32 s21;
	s28 =	sadd.s32 $0x400, s21  }
0xdc: {  	[tilespmem:s0], [sflag:$0x2] =	stream.indirect.gather [hbm4b:s17+s16], $0x80, s23, s16, $0xb8;
	[tilespmem:$0x1D8C0] =	vst v63  }
0xdd: {  	p2 =	sne.s32 s21, $0x3800;
	_ =	swait.ge [sflag:s10], $0x4000  }
0xde: {  	[sflag:s10] =	ssyncset.done $0x0  }
0xdf: {  	s21 =	sadd.s32 $0x148C0, s19;
	[sflag:s10] =	ssyncadd.s32 $0xFFFFC000  }
0xe0: {  	[spmem:s18] =	stream.indirect.scatter.add.f32 [tilespmem:s6], [sflag:$0x3], $0x80, s21, s16, $0xb8;
	[tilespmem:$0x1D8C0] =	vst v63  }
0xe1: {  	_ =	swait.ge [sflag:s7], $0x4000  }
0xe2: {  	[sflag:s7] =	ssyncset.done $0x0  }
0xe3: {  	s21 =	sadd.s32 $0x139C0, s19;
	[sflag:s7] =	ssyncadd.s32 $0xFFFFC000  }
0xe4: {  	[tilespmem:s6], [sflag:$0x1] =	stream.indirect.gather [hbm4b:s17+s16], $0x80, s21, s16, $0xb8;
	[tilespmem:$0x1D8C0] =	vst v63  }
0xe5: {  	_ =	swait.ge [sflag:s11], $0x4000  }
.Ltmp3:
0xe6: {  	[sflag:s11] =	ssyncset.done $0x0;
	(pc) =	sbr.rel @p2 .LBB2_3-.Ltmp3, $4  }
0xe7: {  	s19 =	sadd.s32 $0x14940, s19;
	[sflag:s11] =	ssyncadd.s32 $0xFFFFC000  }
0xe8: {  	[spmem:s18] =	stream.indirect.scatter.add.f32 [tilespmem:s0], [sflag:$0x3], $0x80, s19, s16, $0xb8;
	[tilespmem:$0x1D8C0] =	vst v63  }
0xe9: {  	_ =	swait.ge [sflag:s7], $0x4000  }
0xea: {  	s21 =	smov.u32 s28;
	s19 =	sshra.s32 s25, $0x2;
	[sflag:s7] =	ssyncset.done $0x0  }
0xeb: {  	s21 =	sadd.s32 $0x13940, s19;
	[sflag:s7] =	ssyncadd.s32 $0xFFFFC000  }
0xec: {  	[tilespmem:s0], [sflag:$0x2] =	stream.indirect.gather [hbm4b:s17+s16], $0x80, s21, s16, $0xb8;
	[tilespmem:$0x1D8C0] =	vst v63  }
0xed: {  	_ =	swait.ge [sflag:s10], $0x4000  }
0xee: {  	[sflag:s10] =	ssyncset.done $0x0  }
0xef: {  	s25 =	sadd.s32 $0x148C0, s19;
	[sflag:s10] =	ssyncadd.s32 $0xFFFFC000  }
0xf0: {  	[spmem:s18] =	stream.indirect.scatter.add.f32 [tilespmem:s6], [sflag:$0x3], $0x80, s25, s16, $0xb8;
	[tilespmem:$0x1D8C0] =	vst v63  }
0xf1: {  	_ =	swait.ge [sflag:s7], $0x4000  }
0xf2: {  	[sflag:s7] =	ssyncset.done $0x0  }
0xf3: {  	s28 =	sadd.s32 $0x139C0, s19;
	[sflag:s7] =	ssyncadd.s32 $0xFFFFC000  }
0xf4: {  	[tilespmem:s6], [sflag:$0x1] =	stream.indirect.gather [hbm4b:s17+s16], $0x80, s28, s16, $0xb8;
	[tilespmem:$0x1D8C0] =	vst v63  }
0xf5: {  	_ =	swait.ge [sflag:s11], $0x4000  }
0xf6: {  	[sflag:s11] =	ssyncset.done $0x0  }
0xf7: {  	s21 =	sadd.s32 $0x14940, s19;
	[sflag:s11] =	ssyncadd.s32 $0xFFFFC000  }
0xf8: {  	[spmem:s18] =	stream.indirect.scatter.add.f32 [tilespmem:s0], [sflag:$0x3], $0x80, s21, s16, $0xb8;
	[tilespmem:$0x1D8C0] =	vst v63  }
0xf9: {  	_ =	swait.ge [sflag:s7], $0x4000  }
0xfa: {  	[sflag:s7] =	ssyncset.done $0x0  }
0xfb: {  	[sflag:s7] =	ssyncadd.s32 $0xFFFFC000  }
0xfc: {  	[tilespmem:s0], [sflag:$0x2] =	stream.indirect.gather [hbm4b:s17+s16], $0x80, s12, s16, $0xb8;
	[tilespmem:$0x1D8C0] =	vst v63  }
0xfd: {  	_ =	swait.ge [sflag:s10], $0x4000  }
0xfe: {  	[sflag:s10] =	ssyncset.done $0x0  }
0xff: {  	[sflag:s10] =	ssyncadd.s32 $0xFFFFC000  }
0x100: {  	[spmem:s18] =	stream.indirect.scatter.add.f32 [tilespmem:s6], [sflag:$0x3], $0x80, s13, s16, $0xb8;
	[tilespmem:$0x1D8C0] =	vst v63  }
0x101: {  	_ =	swait.ge [sflag:s7], $0x4000  }
0x102: {  	[sflag:s7] =	ssyncset.done $0x0  }
0x103: {  	[sflag:s7] =	ssyncadd.s32 $0xFFFFC000  }
0x104: {  	_ =	swait.ge [sflag:s11], $0x4000  }
0x105: {  	[sflag:s11] =	ssyncset.done $0x0  }
0x106: {  	[sflag:s11] =	ssyncadd.s32 $0xFFFFC000  }
0x107: {  	[spmem:s18] =	stream.indirect.scatter.add.f32 [tilespmem:s0], [sflag:$0x3], $0x80, s14, s16, $0xb8;
	[tilespmem:$0x1D8C0] =	vst v63  }
0x108: {  	_ =	swait.ge [sflag:s7], $0x4000  }
0x109: {  	[sflag:s7] =	ssyncset.done $0x0  }
0x10a: {  	s23 =	simm.s32 $0x0;
	s25 =	rddreg [dreg:$0x6];
	[sflag:s7] =	ssyncadd.s32 $0xFFFFC000  }
0x10b: {  	[tilespmem:s8], [sflag:$0x3] =	stream.linear.gather [hbm4b:s25+s23], $0x1000, $0x38;
	[tilespmem:$0x1D8C0] =	vst v63  }
0x10c: {  	_ =	swait.ge [sflag:s7], $0x1000  }
0x10d: {  	[sflag:s7] =	ssyncset.done $0x0  }
0x10e: {  	s28 =	rddreg [dreg:$0x7];
	[sflag:s7] =	ssyncadd.s32 $0xFFFFF000  }
0x10f: {  	[tilespmem:s9], [sflag:$0x3] =	stream.linear.gather [hbm4b:s28+s23], $0x1000, $0x38;
	[tilespmem:$0x1D8C0] =	vst v63  }
0x110: {  	_ =	swait.ge [sflag:s7], $0x1000  }
0x111: {  	[sflag:s7] =	ssyncset.done $0x0  }
0x112: {  	[sflag:s7] =	ssyncadd.s32 $0xFFFFF000  }
0x113: {  	[tilespmem:s6], [sflag:$0x1] =	stream.indirect.gather [hbm4b:s17+s16], $0x80, s8, s16, $0xb8;
	[tilespmem:$0x1D8C0] =	vst v63  }
0x114: {  	s21 =	simm.s32 $0x13940  }
0x115: {  	[tilespmem:s0], [sflag:$0x2] =	stream.indirect.gather [hbm4b:s17+s16], $0x80, s21, s16, $0xb8;
	[tilespmem:$0x1D8C0] =	vst v63  }
0x116: {  	_ =	swait.ge [sflag:s10], $0x4000  }
0x117: {  	[sflag:s10] =	ssyncset.done $0x0  }
0x118: {  	s23 =	simm.s32 $0x148C0;
	[sflag:s10] =	ssyncadd.s32 $0xFFFFC000  }
0x119: {  	[spmem:s18] =	stream.indirect.scatter.add.f32 [tilespmem:s6], [sflag:$0x3], $0x80, s23, s16, $0xb8;
	[tilespmem:$0x1D8C0] =	vst v63  }
0x11a: {  	_ =	swait.ge [sflag:s7], $0x4000  }
0x11b: {  	[sflag:s7] =	ssyncset.done $0x0  }
0x11c: {  	s25 =	simm.s32 $0x139C0;
	[sflag:s7] =	ssyncadd.s32 $0xFFFFC000  }
0x11d: {  	[tilespmem:s6], [sflag:$0x1] =	stream.indirect.gather [hbm4b:s17+s16], $0x80, s25, s16, $0xb8;
	[tilespmem:$0x1D8C0] =	vst v63  }
0x11e: {  	_ =	swait.ge [sflag:s11], $0x4000  }
0x11f: {  	[sflag:s11] =	ssyncset.done $0x0  }
0x120: {  	s28 =	simm.s32 $0x14940;
	[sflag:s11] =	ssyncadd.s32 $0xFFFFC000  }
0x121: {  	[spmem:s18] =	stream.indirect.scatter.add.f32 [tilespmem:s0], [sflag:$0x3], $0x80, s28, s16, $0xb8;
	[tilespmem:$0x1D8C0] =	vst v63  }
0x122: {  	_ =	swait.ge [sflag:s7], $0x4000  }
0x123: {  	s19 =	simm.s32 $0x100;
	s21 =	simm.s32 $0x800;
	[sflag:s7] =	ssyncset.done $0x0  }
.LBB2_5:
0x124: {  	s23 =	sadd.s32 $0x13940, s19  }
0x125: {  	[sflag:s7] =	ssyncadd.s32 $0xFFFFC000;
	s25 =	smov.u32 s21;
	s28 =	sadd.s32 $0x400, s21  }
0x126: {  	[tilespmem:s0], [sflag:$0x2] =	stream.indirect.gather [hbm4b:s17+s16], $0x80, s23, s16, $0xb8;
	[tilespmem:$0x1D8C0] =	vst v63  }
0x127: {  	p2 =	sne.s32 s21, $0x3800;
	_ =	swait.ge [sflag:s10], $0x4000  }
0x128: {  	[sflag:s10] =	ssyncset.done $0x0  }
0x129: {  	s21 =	sadd.s32 $0x148C0, s19;
	[sflag:s10] =	ssyncadd.s32 $0xFFFFC000  }
0x12a: {  	[spmem:s18] =	stream.indirect.scatter.add.f32 [tilespmem:s6], [sflag:$0x3], $0x80, s21, s16, $0xb8;
	[tilespmem:$0x1D8C0] =	vst v63  }
0x12b: {  	_ =	swait.ge [sflag:s7], $0x4000  }
0x12c: {  	[sflag:s7] =	ssyncset.done $0x0  }
0x12d: {  	s21 =	sadd.s32 $0x139C0, s19;
	[sflag:s7] =	ssyncadd.s32 $0xFFFFC000  }
0x12e: {  	[tilespmem:s6], [sflag:$0x1] =	stream.indirect.gather [hbm4b:s17+s16], $0x80, s21, s16, $0xb8;
	[tilespmem:$0x1D8C0] =	vst v63  }
0x12f: {  	_ =	swait.ge [sflag:s11], $0x4000  }
.Ltmp4:
0x130: {  	[sflag:s11] =	ssyncset.done $0x0;
	(pc) =	sbr.rel @p2 .LBB2_5-.Ltmp4, $4  }
0x131: {  	s19 =	sadd.s32 $0x14940, s19;
	[sflag:s11] =	ssyncadd.s32 $0xFFFFC000  }
0x132: {  	[spmem:s18] =	stream.indirect.scatter.add.f32 [tilespmem:s0], [sflag:$0x3], $0x80, s19, s16, $0xb8;
	[tilespmem:$0x1D8C0] =	vst v63  }
0x133: {  	_ =	swait.ge [sflag:s7], $0x4000  }
0x134: {  	s21 =	smov.u32 s28;
	s19 =	sshra.s32 s25, $0x2;
	[sflag:s7] =	ssyncset.done $0x0  }
0x135: {  	s21 =	sadd.s32 $0x13940, s19;
	[sflag:s7] =	ssyncadd.s32 $0xFFFFC000  }
0x136: {  	[tilespmem:s0], [sflag:$0x2] =	stream.indirect.gather [hbm4b:s17+s16], $0x80, s21, s16, $0xb8;
	[tilespmem:$0x1D8C0] =	vst v63  }
0x137: {  	_ =	swait.ge [sflag:s10], $0x4000  }
0x138: {  	[sflag:s10] =	ssyncset.done $0x0  }
0x139: {  	s25 =	sadd.s32 $0x148C0, s19;
	[sflag:s10] =	ssyncadd.s32 $0xFFFFC000  }
0x13a: {  	[spmem:s18] =	stream.indirect.scatter.add.f32 [tilespmem:s6], [sflag:$0x3], $0x80, s25, s16, $0xb8;
	[tilespmem:$0x1D8C0] =	vst v63  }
0x13b: {  	_ =	swait.ge [sflag:s7], $0x4000  }
0x13c: {  	[sflag:s7] =	ssyncset.done $0x0  }
0x13d: {  	s28 =	sadd.s32 $0x139C0, s19;
	[sflag:s7] =	ssyncadd.s32 $0xFFFFC000  }
0x13e: {  	[tilespmem:s6], [sflag:$0x1] =	stream.indirect.gather [hbm4b:s17+s16], $0x80, s28, s16, $0xb8;
	[tilespmem:$0x1D8C0] =	vst v63  }
0x13f: {  	_ =	swait.ge [sflag:s11], $0x4000  }
0x140: {  	[sflag:s11] =	ssyncset.done $0x0  }
0x141: {  	s21 =	sadd.s32 $0x14940, s19;
	[sflag:s11] =	ssyncadd.s32 $0xFFFFC000  }
0x142: {  	[spmem:s18] =	stream.indirect.scatter.add.f32 [tilespmem:s0], [sflag:$0x3], $0x80, s21, s16, $0xb8;
	[tilespmem:$0x1D8C0] =	vst v63  }
0x143: {  	_ =	swait.ge [sflag:s7], $0x4000  }
0x144: {  	[sflag:s7] =	ssyncset.done $0x0  }
0x145: {  	[sflag:s7] =	ssyncadd.s32 $0xFFFFC000  }
0x146: {  	[tilespmem:s0], [sflag:$0x2] =	stream.indirect.gather [hbm4b:s17+s16], $0x80, s12, s16, $0xb8;
	[tilespmem:$0x1D8C0] =	vst v63  }
0x147: {  	_ =	swait.ge [sflag:s10], $0x4000  }
0x148: {  	[sflag:s10] =	ssyncset.done $0x0  }
0x149: {  	[sflag:s10] =	ssyncadd.s32 $0xFFFFC000  }
0x14a: {  	[spmem:s18] =	stream.indirect.scatter.add.f32 [tilespmem:s6], [sflag:$0x3], $0x80, s13, s16, $0xb8;
	[tilespmem:$0x1D8C0] =	vst v63  }
0x14b: {  	_ =	swait.ge [sflag:s7], $0x4000  }
0x14c: {  	[sflag:s7] =	ssyncset.done $0x0  }
0x14d: {  	[sflag:s7] =	ssyncadd.s32 $0xFFFFC000  }
0x14e: {  	_ =	swait.ge [sflag:s11], $0x4000  }
0x14f: {  	[sflag:s11] =	ssyncset.done $0x0  }
0x150: {  	[sflag:s11] =	ssyncadd.s32 $0xFFFFC000  }
0x151: {  	[spmem:s18] =	stream.indirect.scatter.add.f32 [tilespmem:s0], [sflag:$0x3], $0x80, s14, s16, $0xb8;
	[tilespmem:$0x1D8C0] =	vst v63  }
0x152: {  	_ =	swait.ge [sflag:s7], $0x4000  }
0x153: {  	[sflag:s7] =	ssyncset.done $0x0  }
0x154: {  	s23 =	simm.s32 $0x0;
	s25 =	rddreg [dreg:$0x8];
	[sflag:s7] =	ssyncadd.s32 $0xFFFFC000  }
0x155: {  	[tilespmem:s8], [sflag:$0x3] =	stream.linear.gather [hbm4b:s25+s23], $0x1000, $0x38;
	[tilespmem:$0x1D8C0] =	vst v63  }
0x156: {  	_ =	swait.ge [sflag:s7], $0x1000  }
0x157: {  	[sflag:s7] =	ssyncset.done $0x0  }
0x158: {  	s28 =	rddreg [dreg:$0x9];
	[sflag:s7] =	ssyncadd.s32 $0xFFFFF000  }
0x159: {  	[tilespmem:s9], [sflag:$0x3] =	stream.linear.gather [hbm4b:s28+s23], $0x1000, $0x38;
	[tilespmem:$0x1D8C0] =	vst v63  }
0x15a: {  	_ =	swait.ge [sflag:s7], $0x1000  }
0x15b: {  	[sflag:s7] =	ssyncset.done $0x0  }
0x15c: {  	[sflag:s7] =	ssyncadd.s32 $0xFFFFF000  }
0x15d: {  	[tilespmem:s6], [sflag:$0x1] =	stream.indirect.gather [hbm4b:s17+s16], $0x80, s8, s16, $0xb8;
	[tilespmem:$0x1D8C0] =	vst v63  }
0x15e: {  	s21 =	simm.s32 $0x13940  }
0x15f: {  	[tilespmem:s0], [sflag:$0x2] =	stream.indirect.gather [hbm4b:s17+s16], $0x80, s21, s16, $0xb8;
	[tilespmem:$0x1D8C0] =	vst v63  }
0x160: {  	_ =	swait.ge [sflag:s10], $0x4000  }
0x161: {  	[sflag:s10] =	ssyncset.done $0x0  }
0x162: {  	s23 =	simm.s32 $0x148C0;
	[sflag:s10] =	ssyncadd.s32 $0xFFFFC000  }
0x163: {  	[spmem:s18] =	stream.indirect.scatter.add.f32 [tilespmem:s6], [sflag:$0x3], $0x80, s23, s16, $0xb8;
	[tilespmem:$0x1D8C0] =	vst v63  }
0x164: {  	_ =	swait.ge [sflag:s7], $0x4000  }
0x165: {  	[sflag:s7] =	ssyncset.done $0x0  }
0x166: {  	s25 =	simm.s32 $0x139C0;
	[sflag:s7] =	ssyncadd.s32 $0xFFFFC000  }
0x167: {  	[tilespmem:s6], [sflag:$0x1] =	stream.indirect.gather [hbm4b:s17+s16], $0x80, s25, s16, $0xb8;
	[tilespmem:$0x1D8C0] =	vst v63  }
0x168: {  	_ =	swait.ge [sflag:s11], $0x4000  }
0x169: {  	[sflag:s11] =	ssyncset.done $0x0  }
0x16a: {  	s28 =	simm.s32 $0x14940;
	[sflag:s11] =	ssyncadd.s32 $0xFFFFC000  }
0x16b: {  	[spmem:s18] =	stream.indirect.scatter.add.f32 [tilespmem:s0], [sflag:$0x3], $0x80, s28, s16, $0xb8;
	[tilespmem:$0x1D8C0] =	vst v63  }
0x16c: {  	_ =	swait.ge [sflag:s7], $0x4000  }
0x16d: {  	s19 =	simm.s32 $0x100;
	s21 =	simm.s32 $0x800;
	[sflag:s7] =	ssyncset.done $0x0  }
.LBB2_7:
0x16e: {  	s23 =	sadd.s32 $0x13940, s19  }
0x16f: {  	[sflag:s7] =	ssyncadd.s32 $0xFFFFC000;
	s25 =	smov.u32 s21;
	s28 =	sadd.s32 $0x400, s21  }
0x170: {  	[tilespmem:s0], [sflag:$0x2] =	stream.indirect.gather [hbm4b:s17+s16], $0x80, s23, s16, $0xb8;
	[tilespmem:$0x1D8C0] =	vst v63  }
0x171: {  	p2 =	sne.s32 s21, $0x3800;
	_ =	swait.ge [sflag:s10], $0x4000  }
0x172: {  	[sflag:s10] =	ssyncset.done $0x0  }
0x173: {  	s21 =	sadd.s32 $0x148C0, s19;
	[sflag:s10] =	ssyncadd.s32 $0xFFFFC000  }
0x174: {  	[spmem:s18] =	stream.indirect.scatter.add.f32 [tilespmem:s6], [sflag:$0x3], $0x80, s21, s16, $0xb8;
	[tilespmem:$0x1D8C0] =	vst v63  }
0x175: {  	_ =	swait.ge [sflag:s7], $0x4000  }
0x176: {  	[sflag:s7] =	ssyncset.done $0x0  }
0x177: {  	s21 =	sadd.s32 $0x139C0, s19;
	[sflag:s7] =	ssyncadd.s32 $0xFFFFC000  }
0x178: {  	[tilespmem:s6], [sflag:$0x1] =	stream.indirect.gather [hbm4b:s17+s16], $0x80, s21, s16, $0xb8;
	[tilespmem:$0x1D8C0] =	vst v63  }
0x179: {  	_ =	swait.ge [sflag:s11], $0x4000  }
.Ltmp5:
0x17a: {  	[sflag:s11] =	ssyncset.done $0x0;
	(pc) =	sbr.rel @p2 .LBB2_7-.Ltmp5, $4  }
0x17b: {  	s19 =	sadd.s32 $0x14940, s19;
	[sflag:s11] =	ssyncadd.s32 $0xFFFFC000  }
0x17c: {  	[spmem:s18] =	stream.indirect.scatter.add.f32 [tilespmem:s0], [sflag:$0x3], $0x80, s19, s16, $0xb8;
	[tilespmem:$0x1D8C0] =	vst v63  }
0x17d: {  	_ =	swait.ge [sflag:s7], $0x4000  }
0x17e: {  	s21 =	smov.u32 s28;
	s19 =	sshra.s32 s25, $0x2;
	[sflag:s7] =	ssyncset.done $0x0  }
0x17f: {  	s21 =	sadd.s32 $0x13940, s19;
	[sflag:s7] =	ssyncadd.s32 $0xFFFFC000  }
0x180: {  	[tilespmem:s0], [sflag:$0x2] =	stream.indirect.gather [hbm4b:s17+s16], $0x80, s21, s16, $0xb8;
	[tilespmem:$0x1D8C0] =	vst v63  }
0x181: {  	_ =	swait.ge [sflag:s10], $0x4000  }
0x182: {  	[sflag:s10] =	ssyncset.done $0x0  }
0x183: {  	s25 =	sadd.s32 $0x148C0, s19;
	[sflag:s10] =	ssyncadd.s32 $0xFFFFC000  }
0x184: {  	[spmem:s18] =	stream.indirect.scatter.add.f32 [tilespmem:s6], [sflag:$0x3], $0x80, s25, s16, $0xb8;
	[tilespmem:$0x1D8C0] =	vst v63  }
0x185: {  	_ =	swait.ge [sflag:s7], $0x4000  }
0x186: {  	[sflag:s7] =	ssyncset.done $0x0  }
0x187: {  	s28 =	sadd.s32 $0x139C0, s19;
	[sflag:s7] =	ssyncadd.s32 $0xFFFFC000  }
0x188: {  	[tilespmem:s6], [sflag:$0x1] =	stream.indirect.gather [hbm4b:s17+s16], $0x80, s28, s16, $0xb8;
	[tilespmem:$0x1D8C0] =	vst v63  }
0x189: {  	_ =	swait.ge [sflag:s11], $0x4000  }
0x18a: {  	[sflag:s11] =	ssyncset.done $0x0  }
0x18b: {  	s21 =	sadd.s32 $0x14940, s19;
	[sflag:s11] =	ssyncadd.s32 $0xFFFFC000  }
0x18c: {  	[spmem:s18] =	stream.indirect.scatter.add.f32 [tilespmem:s0], [sflag:$0x3], $0x80, s21, s16, $0xb8;
	[tilespmem:$0x1D8C0] =	vst v63  }
0x18d: {  	_ =	swait.ge [sflag:s7], $0x4000  }
0x18e: {  	[sflag:s7] =	ssyncset.done $0x0  }
0x18f: {  	[sflag:s7] =	ssyncadd.s32 $0xFFFFC000  }
0x190: {  	[tilespmem:s0], [sflag:$0x2] =	stream.indirect.gather [hbm4b:s17+s16], $0x80, s12, s16, $0xb8;
	[tilespmem:$0x1D8C0] =	vst v63  }
0x191: {  	_ =	swait.ge [sflag:s10], $0x4000  }
0x192: {  	[sflag:s10] =	ssyncset.done $0x0  }
0x193: {  	[sflag:s10] =	ssyncadd.s32 $0xFFFFC000  }
0x194: {  	[spmem:s18] =	stream.indirect.scatter.add.f32 [tilespmem:s6], [sflag:$0x3], $0x80, s13, s16, $0xb8;
	[tilespmem:$0x1D8C0] =	vst v63  }
0x195: {  	_ =	swait.ge [sflag:s7], $0x4000  }
0x196: {  	[sflag:s7] =	ssyncset.done $0x0  }
0x197: {  	[sflag:s7] =	ssyncadd.s32 $0xFFFFC000  }
0x198: {  	_ =	swait.ge [sflag:s11], $0x4000  }
0x199: {  	[sflag:s11] =	ssyncset.done $0x0  }
0x19a: {  	[sflag:s11] =	ssyncadd.s32 $0xFFFFC000  }
0x19b: {  	[spmem:s18] =	stream.indirect.scatter.add.f32 [tilespmem:s0], [sflag:$0x3], $0x80, s14, s16, $0xb8;
	[tilespmem:$0x1D8C0] =	vst v63  }
0x19c: {  	_ =	swait.ge [sflag:s7], $0x4000  }
0x19d: {  	[sflag:s7] =	ssyncset.done $0x0  }
0x19e: {  	s23 =	simm.s32 $0x0;
	s25 =	rddreg [dreg:$0xa];
	[sflag:s7] =	ssyncadd.s32 $0xFFFFC000  }
0x19f: {  	[tilespmem:s8], [sflag:$0x3] =	stream.linear.gather [hbm4b:s25+s23], $0x1000, $0x38;
	[tilespmem:$0x1D8C0] =	vst v63  }
0x1a0: {  	_ =	swait.ge [sflag:s7], $0x1000  }
0x1a1: {  	[sflag:s7] =	ssyncset.done $0x0  }
0x1a2: {  	s28 =	rddreg [dreg:$0xb];
	[sflag:s7] =	ssyncadd.s32 $0xFFFFF000  }
0x1a3: {  	[tilespmem:s9], [sflag:$0x3] =	stream.linear.gather [hbm4b:s28+s23], $0x1000, $0x38;
	[tilespmem:$0x1D8C0] =	vst v63  }
0x1a4: {  	_ =	swait.ge [sflag:s7], $0x1000  }
0x1a5: {  	[sflag:s7] =	ssyncset.done $0x0  }
0x1a6: {  	[sflag:s7] =	ssyncadd.s32 $0xFFFFF000  }
0x1a7: {  	[tilespmem:s6], [sflag:$0x1] =	stream.indirect.gather [hbm4b:s17+s16], $0x80, s8, s16, $0xb8;
	[tilespmem:$0x1D8C0] =	vst v63  }
0x1a8: {  	s21 =	simm.s32 $0x13940  }
0x1a9: {  	[tilespmem:s0], [sflag:$0x2] =	stream.indirect.gather [hbm4b:s17+s16], $0x80, s21, s16, $0xb8;
	[tilespmem:$0x1D8C0] =	vst v63  }
0x1aa: {  	_ =	swait.ge [sflag:s10], $0x4000  }
0x1ab: {  	[sflag:s10] =	ssyncset.done $0x0  }
0x1ac: {  	s23 =	simm.s32 $0x148C0;
	[sflag:s10] =	ssyncadd.s32 $0xFFFFC000  }
0x1ad: {  	[spmem:s18] =	stream.indirect.scatter.add.f32 [tilespmem:s6], [sflag:$0x3], $0x80, s23, s16, $0xb8;
	[tilespmem:$0x1D8C0] =	vst v63  }
0x1ae: {  	_ =	swait.ge [sflag:s7], $0x4000  }
0x1af: {  	[sflag:s7] =	ssyncset.done $0x0  }
0x1b0: {  	s25 =	simm.s32 $0x139C0;
	[sflag:s7] =	ssyncadd.s32 $0xFFFFC000  }
0x1b1: {  	[tilespmem:s6], [sflag:$0x1] =	stream.indirect.gather [hbm4b:s17+s16], $0x80, s25, s16, $0xb8;
	[tilespmem:$0x1D8C0] =	vst v63  }
0x1b2: {  	_ =	swait.ge [sflag:s11], $0x4000  }
0x1b3: {  	[sflag:s11] =	ssyncset.done $0x0  }
0x1b4: {  	s28 =	simm.s32 $0x14940;
	[sflag:s11] =	ssyncadd.s32 $0xFFFFC000  }
0x1b5: {  	[spmem:s18] =	stream.indirect.scatter.add.f32 [tilespmem:s0], [sflag:$0x3], $0x80, s28, s16, $0xb8;
	[tilespmem:$0x1D8C0] =	vst v63  }
0x1b6: {  	_ =	swait.ge [sflag:s7], $0x4000  }
0x1b7: {  	s19 =	simm.s32 $0x100;
	s21 =	simm.s32 $0x800;
	[sflag:s7] =	ssyncset.done $0x0  }
.LBB2_9:
0x1b8: {  	s23 =	sadd.s32 $0x13940, s19  }
0x1b9: {  	[sflag:s7] =	ssyncadd.s32 $0xFFFFC000;
	s25 =	smov.u32 s21;
	s28 =	sadd.s32 $0x400, s21  }
0x1ba: {  	[tilespmem:s0], [sflag:$0x2] =	stream.indirect.gather [hbm4b:s17+s16], $0x80, s23, s16, $0xb8;
	[tilespmem:$0x1D8C0] =	vst v63  }
0x1bb: {  	p2 =	seq.s32 s21, $0x3800;
	_ =	swait.ge [sflag:s10], $0x4000  }
0x1bc: {  	[sflag:s10] =	ssyncset.done $0x0  }
0x1bd: {  	s21 =	sadd.s32 $0x148C0, s19;
	[sflag:s10] =	ssyncadd.s32 $0xFFFFC000  }
0x1be: {  	[spmem:s18] =	stream.indirect.scatter.add.f32 [tilespmem:s6], [sflag:$0x3], $0x80, s21, s16, $0xb8;
	[tilespmem:$0x1D8C0] =	vst v63  }
0x1bf: {  	_ =	swait.ge [sflag:s7], $0x4000  }
0x1c0: {  	[sflag:s7] =	ssyncset.done $0x0  }
0x1c1: {  	s21 =	sadd.s32 $0x139C0, s19;
	[sflag:s7] =	ssyncadd.s32 $0xFFFFC000  }
0x1c2: {  	[tilespmem:s6], [sflag:$0x1] =	stream.indirect.gather [hbm4b:s17+s16], $0x80, s21, s16, $0xb8;
	[tilespmem:$0x1D8C0] =	vst v63  }
0x1c3: {  	_ =	swait.ge [sflag:s11], $0x4000  }
.Ltmp6:
0x1c4: {  	[sflag:s11] =	ssyncset.done $0x0;
	(pc) =	sbr.rel @!p2 .LBB2_9-.Ltmp6, $4  }
0x1c5: {  	s19 =	sadd.s32 $0x14940, s19;
	[sflag:s11] =	ssyncadd.s32 $0xFFFFC000  }
0x1c6: {  	[spmem:s18] =	stream.indirect.scatter.add.f32 [tilespmem:s0], [sflag:$0x3], $0x80, s19, s16, $0xb8;
	[tilespmem:$0x1D8C0] =	vst v63  }
0x1c7: {  	_ =	swait.ge [sflag:s7], $0x4000  }
0x1c8: {  	s21 =	smov.u32 s28;
	s19 =	sshra.s32 s25, $0x2;
	[sflag:s7] =	ssyncset.done $0x0  }
0x1c9: {  	s21 =	sadd.s32 $0x13940, s19;
	[sflag:s7] =	ssyncadd.s32 $0xFFFFC000  }
0x1ca: {  	[tilespmem:s0], [sflag:$0x2] =	stream.indirect.gather [hbm4b:s17+s16], $0x80, s21, s16, $0xb8;
	[tilespmem:$0x1D8C0] =	vst v63  }
0x1cb: {  	_ =	swait.ge [sflag:s10], $0x4000  }
0x1cc: {  	[sflag:s10] =	ssyncset.done $0x0  }
0x1cd: {  	s23 =	sadd.s32 $0x148C0, s19;
	[sflag:s10] =	ssyncadd.s32 $0xFFFFC000  }
0x1ce: {  	[spmem:s18] =	stream.indirect.scatter.add.f32 [tilespmem:s6], [sflag:$0x3], $0x80, s23, s16, $0xb8;
	[tilespmem:$0x1D8C0] =	vst v63  }
0x1cf: {  	_ =	swait.ge [sflag:s7], $0x4000  }
0x1d0: {  	[sflag:s7] =	ssyncset.done $0x0  }
0x1d1: {  	s25 =	sadd.s32 $0x139C0, s19;
	[sflag:s7] =	ssyncadd.s32 $0xFFFFC000  }
0x1d2: {  	[tilespmem:s6], [sflag:$0x1] =	stream.indirect.gather [hbm4b:s17+s16], $0x80, s25, s16, $0xb8;
	[tilespmem:$0x1D8C0] =	vst v63  }
0x1d3: {  	_ =	swait.ge [sflag:s11], $0x4000  }
0x1d4: {  	[sflag:s11] =	ssyncset.done $0x0  }
.Ltmp7:
0x1d5: {  	s28 =	sadd.s32 $0x14940, s19;
	[sflag:s11] =	ssyncadd.s32 $0xFFFFC000;
	(pc) =	sbr.rel .LBB2_14-.Ltmp7, $4  }
0x1d6: {  	[spmem:s18] =	stream.indirect.scatter.add.f32 [tilespmem:s0], [sflag:$0x3], $0x80, s28, s16, $0xb8;
	[tilespmem:$0x1D8C0] =	vst v63  }
0x1d7: {  	_ =	swait.ge [sflag:s7], $0x4000  }
0x1d8: {  	[sflag:s7] =	ssyncset.done $0x0  }
0x1d9: {  	[sflag:s7] =	ssyncadd.s32 $0xFFFFC000  }
.LBB2_11:
0x1da: {  	s21 =	rddreg [dreg:$0x17]  }
0x1db: {  	[tilespmem:s8], [sflag:$0x3] =	stream.linear.gather [hbm4b:s21+s19], $0x1000, $0x38;
	[tilespmem:$0x1D8C0] =	vst v63  }
0x1dc: {  	_ =	swait.ge [sflag:s7], $0x1000  }
0x1dd: {  	[sflag:s7] =	ssyncset.done $0x0  }
0x1de: {  	s28 =	rddreg [dreg:$0x18];
	[sflag:s7] =	ssyncadd.s32 $0xFFFFF000  }
0x1df: {  	[tilespmem:s9], [sflag:$0x3] =	stream.linear.gather [hbm4b:s28+s19], $0x1000, $0x38;
	[tilespmem:$0x1D8C0] =	vst v63  }
0x1e0: {  	_ =	swait.ge [sflag:s7], $0x1000  }
0x1e1: {  	[sflag:s7] =	ssyncset.done $0x0  }
0x1e2: {  	[sflag:s7] =	ssyncadd.s32 $0xFFFFF000  }
0x1e3: {  	[tilespmem:s6], [sflag:$0x1] =	stream.indirect.gather [hbm4b:s17+s16], $0x80, s8, s16, $0xb8;
	[tilespmem:$0x1D8C0] =	vst v63  }
0x1e4: {  	s21 =	simm.s32 $0x13940  }
0x1e5: {  	[tilespmem:s0], [sflag:$0x2] =	stream.indirect.gather [hbm4b:s17+s16], $0x80, s21, s16, $0xb8;
	[tilespmem:$0x1D8C0] =	vst v63  }
0x1e6: {  	_ =	swait.ge [sflag:s10], $0x4000  }
0x1e7: {  	[sflag:s10] =	ssyncset.done $0x0  }
0x1e8: {  	s23 =	simm.s32 $0x148C0;
	[sflag:s10] =	ssyncadd.s32 $0xFFFFC000  }
0x1e9: {  	[spmem:s18] =	stream.indirect.scatter.add.f32 [tilespmem:s6], [sflag:$0x3], $0x80, s23, s16, $0xb8;
	[tilespmem:$0x1D8C0] =	vst v63  }
0x1ea: {  	_ =	swait.ge [sflag:s7], $0x4000  }
0x1eb: {  	[sflag:s7] =	ssyncset.done $0x0  }
0x1ec: {  	s25 =	simm.s32 $0x139C0;
	[sflag:s7] =	ssyncadd.s32 $0xFFFFC000  }
0x1ed: {  	[tilespmem:s6], [sflag:$0x1] =	stream.indirect.gather [hbm4b:s17+s16], $0x80, s25, s16, $0xb8;
	[tilespmem:$0x1D8C0] =	vst v63  }
0x1ee: {  	_ =	swait.ge [sflag:s11], $0x4000  }
0x1ef: {  	[sflag:s11] =	ssyncset.done $0x0  }
0x1f0: {  	s28 =	simm.s32 $0x14940;
	[sflag:s11] =	ssyncadd.s32 $0xFFFFC000  }
0x1f1: {  	[spmem:s18] =	stream.indirect.scatter.add.f32 [tilespmem:s0], [sflag:$0x3], $0x80, s28, s16, $0xb8;
	[tilespmem:$0x1D8C0] =	vst v63  }
0x1f2: {  	_ =	swait.ge [sflag:s7], $0x4000  }
0x1f3: {  	s19 =	simm.s32 $0x100;
	s21 =	simm.s32 $0x800;
	[sflag:s7] =	ssyncset.done $0x0  }
.LBB2_12:
0x1f4: {  	s23 =	sadd.s32 $0x13940, s19  }
0x1f5: {  	[sflag:s7] =	ssyncadd.s32 $0xFFFFC000;
	s25 =	smov.u32 s21;
	s28 =	sadd.s32 $0x400, s21  }
0x1f6: {  	[tilespmem:s0], [sflag:$0x2] =	stream.indirect.gather [hbm4b:s17+s16], $0x80, s23, s16, $0xb8;
	[tilespmem:$0x1D8C0] =	vst v63  }
0x1f7: {  	p2 =	sne.s32 s21, $0x3800;
	_ =	swait.ge [sflag:s10], $0x4000  }
0x1f8: {  	[sflag:s10] =	ssyncset.done $0x0  }
0x1f9: {  	s21 =	sadd.s32 $0x148C0, s19;
	[sflag:s10] =	ssyncadd.s32 $0xFFFFC000  }
0x1fa: {  	[spmem:s18] =	stream.indirect.scatter.add.f32 [tilespmem:s6], [sflag:$0x3], $0x80, s21, s16, $0xb8;
	[tilespmem:$0x1D8C0] =	vst v63  }
0x1fb: {  	_ =	swait.ge [sflag:s7], $0x4000  }
0x1fc: {  	[sflag:s7] =	ssyncset.done $0x0  }
0x1fd: {  	s21 =	sadd.s32 $0x139C0, s19;
	[sflag:s7] =	ssyncadd.s32 $0xFFFFC000  }
0x1fe: {  	[tilespmem:s6], [sflag:$0x1] =	stream.indirect.gather [hbm4b:s17+s16], $0x80, s21, s16, $0xb8;
	[tilespmem:$0x1D8C0] =	vst v63  }
0x1ff: {  	_ =	swait.ge [sflag:s11], $0x4000  }
.Ltmp8:
0x200: {  	[sflag:s11] =	ssyncset.done $0x0;
	(pc) =	sbr.rel @p2 .LBB2_12-.Ltmp8, $4  }
0x201: {  	s19 =	sadd.s32 $0x14940, s19;
	[sflag:s11] =	ssyncadd.s32 $0xFFFFC000  }
0x202: {  	[spmem:s18] =	stream.indirect.scatter.add.f32 [tilespmem:s0], [sflag:$0x3], $0x80, s19, s16, $0xb8;
	[tilespmem:$0x1D8C0] =	vst v63  }
0x203: {  	_ =	swait.ge [sflag:s7], $0x4000  }
0x204: {  	s21 =	smov.u32 s28;
	s19 =	sshra.s32 s25, $0x2;
	[sflag:s7] =	ssyncset.done $0x0  }
.Ltmp9:
0x205: {  	_ = 	snop;
	(pc) =	sbr.rel .LBB2_13-.Ltmp9, $1  }
0x206: {  	_ =	sdelay $0x3  }
.LBB2_15:
0x207: {  	_ =	sfence.sel $0x180000  }
0x208: {  	[bflag:$0x0] =	sbarrier.arrive $0xFFFF  }
0x209: {  	_ =	strace $0x9000004A  }
0x20a: {  	s0 =	stileid.u32;
	[bflag:$0x2] =	sbarrier.arrive $0xFFFF  }
0x20b: {  	p0 =	sne.s32 s0, $0x0;
	s0 =	rddreg [dreg:$0x3]  }
0x20c: {  	s0 =	sadd.s32 @!p0 $0x100000, s0  }
0x20d: {  	[sflag:s0] =	ssyncadd.tile.s32 @!p0 $0x1;
	_ =	shalt  }
.Lfunc_end2:
_tile_overlayer_lowered:
.L_overlay_start_2:
0x20e: {  	(tag) =	ssettag $0x2  }
0x20f: {  	s0 =	rddreg [dreg:$0x0];
	s2 =	stileid.u32  }
0x210: {  	s1 =	rddreg [dreg:$0x1];
	p0 =	sne.s32 s2, $0x0  }
0x211: {  	s3 =	rddreg [dreg:$0x2];
	[bflag:$0x3] =	sbarrier.arrive $0xFFFF;
	s2 =	simm.s32 @!p0 $0x1C03  }
0x212: {  	[timem:s3], [sflag:s2] =	dma.local @!p0 [hbm:s0], s1  }
0x213: {  	s0 =	simm.s32 @!p0 $0x3  }
0x214: {  	_ =	swait.ge @!p0 [sflag:s0], s1  }
0x215: {  	s1 =	ssub.s32 @!p0 $0x0, s1;
	[sflag:s0] =	ssyncset.done @!p0 $0x0  }
0x216: {  	[sflag:s0] =	ssyncadd.s32 @!p0 s1  }
0x217: {  	[bflag:$0x3] =	sbarrier.arrive $0xFFFF  }
0x218: {  	_ =	shalt  }

// kernel: kernel.14.cloned.1.call-start
scs
__scs_entry_jumppad:
0x0: {  	(pc) =	sbr.rel $0x88, $3  }
0x1: {  	(tag) =	ssettag $0x0;
	lr =	simm.s32 $0x1  }
0x2: {  	[smem:$0x3F99] =	sst lr;
	_ =	strace $0xD0000000  }
0x3: {  	_ = 	snop  }
0x4: {  	_ = 	snop  }
0x5: {  	_ = 	snop  }
0x6: {  	_ = 	snop  }
0x7: {  	_ = 	snop  }
__scs_overlays_trampoline_lowered:
0x8: {  	[smem:$0x3FA8] =	sst s0  }
0x9: {  	[smem:$0x3FA9] =	sst s1  }
0xa: {  	[smem:$0x3FAA] =	sst s2  }
0xb: {  	[smem:$0x3FAB] =	sst s3  }
0xc: {  	[smem:$0x3FAC] =	sst s4  }
0xd: {  	[smem:$0x3FAD] =	sst s5  }
0xe: {  	[smem:$0x3FAE] =	sst s6  }
0xf: {  	[smem:$0x3FAF] =	sst s7  }
0x10: {  	[smem:$0x3FB0] =	sst s8  }
0x11: {  	[smem:$0x3FB1] =	sst s9;
	s0 =	simm.s32 @!p0 $0x0  }
0x12: {  	s1 =	sld [smem:$0x3F97];
	s0 =	simm.s32 @p0 $0x1  }
0x13: {  	[smem:$0x3FB2] =	sst s0;
	s0 =	simm.s32 @!p1 $0x0  }
0x14: {  	s2 =	sld [smem:$0x3F96];
	s0 =	simm.s32 @p1 $0x1  }
0x15: {  	[smem:$0x3FB3] =	sst s0;
	s0 =	simm.s32 @!p2 $0x0  }
0x16: {  	s3 =	sld [smem:$0x3FDB];
	s0 =	simm.s32 @p2 $0x1  }
0x17: {  	s4 =	simm.s32 $0x1BF5;
	[smem:$0x3FB5] =	sst s0  }
0x18: {  	s0 =	sld [smem:$0x3F98];
	_ =	swait.ge [sflag:s4], $0x0  }
0x19: {  	s7 =	sld [smem:$0x3F99]  }
0x1a: {  	s8 =	sadd.s32 $0xFFFFE003, lr  }
0x1b: {  	s9 =	sadd.s32 $0xFFFFFEF7, lr;
	s5 =	simm.s32 $0xFFFFFFFF;
	p2 =	slt.u32 s8, $0xFFFFF086  }
0x1c: {  	p1 =	slt.u32 s9, $0xF7A;
	s5 =	simm.s32 @!p2 $0x0  }
0x1d: {  	s5 =	simm.s32 @p1 $0x1;
	p0 =	seq.s32 s7, s2  }
0x1e: {  	s7 =	smul.u32 @!p0 $0xF7A, s2;
	p2 =	seq.s32 @!p0 s5, $0x0  }
0x1f: {  	s9 =	smul.u32 $0xF7A, s1;
	s8 =	simm.s32 @!p0 $0x1BF5;
	p2 =	por !p2, p0  }
0x20: {  	[sflag:s8] =	ssyncset.s32 @!p0 $0xFFFFF086;
	s6 =	sadd.s32 @!p0 s3, s7;
	s7 =	simm.s32 @!p0 $0x108  }
0x21: {  	s3 =	sadd.s32 s3, s9;
	s6 =	sadd.s32 @!p0 $0x88, s6;
	s7 =	simm.s32 @p2 $0x1082  }
0x22: {  	[simem:s7], [sflag:s8] =	dma.local @!p0 [hbm:s6], $0xF7A  }
0x23: {  	s9 =	sor.u32 $0xD0000000, s2;
	s6 =	simm.s32 $0x108;
	_ =	swait.ge @!p0 [sflag:s8], $0x0  }
0x24: {  	s3 =	sadd.s32 $0x88, s3;
	s6 =	simm.s32 @!p1 $0x1082;
	[sflag:s4] =	ssyncset.s32 $0xFFFFF086  }
0x25: {  	[simem:s6], [sflag:s4] =	dma.local [hbm:s3], $0xF7A  }
0x26: {  	[smem:$0x3F99] =	sst s1;
	(tag) =	ssettag s2;
	_ =	strace s9  }
0x27: {  	s1 =	sld [smem:$0x3FA9]  }
0x28: {  	s2 =	sld [smem:$0x3FAA]  }
0x29: {  	s4 =	sld [smem:$0x3FAC]  }
0x2a: {  	p0 =	seq.s32 s5, $0x0;
	s5 =	sld [smem:$0x3FAD]  }
0x2b: {  	s6 =	sld [smem:$0x3FAE]  }
0x2c: {  	s7 =	sld [smem:$0x3FAF]  }
0x2d: {  	s3 =	simm.s32 $0x108;
	s8 =	sld [smem:$0x3FB0]  }
0x2e: {  	s3 =	simm.s32 @!p0 $0x1082;
	s9 =	sld [smem:$0x3FB1]  }
0x2f: {  	lr =	sadd.s32 s0, s3;
	s0 =	sld [smem:$0x3FA8]  }
0x30: {  	s3 =	sld [smem:$0x3FAB]  }
0x31: {  	[smem:$0x3FB4] =	sst s10  }
0x32: {  	s10 =	sld [smem:$0x3FB2];
	_ =	sdelay $0x3  }
0x33: {  	p0 =	seq.s32 s10, $0x1;
	s10 =	sld [smem:$0x3FB4];
	_ =	sdelay $0x3  }
0x34: {  	[smem:$0x3FB4] =	sst s10  }
0x35: {  	s10 =	sld [smem:$0x3FB3];
	_ =	sdelay $0x3  }
0x36: {  	p1 =	seq.s32 s10, $0x1;
	s10 =	sld [smem:$0x3FB4];
	_ =	sdelay $0x3  }
0x37: {  	[smem:$0x3FB4] =	sst s10  }
0x38: {  	s10 =	sld [smem:$0x3FB5]  }
0x39: {  	_ = 	snop;
	(pc) =	sbr.ind lr, $3  }
0x3a: {  	_ = 	snop  }
0x3b: {  	_ = 	snop  }
0x3c: {  	p2 =	seq.s32 s10, $0x1;
	s10 =	sld [smem:$0x3FB4]  }
0x3d: {  	_ =	shalt  }
0x3e: {  	_ =	shalt  }
0x3f: {  	_ =	shalt  }
0x40: {  	_ =	shalt  }
0x41: {  	_ =	shalt  }
0x42: {  	_ =	shalt  }
0x43: {  	_ =	shalt  }
0x44: {  	_ =	shalt  }
0x45: {  	_ =	shalt  }
0x46: {  	_ =	shalt  }
0x47: {  	_ =	shalt  }
0x48: {  	_ =	shalt  }
0x49: {  	_ =	shalt  }
0x4a: {  	_ =	shalt  }
0x4b: {  	_ =	shalt  }
0x4c: {  	_ =	shalt  }
0x4d: {  	_ =	shalt  }
0x4e: {  	_ =	shalt  }
0x4f: {  	_ =	shalt  }
0x50: {  	_ =	shalt  }
0x51: {  	_ =	shalt  }
0x52: {  	_ =	shalt  }
0x53: {  	_ =	shalt  }
0x54: {  	_ =	shalt  }
0x55: {  	_ =	shalt  }
0x56: {  	_ =	shalt  }
0x57: {  	_ =	shalt  }
0x58: {  	_ =	shalt  }
0x59: {  	_ =	shalt  }
0x5a: {  	_ =	shalt  }
0x5b: {  	_ =	shalt  }
0x5c: {  	_ =	shalt  }
0x5d: {  	_ =	shalt  }
0x5e: {  	_ =	shalt  }
0x5f: {  	_ =	shalt  }
0x60: {  	_ =	shalt  }
0x61: {  	_ =	shalt  }
0x62: {  	_ =	shalt  }
0x63: {  	_ =	shalt  }
0x64: {  	_ =	shalt  }
0x65: {  	_ =	shalt  }
0x66: {  	_ =	shalt  }
0x67: {  	_ =	shalt  }
0x68: {  	_ =	shalt  }
0x69: {  	_ =	shalt  }
0x6a: {  	_ =	shalt  }
0x6b: {  	_ =	shalt  }
0x6c: {  	_ =	shalt  }
0x6d: {  	_ =	shalt  }
0x6e: {  	_ =	shalt  }
0x6f: {  	_ =	shalt  }
0x70: {  	_ =	shalt  }
0x71: {  	_ =	shalt  }
0x72: {  	_ =	shalt  }
0x73: {  	_ =	shalt  }
0x74: {  	_ =	shalt  }
0x75: {  	_ =	shalt  }
0x76: {  	_ =	shalt  }
0x77: {  	_ =	shalt  }
0x78: {  	_ =	shalt  }
0x79: {  	_ =	shalt  }
0x7a: {  	_ =	shalt  }
0x7b: {  	_ =	shalt  }
0x7c: {  	_ =	shalt  }
0x7d: {  	_ =	shalt  }
0x7e: {  	_ =	shalt  }
0x7f: {  	_ =	shalt  }
0x80: {  	_ =	shalt  }
0x81: {  	_ =	shalt  }
0x82: {  	_ =	shalt  }
0x83: {  	_ =	shalt  }
0x84: {  	_ =	shalt  }
0x85: {  	_ =	shalt  }
0x86: {  	_ =	shalt  }
0x87: {  	_ =	shalt  }
.Lfunc_end0:
.L_simem_size_0:
called_computation.2_lowered:
.L_overlay_start_0:
0x88: {  	s2 =	sld [smem:$0x3FD9]  }
0x89: {  	s3 =	sld [smem:$0x3FFE];
	_ =	sdelay $0x1  }
0x8a: {  	s1 =	srdreg.scid  }
0x8b: {  	s0 =	sand.u32 $0x1, s1  }
0x8c: {  	s17 =	sshll.u32 s0, $0xA;
	s2 =	sadd.s32 s3, s2  }
0x8d: {  	s2 =	sadd.s32 s2, s17  }
0x8e: {  	[smem:$0x3FC0] =	sst s2  }
0x8f: {  	_ = 	snop  }
0x90: {  	s2 =	sld [smem:$0x3FD0];
	(tm) =	ssettm $0x1  }
0x91: {  	s18 =	sld [smem:$0x3FFB];
	_ =	sdelay $0x3  }
0x92: {  	_ =	strace s18  }
0x93: {  	s3 =	sld [smem:$0x3FFC];
	_ =	sdelay $0x3  }
0x94: {  	_ =	strace s3  }
0x95: {  	s3 =	sld [smem:$0x3FFD];
	_ =	sdelay $0x3  }
0x96: {  	_ =	strace s3  }
0x97: {  	_ =	strace $0x8FFFFFFF  }
0x98: {  	s19 =	sld [smem:$0x3FDB];
	_ =	sdelay $0x1  }
0x99: {  	s4 =	simm.s32 $_scs_section_size  }
0x9a: {  	s5 =	simm.s32 $_size__tile_overlayer_lowered;
	s6 =	simm.s32 $_tile_overlayer_lowered  }
0x9b: {  	s22 =	simm.s32 $0x1BFF;
	s21 =	sshll.u32 s6, $0x1;
	s3 =	sadd.s32 s4, s19  }
0x9c: {  	s7 =	simm.s32 $0x0;
	s20 =	sshll.u32 s5, $0x1;
	s5 =	sadd.s32 s21, s3  }
0x9d: {  	[timem:s7], [sflag:s22] =	dma.local [hbm:s5], s20  }
0x9e: {  	_ =	swait.ge [sflag:s22], s20  }
0x9f: {  	s4 =	ssub.s32 $0x0, s20;
	[sflag:s22] =	ssyncset.done $0x0  }
0xa0: {  	[sflag:s22] =	ssyncadd.s32 s4;
	_ =	sdelay $0x1  }
0xa1: {  	s23 =	simm.s32 $0x1B8B  }
0xa2: {  	_ =	swait.ge [sflag:s23], $0x1  }
0xa3: {  	[sflag:s23] =	ssyncset.done $0x0  }
0xa4: {  	s25 =	simm.s32 $0x1B8E;
	s24 =	sld [smem:$0x3FFE];
	[sflag:s23] =	ssyncadd.s32 $0xFFFFFFFF  }
0xa5: {  	s26 =	simm.s32 $execute0_lowered;
	[smem:$0x3FD2] =	sst s25  }
0xa6: {  	s5 =	sshll.u32 s26, $0x1;
	_ =	strace $0x8000004C;
	[dreg:$0x1] =	wrdreg $0xFFFFFFFF  }
0xa7: {  	s28 =	simm.s32 $_size_execute0_lowered;
	s3 =	sadd.s32 s3, s5;
	[dreg:$0x0] =	wrdreg $0x0  }
0xa8: {  	s5 =	sshll.u32 s28, $0x1;
	[dreg:$0x2] =	wrdreg s3  }
0xa9: {  	[dreg:$0x3] =	wrdreg s5  }
0xaa: {  	[dreg:$0x4] =	wrdreg $0xC0  }
0xab: {  	_ =	task [dreg:s7], $0x5FFFF  }
0xac: {  	[dreg:$0x1] =	wrdreg $0xFFFFFFFF  }
0xad: {  	[dreg:$0x0] =	wrdreg $0x60  }
0xae: {  	[dreg:$0x2] =	wrdreg s2  }
0xaf: {  	[dreg:$0x3] =	wrdreg s24  }
0xb0: {  	[dreg:$0x4] =	wrdreg $0x0  }
0xb1: {  	[dreg:$0x5] =	wrdreg $0x9  }
0xb2: {  	_ =	task.clear_ibuf [dreg:s7], $0x6FFFF;
	_ =	strace $0x9000004C  }
0xb3: {  	s29 =	simm.s32 $0x9;
	_ =	strace $0x8000004E  }
0xb4: {  	_ =	swait.ge [sflag:s29], $0x1  }
0xb5: {  	[sflag:s29] =	ssyncadd.s32 $0xFFFFFFFF  }
0xb6: {  	_ =	strace $0x9000004E  }
0xb7: {  	_ =	sfence  }
0xb8: {  	s30 =	sld [smem:$0x0];
	_ =	sdelay $0x2  }
0xb9: {  	s31 =	sshll.u32 s1, $0xD;
	s1 =	sshrl.u32 s1, $0x2  }
0xba: {  	s3 =	sand.u32 $0x4000, s31;
	s1 =	sadd.s32 s1, s30  }
0xbb: {  	s0 =	sor.u32 s3, s0;
	s1 =	sshll.u32 s1, $0x11  }
0xbc: {  	s0 =	sor.u32 s1, s0  }
0xbd: {  	s0 =	sadd.s32 $0x8F2B, s0  }
0xbe: {  	[sflag:s0] =	ssyncadd.remote.s32 $0x1  }
0xbf: {  	_ =	sfence.sel $0xFFFF  }
0xc0: {  	[dreg:$0x0] =	wrdreg $0xFFFFFFFF;
	(pc) =	sbr.abs _section_cstart, $3  }
0xc1: {  	[dreg:$0x1] =	wrdreg $0xFFFFFFFF  }
0xc2: {  	_ =	task.clear_ibuf [dreg:s7], $0x2FFFF;
	_ =	strace $0x9FFFFFFF  }
0xc3: {  	(tm) =	ssettm $0x7FFFFFFF  }
tec
execute0_lowered:
.L_overlay_start_1:
0x0: {  	(tag) =	ssettag $0x1  }
0x1: {  	s2 =	rddreg [dreg:$0x1]  }
0x2: {  	s1 =	simm.s32 $0x0;
	s0 =	srdreg.scid;
	s21 =	stileid.u32  }
0x3: {  	[smem:$0x7FF] =	sst s1;
	s4 =	sadd.s32 $0xF800, s2;
	s5 =	sand.u32 $0x1, s0  }
0x4: {  	s23 =	sshll.u32 s21, $0x9;
	s6 =	smul.u32 $0x270, s21;
	s7 =	sadd.s32 $0x7800, s2  }
0x5: {  	s9 =	smul.u32 $0x13800, s21;
	s14 =	sshll.u32 s21, $0xB;
	p1 =	sne.s32 s21, $0xF  }
0x6: {  	s3 =	ssub.s32 $0x2, s5;
	s0 =	sadd.s32 s23, s2;
	s2 =	sadd.s32 $0x17800, s2  }
0x7: {  	s16 =	sor.u32 $0x200, s14;
	s17 =	sadd.s32 s4, s14;
	s24 =	sadd.s32 s7, s14  }
0x8: {  	s26 =	sor.u32 $0x400, s14;
	s18 =	smul.u32 $0x138800, s5;
	s14 =	sor.u32 $0x600, s14  }
0x9: {  	p0 =	sne.s32 s5, $0x0;
	s8 =	sshrl.u32 s3, $0x1;
	[dreg:$0x4] =	wrdreg s17  }
0xa: {  	s11 =	sadd.s32 $0xD0, s6;
	[dreg:$0x5] =	wrdreg s24;
	s25 =	sadd.s32 s4, s16  }
0xb: {  	s13 =	sadd.s32 $0x138, s6;
	s16 =	sadd.s32 s7, s16;
	[dreg:$0x6] =	wrdreg s25  }
0xc: {  	s15 =	sadd.s32 $0x1A0, s6;
	s28 =	sadd.s32 s4, s26;
	[dreg:$0x7] =	wrdreg s16  }
0xd: {  	s4 =	sadd.s32 s4, s14;
	s17 =	sadd.s32 s7, s14;
	[dreg:$0x8] =	wrdreg s28  }
0xe: {  	s3 =	ssub.s32 s3, s8;
	s8 =	sadd.s32 $0x68, s6;
	[dreg:$0xa] =	wrdreg s4  }
0xf: {  	s12 =	sshll.u32 s11, $0x7;
	s6 =	sadd.s32 $0x208, s6;
	[dreg:$0xb] =	wrdreg s17  }
0x10: {  	s16 =	sadd.s32 s7, s26;
	s19 =	sadd.s32 s9, s18;
	s17 =	rddreg [dreg:$0x0]  }
0x11: {  	s7 =	sshll.u32 s15, $0x7;
	s10 =	sshll.u32 s8, $0x7;
	[dreg:$0x9] =	wrdreg s16  }
0x12: {  	s4 =	sshrl.u32 s19, $0x3;
	s22 =	sadd.s32 s18, s12;
	s14 =	sshll.u32 s6, $0x7  }
0x13: {  	s28 =	sadd.s32 s18, s7;
	s3 =	smax.u32 s3, $0x1;
	s20 =	sadd.s32 s18, s10  }
0x14: {  	s4 =	sadd.s32 s2, s4;
	s24 =	sshrl.u32 s22, $0x3;
	s19 =	sadd.s32 s18, s14  }
0x15: {  	[dreg:$0xc] =	wrdreg s4;
	s23 =	sshrl.u32 s20, $0x3;
	s25 =	sadd.s32 s2, s24  }
0x16: {  	s20 =	sshrl.u32 s28, $0x3;
	s22 =	sshrl.u32 s19, $0x3;
	s24 =	sshrl.u32 s18, $0x3  }
0x17: {  	s19 =	sshll.u32 s13, $0x4;
	s4 =	sadd.s32 s2, s23;
	[dreg:$0xe] =	wrdreg s25  }
0x18: {  	s23 =	sadd.s32 s2, s22;
	s25 =	smul.u32 $0x4E000, s21;
	[dreg:$0xd] =	wrdreg s4  }
0x19: {  	s4 =	sshll.u32 s13, $0x7;
	[dreg:$0x11] =	wrdreg s23;
	s23 =	sshll.u32 s15, $0x4  }
0x1a: {  	s13 =	simm.s32 $0x157C0;
	s15 =	simm.s32 $0x0;
	s26 =	sadd.s32 s18, s4  }
0x1b: {  	s18 =	rddreg [dreg:$0x2];
	s28 =	sshrl.u32 s25, $0x2;
	s25 =	sshll.u32 s6, $0x4  }
0x1c: {  	s6 =	simm.s32 $0x158C0;
	s16 =	sshrl.u32 s26, $0x3;
	s26 =	sshrl.u32 s9, $0x3  }
0x1d: {  	s9 =	sshll.u32 s8, $0x4;
	s22 =	sadd.s32 s10, s18;
	s29 =	sadd.s32 s7, s18  }
0x1e: {  	s30 =	sadd.s32 s17, s25;
	s31 =	sadd.s32 s14, s18;
	s7 =	simm.s32 $0x3  }
0x1f: {  	s8 =	simm.s32 $0x138C0;
	s10 =	simm.s32 $0x1;
	s14 =	simm.s32 $0x15840  }
0x20: {  	s16 =	sadd.s32 s2, s16;
	s5 =	sadd.s32 s17, s26;
	s26 =	sadd.s32 s4, s18  }
0x21: {  	s4 =	sadd.s32 s17, s23;
	[dreg:$0xf] =	wrdreg s16;
	s16 =	sadd.s32 s2, s20  }
0x22: {  	s2 =	sadd.s32 s2, s24;
	s20 =	sadd.s32 s28, s18;
	s24 =	sadd.s32 s12, s18  }
0x23: {  	s28 =	sadd.s32 $0x5800, s0;
	s0 =	sadd.s32 $0x3800, s0;
	[dreg:$0x10] =	wrdreg s16  }
0x24: {  	s12 =	simm.s32 $0x14840;
	_ =	strace $0x8000004D;
	[dreg:$0x12] =	wrdreg s5  }
0x25: {  	s16 =	sshll.u32 s11, $0x4;
	s2 =	sadd.s32 $0x27000, s2;
	[dreg:$0x16] =	wrdreg s4  }
.Ltmp0:
0x26: {  	s11 =	simm.s32 $0x2;
	[dreg:$0x17] =	wrdreg s28;
	(pc) =	sbr.rel .LBB2_1-.Ltmp0, $4  }
0x27: {  	s5 =	sadd.s32 s17, s9;
	[dreg:$0x18] =	wrdreg s0;
	s4 =	sadd.s32 $0x27000, s17  }
0x28: {  	s9 =	simm.s32 $0x148C0;
	[dreg:$0x13] =	wrdreg s5;
	s5 =	sadd.s32 s17, s16  }
0x29: {  	s0 =	simm.s32 $0x198C0;
	[dreg:$0x14] =	wrdreg s5;
	s5 =	sadd.s32 s17, s19  }
0x2a: {  	s16 =	simm.s32 $0x80;
	[dreg:$0x15] =	wrdreg s5;
	s5 =	sadd.s32 $0x138000, s18  }
.LBB2_13:
0x2b: {  	s21 =	sadd.s32 $0x13940, s19;
	[sflag:s7] =	ssyncadd.s32 $0xFFFFC000  }
0x2c: {  	[tilespmem:s0], [sflag:$0x2] =	stream.indirect.gather [hbm4b:s17+s16], $0x80, s21, s16, $0xb8;
	[tilespmem:$0x1D8C0] =	vst v63  }
0x2d: {  	_ =	swait.ge [sflag:s10], $0x4000  }
0x2e: {  	[sflag:s10] =	ssyncset.done $0x0  }
0x2f: {  	s23 =	sadd.s32 $0x148C0, s19;
	[sflag:s10] =	ssyncadd.s32 $0xFFFFC000  }
0x30: {  	[spmem:s18] =	stream.indirect.scatter.add.f32 [tilespmem:s6], [sflag:$0x3], $0x80, s23, s16, $0xb8;
	[tilespmem:$0x1D8C0] =	vst v63  }
0x31: {  	_ =	swait.ge [sflag:s7], $0x4000  }
0x32: {  	[sflag:s7] =	ssyncset.done $0x0  }
0x33: {  	s25 =	sadd.s32 $0x139C0, s19;
	[sflag:s7] =	ssyncadd.s32 $0xFFFFC000  }
0x34: {  	[tilespmem:s6], [sflag:$0x1] =	stream.indirect.gather [hbm4b:s17+s16], $0x80, s25, s16, $0xb8;
	[tilespmem:$0x1D8C0] =	vst v63  }
0x35: {  	_ =	swait.ge [sflag:s11], $0x4000  }
0x36: {  	[sflag:s11] =	ssyncset.done $0x0  }
0x37: {  	s28 =	sadd.s32 $0x14940, s19;
	[sflag:s11] =	ssyncadd.s32 $0xFFFFC000  }
0x38: {  	[spmem:s18] =	stream.indirect.scatter.add.f32 [tilespmem:s0], [sflag:$0x3], $0x80, s28, s16, $0xb8;
	[tilespmem:$0x1D8C0] =	vst v63  }
0x39: {  	_ =	swait.ge [sflag:s7], $0x4000  }
0x3a: {  	[sflag:s7] =	ssyncset.done $0x0  }
0x3b: {  	[sflag:s7] =	ssyncadd.s32 $0xFFFFC000  }
.LBB2_14:
0x3c: {  	[tilespmem:s0], [sflag:$0x2] =	stream.indirect.gather [hbm4b:s17+s16], $0x80, s12, s16, $0xb8;
	[tilespmem:$0x1D8C0] =	vst v63  }
0x3d: {  	_ =	swait.ge [sflag:s10], $0x4000  }
0x3e: {  	[sflag:s10] =	ssyncset.done $0x0  }
0x3f: {  	[sflag:s10] =	ssyncadd.s32 $0xFFFFC000  }
0x40: {  	[spmem:s18] =	stream.indirect.scatter.add.f32 [tilespmem:s6], [sflag:$0x3], $0x80, s13, s16, $0xb8;
	[tilespmem:$0x1D8C0] =	vst v63  }
0x41: {  	_ =	swait.ge [sflag:s7], $0x4000  }
0x42: {  	[sflag:s7] =	ssyncset.done $0x0  }
0x43: {  	[sflag:s7] =	ssyncadd.s32 $0xFFFFC000  }
0x44: {  	_ =	swait.ge [sflag:s11], $0x4000  }
0x45: {  	[sflag:s11] =	ssyncset.done $0x0  }
0x46: {  	[sflag:s11] =	ssyncadd.s32 $0xFFFFC000  }
0x47: {  	[spmem:s18] =	stream.indirect.scatter.add.f32 [tilespmem:s0], [sflag:$0x3], $0x80, s14, s16, $0xb8;
	[tilespmem:$0x1D8C0] =	vst v63  }
0x48: {  	_ =	swait.ge [sflag:s7], $0x4000  }
0x49: {  	[sflag:s7] =	ssyncset.done $0x0  }
0x4a: {  	[sflag:s7] =	ssyncadd.s32 $0xFFFFC000  }
0x4b: {  	[bflag:$0x0] =	sbarrier.arrive $0xFFFF  }
0x4c: {  	[tilespmem:s6], [sflag:$0x3] =	stream.linear.gather [spmem:s20], $0x3400, $0x38;
	[tilespmem:$0x1D8C0] =	vst v63  }
0x4d: {  	_ =	swait.ge [sflag:s7], $0x3400  }
0x4e: {  	[sflag:s7] =	ssyncset.done $0x0  }
0x4f: {  	s19 =	rddreg [dreg:$0xc];
	[sflag:s7] =	ssyncadd.s32 $0xFFFFCC00  }
0x50: {  	[hbm4b:s19+s1] =	stream.linear.scatter [tilespmem:s6], [sflag:$0x3], $0x3400, $0x38;
	[tilespmem:$0x1D8C0] =	vst v63  }
0x51: {  	_ =	swait.ge [sflag:s7], $0x3400  }
0x52: {  	[sflag:s7] =	ssyncset.done $0x0  }
0x53: {  	[sflag:s7] =	ssyncadd.s32 $0xFFFFCC00  }
0x54: {  	[tilespmem:s6], [sflag:$0x3] =	stream.linear.gather [spmem:s22], $0x3400, $0x38;
	[tilespmem:$0x1D8C0] =	vst v63  }
0x55: {  	_ =	swait.ge [sflag:s7], $0x3400  }
0x56: {  	[sflag:s7] =	ssyncset.done $0x0  }
0x57: {  	s28 =	rddreg [dreg:$0xd];
	[sflag:s7] =	ssyncadd.s32 $0xFFFFCC00  }
0x58: {  	[hbm4b:s28+s1] =	stream.linear.scatter [tilespmem:s6], [sflag:$0x3], $0x3400, $0x38;
	[tilespmem:$0x1D8C0] =	vst v63  }
0x59: {  	_ =	swait.ge [sflag:s7], $0x3400  }
0x5a: {  	[sflag:s7] =	ssyncset.done $0x0  }
0x5b: {  	[sflag:s7] =	ssyncadd.s32 $0xFFFFCC00  }
0x5c: {  	[tilespmem:s6], [sflag:$0x3] =	stream.linear.gather [spmem:s24], $0x3400, $0x38;
	[tilespmem:$0x1D8C0] =	vst v63  }
0x5d: {  	_ =	swait.ge [sflag:s7], $0x3400  }
0x5e: {  	[sflag:s7] =	ssyncset.done $0x0  }
0x5f: {  	s21 =	rddreg [dreg:$0xe];
	[sflag:s7] =	ssyncadd.s32 $0xFFFFCC00  }
0x60: {  	[hbm4b:s21+s1] =	stream.linear.scatter [tilespmem:s6], [sflag:$0x3], $0x3400, $0x38;
	[tilespmem:$0x1D8C0] =	vst v63  }
0x61: {  	_ =	swait.ge [sflag:s7], $0x3400  }
0x62: {  	[sflag:s7] =	ssyncset.done $0x0  }
0x63: {  	[sflag:s7] =	ssyncadd.s32 $0xFFFFCC00  }
0x64: {  	[tilespmem:s6], [sflag:$0x3] =	stream.linear.gather [spmem:s26], $0x3400, $0x38;
	[tilespmem:$0x1D8C0] =	vst v63  }
0x65: {  	_ =	swait.ge [sflag:s7], $0x3400  }
0x66: {  	[sflag:s7] =	ssyncset.done $0x0  }
0x67: {  	s23 =	rddreg [dreg:$0xf];
	[sflag:s7] =	ssyncadd.s32 $0xFFFFCC00  }
0x68: {  	[hbm4b:s23+s1] =	stream.linear.scatter [tilespmem:s6], [sflag:$0x3], $0x3400, $0x38;
	[tilespmem:$0x1D8C0] =	vst v63  }
0x69: {  	_ =	swait.ge [sflag:s7], $0x3400  }
0x6a: {  	[sflag:s7] =	ssyncset.done $0x0  }
0x6b: {  	[sflag:s7] =	ssyncadd.s32 $0xFFFFCC00  }
0x6c: {  	[tilespmem:s6], [sflag:$0x3] =	stream.linear.gather [spmem:s29], $0x3400, $0x38;
	[tilespmem:$0x1D8C0] =	vst v63  }
0x6d: {  	_ =	swait.ge [sflag:s7], $0x3400  }
0x6e: {  	[sflag:s7] =	ssyncset.done $0x0  }
0x6f: {  	s25 =	rddreg [dreg:$0x10];
	[sflag:s7] =	ssyncadd.s32 $0xFFFFCC00  }
0x70: {  	[hbm4b:s25+s1] =	stream.linear.scatter [tilespmem:s6], [sflag:$0x3], $0x3400, $0x38;
	[tilespmem:$0x1D8C0] =	vst v63  }
0x71: {  	_ =	swait.ge [sflag:s7], $0x3400  }
0x72: {  	[sflag:s7] =	ssyncset.done $0x0  }
0x73: {  	[sflag:s7] =	ssyncadd.s32 $0xFFFFCC00  }
0x74: {  	[tilespmem:s6], [sflag:$0x3] =	stream.linear.gather [spmem:s31], $0x3400, $0x38;
	[tilespmem:$0x1D8C0] =	vst v63  }
0x75: {  	_ =	swait.ge [sflag:s7], $0x3400  }
0x76: {  	[sflag:s7] =	ssyncset.done $0x0  }
0x77: {  	s28 =	rddreg [dreg:$0x11];
	[sflag:s7] =	ssyncadd.s32 $0xFFFFCC00  }
0x78: {  	[hbm4b:s28+s1] =	stream.linear.scatter [tilespmem:s6], [sflag:$0x3], $0x3400, $0x38;
	[tilespmem:$0x1D8C0] =	vst v63  }
0x79: {  	_ =	swait.ge [sflag:s7], $0x3400  }
0x7a: {  	[sflag:s7] =	ssyncset.done $0x0  }
0x7b: {  	s19 =	simm.s32 @!p1 $0x158C0;
	s21 =	simm.s32 @!p1 $0x3;
	[sflag:s7] =	ssyncadd.s32 $0xFFFFCC00  }
0x7c: {  	[tilespmem:s19], [sflag:$0x3] =	stream.linear.gather @!p1 [spmem:s5], $0x800, $0x38;
	[tilespmem:$0x1D8C0] =	vst v63  }
0x7d: {  	s15 =	sadd.s32 $0x1, s15;
	_ =	swait.ge @!p1 [sflag:s21], $0x800  }
0x7e: {  	p2 =	sne.s32 s15, s3;
	[sflag:s21] =	ssyncset.done @!p1 $0x0  }
.Ltmp1:
0x7f: {  	s23 =	simm.s32 @!p1 $0x0;
	[sflag:s21] =	ssyncadd.s32 @!p1 $0xFFFFF800;
	(pc) =	sbr.rel @!p2 .LBB2_15-.Ltmp1, $4  }
0x80: {  	[hbm4b:s2+s23] =	stream.linear.scatter @!p1 [tilespmem:s19], [sflag:$0x3], $0x800, $0x38;
	[tilespmem:$0x1D8C0] =	vst v63  }
0x81: {  	_ =	swait.ge @!p1 [sflag:s21], $0x800  }
0x82: {  	[sflag:s21] =	ssyncset.done @!p1 $0x0  }
0x83: {  	[sflag:s21] =	ssyncadd.s32 @!p1 $0xFFFFF800  }
.LBB2_1:
0x84: {  	s19 =	rddreg [dreg:$0x12]  }
0x85: {  	[tilespmem:s6], [sflag:$0x3] =	stream.linear.gather [hbm4b:s19+s1], $0x3400, $0x38;
	[tilespmem:$0x1D8C0] =	vst v63  }
0x86: {  	_ =	swait.ge [sflag:s7], $0x3400  }
0x87: {  	[sflag:s7] =	ssyncset.done $0x0  }
0x88: {  	[sflag:s7] =	ssyncadd.s32 $0xFFFFCC00  }
0x89: {  	[spmem:s20] =	stream.linear.scatter [tilespmem:s6], [sflag:$0x3], $0x3400, $0x38;
	[tilespmem:$0x1D8C0] =	vst v63  }
0x8a: {  	_ =	swait.ge [sflag:s7], $0x3400  }
0x8b: {  	[sflag:s7] =	ssyncset.done $0x0  }
0x8c: {  	s21 =	rddreg [dreg:$0x13];
	[sflag:s7] =	ssyncadd.s32 $0xFFFFCC00  }
0x8d: {  	[tilespmem:s6], [sflag:$0x3] =	stream.linear.gather [hbm4b:s21+s1], $0x3400, $0x38;
	[tilespmem:$0x1D8C0] =	vst v63  }
0x8e: {  	_ =	swait.ge [sflag:s7], $0x3400  }
0x8f: {  	[sflag:s7] =	ssyncset.done $0x0  }
0x90: {  	[sflag:s7] =	ssyncadd.s32 $0xFFFFCC00  }
0x91: {  	[spmem:s22] =	stream.linear.scatter [tilespmem:s6], [sflag:$0x3], $0x3400, $0x38;
	[tilespmem:$0x1D8C0] =	vst v63  }
0x92: {  	_ =	swait.ge [sflag:s7], $0x3400  }
0x93: {  	[sflag:s7] =	ssyncset.done $0x0  }
0x94: {  	s23 =	rddreg [dreg:$0x14];
	[sflag:s7] =	ssyncadd.s32 $0xFFFFCC00  }
0x95: {  	[tilespmem:s6], [sflag:$0x3] =	stream.linear.gather [hbm4b:s23+s1], $0x3400, $0x38;
	[tilespmem:$0x1D8C0] =	vst v63  }
0x96: {  	_ =	swait.ge [sflag:s7], $0x3400  }
0x97: {  	[sflag:s7] =	ssyncset.done $0x0  }
0x98: {  	[sflag:s7] =	ssyncadd.s32 $0xFFFFCC00  }
0x99: {  	[spmem:s24] =	stream.linear.scatter [tilespmem:s6], [sflag:$0x3], $0x3400, $0x38;
	[tilespmem:$0x1D8C0] =	vst v63  }
0x9a: {  	_ =	swait.ge [sflag:s7], $0x3400  }
0x9b: {  	[sflag:s7] =	ssyncset.done $0x0  }
0x9c: {  	s25 =	rddreg [dreg:$0x15];
	[sflag:s7] =	ssyncadd.s32 $0xFFFFCC00  }
0x9d: {  	[tilespmem:s6], [sflag:$0x3] =	stream.linear.gather [hbm4b:s25+s1], $0x3400, $0x38;
	[tilespmem:$0x1D8C0] =	vst v63  }
0x9e: {  	_ =	swait.ge [sflag:s7], $0x3400  }
0x9f: {  	[sflag:s7] =	ssyncset.done $0x0  }
0xa0: {  	[sflag:s7] =	ssyncadd.s32 $0xFFFFCC00  }
0xa1: {  	[spmem:s26] =	stream.linear.scatter [tilespmem:s6], [sflag:$0x3], $0x3400, $0x38;
	[tilespmem:$0x1D8C0] =	vst v63  }
0xa2: {  	_ =	swait.ge [sflag:s7], $0x3400  }
0xa3: {  	[sflag:s7] =	ssyncset.done $0x0  }
0xa4: {  	s28 =	rddreg [dreg:$0x16];
	[sflag:s7] =	ssyncadd.s32 $0xFFFFCC00  }
0xa5: {  	[tilespmem:s6], [sflag:$0x3] =	stream.linear.gather [hbm4b:s28+s1], $0x3400, $0x38;
	[tilespmem:$0x1D8C0] =	vst v63  }
0xa6: {  	_ =	swait.ge [sflag:s7], $0x3400  }
0xa7: {  	[sflag:s7] =	ssyncset.done $0x0  }
0xa8: {  	[sflag:s7] =	ssyncadd.s32 $0xFFFFCC00  }
0xa9: {  	[spmem:s29] =	stream.linear.scatter [tilespmem:s6], [sflag:$0x3], $0x3400, $0x38;
	[tilespmem:$0x1D8C0] =	vst v63  }
0xaa: {  	_ =	swait.ge [sflag:s7], $0x3400  }
0xab: {  	[sflag:s7] =	ssyncset.done $0x0  }
0xac: {  	[sflag:s7] =	ssyncadd.s32 $0xFFFFCC00  }
0xad: {  	[tilespmem:s6], [sflag:$0x3] =	stream.linear.gather [hbm4b:s30+s1], $0x3400, $0x38;
	[tilespmem:$0x1D8C0] =	vst v63  }
0xae: {  	_ =	swait.ge [sflag:s7], $0x3400  }
0xaf: {  	[sflag:s7] =	ssyncset.done $0x0  }
0xb0: {  	[sflag:s7] =	ssyncadd.s32 $0xFFFFCC00  }
0xb1: {  	[spmem:s31] =	stream.linear.scatter [tilespmem:s6], [sflag:$0x3], $0x3400, $0x38;
	[tilespmem:$0x1D8C0] =	vst v63  }
0xb2: {  	_ =	swait.ge [sflag:s7], $0x3400  }
0xb3: {  	[sflag:s7] =	ssyncset.done $0x0  }
0xb4: {  	s19 =	simm.s32 @!p1 $0x0;
	s21 =	simm.s32 @!p1 $0x158C0;
	[sflag:s7] =	ssyncadd.s32 $0xFFFFCC00  }
0xb5: {  	[tilespmem:s21], [sflag:$0x3] =	stream.linear.gather @!p1 [hbm4b:s4+s19], $0x800, $0x38;
	[tilespmem:$0x1D8C0] =	vst v63  }
0xb6: {  	s19 =	simm.s32 @!p1 $0x3  }
0xb7: {  	_ =	swait.ge @!p1 [sflag:s19], $0x800  }
0xb8: {  	[sflag:s19] =	ssyncset.done @!p1 $0x0  }
0xb9: {  	[sflag:s19] =	ssyncadd.s32 @!p1 $0xFFFFF800  }
0xba: {  	[spmem:s5] =	stream.linear.scatter @!p1 [tilespmem:s21], [sflag:$0x3], $0x800, $0x38;
	[tilespmem:$0x1D8C0] =	vst v63  }
.Ltmp2:
0xbb: {  	_ =	swait.ge @!p1 [sflag:s19], $0x800;
	(pc) =	sbr.rel @p0 .LBB2_11-.Ltmp2, $4  }
0xbc: {  	[sflag:s19] =	ssyncset.done @!p1 $0x0  }
0xbd: {  	[sflag:s19] =	ssyncadd.s32 @!p1 $0xFFFFF800  }
0xbe: {  	[bflag:$0x0] =	sbarrier.arrive $0xFFFF  }
0xbf: {  	s19 =	simm.s32 $0x0  }
0xc0: {  	s21 =	rddreg [dreg:$0x4]  }
0xc1: {  	[tilespmem:s8], [sflag:$0x3] =	stream.linear.gather [hbm4b:s21+s19], $0x1000, $0x38;
	[tilespmem:$0x1D8C0] =	vst v63  }
0xc2: {  	_ =	swait.ge [sflag:s7], $0x1000  }
0xc3: {  	[sflag:s7] =	ssyncset.done $0x0  }
0xc4: {  	s28 =	rddreg [dreg:$0x5];
	[sflag:s7] =	ssyncadd.s32 $0xFFFFF000  }
0xc5: {  	[tilespmem:s9], [sflag:$0x3] =	stream.linear.gather [hbm4b:s28+s19], $0x1000, $0x38;
	[tilespmem:$0x1D8C0] =	vst v63  }
0xc6: {  	_ =	swait.ge [sflag:s7], $0x1000  }
0xc7: {  	[sflag:s7] =	ssyncset.done $0x0  }
0xc8: {  	[sflag:s7] =	ssyncadd.s32 $0xFFFFF000  }
0xc9: {  	[tilespmem:s6], [sflag:$0x1] =	stream.indirect.gather [hbm4b:s17+s16], $0x80, s8, s16, $0xb8;
	[tilespmem:$0x1D8C0] =	vst v63  }
0xca: {  	s21 =	simm.s32 $0x13940  }
0xcb: {  	[tilespmem:s0], [sflag:$0x2] =	stream.indirect.gather [hbm4b:s17+s16], $0x80, s21, s16, $0xb8;
	[tilespmem:$0x1D8C0] =	vst v63  }
0xcc: {  	_ =	swait.ge [sflag:s10], $0x4000  }
0xcd: {  	[sflag:s10] =	ssyncset.done $0x0  }
0xce: {  	s23 =	simm.s32 $0x148C0;
	[sflag:s10] =	ssyncadd.s32 $0xFFFFC000  }
0xcf: {  	[spmem:s18] =	stream.indirect.scatter.add.f32 [tilespmem:s6], [sflag:$0x3], $0x80, s23, s16, $0xb8;
	[tilespmem:$0x1D8C0] =	vst v63  }
0xd0: {  	_ =	swait.ge [sflag:s7], $0x4000  }
0xd1: {  	[sflag:s7] =	ssyncset.done $0x0  }
0xd2: {  	s25 =	simm.s32 $0x139C0;
	[sflag:s7] =	ssyncadd.s32 $0xFFFFC000  }
0xd3: {  	[tilespmem:s6], [sflag:$0x1] =	stream.indirect.gather [hbm4b:s17+s16], $0x80, s25, s16, $0xb8;
	[tilespmem:$0x1D8C0] =	vst v63  }
0xd4: {  	_ =	swait.ge [sflag:s11], $0x4000  }
0xd5: {  	[sflag:s11] =	ssyncset.done $0x0  }
0xd6: {  	s28 =	simm.s32 $0x14940;
	[sflag:s11] =	ssyncadd.s32 $0xFFFFC000  }
0xd7: {  	[spmem:s18] =	stream.indirect.scatter.add.f32 [tilespmem:s0], [sflag:$0x3], $0x80, s28, s16, $0xb8;
	[tilespmem:$0x1D8C0] =	vst v63  }
0xd8: {  	_ =	swait.ge [sflag:s7], $0x4000  }
0xd9: {  	s19 =	simm.s32 $0x100;
	s21 =	simm.s32 $0x800;
	[sflag:s7] =	ssyncset.done $0x0  }
.LBB2_3:
0xda: {  	s23 =	sadd.s32 $0x13940, s19  }
0xdb: {  	[sflag:s7] =	ssyncadd.s32 $0xFFFFC000;
	s25 =	smov.u32 s21;
	s28 =	sadd.s32 $0x400, s21  }
0xdc: {  	[tilespmem:s0], [sflag:$0x2] =	stream.indirect.gather [hbm4b:s17+s16], $0x80, s23, s16, $0xb8;
	[tilespmem:$0x1D8C0] =	vst v63  }
0xdd: {  	p2 =	sne.s32 s21, $0x3800;
	_ =	swait.ge [sflag:s10], $0x4000  }
0xde: {  	[sflag:s10] =	ssyncset.done $0x0  }
0xdf: {  	s21 =	sadd.s32 $0x148C0, s19;
	[sflag:s10] =	ssyncadd.s32 $0xFFFFC000  }
0xe0: {  	[spmem:s18] =	stream.indirect.scatter.add.f32 [tilespmem:s6], [sflag:$0x3], $0x80, s21, s16, $0xb8;
	[tilespmem:$0x1D8C0] =	vst v63  }
0xe1: {  	_ =	swait.ge [sflag:s7], $0x4000  }
0xe2: {  	[sflag:s7] =	ssyncset.done $0x0  }
0xe3: {  	s21 =	sadd.s32 $0x139C0, s19;
	[sflag:s7] =	ssyncadd.s32 $0xFFFFC000  }
0xe4: {  	[tilespmem:s6], [sflag:$0x1] =	stream.indirect.gather [hbm4b:s17+s16], $0x80, s21, s16, $0xb8;
	[tilespmem:$0x1D8C0] =	vst v63  }
0xe5: {  	_ =	swait.ge [sflag:s11], $0x4000  }
.Ltmp3:
0xe6: {  	[sflag:s11] =	ssyncset.done $0x0;
	(pc) =	sbr.rel @p2 .LBB2_3-.Ltmp3, $4  }
0xe7: {  	s19 =	sadd.s32 $0x14940, s19;
	[sflag:s11] =	ssyncadd.s32 $0xFFFFC000  }
0xe8: {  	[spmem:s18] =	stream.indirect.scatter.add.f32 [tilespmem:s0], [sflag:$0x3], $0x80, s19, s16, $0xb8;
	[tilespmem:$0x1D8C0] =	vst v63  }
0xe9: {  	_ =	swait.ge [sflag:s7], $0x4000  }
0xea: {  	s21 =	smov.u32 s28;
	s19 =	sshra.s32 s25, $0x2;
	[sflag:s7] =	ssyncset.done $0x0  }
0xeb: {  	s21 =	sadd.s32 $0x13940, s19;
	[sflag:s7] =	ssyncadd.s32 $0xFFFFC000  }
0xec: {  	[tilespmem:s0], [sflag:$0x2] =	stream.indirect.gather [hbm4b:s17+s16], $0x80, s21, s16, $0xb8;
	[tilespmem:$0x1D8C0] =	vst v63  }
0xed: {  	_ =	swait.ge [sflag:s10], $0x4000  }
0xee: {  	[sflag:s10] =	ssyncset.done $0x0  }
0xef: {  	s25 =	sadd.s32 $0x148C0, s19;
	[sflag:s10] =	ssyncadd.s32 $0xFFFFC000  }
0xf0: {  	[spmem:s18] =	stream.indirect.scatter.add.f32 [tilespmem:s6], [sflag:$0x3], $0x80, s25, s16, $0xb8;
	[tilespmem:$0x1D8C0] =	vst v63  }
0xf1: {  	_ =	swait.ge [sflag:s7], $0x4000  }
0xf2: {  	[sflag:s7] =	ssyncset.done $0x0  }
0xf3: {  	s28 =	sadd.s32 $0x139C0, s19;
	[sflag:s7] =	ssyncadd.s32 $0xFFFFC000  }
0xf4: {  	[tilespmem:s6], [sflag:$0x1] =	stream.indirect.gather [hbm4b:s17+s16], $0x80, s28, s16, $0xb8;
	[tilespmem:$0x1D8C0] =	vst v63  }
0xf5: {  	_ =	swait.ge [sflag:s11], $0x4000  }
0xf6: {  	[sflag:s11] =	ssyncset.done $0x0  }
0xf7: {  	s21 =	sadd.s32 $0x14940, s19;
	[sflag:s11] =	ssyncadd.s32 $0xFFFFC000  }
0xf8: {  	[spmem:s18] =	stream.indirect.scatter.add.f32 [tilespmem:s0], [sflag:$0x3], $0x80, s21, s16, $0xb8;
	[tilespmem:$0x1D8C0] =	vst v63  }
0xf9: {  	_ =	swait.ge [sflag:s7], $0x4000  }
0xfa: {  	[sflag:s7] =	ssyncset.done $0x0  }
0xfb: {  	[sflag:s7] =	ssyncadd.s32 $0xFFFFC000  }
0xfc: {  	[tilespmem:s0], [sflag:$0x2] =	stream.indirect.gather [hbm4b:s17+s16], $0x80, s12, s16, $0xb8;
	[tilespmem:$0x1D8C0] =	vst v63  }
0xfd: {  	_ =	swait.ge [sflag:s10], $0x4000  }
0xfe: {  	[sflag:s10] =	ssyncset.done $0x0  }
0xff: {  	[sflag:s10] =	ssyncadd.s32 $0xFFFFC000  }
0x100: {  	[spmem:s18] =	stream.indirect.scatter.add.f32 [tilespmem:s6], [sflag:$0x3], $0x80, s13, s16, $0xb8;
	[tilespmem:$0x1D8C0] =	vst v63  }
0x101: {  	_ =	swait.ge [sflag:s7], $0x4000  }
0x102: {  	[sflag:s7] =	ssyncset.done $0x0  }
0x103: {  	[sflag:s7] =	ssyncadd.s32 $0xFFFFC000  }
0x104: {  	_ =	swait.ge [sflag:s11], $0x4000  }
0x105: {  	[sflag:s11] =	ssyncset.done $0x0  }
0x106: {  	[sflag:s11] =	ssyncadd.s32 $0xFFFFC000  }
0x107: {  	[spmem:s18] =	stream.indirect.scatter.add.f32 [tilespmem:s0], [sflag:$0x3], $0x80, s14, s16, $0xb8;
	[tilespmem:$0x1D8C0] =	vst v63  }
0x108: {  	_ =	swait.ge [sflag:s7], $0x4000  }
0x109: {  	[sflag:s7] =	ssyncset.done $0x0  }
0x10a: {  	s23 =	simm.s32 $0x0;
	s25 =	rddreg [dreg:$0x6];
	[sflag:s7] =	ssyncadd.s32 $0xFFFFC000  }
0x10b: {  	[tilespmem:s8], [sflag:$0x3] =	stream.linear.gather [hbm4b:s25+s23], $0x1000, $0x38;
	[tilespmem:$0x1D8C0] =	vst v63  }
0x10c: {  	_ =	swait.ge [sflag:s7], $0x1000  }
0x10d: {  	[sflag:s7] =	ssyncset.done $0x0  }
0x10e: {  	s28 =	rddreg [dreg:$0x7];
	[sflag:s7] =	ssyncadd.s32 $0xFFFFF000  }
0x10f: {  	[tilespmem:s9], [sflag:$0x3] =	stream.linear.gather [hbm4b:s28+s23], $0x1000, $0x38;
	[tilespmem:$0x1D8C0] =	vst v63  }
0x110: {  	_ =	swait.ge [sflag:s7], $0x1000  }
0x111: {  	[sflag:s7] =	ssyncset.done $0x0  }
0x112: {  	[sflag:s7] =	ssyncadd.s32 $0xFFFFF000  }
0x113: {  	[tilespmem:s6], [sflag:$0x1] =	stream.indirect.gather [hbm4b:s17+s16], $0x80, s8, s16, $0xb8;
	[tilespmem:$0x1D8C0] =	vst v63  }
0x114: {  	s21 =	simm.s32 $0x13940  }
0x115: {  	[tilespmem:s0], [sflag:$0x2] =	stream.indirect.gather [hbm4b:s17+s16], $0x80, s21, s16, $0xb8;
	[tilespmem:$0x1D8C0] =	vst v63  }
0x116: {  	_ =	swait.ge [sflag:s10], $0x4000  }
0x117: {  	[sflag:s10] =	ssyncset.done $0x0  }
0x118: {  	s23 =	simm.s32 $0x148C0;
	[sflag:s10] =	ssyncadd.s32 $0xFFFFC000  }
0x119: {  	[spmem:s18] =	stream.indirect.scatter.add.f32 [tilespmem:s6], [sflag:$0x3], $0x80, s23, s16, $0xb8;
	[tilespmem:$0x1D8C0] =	vst v63  }
0x11a: {  	_ =	swait.ge [sflag:s7], $0x4000  }
0x11b: {  	[sflag:s7] =	ssyncset.done $0x0  }
0x11c: {  	s25 =	simm.s32 $0x139C0;
	[sflag:s7] =	ssyncadd.s32 $0xFFFFC000  }
0x11d: {  	[tilespmem:s6], [sflag:$0x1] =	stream.indirect.gather [hbm4b:s17+s16], $0x80, s25, s16, $0xb8;
	[tilespmem:$0x1D8C0] =	vst v63  }
0x11e: {  	_ =	swait.ge [sflag:s11], $0x4000  }
0x11f: {  	[sflag:s11] =	ssyncset.done $0x0  }
0x120: {  	s28 =	simm.s32 $0x14940;
	[sflag:s11] =	ssyncadd.s32 $0xFFFFC000  }
0x121: {  	[spmem:s18] =	stream.indirect.scatter.add.f32 [tilespmem:s0], [sflag:$0x3], $0x80, s28, s16, $0xb8;
	[tilespmem:$0x1D8C0] =	vst v63  }
0x122: {  	_ =	swait.ge [sflag:s7], $0x4000  }
0x123: {  	s19 =	simm.s32 $0x100;
	s21 =	simm.s32 $0x800;
	[sflag:s7] =	ssyncset.done $0x0  }
.LBB2_5:
0x124: {  	s23 =	sadd.s32 $0x13940, s19  }
0x125: {  	[sflag:s7] =	ssyncadd.s32 $0xFFFFC000;
	s25 =	smov.u32 s21;
	s28 =	sadd.s32 $0x400, s21  }
0x126: {  	[tilespmem:s0], [sflag:$0x2] =	stream.indirect.gather [hbm4b:s17+s16], $0x80, s23, s16, $0xb8;
	[tilespmem:$0x1D8C0] =	vst v63  }
0x127: {  	p2 =	sne.s32 s21, $0x3800;
	_ =	swait.ge [sflag:s10], $0x4000  }
0x128: {  	[sflag:s10] =	ssyncset.done $0x0  }
0x129: {  	s21 =	sadd.s32 $0x148C0, s19;
	[sflag:s10] =	ssyncadd.s32 $0xFFFFC000  }
0x12a: {  	[spmem:s18] =	stream.indirect.scatter.add.f32 [tilespmem:s6], [sflag:$0x3], $0x80, s21, s16, $0xb8;
	[tilespmem:$0x1D8C0] =	vst v63  }
0x12b: {  	_ =	swait.ge [sflag:s7], $0x4000  }
0x12c: {  	[sflag:s7] =	ssyncset.done $0x0  }
0x12d: {  	s21 =	sadd.s32 $0x139C0, s19;
	[sflag:s7] =	ssyncadd.s32 $0xFFFFC000  }
0x12e: {  	[tilespmem:s6], [sflag:$0x1] =	stream.indirect.gather [hbm4b:s17+s16], $0x80, s21, s16, $0xb8;
	[tilespmem:$0x1D8C0] =	vst v63  }
0x12f: {  	_ =	swait.ge [sflag:s11], $0x4000  }
.Ltmp4:
0x130: {  	[sflag:s11] =	ssyncset.done $0x0;
	(pc) =	sbr.rel @p2 .LBB2_5-.Ltmp4, $4  }
0x131: {  	s19 =	sadd.s32 $0x14940, s19;
	[sflag:s11] =	ssyncadd.s32 $0xFFFFC000  }
0x132: {  	[spmem:s18] =	stream.indirect.scatter.add.f32 [tilespmem:s0], [sflag:$0x3], $0x80, s19, s16, $0xb8;
	[tilespmem:$0x1D8C0] =	vst v63  }
0x133: {  	_ =	swait.ge [sflag:s7], $0x4000  }
0x134: {  	s21 =	smov.u32 s28;
	s19 =	sshra.s32 s25, $0x2;
	[sflag:s7] =	ssyncset.done $0x0  }
0x135: {  	s21 =	sadd.s32 $0x13940, s19;
	[sflag:s7] =	ssyncadd.s32 $0xFFFFC000  }
0x136: {  	[tilespmem:s0], [sflag:$0x2] =	stream.indirect.gather [hbm4b:s17+s16], $0x80, s21, s16, $0xb8;
	[tilespmem:$0x1D8C0] =	vst v63  }
0x137: {  	_ =	swait.ge [sflag:s10], $0x4000  }
0x138: {  	[sflag:s10] =	ssyncset.done $0x0  }
0x139: {  	s25 =	sadd.s32 $0x148C0, s19;
	[sflag:s10] =	ssyncadd.s32 $0xFFFFC000  }
0x13a: {  	[spmem:s18] =	stream.indirect.scatter.add.f32 [tilespmem:s6], [sflag:$0x3], $0x80, s25, s16, $0xb8;
	[tilespmem:$0x1D8C0] =	vst v63  }
0x13b: {  	_ =	swait.ge [sflag:s7], $0x4000  }
0x13c: {  	[sflag:s7] =	ssyncset.done $0x0  }
0x13d: {  	s28 =	sadd.s32 $0x139C0, s19;
	[sflag:s7] =	ssyncadd.s32 $0xFFFFC000  }
0x13e: {  	[tilespmem:s6], [sflag:$0x1] =	stream.indirect.gather [hbm4b:s17+s16], $0x80, s28, s16, $0xb8;
	[tilespmem:$0x1D8C0] =	vst v63  }
0x13f: {  	_ =	swait.ge [sflag:s11], $0x4000  }
0x140: {  	[sflag:s11] =	ssyncset.done $0x0  }
0x141: {  	s21 =	sadd.s32 $0x14940, s19;
	[sflag:s11] =	ssyncadd.s32 $0xFFFFC000  }
0x142: {  	[spmem:s18] =	stream.indirect.scatter.add.f32 [tilespmem:s0], [sflag:$0x3], $0x80, s21, s16, $0xb8;
	[tilespmem:$0x1D8C0] =	vst v63  }
0x143: {  	_ =	swait.ge [sflag:s7], $0x4000  }
0x144: {  	[sflag:s7] =	ssyncset.done $0x0  }
0x145: {  	[sflag:s7] =	ssyncadd.s32 $0xFFFFC000  }
0x146: {  	[tilespmem:s0], [sflag:$0x2] =	stream.indirect.gather [hbm4b:s17+s16], $0x80, s12, s16, $0xb8;
	[tilespmem:$0x1D8C0] =	vst v63  }
0x147: {  	_ =	swait.ge [sflag:s10], $0x4000  }
0x148: {  	[sflag:s10] =	ssyncset.done $0x0  }
0x149: {  	[sflag:s10] =	ssyncadd.s32 $0xFFFFC000  }
0x14a: {  	[spmem:s18] =	stream.indirect.scatter.add.f32 [tilespmem:s6], [sflag:$0x3], $0x80, s13, s16, $0xb8;
	[tilespmem:$0x1D8C0] =	vst v63  }
0x14b: {  	_ =	swait.ge [sflag:s7], $0x4000  }
0x14c: {  	[sflag:s7] =	ssyncset.done $0x0  }
0x14d: {  	[sflag:s7] =	ssyncadd.s32 $0xFFFFC000  }
0x14e: {  	_ =	swait.ge [sflag:s11], $0x4000  }
0x14f: {  	[sflag:s11] =	ssyncset.done $0x0  }
0x150: {  	[sflag:s11] =	ssyncadd.s32 $0xFFFFC000  }
0x151: {  	[spmem:s18] =	stream.indirect.scatter.add.f32 [tilespmem:s0], [sflag:$0x3], $0x80, s14, s16, $0xb8;
	[tilespmem:$0x1D8C0] =	vst v63  }
0x152: {  	_ =	swait.ge [sflag:s7], $0x4000  }
0x153: {  	[sflag:s7] =	ssyncset.done $0x0  }
0x154: {  	s23 =	simm.s32 $0x0;
	s25 =	rddreg [dreg:$0x8];
	[sflag:s7] =	ssyncadd.s32 $0xFFFFC000  }
0x155: {  	[tilespmem:s8], [sflag:$0x3] =	stream.linear.gather [hbm4b:s25+s23], $0x1000, $0x38;
	[tilespmem:$0x1D8C0] =	vst v63  }
0x156: {  	_ =	swait.ge [sflag:s7], $0x1000  }
0x157: {  	[sflag:s7] =	ssyncset.done $0x0  }
0x158: {  	s28 =	rddreg [dreg:$0x9];
	[sflag:s7] =	ssyncadd.s32 $0xFFFFF000  }
0x159: {  	[tilespmem:s9], [sflag:$0x3] =	stream.linear.gather [hbm4b:s28+s23], $0x1000, $0x38;
	[tilespmem:$0x1D8C0] =	vst v63  }
0x15a: {  	_ =	swait.ge [sflag:s7], $0x1000  }
0x15b: {  	[sflag:s7] =	ssyncset.done $0x0  }
0x15c: {  	[sflag:s7] =	ssyncadd.s32 $0xFFFFF000  }
0x15d: {  	[tilespmem:s6], [sflag:$0x1] =	stream.indirect.gather [hbm4b:s17+s16], $0x80, s8, s16, $0xb8;
	[tilespmem:$0x1D8C0] =	vst v63  }
0x15e: {  	s21 =	simm.s32 $0x13940  }
0x15f: {  	[tilespmem:s0], [sflag:$0x2] =	stream.indirect.gather [hbm4b:s17+s16], $0x80, s21, s16, $0xb8;
	[tilespmem:$0x1D8C0] =	vst v63  }
0x160: {  	_ =	swait.ge [sflag:s10], $0x4000  }
0x161: {  	[sflag:s10] =	ssyncset.done $0x0  }
0x162: {  	s23 =	simm.s32 $0x148C0;
	[sflag:s10] =	ssyncadd.s32 $0xFFFFC000  }
0x163: {  	[spmem:s18] =	stream.indirect.scatter.add.f32 [tilespmem:s6], [sflag:$0x3], $0x80, s23, s16, $0xb8;
	[tilespmem:$0x1D8C0] =	vst v63  }
0x164: {  	_ =	swait.ge [sflag:s7], $0x4000  }
0x165: {  	[sflag:s7] =	ssyncset.done $0x0  }
0x166: {  	s25 =	simm.s32 $0x139C0;
	[sflag:s7] =	ssyncadd.s32 $0xFFFFC000  }
0x167: {  	[tilespmem:s6], [sflag:$0x1] =	stream.indirect.gather [hbm4b:s17+s16], $0x80, s25, s16, $0xb8;
	[tilespmem:$0x1D8C0] =	vst v63  }
0x168: {  	_ =	swait.ge [sflag:s11], $0x4000  }
0x169: {  	[sflag:s11] =	ssyncset.done $0x0  }
0x16a: {  	s28 =	simm.s32 $0x14940;
	[sflag:s11] =	ssyncadd.s32 $0xFFFFC000  }
0x16b: {  	[spmem:s18] =	stream.indirect.scatter.add.f32 [tilespmem:s0], [sflag:$0x3], $0x80, s28, s16, $0xb8;
	[tilespmem:$0x1D8C0] =	vst v63  }
0x16c: {  	_ =	swait.ge [sflag:s7], $0x4000  }
0x16d: {  	s19 =	simm.s32 $0x100;
	s21 =	simm.s32 $0x800;
	[sflag:s7] =	ssyncset.done $0x0  }
.LBB2_7:
0x16e: {  	s23 =	sadd.s32 $0x13940, s19  }
0x16f: {  	[sflag:s7] =	ssyncadd.s32 $0xFFFFC000;
	s25 =	smov.u32 s21;
	s28 =	sadd.s32 $0x400, s21  }
0x170: {  	[tilespmem:s0], [sflag:$0x2] =	stream.indirect.gather [hbm4b:s17+s16], $0x80, s23, s16, $0xb8;
	[tilespmem:$0x1D8C0] =	vst v63  }
0x171: {  	p2 =	sne.s32 s21, $0x3800;
	_ =	swait.ge [sflag:s10], $0x4000  }
0x172: {  	[sflag:s10] =	ssyncset.done $0x0  }
0x173: {  	s21 =	sadd.s32 $0x148C0, s19;
	[sflag:s10] =	ssyncadd.s32 $0xFFFFC000  }
0x174: {  	[spmem:s18] =	stream.indirect.scatter.add.f32 [tilespmem:s6], [sflag:$0x3], $0x80, s21, s16, $0xb8;
	[tilespmem:$0x1D8C0] =	vst v63  }
0x175: {  	_ =	swait.ge [sflag:s7], $0x4000  }
0x176: {  	[sflag:s7] =	ssyncset.done $0x0  }
0x177: {  	s21 =	sadd.s32 $0x139C0, s19;
	[sflag:s7] =	ssyncadd.s32 $0xFFFFC000  }
0x178: {  	[tilespmem:s6], [sflag:$0x1] =	stream.indirect.gather [hbm4b:s17+s16], $0x80, s21, s16, $0xb8;
	[tilespmem:$0x1D8C0] =	vst v63  }
0x179: {  	_ =	swait.ge [sflag:s11], $0x4000  }
.Ltmp5:
0x17a: {  	[sflag:s11] =	ssyncset.done $0x0;
	(pc) =	sbr.rel @p2 .LBB2_7-.Ltmp5, $4  }
0x17b: {  	s19 =	sadd.s32 $0x14940, s19;
	[sflag:s11] =	ssyncadd.s32 $0xFFFFC000  }
0x17c: {  	[spmem:s18] =	stream.indirect.scatter.add.f32 [tilespmem:s0], [sflag:$0x3], $0x80, s19, s16, $0xb8;
	[tilespmem:$0x1D8C0] =	vst v63  }
0x17d: {  	_ =	swait.ge [sflag:s7], $0x4000  }
0x17e: {  	s21 =	smov.u32 s28;
	s19 =	sshra.s32 s25, $0x2;
	[sflag:s7] =	ssyncset.done $0x0  }
0x17f: {  	s21 =	sadd.s32 $0x13940, s19;
	[sflag:s7] =	ssyncadd.s32 $0xFFFFC000  }
0x180: {  	[tilespmem:s0], [sflag:$0x2] =	stream.indirect.gather [hbm4b:s17+s16], $0x80, s21, s16, $0xb8;
	[tilespmem:$0x1D8C0] =	vst v63  }
0x181: {  	_ =	swait.ge [sflag:s10], $0x4000  }
0x182: {  	[sflag:s10] =	ssyncset.done $0x0  }
0x183: {  	s25 =	sadd.s32 $0x148C0, s19;
	[sflag:s10] =	ssyncadd.s32 $0xFFFFC000  }
0x184: {  	[spmem:s18] =	stream.indirect.scatter.add.f32 [tilespmem:s6], [sflag:$0x3], $0x80, s25, s16, $0xb8;
	[tilespmem:$0x1D8C0] =	vst v63  }
0x185: {  	_ =	swait.ge [sflag:s7], $0x4000  }
0x186: {  	[sflag:s7] =	ssyncset.done $0x0  }
0x187: {  	s28 =	sadd.s32 $0x139C0, s19;
	[sflag:s7] =	ssyncadd.s32 $0xFFFFC000  }
0x188: {  	[tilespmem:s6], [sflag:$0x1] =	stream.indirect.gather [hbm4b:s17+s16], $0x80, s28, s16, $0xb8;
	[tilespmem:$0x1D8C0] =	vst v63  }
0x189: {  	_ =	swait.ge [sflag:s11], $0x4000  }
0x18a: {  	[sflag:s11] =	ssyncset.done $0x0  }
0x18b: {  	s21 =	sadd.s32 $0x14940, s19;
	[sflag:s11] =	ssyncadd.s32 $0xFFFFC000  }
0x18c: {  	[spmem:s18] =	stream.indirect.scatter.add.f32 [tilespmem:s0], [sflag:$0x3], $0x80, s21, s16, $0xb8;
	[tilespmem:$0x1D8C0] =	vst v63  }
0x18d: {  	_ =	swait.ge [sflag:s7], $0x4000  }
0x18e: {  	[sflag:s7] =	ssyncset.done $0x0  }
0x18f: {  	[sflag:s7] =	ssyncadd.s32 $0xFFFFC000  }
0x190: {  	[tilespmem:s0], [sflag:$0x2] =	stream.indirect.gather [hbm4b:s17+s16], $0x80, s12, s16, $0xb8;
	[tilespmem:$0x1D8C0] =	vst v63  }
0x191: {  	_ =	swait.ge [sflag:s10], $0x4000  }
0x192: {  	[sflag:s10] =	ssyncset.done $0x0  }
0x193: {  	[sflag:s10] =	ssyncadd.s32 $0xFFFFC000  }
0x194: {  	[spmem:s18] =	stream.indirect.scatter.add.f32 [tilespmem:s6], [sflag:$0x3], $0x80, s13, s16, $0xb8;
	[tilespmem:$0x1D8C0] =	vst v63  }
0x195: {  	_ =	swait.ge [sflag:s7], $0x4000  }
0x196: {  	[sflag:s7] =	ssyncset.done $0x0  }
0x197: {  	[sflag:s7] =	ssyncadd.s32 $0xFFFFC000  }
0x198: {  	_ =	swait.ge [sflag:s11], $0x4000  }
0x199: {  	[sflag:s11] =	ssyncset.done $0x0  }
0x19a: {  	[sflag:s11] =	ssyncadd.s32 $0xFFFFC000  }
0x19b: {  	[spmem:s18] =	stream.indirect.scatter.add.f32 [tilespmem:s0], [sflag:$0x3], $0x80, s14, s16, $0xb8;
	[tilespmem:$0x1D8C0] =	vst v63  }
0x19c: {  	_ =	swait.ge [sflag:s7], $0x4000  }
0x19d: {  	[sflag:s7] =	ssyncset.done $0x0  }
0x19e: {  	s23 =	simm.s32 $0x0;
	s25 =	rddreg [dreg:$0xa];
	[sflag:s7] =	ssyncadd.s32 $0xFFFFC000  }
0x19f: {  	[tilespmem:s8], [sflag:$0x3] =	stream.linear.gather [hbm4b:s25+s23], $0x1000, $0x38;
	[tilespmem:$0x1D8C0] =	vst v63  }
0x1a0: {  	_ =	swait.ge [sflag:s7], $0x1000  }
0x1a1: {  	[sflag:s7] =	ssyncset.done $0x0  }
0x1a2: {  	s28 =	rddreg [dreg:$0xb];
	[sflag:s7] =	ssyncadd.s32 $0xFFFFF000  }
0x1a3: {  	[tilespmem:s9], [sflag:$0x3] =	stream.linear.gather [hbm4b:s28+s23], $0x1000, $0x38;
	[tilespmem:$0x1D8C0] =	vst v63  }
0x1a4: {  	_ =	swait.ge [sflag:s7], $0x1000  }
0x1a5: {  	[sflag:s7] =	ssyncset.done $0x0  }
0x1a6: {  	[sflag:s7] =	ssyncadd.s32 $0xFFFFF000  }
0x1a7: {  	[tilespmem:s6], [sflag:$0x1] =	stream.indirect.gather [hbm4b:s17+s16], $0x80, s8, s16, $0xb8;
	[tilespmem:$0x1D8C0] =	vst v63  }
0x1a8: {  	s21 =	simm.s32 $0x13940  }
0x1a9: {  	[tilespmem:s0], [sflag:$0x2] =	stream.indirect.gather [hbm4b:s17+s16], $0x80, s21, s16, $0xb8;
	[tilespmem:$0x1D8C0] =	vst v63  }
0x1aa: {  	_ =	swait.ge [sflag:s10], $0x4000  }
0x1ab: {  	[sflag:s10] =	ssyncset.done $0x0  }
0x1ac: {  	s23 =	simm.s32 $0x148C0;
	[sflag:s10] =	ssyncadd.s32 $0xFFFFC000  }
0x1ad: {  	[spmem:s18] =	stream.indirect.scatter.add.f32 [tilespmem:s6], [sflag:$0x3], $0x80, s23, s16, $0xb8;
	[tilespmem:$0x1D8C0] =	vst v63  }
0x1ae: {  	_ =	swait.ge [sflag:s7], $0x4000  }
0x1af: {  	[sflag:s7] =	ssyncset.done $0x0  }
0x1b0: {  	s25 =	simm.s32 $0x139C0;
	[sflag:s7] =	ssyncadd.s32 $0xFFFFC000  }
0x1b1: {  	[tilespmem:s6], [sflag:$0x1] =	stream.indirect.gather [hbm4b:s17+s16], $0x80, s25, s16, $0xb8;
	[tilespmem:$0x1D8C0] =	vst v63  }
0x1b2: {  	_ =	swait.ge [sflag:s11], $0x4000  }
0x1b3: {  	[sflag:s11] =	ssyncset.done $0x0  }
0x1b4: {  	s28 =	simm.s32 $0x14940;
	[sflag:s11] =	ssyncadd.s32 $0xFFFFC000  }
0x1b5: {  	[spmem:s18] =	stream.indirect.scatter.add.f32 [tilespmem:s0], [sflag:$0x3], $0x80, s28, s16, $0xb8;
	[tilespmem:$0x1D8C0] =	vst v63  }
0x1b6: {  	_ =	swait.ge [sflag:s7], $0x4000  }
0x1b7: {  	s19 =	simm.s32 $0x100;
	s21 =	simm.s32 $0x800;
	[sflag:s7] =	ssyncset.done $0x0  }
.LBB2_9:
0x1b8: {  	s23 =	sadd.s32 $0x13940, s19  }
0x1b9: {  	[sflag:s7] =	ssyncadd.s32 $0xFFFFC000;
	s25 =	smov.u32 s21;
	s28 =	sadd.s32 $0x400, s21  }
0x1ba: {  	[tilespmem:s0], [sflag:$0x2] =	stream.indirect.gather [hbm4b:s17+s16], $0x80, s23, s16, $0xb8;
	[tilespmem:$0x1D8C0] =	vst v63  }
0x1bb: {  	p2 =	seq.s32 s21, $0x3800;
	_ =	swait.ge [sflag:s10], $0x4000  }
0x1bc: {  	[sflag:s10] =	ssyncset.done $0x0  }
0x1bd: {  	s21 =	sadd.s32 $0x148C0, s19;
	[sflag:s10] =	ssyncadd.s32 $0xFFFFC000  }
0x1be: {  	[spmem:s18] =	stream.indirect.scatter.add.f32 [tilespmem:s6], [sflag:$0x3], $0x80, s21, s16, $0xb8;
	[tilespmem:$0x1D8C0] =	vst v63  }
0x1bf: {  	_ =	swait.ge [sflag:s7], $0x4000  }
0x1c0: {  	[sflag:s7] =	ssyncset.done $0x0  }
0x1c1: {  	s21 =	sadd.s32 $0x139C0, s19;
	[sflag:s7] =	ssyncadd.s32 $0xFFFFC000  }
0x1c2: {  	[tilespmem:s6], [sflag:$0x1] =	stream.indirect.gather [hbm4b:s17+s16], $0x80, s21, s16, $0xb8;
	[tilespmem:$0x1D8C0] =	vst v63  }
0x1c3: {  	_ =	swait.ge [sflag:s11], $0x4000  }
.Ltmp6:
0x1c4: {  	[sflag:s11] =	ssyncset.done $0x0;
	(pc) =	sbr.rel @!p2 .LBB2_9-.Ltmp6, $4  }
0x1c5: {  	s19 =	sadd.s32 $0x14940, s19;
	[sflag:s11] =	ssyncadd.s32 $0xFFFFC000  }
0x1c6: {  	[spmem:s18] =	stream.indirect.scatter.add.f32 [tilespmem:s0], [sflag:$0x3], $0x80, s19, s16, $0xb8;
	[tilespmem:$0x1D8C0] =	vst v63  }
0x1c7: {  	_ =	swait.ge [sflag:s7], $0x4000  }
0x1c8: {  	s21 =	smov.u32 s28;
	s19 =	sshra.s32 s25, $0x2;
	[sflag:s7] =	ssyncset.done $0x0  }
0x1c9: {  	s21 =	sadd.s32 $0x13940, s19;
	[sflag:s7] =	ssyncadd.s32 $0xFFFFC000  }
0x1ca: {  	[tilespmem:s0], [sflag:$0x2] =	stream.indirect.gather [hbm4b:s17+s16], $0x80, s21, s16, $0xb8;
	[tilespmem:$0x1D8C0] =	vst v63  }
0x1cb: {  	_ =	swait.ge [sflag:s10], $0x4000  }
0x1cc: {  	[sflag:s10] =	ssyncset.done $0x0  }
0x1cd: {  	s23 =	sadd.s32 $0x148C0, s19;
	[sflag:s10] =	ssyncadd.s32 $0xFFFFC000  }
0x1ce: {  	[spmem:s18] =	stream.indirect.scatter.add.f32 [tilespmem:s6], [sflag:$0x3], $0x80, s23, s16, $0xb8;
	[tilespmem:$0x1D8C0] =	vst v63  }
0x1cf: {  	_ =	swait.ge [sflag:s7], $0x4000  }
0x1d0: {  	[sflag:s7] =	ssyncset.done $0x0  }
0x1d1: {  	s25 =	sadd.s32 $0x139C0, s19;
	[sflag:s7] =	ssyncadd.s32 $0xFFFFC000  }
0x1d2: {  	[tilespmem:s6], [sflag:$0x1] =	stream.indirect.gather [hbm4b:s17+s16], $0x80, s25, s16, $0xb8;
	[tilespmem:$0x1D8C0] =	vst v63  }
0x1d3: {  	_ =	swait.ge [sflag:s11], $0x4000  }
0x1d4: {  	[sflag:s11] =	ssyncset.done $0x0  }
.Ltmp7:
0x1d5: {  	s28 =	sadd.s32 $0x14940, s19;
	[sflag:s11] =	ssyncadd.s32 $0xFFFFC000;
	(pc) =	sbr.rel .LBB2_14-.Ltmp7, $4  }
0x1d6: {  	[spmem:s18] =	stream.indirect.scatter.add.f32 [tilespmem:s0], [sflag:$0x3], $0x80, s28, s16, $0xb8;
	[tilespmem:$0x1D8C0] =	vst v63  }
0x1d7: {  	_ =	swait.ge [sflag:s7], $0x4000  }
0x1d8: {  	[sflag:s7] =	ssyncset.done $0x0  }
0x1d9: {  	[sflag:s7] =	ssyncadd.s32 $0xFFFFC000  }
.LBB2_11:
0x1da: {  	s21 =	rddreg [dreg:$0x17]  }
0x1db: {  	[tilespmem:s8], [sflag:$0x3] =	stream.linear.gather [hbm4b:s21+s19], $0x1000, $0x38;
	[tilespmem:$0x1D8C0] =	vst v63  }
0x1dc: {  	_ =	swait.ge [sflag:s7], $0x1000  }
0x1dd: {  	[sflag:s7] =	ssyncset.done $0x0  }
0x1de: {  	s28 =	rddreg [dreg:$0x18];
	[sflag:s7] =	ssyncadd.s32 $0xFFFFF000  }
0x1df: {  	[tilespmem:s9], [sflag:$0x3] =	stream.linear.gather [hbm4b:s28+s19], $0x1000, $0x38;
	[tilespmem:$0x1D8C0] =	vst v63  }
0x1e0: {  	_ =	swait.ge [sflag:s7], $0x1000  }
0x1e1: {  	[sflag:s7] =	ssyncset.done $0x0  }
0x1e2: {  	[sflag:s7] =	ssyncadd.s32 $0xFFFFF000  }
0x1e3: {  	[tilespmem:s6], [sflag:$0x1] =	stream.indirect.gather [hbm4b:s17+s16], $0x80, s8, s16, $0xb8;
	[tilespmem:$0x1D8C0] =	vst v63  }
0x1e4: {  	s21 =	simm.s32 $0x13940  }
0x1e5: {  	[tilespmem:s0], [sflag:$0x2] =	stream.indirect.gather [hbm4b:s17+s16], $0x80, s21, s16, $0xb8;
	[tilespmem:$0x1D8C0] =	vst v63  }
0x1e6: {  	_ =	swait.ge [sflag:s10], $0x4000  }
0x1e7: {  	[sflag:s10] =	ssyncset.done $0x0  }
0x1e8: {  	s23 =	simm.s32 $0x148C0;
	[sflag:s10] =	ssyncadd.s32 $0xFFFFC000  }
0x1e9: {  	[spmem:s18] =	stream.indirect.scatter.add.f32 [tilespmem:s6], [sflag:$0x3], $0x80, s23, s16, $0xb8;
	[tilespmem:$0x1D8C0] =	vst v63  }
0x1ea: {  	_ =	swait.ge [sflag:s7], $0x4000  }
0x1eb: {  	[sflag:s7] =	ssyncset.done $0x0  }
0x1ec: {  	s25 =	simm.s32 $0x139C0;
	[sflag:s7] =	ssyncadd.s32 $0xFFFFC000  }
0x1ed: {  	[tilespmem:s6], [sflag:$0x1] =	stream.indirect.gather [hbm4b:s17+s16], $0x80, s25, s16, $0xb8;
	[tilespmem:$0x1D8C0] =	vst v63  }
0x1ee: {  	_ =	swait.ge [sflag:s11], $0x4000  }
0x1ef: {  	[sflag:s11] =	ssyncset.done $0x0  }
0x1f0: {  	s28 =	simm.s32 $0x14940;
	[sflag:s11] =	ssyncadd.s32 $0xFFFFC000  }
0x1f1: {  	[spmem:s18] =	stream.indirect.scatter.add.f32 [tilespmem:s0], [sflag:$0x3], $0x80, s28, s16, $0xb8;
	[tilespmem:$0x1D8C0] =	vst v63  }
0x1f2: {  	_ =	swait.ge [sflag:s7], $0x4000  }
0x1f3: {  	s19 =	simm.s32 $0x100;
	s21 =	simm.s32 $0x800;
	[sflag:s7] =	ssyncset.done $0x0  }
.LBB2_12:
0x1f4: {  	s23 =	sadd.s32 $0x13940, s19  }
0x1f5: {  	[sflag:s7] =	ssyncadd.s32 $0xFFFFC000;
	s25 =	smov.u32 s21;
	s28 =	sadd.s32 $0x400, s21  }
0x1f6: {  	[tilespmem:s0], [sflag:$0x2] =	stream.indirect.gather [hbm4b:s17+s16], $0x80, s23, s16, $0xb8;
	[tilespmem:$0x1D8C0] =	vst v63  }
0x1f7: {  	p2 =	sne.s32 s21, $0x3800;
	_ =	swait.ge [sflag:s10], $0x4000  }
0x1f8: {  	[sflag:s10] =	ssyncset.done $0x0  }
0x1f9: {  	s21 =	sadd.s32 $0x148C0, s19;
	[sflag:s10] =	ssyncadd.s32 $0xFFFFC000  }
0x1fa: {  	[spmem:s18] =	stream.indirect.scatter.add.f32 [tilespmem:s6], [sflag:$0x3], $0x80, s21, s16, $0xb8;
	[tilespmem:$0x1D8C0] =	vst v63  }
0x1fb: {  	_ =	swait.ge [sflag:s7], $0x4000  }
0x1fc: {  	[sflag:s7] =	ssyncset.done $0x0  }
0x1fd: {  	s21 =	sadd.s32 $0x139C0, s19;
	[sflag:s7] =	ssyncadd.s32 $0xFFFFC000  }
0x1fe: {  	[tilespmem:s6], [sflag:$0x1] =	stream.indirect.gather [hbm4b:s17+s16], $0x80, s21, s16, $0xb8;
	[tilespmem:$0x1D8C0] =	vst v63  }
0x1ff: {  	_ =	swait.ge [sflag:s11], $0x4000  }
.Ltmp8:
0x200: {  	[sflag:s11] =	ssyncset.done $0x0;
	(pc) =	sbr.rel @p2 .LBB2_12-.Ltmp8, $4  }
0x201: {  	s19 =	sadd.s32 $0x14940, s19;
	[sflag:s11] =	ssyncadd.s32 $0xFFFFC000  }
0x202: {  	[spmem:s18] =	stream.indirect.scatter.add.f32 [tilespmem:s0], [sflag:$0x3], $0x80, s19, s16, $0xb8;
	[tilespmem:$0x1D8C0] =	vst v63  }
0x203: {  	_ =	swait.ge [sflag:s7], $0x4000  }
0x204: {  	s21 =	smov.u32 s28;
	s19 =	sshra.s32 s25, $0x2;
	[sflag:s7] =	ssyncset.done $0x0  }
.Ltmp9:
0x205: {  	_ = 	snop;
	(pc) =	sbr.rel .LBB2_13-.Ltmp9, $1  }
0x206: {  	_ =	sdelay $0x3  }
.LBB2_15:
0x207: {  	_ =	sfence.sel $0x180000  }
0x208: {  	[bflag:$0x0] =	sbarrier.arrive $0xFFFF  }
0x209: {  	_ =	strace $0x9000004D  }
0x20a: {  	s0 =	stileid.u32;
	[bflag:$0x2] =	sbarrier.arrive $0xFFFF  }
0x20b: {  	p0 =	sne.s32 s0, $0x0;
	s0 =	rddreg [dreg:$0x3]  }
0x20c: {  	s0 =	sadd.s32 @!p0 $0x100000, s0  }
0x20d: {  	[sflag:s0] =	ssyncadd.tile.s32 @!p0 $0x1;
	_ =	shalt  }
.Lfunc_end2:
_tile_overlayer_lowered:
.L_overlay_start_2:
0x20e: {  	(tag) =	ssettag $0x2  }
0x20f: {  	s0 =	rddreg [dreg:$0x0];
	s2 =	stileid.u32  }
0x210: {  	s1 =	rddreg [dreg:$0x1];
	p0 =	sne.s32 s2, $0x0  }
0x211: {  	s3 =	rddreg [dreg:$0x2];
	[bflag:$0x3] =	sbarrier.arrive $0xFFFF;
	s2 =	simm.s32 @!p0 $0x1C03  }
0x212: {  	[timem:s3], [sflag:s2] =	dma.local @!p0 [hbm:s0], s1  }
0x213: {  	s0 =	simm.s32 @!p0 $0x3  }
0x214: {  	_ =	swait.ge @!p0 [sflag:s0], s1  }
0x215: {  	s1 =	ssub.s32 @!p0 $0x0, s1;
	[sflag:s0] =	ssyncset.done @!p0 $0x0  }
0x216: {  	[sflag:s0] =	ssyncadd.s32 @!p0 s1  }
0x217: {  	[bflag:$0x3] =	sbarrier.arrive $0xFFFF  }
0x218: {  	_ =	shalt  }

// kernel: kernel.8.cloned.1.call-start
scs
__scs_entry_jumppad:
0x0: {  	(pc) =	sbr.rel $0x88, $3  }
0x1: {  	(tag) =	ssettag $0x0;
	lr =	simm.s32 $0x1  }
0x2: {  	[smem:$0x3F99] =	sst lr;
	_ =	strace $0xD0000000  }
0x3: {  	_ = 	snop  }
0x4: {  	_ = 	snop  }
0x5: {  	_ = 	snop  }
0x6: {  	_ = 	snop  }
0x7: {  	_ = 	snop  }
__scs_overlays_trampoline_lowered:
0x8: {  	[smem:$0x3FA8] =	sst s0  }
0x9: {  	[smem:$0x3FA9] =	sst s1  }
0xa: {  	[smem:$0x3FAA] =	sst s2  }
0xb: {  	[smem:$0x3FAB] =	sst s3  }
0xc: {  	[smem:$0x3FAC] =	sst s4  }
0xd: {  	[smem:$0x3FAD] =	sst s5  }
0xe: {  	[smem:$0x3FAE] =	sst s6  }
0xf: {  	[smem:$0x3FAF] =	sst s7  }
0x10: {  	[smem:$0x3FB0] =	sst s8  }
0x11: {  	[smem:$0x3FB1] =	sst s9;
	s0 =	simm.s32 @!p0 $0x0  }
0x12: {  	s1 =	sld [smem:$0x3F97];
	s0 =	simm.s32 @p0 $0x1  }
0x13: {  	[smem:$0x3FB2] =	sst s0;
	s0 =	simm.s32 @!p1 $0x0  }
0x14: {  	s2 =	sld [smem:$0x3F96];
	s0 =	simm.s32 @p1 $0x1  }
0x15: {  	[smem:$0x3FB3] =	sst s0;
	s0 =	simm.s32 @!p2 $0x0  }
0x16: {  	s3 =	sld [smem:$0x3FDB];
	s0 =	simm.s32 @p2 $0x1  }
0x17: {  	s4 =	simm.s32 $0x1BF5;
	[smem:$0x3FB5] =	sst s0  }
0x18: {  	s0 =	sld [smem:$0x3F98];
	_ =	swait.ge [sflag:s4], $0x0  }
0x19: {  	s7 =	sld [smem:$0x3F99]  }
0x1a: {  	s8 =	sadd.s32 $0xFFFFE003, lr  }
0x1b: {  	s9 =	sadd.s32 $0xFFFFFEF7, lr;
	s5 =	simm.s32 $0xFFFFFFFF;
	p2 =	slt.u32 s8, $0xFFFFF086  }
0x1c: {  	p1 =	slt.u32 s9, $0xF7A;
	s5 =	simm.s32 @!p2 $0x0  }
0x1d: {  	s5 =	simm.s32 @p1 $0x1;
	p0 =	seq.s32 s7, s2  }
0x1e: {  	s7 =	smul.u32 @!p0 $0xF7A, s2;
	p2 =	seq.s32 @!p0 s5, $0x0  }
0x1f: {  	s9 =	smul.u32 $0xF7A, s1;
	s8 =	simm.s32 @!p0 $0x1BF5;
	p2 =	por !p2, p0  }
0x20: {  	[sflag:s8] =	ssyncset.s32 @!p0 $0xFFFFF086;
	s6 =	sadd.s32 @!p0 s3, s7;
	s7 =	simm.s32 @!p0 $0x108  }
0x21: {  	s3 =	sadd.s32 s3, s9;
	s6 =	sadd.s32 @!p0 $0x88, s6;
	s7 =	simm.s32 @p2 $0x1082  }
0x22: {  	[simem:s7], [sflag:s8] =	dma.local @!p0 [hbm:s6], $0xF7A  }
0x23: {  	s9 =	sor.u32 $0xD0000000, s2;
	s6 =	simm.s32 $0x108;
	_ =	swait.ge @!p0 [sflag:s8], $0x0  }
0x24: {  	s3 =	sadd.s32 $0x88, s3;
	s6 =	simm.s32 @!p1 $0x1082;
	[sflag:s4] =	ssyncset.s32 $0xFFFFF086  }
0x25: {  	[simem:s6], [sflag:s4] =	dma.local [hbm:s3], $0xF7A  }
0x26: {  	[smem:$0x3F99] =	sst s1;
	(tag) =	ssettag s2;
	_ =	strace s9  }
0x27: {  	s1 =	sld [smem:$0x3FA9]  }
0x28: {  	s2 =	sld [smem:$0x3FAA]  }
0x29: {  	s4 =	sld [smem:$0x3FAC]  }
0x2a: {  	p0 =	seq.s32 s5, $0x0;
	s5 =	sld [smem:$0x3FAD]  }
0x2b: {  	s6 =	sld [smem:$0x3FAE]  }
0x2c: {  	s7 =	sld [smem:$0x3FAF]  }
0x2d: {  	s3 =	simm.s32 $0x108;
	s8 =	sld [smem:$0x3FB0]  }
0x2e: {  	s3 =	simm.s32 @!p0 $0x1082;
	s9 =	sld [smem:$0x3FB1]  }
0x2f: {  	lr =	sadd.s32 s0, s3;
	s0 =	sld [smem:$0x3FA8]  }
0x30: {  	s3 =	sld [smem:$0x3FAB]  }
0x31: {  	[smem:$0x3FB4] =	sst s10  }
0x32: {  	s10 =	sld [smem:$0x3FB2];
	_ =	sdelay $0x3  }
0x33: {  	p0 =	seq.s32 s10, $0x1;
	s10 =	sld [smem:$0x3FB4];
	_ =	sdelay $0x3  }
0x34: {  	[smem:$0x3FB4] =	sst s10  }
0x35: {  	s10 =	sld [smem:$0x3FB3];
	_ =	sdelay $0x3  }
0x36: {  	p1 =	seq.s32 s10, $0x1;
	s10 =	sld [smem:$0x3FB4];
	_ =	sdelay $0x3  }
0x37: {  	[smem:$0x3FB4] =	sst s10  }
0x38: {  	s10 =	sld [smem:$0x3FB5]  }
0x39: {  	_ = 	snop;
	(pc) =	sbr.ind lr, $3  }
0x3a: {  	_ = 	snop  }
0x3b: {  	_ = 	snop  }
0x3c: {  	p2 =	seq.s32 s10, $0x1;
	s10 =	sld [smem:$0x3FB4]  }
0x3d: {  	_ =	shalt  }
0x3e: {  	_ =	shalt  }
0x3f: {  	_ =	shalt  }
0x40: {  	_ =	shalt  }
0x41: {  	_ =	shalt  }
0x42: {  	_ =	shalt  }
0x43: {  	_ =	shalt  }
0x44: {  	_ =	shalt  }
0x45: {  	_ =	shalt  }
0x46: {  	_ =	shalt  }
0x47: {  	_ =	shalt  }
0x48: {  	_ =	shalt  }
0x49: {  	_ =	shalt  }
0x4a: {  	_ =	shalt  }
0x4b: {  	_ =	shalt  }
0x4c: {  	_ =	shalt  }
0x4d: {  	_ =	shalt  }
0x4e: {  	_ =	shalt  }
0x4f: {  	_ =	shalt  }
0x50: {  	_ =	shalt  }
0x51: {  	_ =	shalt  }
0x52: {  	_ =	shalt  }
0x53: {  	_ =	shalt  }
0x54: {  	_ =	shalt  }
0x55: {  	_ =	shalt  }
0x56: {  	_ =	shalt  }
0x57: {  	_ =	shalt  }
0x58: {  	_ =	shalt  }
0x59: {  	_ =	shalt  }
0x5a: {  	_ =	shalt  }
0x5b: {  	_ =	shalt  }
0x5c: {  	_ =	shalt  }
0x5d: {  	_ =	shalt  }
0x5e: {  	_ =	shalt  }
0x5f: {  	_ =	shalt  }
0x60: {  	_ =	shalt  }
0x61: {  	_ =	shalt  }
0x62: {  	_ =	shalt  }
0x63: {  	_ =	shalt  }
0x64: {  	_ =	shalt  }
0x65: {  	_ =	shalt  }
0x66: {  	_ =	shalt  }
0x67: {  	_ =	shalt  }
0x68: {  	_ =	shalt  }
0x69: {  	_ =	shalt  }
0x6a: {  	_ =	shalt  }
0x6b: {  	_ =	shalt  }
0x6c: {  	_ =	shalt  }
0x6d: {  	_ =	shalt  }
0x6e: {  	_ =	shalt  }
0x6f: {  	_ =	shalt  }
0x70: {  	_ =	shalt  }
0x71: {  	_ =	shalt  }
0x72: {  	_ =	shalt  }
0x73: {  	_ =	shalt  }
0x74: {  	_ =	shalt  }
0x75: {  	_ =	shalt  }
0x76: {  	_ =	shalt  }
0x77: {  	_ =	shalt  }
0x78: {  	_ =	shalt  }
0x79: {  	_ =	shalt  }
0x7a: {  	_ =	shalt  }
0x7b: {  	_ =	shalt  }
0x7c: {  	_ =	shalt  }
0x7d: {  	_ =	shalt  }
0x7e: {  	_ =	shalt  }
0x7f: {  	_ =	shalt  }
0x80: {  	_ =	shalt  }
0x81: {  	_ =	shalt  }
0x82: {  	_ =	shalt  }
0x83: {  	_ =	shalt  }
0x84: {  	_ =	shalt  }
0x85: {  	_ =	shalt  }
0x86: {  	_ =	shalt  }
0x87: {  	_ =	shalt  }
.Lfunc_end0:
.L_simem_size_0:
called_computation_lowered:
.L_overlay_start_0:
0x88: {  	s2 =	sld [smem:$0x3FD9]  }
0x89: {  	s3 =	sld [smem:$0x3FFE];
	_ =	sdelay $0x1  }
0x8a: {  	s1 =	srdreg.scid  }
0x8b: {  	s0 =	sand.u32 $0x1, s1  }
0x8c: {  	s17 =	sshll.u32 s0, $0xA;
	s2 =	sadd.s32 s3, s2  }
0x8d: {  	s2 =	sadd.s32 s2, s17  }
0x8e: {  	[smem:$0x3FC0] =	sst s2  }
0x8f: {  	_ = 	snop  }
0x90: {  	s2 =	sld [smem:$0x3FD0];
	(tm) =	ssettm $0x1  }
0x91: {  	s18 =	sld [smem:$0x3FFB];
	_ =	sdelay $0x3  }
0x92: {  	_ =	strace s18  }
0x93: {  	s3 =	sld [smem:$0x3FFC];
	_ =	sdelay $0x3  }
0x94: {  	_ =	strace s3  }
0x95: {  	s3 =	sld [smem:$0x3FFD];
	_ =	sdelay $0x3  }
0x96: {  	_ =	strace s3  }
0x97: {  	_ =	strace $0x8FFFFFFF  }
0x98: {  	s19 =	sld [smem:$0x3FDB];
	_ =	sdelay $0x1  }
0x99: {  	s4 =	simm.s32 $_scs_section_size  }
0x9a: {  	s5 =	simm.s32 $_size__tile_overlayer_lowered;
	s6 =	simm.s32 $_tile_overlayer_lowered  }
0x9b: {  	s22 =	simm.s32 $0x1BFF;
	s21 =	sshll.u32 s6, $0x1;
	s3 =	sadd.s32 s4, s19  }
0x9c: {  	s7 =	simm.s32 $0x0;
	s20 =	sshll.u32 s5, $0x1;
	s5 =	sadd.s32 s21, s3  }
0x9d: {  	[timem:s7], [sflag:s22] =	dma.local [hbm:s5], s20  }
0x9e: {  	_ =	swait.ge [sflag:s22], s20  }
0x9f: {  	s4 =	ssub.s32 $0x0, s20;
	[sflag:s22] =	ssyncset.done $0x0  }
0xa0: {  	[sflag:s22] =	ssyncadd.s32 s4;
	_ =	sdelay $0x1  }
0xa1: {  	s23 =	simm.s32 $0x1B8B  }
0xa2: {  	_ =	swait.ge [sflag:s23], $0x1  }
0xa3: {  	[sflag:s23] =	ssyncset.done $0x0  }
0xa4: {  	s25 =	simm.s32 $0x1B8E;
	s24 =	sld [smem:$0x3FFE];
	[sflag:s23] =	ssyncadd.s32 $0xFFFFFFFF  }
0xa5: {  	s26 =	simm.s32 $execute0_lowered;
	[smem:$0x3FD2] =	sst s25  }
0xa6: {  	s5 =	sshll.u32 s26, $0x1;
	_ =	strace $0x80000046;
	[dreg:$0x1] =	wrdreg $0xFFFFFFFF  }
0xa7: {  	s28 =	simm.s32 $_size_execute0_lowered;
	s3 =	sadd.s32 s3, s5;
	[dreg:$0x0] =	wrdreg $0x0  }
0xa8: {  	s5 =	sshll.u32 s28, $0x1;
	[dreg:$0x2] =	wrdreg s3  }
0xa9: {  	[dreg:$0x3] =	wrdreg s5  }
0xaa: {  	[dreg:$0x4] =	wrdreg $0xC0  }
0xab: {  	_ =	task [dreg:s7], $0x5FFFF  }
0xac: {  	[dreg:$0x1] =	wrdreg $0xFFFFFFFF  }
0xad: {  	[dreg:$0x0] =	wrdreg $0x60  }
0xae: {  	[dreg:$0x2] =	wrdreg s2  }
0xaf: {  	[dreg:$0x3] =	wrdreg s24  }
0xb0: {  	[dreg:$0x4] =	wrdreg $0x0  }
0xb1: {  	[dreg:$0x5] =	wrdreg $0x9  }
0xb2: {  	_ =	task.clear_ibuf [dreg:s7], $0x6FFFF;
	_ =	strace $0x90000046  }
0xb3: {  	s29 =	simm.s32 $0x9;
	_ =	strace $0x80000048  }
0xb4: {  	_ =	swait.ge [sflag:s29], $0x1  }
0xb5: {  	[sflag:s29] =	ssyncadd.s32 $0xFFFFFFFF  }
0xb6: {  	_ =	strace $0x90000048  }
0xb7: {  	_ =	sfence  }
0xb8: {  	s30 =	sld [smem:$0x0];
	_ =	sdelay $0x2  }
0xb9: {  	s31 =	sshll.u32 s1, $0xD;
	s1 =	sshrl.u32 s1, $0x2  }
0xba: {  	s3 =	sand.u32 $0x4000, s31;
	s1 =	sadd.s32 s1, s30  }
0xbb: {  	s0 =	sor.u32 s3, s0;
	s1 =	sshll.u32 s1, $0x11  }
0xbc: {  	s0 =	sor.u32 s1, s0  }
0xbd: {  	s0 =	sadd.s32 $0x8F2B, s0  }
0xbe: {  	[sflag:s0] =	ssyncadd.remote.s32 $0x1  }
0xbf: {  	_ =	sfence.sel $0xFFFF  }
0xc0: {  	[dreg:$0x0] =	wrdreg $0xFFFFFFFF;
	(pc) =	sbr.abs _section_cstart, $3  }
0xc1: {  	[dreg:$0x1] =	wrdreg $0xFFFFFFFF  }
0xc2: {  	_ =	task.clear_ibuf [dreg:s7], $0x2FFFF;
	_ =	strace $0x9FFFFFFF  }
0xc3: {  	(tm) =	ssettm $0x7FFFFFFF  }
tec
execute0_lowered:
.L_overlay_start_1:
0x0: {  	(tag) =	ssettag $0x1  }
0x1: {  	s4 =	rddreg [dreg:$0x0]  }
0x2: {  	s5 =	rddreg [dreg:$0x1];
	s1 =	srdreg.scid  }
0x3: {  	s0 =	stileid.u32;
	s2 =	rddreg [dreg:$0x2];
	s21 =	simm.s32 $0x1  }
0x4: {  	s22 =	simm.s32 $0x2A78;
	s23 =	simm.s32 $0x80;
	s24 =	simm.s32 $0x0  }
0x5: {  	s6 =	sand.u32 $0x1, s1;
	s3 =	sshll.u32 s0, $0x1;
	s1 =	rddreg [dreg:$0x3]  }
0x6: {  	s11 =	smul.u32 $0x270, s0;
	s17 =	sadd.s32 $0x2E00, s5;
	p0 =	sne.s32 s0, $0xF  }
0x7: {  	s7 =	sor.u32 s6, s3;
	s3 =	simm.s32 $0x0;
	s16 =	smul.u32 $0x2710, s6  }
0x8: {  	s8 =	ssub.s32 $0x2, s6;
	s7 =	smul.u32 $0x500, s7;
	[smem:$0x7FF] =	sst s3  }
0x9: {  	s9 =	sshrl.u32 s8, $0x1;
	s5 =	sadd.s32 s11, s2;
	_ =	strace $0x80000047  }
0xa: {  	s19 =	ssub.s32 s8, s9;
	s6 =	sadd.s32 $0x68, s5;
	s8 =	sadd.s32 $0x138, s5  }
0xb: {  	s9 =	sadd.s32 $0x1A0, s5;
	s10 =	sadd.s32 $0x208, s5;
	s18 =	sadd.s32 s11, s16  }
0xc: {  	s11 =	sadd.s32 $0x2700, s2;
	s20 =	sshrl.u32 s16, $0x3;
	s4 =	sadd.s32 s4, s7  }
0xd: {  	s7 =	sadd.s32 $0xD0, s5;
	s12 =	sshrl.u32 s18, $0x3;
	s13 =	sadd.s32 $0x68, s18  }
0xe: {  	s15 =	sadd.s32 $0x138, s18;
	s18 =	sadd.s32 $0x208, s18;
	s20 =	sadd.s32 s17, s20  }
0xf: {  	s19 =	smax.u32 s19, $0x1;
	s12 =	sadd.s32 s17, s12;
	s13 =	sshrl.u32 s13, $0x3  }
0x10: {  	s15 =	sshrl.u32 s15, $0x3;
	s18 =	sshrl.u32 s18, $0x3;
	s13 =	sadd.s32 s17, s13  }
0x11: {  	s14 =	sadd.s32 $0x1A, s12;
	s15 =	sadd.s32 s17, s15;
	s16 =	sadd.s32 $0x34, s12  }
0x12: {  	v0 =	vimm.f32 $1.000000000e+00;
	s17 =	sadd.s32 s17, s18;
	s18 =	sadd.s32 $0x4E0, s20;
	s20 =	simm.s32 $0x278  }
.LBB2_1:
0x13: {  	[tilespmem:s20], [sflag:$0x1] =	stream.linear.gather [hbm4b:s4+s3], $0x2800, $0x38;
	[tilespmem:$0x2AF8] =	vst v63  }
0x14: {  	_ =	swait.ge [sflag:s21], $0x2800  }
0x15: {  	[sflag:s21] =	ssyncset.done $0x0  }
0x16: {  	[sflag:s21] =	ssyncadd.s32 $0xFFFFD800  }
0x17: {  	[tilespmem:$0x2A78] =	vst v0  }
0x18: {  	[tilespmem:$0x2A88] =	vst v0  }
0x19: {  	[tilespmem:$0x2A98] =	vst v0  }
0x1a: {  	[tilespmem:$0x2AA8] =	vst v0  }
0x1b: {  	[tilespmem:$0x2AB8] =	vst v0  }
0x1c: {  	[tilespmem:$0x2AC8] =	vst v0  }
0x1d: {  	[tilespmem:$0x2AD8] =	vst v0  }
0x1e: {  	[tilespmem:$0x2AE8] =	vst v0  }
0x1f: {  	[spmem:s5] =	stream.linear.scatter [tilespmem:s22], [sflag:$0x1], $0x68, $0x38;
	[tilespmem:$0x2AF8] =	vst v63  }
0x20: {  	_ =	swait.ge [sflag:s21], $0x68  }
0x21: {  	[sflag:s21] =	ssyncset.done $0x0  }
0x22: {  	[sflag:s21] =	ssyncadd.s32 $0xFFFFFF98  }
0x23: {  	[spmem:s6] =	stream.linear.scatter [tilespmem:s22], [sflag:$0x1], $0x68, $0x38;
	[tilespmem:$0x2AF8] =	vst v63  }
0x24: {  	_ =	swait.ge [sflag:s21], $0x68  }
0x25: {  	[sflag:s21] =	ssyncset.done $0x0  }
0x26: {  	[sflag:s21] =	ssyncadd.s32 $0xFFFFFF98  }
0x27: {  	[spmem:s7] =	stream.linear.scatter [tilespmem:s22], [sflag:$0x1], $0x68, $0x38;
	[tilespmem:$0x2AF8] =	vst v63  }
0x28: {  	_ =	swait.ge [sflag:s21], $0x68  }
0x29: {  	[sflag:s21] =	ssyncset.done $0x0  }
0x2a: {  	[sflag:s21] =	ssyncadd.s32 $0xFFFFFF98  }
0x2b: {  	[spmem:s8] =	stream.linear.scatter [tilespmem:s22], [sflag:$0x1], $0x68, $0x38;
	[tilespmem:$0x2AF8] =	vst v63  }
0x2c: {  	_ =	swait.ge [sflag:s21], $0x68  }
0x2d: {  	[sflag:s21] =	ssyncset.done $0x0  }
0x2e: {  	[sflag:s21] =	ssyncadd.s32 $0xFFFFFF98  }
0x2f: {  	[spmem:s9] =	stream.linear.scatter [tilespmem:s22], [sflag:$0x1], $0x68, $0x38;
	[tilespmem:$0x2AF8] =	vst v63  }
0x30: {  	_ =	swait.ge [sflag:s21], $0x68  }
0x31: {  	[sflag:s21] =	ssyncset.done $0x0  }
0x32: {  	[sflag:s21] =	ssyncadd.s32 $0xFFFFFF98  }
0x33: {  	[spmem:s10] =	stream.linear.scatter [tilespmem:s22], [sflag:$0x1], $0x68, $0x38;
	[tilespmem:$0x2AF8] =	vst v63  }
0x34: {  	_ =	swait.ge [sflag:s21], $0x68  }
0x35: {  	[sflag:s21] =	ssyncset.done $0x0  }
0x36: {  	s25 =	simm.s32 @!p0 $0x2A78;
	[sflag:s21] =	ssyncadd.s32 $0xFFFFFF98  }
0x37: {  	[spmem:s11] =	stream.linear.scatter @!p0 [tilespmem:s25], [sflag:$0x1], $0x10, $0x38;
	[tilespmem:$0x2AF8] =	vst v63  }
0x38: {  	s25 =	simm.s32 @!p0 $0x1  }
0x39: {  	_ =	swait.ge @!p0 [sflag:s25], $0x10  }
0x3a: {  	[sflag:s25] =	ssyncset.done @!p0 $0x0  }
0x3b: {  	[sflag:s25] =	ssyncadd.s32 @!p0 $0xFFFFFFF0  }
0x3c: {  	s31 =	simm.s32 $0x278;
	[bflag:$0x0] =	sbarrier.arrive $0xFFFF  }
0x3d: {  	[spmem:s2] =	stream.indirect.scatter.add.f32 [tilespmem:s22], [sflag:$0x1], $0x1, s31, s23, $0xb8;
	[tilespmem:$0x2AF8] =	vst v63  }
0x3e: {  	s25 =	simm.s32 $0x200;
	_ =	swait.ge [sflag:s21], $0x80  }
.LBB2_2:
0x3f: {  	s26 =	sshra.s32 s25, $0x2;
	[sflag:s21] =	ssyncset.done $0x0;
	p1 =	sne.s32 s25, $0x9E00  }
.Ltmp0:
0x40: {  	s26 =	sadd.s32 $0x278, s26;
	[sflag:s21] =	ssyncadd.s32 $0xFFFFFF80;
	(pc) =	sbr.rel @p1 .LBB2_2-.Ltmp0, $3  }
0x41: {  	[spmem:s2] =	stream.indirect.scatter.add.f32 [tilespmem:s22], [sflag:$0x1], $0x1, s26, s23, $0xb8;
	[tilespmem:$0x2AF8] =	vst v63  }
0x42: {  	s25 =	sadd.s32 $0x200, s25;
	_ =	sdelay $0x1  }
0x43: {  	_ =	swait.ge [sflag:s21], $0x80  }
0x44: {  	[sflag:s21] =	ssyncset.done $0x0  }
0x45: {  	[sflag:s21] =	ssyncadd.s32 $0xFFFFFF80  }
0x46: {  	[bflag:$0x0] =	sbarrier.arrive $0xFFFF  }
0x47: {  	[tilespmem:s22], [sflag:$0x1] =	stream.linear.gather [spmem:s5], $0x68, $0x38;
	[tilespmem:$0x2AF8] =	vst v63  }
0x48: {  	_ =	swait.ge [sflag:s21], $0x68  }
0x49: {  	[sflag:s21] =	ssyncset.done $0x0  }
0x4a: {  	[sflag:s21] =	ssyncadd.s32 $0xFFFFFF98  }
0x4b: {  	[hbm4b:s12+s3] =	stream.linear.scatter [tilespmem:s22], [sflag:$0x1], $0x68, $0x38;
	[tilespmem:$0x2AF8] =	vst v63  }
0x4c: {  	_ =	swait.ge [sflag:s21], $0x68  }
0x4d: {  	[sflag:s21] =	ssyncset.done $0x0  }
0x4e: {  	[sflag:s21] =	ssyncadd.s32 $0xFFFFFF98  }
0x4f: {  	[tilespmem:s22], [sflag:$0x1] =	stream.linear.gather [spmem:s6], $0x68, $0x38;
	[tilespmem:$0x2AF8] =	vst v63  }
0x50: {  	_ =	swait.ge [sflag:s21], $0x68  }
0x51: {  	[sflag:s21] =	ssyncset.done $0x0  }
0x52: {  	[sflag:s21] =	ssyncadd.s32 $0xFFFFFF98  }
0x53: {  	[hbm4b:s13+s3] =	stream.linear.scatter [tilespmem:s22], [sflag:$0x1], $0x68, $0x38;
	[tilespmem:$0x2AF8] =	vst v63  }
0x54: {  	_ =	swait.ge [sflag:s21], $0x68  }
0x55: {  	[sflag:s21] =	ssyncset.done $0x0  }
0x56: {  	[sflag:s21] =	ssyncadd.s32 $0xFFFFFF98  }
0x57: {  	[tilespmem:s22], [sflag:$0x1] =	stream.linear.gather [spmem:s7], $0x68, $0x38;
	[tilespmem:$0x2AF8] =	vst v63  }
0x58: {  	_ =	swait.ge [sflag:s21], $0x68  }
0x59: {  	[sflag:s21] =	ssyncset.done $0x0  }
0x5a: {  	[sflag:s21] =	ssyncadd.s32 $0xFFFFFF98  }
0x5b: {  	[hbm4b:s14+s3] =	stream.linear.scatter [tilespmem:s22], [sflag:$0x1], $0x68, $0x38;
	[tilespmem:$0x2AF8] =	vst v63  }
0x5c: {  	_ =	swait.ge [sflag:s21], $0x68  }
0x5d: {  	[sflag:s21] =	ssyncset.done $0x0  }
0x5e: {  	[sflag:s21] =	ssyncadd.s32 $0xFFFFFF98  }
0x5f: {  	[tilespmem:s22], [sflag:$0x1] =	stream.linear.gather [spmem:s8], $0x68, $0x38;
	[tilespmem:$0x2AF8] =	vst v63  }
0x60: {  	_ =	swait.ge [sflag:s21], $0x68  }
0x61: {  	[sflag:s21] =	ssyncset.done $0x0  }
0x62: {  	[sflag:s21] =	ssyncadd.s32 $0xFFFFFF98  }
0x63: {  	[hbm4b:s15+s3] =	stream.linear.scatter [tilespmem:s22], [sflag:$0x1], $0x68, $0x38;
	[tilespmem:$0x2AF8] =	vst v63  }
0x64: {  	_ =	swait.ge [sflag:s21], $0x68  }
0x65: {  	[sflag:s21] =	ssyncset.done $0x0  }
0x66: {  	[sflag:s21] =	ssyncadd.s32 $0xFFFFFF98  }
0x67: {  	[tilespmem:s22], [sflag:$0x1] =	stream.linear.gather [spmem:s9], $0x68, $0x38;
	[tilespmem:$0x2AF8] =	vst v63  }
0x68: {  	_ =	swait.ge [sflag:s21], $0x68  }
0x69: {  	[sflag:s21] =	ssyncset.done $0x0  }
0x6a: {  	[sflag:s21] =	ssyncadd.s32 $0xFFFFFF98  }
0x6b: {  	[hbm4b:s16+s3] =	stream.linear.scatter [tilespmem:s22], [sflag:$0x1], $0x68, $0x38;
	[tilespmem:$0x2AF8] =	vst v63  }
0x6c: {  	_ =	swait.ge [sflag:s21], $0x68  }
0x6d: {  	[sflag:s21] =	ssyncset.done $0x0  }
0x6e: {  	[sflag:s21] =	ssyncadd.s32 $0xFFFFFF98  }
0x6f: {  	[tilespmem:s22], [sflag:$0x1] =	stream.linear.gather [spmem:s10], $0x68, $0x38;
	[tilespmem:$0x2AF8] =	vst v63  }
0x70: {  	_ =	swait.ge [sflag:s21], $0x68  }
0x71: {  	[sflag:s21] =	ssyncset.done $0x0  }
0x72: {  	[sflag:s21] =	ssyncadd.s32 $0xFFFFFF98  }
0x73: {  	[hbm4b:s17+s3] =	stream.linear.scatter [tilespmem:s22], [sflag:$0x1], $0x68, $0x38;
	[tilespmem:$0x2AF8] =	vst v63  }
0x74: {  	_ =	swait.ge [sflag:s21], $0x68  }
0x75: {  	[sflag:s21] =	ssyncset.done $0x0  }
0x76: {  	s25 =	simm.s32 @!p0 $0x2A78;
	s26 =	simm.s32 @!p0 $0x1;
	[sflag:s21] =	ssyncadd.s32 $0xFFFFFF98  }
0x77: {  	[tilespmem:s25], [sflag:$0x1] =	stream.linear.gather @!p0 [spmem:s11], $0x10, $0x38;
	[tilespmem:$0x2AF8] =	vst v63  }
0x78: {  	s24 =	sadd.s32 $0x1, s24;
	_ =	swait.ge @!p0 [sflag:s26], $0x10  }
0x79: {  	p1 =	sne.s32 s24, s19;
	[sflag:s26] =	ssyncset.done @!p0 $0x0  }
.Ltmp1:
0x7a: {  	s28 =	simm.s32 @!p0 $0x0;
	[sflag:s26] =	ssyncadd.s32 @!p0 $0xFFFFFFF0;
	(pc) =	sbr.rel @p1 .LBB2_1-.Ltmp1, $4  }
0x7b: {  	[hbm4b:s18+s28] =	stream.linear.scatter @!p0 [tilespmem:s25], [sflag:$0x1], $0x10, $0x38;
	[tilespmem:$0x2AF8] =	vst v63  }
0x7c: {  	_ =	swait.ge @!p0 [sflag:s26], $0x10  }
0x7d: {  	[sflag:s26] =	ssyncset.done @!p0 $0x0  }
0x7e: {  	[sflag:s26] =	ssyncadd.s32 @!p0 $0xFFFFFFF0  }
0x7f: {  	_ =	sfence.sel $0x180000  }
0x80: {  	[bflag:$0x0] =	sbarrier.arrive $0xFFFF  }
0x81: {  	p0 =	sne.s32 s0, $0x0;
	_ =	strace $0x90000047  }
0x82: {  	s0 =	sadd.s32 @!p0 $0x100000, s1;
	[bflag:$0x2] =	sbarrier.arrive $0xFFFF  }
0x83: {  	[sflag:s0] =	ssyncadd.tile.s32 @!p0 $0x1;
	_ =	shalt  }
.Lfunc_end2:
_tile_overlayer_lowered:
.L_overlay_start_2:
0x84: {  	(tag) =	ssettag $0x2  }
0x85: {  	s0 =	rddreg [dreg:$0x0];
	s2 =	stileid.u32  }
0x86: {  	s1 =	rddreg [dreg:$0x1];
	p0 =	sne.s32 s2, $0x0  }
0x87: {  	s3 =	rddreg [dreg:$0x2];
	[bflag:$0x3] =	sbarrier.arrive $0xFFFF;
	s2 =	simm.s32 @!p0 $0x1C01  }
0x88: {  	[timem:s3], [sflag:s2] =	dma.local @!p0 [hbm:s0], s1  }
0x89: {  	s0 =	simm.s32 @!p0 $0x1  }
0x8a: {  	_ =	swait.ge @!p0 [sflag:s0], s1  }
0x8b: {  	s1 =	ssub.s32 @!p0 $0x0, s1;
	[sflag:s0] =	ssyncset.done @!p0 $0x0  }
0x8c: {  	[sflag:s0] =	ssyncadd.s32 @!p0 s1  }
0x8d: {  	[bflag:$0x3] =	sbarrier.arrive $0xFFFF  }
0x8e: {  	_ =	shalt  }

</sc_bundles>
